<compile_context>
chip_gen: v7x
topology: tpu7x:2x2x1
jax: 0.10.2.dev20260603
libtpu: 0.0.44.dev20260713+nightly
codegen_flags: <defaults>
</compile_context>

<pallas_src>
import functools

import jax
import jax.numpy as jnp
from jax import lax
from jax.experimental import pallas as pl
from jax.experimental.pallas import tpu as pltpu
from jax.experimental.pallas import tpu_sc as plsc

N = 10000
D_IN = 128
D_H = 128
C = 40
C_PAD = 64
E = 320000

NC = 2
NS = 16
NW = NC * NS
CH = 128
CHUNKS_PER_WORKER = 79
EPW = CH * CHUNKS_PER_WORKER
E_PAD = EPW * NW
N_ACC = 10240
RPS = N_ACC // NS

_MESH = plsc.VectorSubcoreMesh(core_axis_name="c", subcore_axis_name="s")


def _deg_body(col_hbm, out_hbm, acc, colv, ones_v, zero_v):
    cid = lax.axis_index("c")
    sid = lax.axis_index("s")
    z16 = jnp.zeros((16,), jnp.float32)
    o16 = jnp.ones((16,), jnp.float32)
    for k in range(CH // 16):
        zero_v[pl.ds(k * 16, 16)] = z16
        ones_v[pl.ds(k * 16, 16)] = o16
    base = sid * RPS

    def zloop(j, carry):
        pltpu.sync_copy(zero_v, acc.at[pl.ds(base + j * CH, CH)])
        return carry

    lax.fori_loop(0, RPS // CH, zloop, 0)
    plsc.subcore_barrier()

    ebase = (cid * NS + sid) * EPW

    def body(j, carry):
        pltpu.sync_copy(col_hbm.at[pl.ds(ebase + j * CH, CH)], colv.at[0])
        pltpu.sync_copy(ones_v, acc.at[colv.at[0]], add=True)
        return carry

    lax.fori_loop(0, CHUNKS_PER_WORKER, body, 0)
    plsc.subcore_barrier()
    pltpu.sync_copy(acc.at[pl.ds(base, RPS)], out_hbm.at[cid, pl.ds(base, RPS)])


_deg = pl.kernel(
    _deg_body,
    out_type=jax.ShapeDtypeStruct((NC, N_ACC), jnp.float32),
    mesh=_MESH,
    scratch_types=[
        pltpu.VMEM_SHARED((N_ACC,), jnp.float32),
        pltpu.VMEM((1, CH), jnp.int32),
        pltpu.VMEM((CH,), jnp.float32),
        pltpu.VMEM((CH,), jnp.float32),
    ],
)


def _scatter_body(width, g_hbm, row_hbm, col_hbm, out_hbm,
                  acc, rowv, colv, valv, zerov, sem):
    cid = lax.axis_index("c")
    sid = lax.axis_index("s")
    z16 = jnp.zeros((16,), jnp.float32)
    for r in range(16):
        for k in range(width // 16):
            zerov[r, pl.ds(k * 16, 16)] = z16
    base = sid * RPS

    def zloop(j, carry):
        pltpu.sync_copy(zerov, acc.at[pl.ds(base + j * 16, 16)])
        return carry

    lax.fori_loop(0, RPS // 16, zloop, 0)
    plsc.subcore_barrier()

    ebase = (cid * NS + sid) * EPW

    def body(j, carry):
        off = ebase + j * CH
        pltpu.sync_copy(row_hbm.at[pl.ds(off, CH)], rowv.at[0])
        pltpu.sync_copy(col_hbm.at[pl.ds(off, CH)], colv.at[0])
        pltpu.async_copy(g_hbm.at[rowv.at[0]], valv.at[0], sem).wait()
        pltpu.sync_copy(valv.at[0], acc.at[colv.at[0]], add=True)
        return carry

    lax.fori_loop(0, CHUNKS_PER_WORKER, body, 0)
    plsc.subcore_barrier()
    pltpu.sync_copy(acc.at[pl.ds(base, RPS)], out_hbm.at[cid, pl.ds(base, RPS)])


def _make_scatter(width):
    extra = {}
    if width < 128:
        extra["compiler_params"] = pltpu.CompilerParams(use_tc_tiling_on_sc=False)
    return pl.kernel(
        functools.partial(_scatter_body, width),
        out_type=jax.ShapeDtypeStruct((NC, N_ACC, width), jnp.float32),
        mesh=_MESH,
        **extra,
        scratch_types=[
            pltpu.VMEM_SHARED((N_ACC, width), jnp.float32),
            pltpu.VMEM((1, CH), jnp.int32),
            pltpu.VMEM((1, CH), jnp.int32),
            pltpu.VMEM((1, CH, width), jnp.float32),
            pltpu.VMEM((16, width), jnp.float32),
            pltpu.SemaphoreType.DMA,
        ],
    )


_scatter_h = _make_scatter(D_H)
_scatter_c = _make_scatter(C_PAD)

R = 1024
NB = (N + R - 1) // R


def _dinv(degp_ref):
    return lax.rsqrt(degp_ref[0] + degp_ref[1] + 1.0)


def _prep_body(degp_ref, x_ref, w_ref, g_ref):
    h = jnp.dot(x_ref[...], w_ref[...], preferred_element_type=jnp.float32)
    g_ref[...] = h * _dinv(degp_ref)


def _combine_mm_body(degp_ref, p_ref, g_ref, b_ref, w_ref, out_ref):
    dinv = _dinv(degp_ref)
    s = p_ref[0] + p_ref[1] + g_ref[...]
    h = jnp.maximum(s * dinv + b_ref[...][None, :], 0.0)
    out_ref[...] = jnp.dot(h, w_ref[...], preferred_element_type=jnp.float32) * dinv


def _combine2_body(degp_ref, p_ref, g_ref, b_ref, w_ref, h2_ref, g3_ref):
    dinv = _dinv(degp_ref)
    s = p_ref[0] + p_ref[1] + g_ref[...]
    h = jnp.maximum(s * dinv + b_ref[...][None, :], 0.0)
    h2_ref[...] = h
    g3_ref[...] = jnp.dot(h, w_ref[...], preferred_element_type=jnp.float32) * dinv


def _combine3_body(degp_ref, p_ref, g_ref, b_ref, out_ref):
    s = p_ref[0] + p_ref[1] + g_ref[...]
    out_ref[...] = s * _dinv(degp_ref) + b_ref[...][None, :]


def _degp_spec():
    return pl.BlockSpec((2, R, 1), lambda i: (0, i, 0))


def _prep(degp3, x, W1):
    return pl.pallas_call(
        _prep_body,
        grid=(NB,),
        in_specs=[_degp_spec(),
                  pl.BlockSpec((R, D_IN), lambda i: (i, 0)),
                  pl.BlockSpec((D_IN, D_H), lambda i: (0, 0))],
        out_specs=pl.BlockSpec((R, D_H), lambda i: (i, 0)),
        out_shape=jax.ShapeDtypeStruct((N, D_H), jnp.float32),
    )(degp3, x, W1)


def _combine_mm(degp3, p, g, b, w):
    return pl.pallas_call(
        _combine_mm_body,
        grid=(NB,),
        in_specs=[_degp_spec(),
                  pl.BlockSpec((2, R, D_H), lambda i: (0, i, 0)),
                  pl.BlockSpec((R, D_H), lambda i: (i, 0)),
                  pl.BlockSpec((D_H,), lambda i: (0,)),
                  pl.BlockSpec((D_H, D_H), lambda i: (0, 0))],
        out_specs=pl.BlockSpec((R, D_H), lambda i: (i, 0)),
        out_shape=jax.ShapeDtypeStruct((N, D_H), jnp.float32),
    )(degp3, p, g, b, w)


def _combine2(degp3, p, g, b, w3p):
    return pl.pallas_call(
        _combine2_body,
        grid=(NB,),
        in_specs=[_degp_spec(),
                  pl.BlockSpec((2, R, D_H), lambda i: (0, i, 0)),
                  pl.BlockSpec((R, D_H), lambda i: (i, 0)),
                  pl.BlockSpec((D_H,), lambda i: (0,)),
                  pl.BlockSpec((D_H, C_PAD), lambda i: (0, 0))],
        out_specs=[pl.BlockSpec((R, D_H), lambda i: (i, 0)),
                   pl.BlockSpec((R, C_PAD), lambda i: (i, 0))],
        out_shape=[jax.ShapeDtypeStruct((N, D_H), jnp.float32),
                   jax.ShapeDtypeStruct((N, C_PAD), jnp.float32)],
    )(degp3, p, g, b, w3p)


def _combine3(degp3, p, g, b):
    return pl.pallas_call(
        _combine3_body,
        grid=(NB,),
        in_specs=[_degp_spec(),
                  pl.BlockSpec((2, R, C_PAD), lambda i: (0, i, 0)),
                  pl.BlockSpec((R, C_PAD), lambda i: (i, 0)),
                  pl.BlockSpec((C_PAD,), lambda i: (0,))],
        out_specs=pl.BlockSpec((R, C_PAD), lambda i: (i, 0)),
        out_shape=jax.ShapeDtypeStruct((N, C_PAD), jnp.float32),
    )(degp3, p, g, b)


def kernel(x, edge_index, W1, b1, W2, b2, W3, b3):
    row_p = jnp.concatenate([edge_index[0], jnp.zeros((E_PAD - E,), jnp.int32)])
    col_p = jnp.concatenate([edge_index[1], jnp.full((E_PAD - E,), N, jnp.int32)])

    degp = _deg(col_p)
    degp3 = degp.reshape(NC, N_ACC, 1)

    g1 = _prep(degp3, x, W1)
    p1 = _scatter_h(g1, row_p, col_p)
    g2 = _combine_mm(degp3, p1, g1, b1, W2)
    p2 = _scatter_h(g2, row_p, col_p)
    w3p = jnp.pad(W3, ((0, 0), (0, C_PAD - C)))
    h2, g3 = _combine2(degp3, p2, g2, b2, w3p)
    p3 = _scatter_c(g3, row_p, col_p)
    b3p = jnp.pad(b3, (0, C_PAD - C))
    out = _combine3(degp3, p3, g3, b3p)
    return (h2, out[:, :C])

# --- scband reference (transcript-rebuilt; emitter-appended) ---
"""Pipeline reference for scband-nc-gnn-drop-message-5841155523227 (READ-ONLY COPY).

The authoritative reference and input builder live on the scoring server;
editing this copy changes nothing except your own understanding.
"""

import jax, jax.numpy as jnp
import numpy as np

N, E, D_IN, D_H, C = 10000, 320000, 128, 128, 40


def _xavier(key, fan_in, fan_out):
    limit = np.sqrt(6.0 / (fan_in + fan_out))
    return jax.random.uniform(key, (fan_in, fan_out), dtype=jnp.float32, minval=-limit, maxval=limit)


def setup_inputs(seed: int = 0) -> dict:
    key = jax.random.key(seed)
    ks = jax.random.split(key, 8)
    x = jax.random.normal(ks[0], (N, D_IN), dtype=jnp.float32)
    edge_index = jax.random.randint(ks[1], (2, E), 0, N, dtype=jnp.int32)
    W1 = _xavier(ks[2], D_IN, D_H)
    b1 = jnp.zeros((D_H,), dtype=jnp.float32)
    W2 = _xavier(ks[3], D_H, D_H)
    b2 = jnp.zeros((D_H,), dtype=jnp.float32)
    W3 = _xavier(ks[4], D_H, C)
    b3 = jnp.zeros((C,), dtype=jnp.float32)
    return {"x": x, "edge_index": edge_index, "W1": W1, "b1": b1, "W2": W2, "b2": b2, "W3": W3, "b3": b3}


def _gcn_layer(x, row, col, W, b, n):
    h = x @ W
    deg = jnp.zeros((n,), dtype=x.dtype).at[col].add(1.0)
    dinv = jnp.where(deg > 0, deg ** -0.5, 0.0)
    norm = dinv[row] * dinv[col]
    msg = norm[:, None] * h[row]
    out = jnp.zeros((n, W.shape[1]), dtype=x.dtype).at[col].add(msg)
    return out + b


def reference(x, edge_index, W1, b1, W2, b2, W3, b3):
    n = x.shape[0]
    sl = jnp.arange(n, dtype=edge_index.dtype)
    row = jnp.concatenate([edge_index[0], sl])
    col = jnp.concatenate([edge_index[1], sl])
    h1 = jax.nn.relu(_gcn_layer(x, row, col, W1, b1, n))
    # conv2: drop-message GCN with drop_rate=0.0 -> dropout is a no-op
    h2 = jax.nn.relu(_gcn_layer(h1, row, col, W2, b2, n))
    out = _gcn_layer(h2, row, col, W3, b3, n)
    return (h2, out)

if __name__ == "__main__":
    import jax
    _d = setup_inputs()
    print(jax.jit(kernel)(*tuple(_d.values())))

</pallas_src>

<mosaic_0001>
#map = affine_map<(d0, d1) -> (0)>
#map1 = affine_map<(d0, d1) -> (0, 0)>
module attributes {stable_mosaic.version = 14 : i64} {
  func.func @_deg_body(%arg0: i32, %arg1: i32, %arg2: memref<323584xi32, #tpu.memory_space<hbm>>, %arg3: memref<2x10240xf32, #tpu.memory_space<hbm>>, %arg4: memref<10240xf32, #tpu.memory_space<vmem_shared>>, %arg5: memref<1x128xi32, #tpu.memory_space<vmem>>, %arg6: memref<128xf32, #tpu.memory_space<vmem>>, %arg7: memref<128xf32, #tpu.memory_space<vmem>>) attributes {dimension_semantics = [#tpu.dimension_semantics<core_parallel>, #tpu.dimension_semantics<subcore_parallel>], iteration_bounds = array<i64: 2, 16>, scalar_prefetch = 0 : i64, scratch_operands = 4 : i64, tpu.core_type = #tpu.core_type<sc_vector_subcore>, window_params = [{transform_indices = #map}, {transform_indices = #map1}]} {
    %broadcast_in_dim3A = arith.constant 0.000000e+00 : f32
    %broadcast_in_dim3A_0 = vector.broadcast %broadcast_in_dim3A : f32 to vector<16xf32>
    %broadcast_in_dim3A_1 = arith.constant 1.000000e+00 : f32
    %broadcast_in_dim3A_2 = vector.broadcast %broadcast_in_dim3A_1 : f32 to vector<16xf32>
    %swap3A = arith.constant 0 : index
    %swap3A_3 = tpu.vector_load %arg7[%swap3A] {strides = array<i32>} : memref<128xf32, #tpu.memory_space<vmem>>, vector<16xf32>,
    %swap3A_4 = vector.shape_cast %swap3A_3 : vector<16xf32> to vector<16xf32>
    %swap3A_5 = vector.shape_cast %broadcast_in_dim3A_0 : vector<16xf32> to vector<16xf32>
    tpu.vector_store %arg7[%swap3A], %swap3A_5 {strides = array<i32>} : memref<128xf32, #tpu.memory_space<vmem>>, vector<16xf32>,
    %swap3A_6 = arith.constant 0 : index
    %swap3A_7 = tpu.vector_load %arg6[%swap3A_6] {strides = array<i32>} : memref<128xf32, #tpu.memory_space<vmem>>, vector<16xf32>,
    %swap3A_8 = vector.shape_cast %swap3A_7 : vector<16xf32> to vector<16xf32>
    %swap3A_9 = vector.shape_cast %broadcast_in_dim3A_2 : vector<16xf32> to vector<16xf32>
    tpu.vector_store %arg6[%swap3A_6], %swap3A_9 {strides = array<i32>} : memref<128xf32, #tpu.memory_space<vmem>>, vector<16xf32>,
    %swap3A_10 = arith.constant 16 : index
    %swap3A_11 = tpu.vector_load %arg7[%swap3A_10] {strides = array<i32>} : memref<128xf32, #tpu.memory_space<vmem>>, vector<16xf32>,
    %swap3A_12 = vector.shape_cast %swap3A_11 : vector<16xf32> to vector<16xf32>
    %swap3A_13 = vector.shape_cast %broadcast_in_dim3A_0 : vector<16xf32> to vector<16xf32>
    tpu.vector_store %arg7[%swap3A_10], %swap3A_13 {strides = array<i32>} : memref<128xf32, #tpu.memory_space<vmem>>, vector<16xf32>,
    %swap3A_14 = arith.constant 16 : index
    %swap3A_15 = tpu.vector_load %arg6[%swap3A_14] {strides = array<i32>} : memref<128xf32, #tpu.memory_space<vmem>>, vector<16xf32>,
    %swap3A_16 = vector.shape_cast %swap3A_15 : vector<16xf32> to vector<16xf32>
    %swap3A_17 = vector.shape_cast %broadcast_in_dim3A_2 : vector<16xf32> to vector<16xf32>
    tpu.vector_store %arg6[%swap3A_14], %swap3A_17 {strides = array<i32>} : memref<128xf32, #tpu.memory_space<vmem>>, vector<16xf32>,
    %swap3A_18 = arith.constant 32 : index
    %swap3A_19 = tpu.vector_load %arg7[%swap3A_18] {strides = array<i32>} : memref<128xf32, #tpu.memory_space<vmem>>, vector<16xf32>,
    %swap3A_20 = vector.shape_cast %swap3A_19 : vector<16xf32> to vector<16xf32>
    %swap3A_21 = vector.shape_cast %broadcast_in_dim3A_0 : vector<16xf32> to vector<16xf32>
    tpu.vector_store %arg7[%swap3A_18], %swap3A_21 {strides = array<i32>} : memref<128xf32, #tpu.memory_space<vmem>>, vector<16xf32>,
    %swap3A_22 = arith.constant 32 : index
    %swap3A_23 = tpu.vector_load %arg6[%swap3A_22] {strides = array<i32>} : memref<128xf32, #tpu.memory_space<vmem>>, vector<16xf32>,
    %swap3A_24 = vector.shape_cast %swap3A_23 : vector<16xf32> to vector<16xf32>
    %swap3A_25 = vector.shape_cast %broadcast_in_dim3A_2 : vector<16xf32> to vector<16xf32>
    tpu.vector_store %arg6[%swap3A_22], %swap3A_25 {strides = array<i32>} : memref<128xf32, #tpu.memory_space<vmem>>, vector<16xf32>,
    %swap3A_26 = arith.constant 48 : index
    %swap3A_27 = tpu.vector_load %arg7[%swap3A_26] {strides = array<i32>} : memref<128xf32, #tpu.memory_space<vmem>>, vector<16xf32>,
    %swap3A_28 = vector.shape_cast %swap3A_27 : vector<16xf32> to vector<16xf32>
    %swap3A_29 = vector.shape_cast %broadcast_in_dim3A_0 : vector<16xf32> to vector<16xf32>
    tpu.vector_store %arg7[%swap3A_26], %swap3A_29 {strides = array<i32>} : memref<128xf32, #tpu.memory_space<vmem>>, vector<16xf32>,
    %swap3A_30 = arith.constant 48 : index
    %swap3A_31 = tpu.vector_load %arg6[%swap3A_30] {strides = array<i32>} : memref<128xf32, #tpu.memory_space<vmem>>, vector<16xf32>,
    %swap3A_32 = vector.shape_cast %swap3A_31 : vector<16xf32> to vector<16xf32>
    %swap3A_33 = vector.shape_cast %broadcast_in_dim3A_2 : vector<16xf32> to vector<16xf32>
    tpu.vector_store %arg6[%swap3A_30], %swap3A_33 {strides = array<i32>} : memref<128xf32, #tpu.memory_space<vmem>>, vector<16xf32>,
    %swap3A_34 = arith.constant 64 : index
    %swap3A_35 = tpu.vector_load %arg7[%swap3A_34] {strides = array<i32>} : memref<128xf32, #tpu.memory_space<vmem>>, vector<16xf32>,
    %swap3A_36 = vector.shape_cast %swap3A_35 : vector<16xf32> to vector<16xf32>
    %swap3A_37 = vector.shape_cast %broadcast_in_dim3A_0 : vector<16xf32> to vector<16xf32>
    tpu.vector_store %arg7[%swap3A_34], %swap3A_37 {strides = array<i32>} : memref<128xf32, #tpu.memory_space<vmem>>, vector<16xf32>,
    %swap3A_38 = arith.constant 64 : index
    %swap3A_39 = tpu.vector_load %arg6[%swap3A_38] {strides = array<i32>} : memref<128xf32, #tpu.memory_space<vmem>>, vector<16xf32>,
    %swap3A_40 = vector.shape_cast %swap3A_39 : vector<16xf32> to vector<16xf32>
    %swap3A_41 = vector.shape_cast %broadcast_in_dim3A_2 : vector<16xf32> to vector<16xf32>
    tpu.vector_store %arg6[%swap3A_38], %swap3A_41 {strides = array<i32>} : memref<128xf32, #tpu.memory_space<vmem>>, vector<16xf32>,
    %swap3A_42 = arith.constant 80 : index
    %swap3A_43 = tpu.vector_load %arg7[%swap3A_42] {strides = array<i32>} : memref<128xf32, #tpu.memory_space<vmem>>, vector<16xf32>,
    %swap3A_44 = vector.shape_cast %swap3A_43 : vector<16xf32> to vector<16xf32>
    %swap3A_45 = vector.shape_cast %broadcast_in_dim3A_0 : vector<16xf32> to vector<16xf32>
    tpu.vector_store %arg7[%swap3A_42], %swap3A_45 {strides = array<i32>} : memref<128xf32, #tpu.memory_space<vmem>>, vector<16xf32>,
    %swap3A_46 = arith.constant 80 : index
    %swap3A_47 = tpu.vector_load %arg6[%swap3A_46] {strides = array<i32>} : memref<128xf32, #tpu.memory_space<vmem>>, vector<16xf32>,
    %swap3A_48 = vector.shape_cast %swap3A_47 : vector<16xf32> to vector<16xf32>
    %swap3A_49 = vector.shape_cast %broadcast_in_dim3A_2 : vector<16xf32> to vector<16xf32>
    tpu.vector_store %arg6[%swap3A_46], %swap3A_49 {strides = array<i32>} : memref<128xf32, #tpu.memory_space<vmem>>, vector<16xf32>,
    %swap3A_50 = arith.constant 96 : index
    %swap3A_51 = tpu.vector_load %arg7[%swap3A_50] {strides = array<i32>} : memref<128xf32, #tpu.memory_space<vmem>>, vector<16xf32>,
    %swap3A_52 = vector.shape_cast %swap3A_51 : vector<16xf32> to vector<16xf32>
    %swap3A_53 = vector.shape_cast %broadcast_in_dim3A_0 : vector<16xf32> to vector<16xf32>
    tpu.vector_store %arg7[%swap3A_50], %swap3A_53 {strides = array<i32>} : memref<128xf32, #tpu.memory_space<vmem>>, vector<16xf32>,
    %swap3A_54 = arith.constant 96 : index
    %swap3A_55 = tpu.vector_load %arg6[%swap3A_54] {strides = array<i32>} : memref<128xf32, #tpu.memory_space<vmem>>, vector<16xf32>,
    %swap3A_56 = vector.shape_cast %swap3A_55 : vector<16xf32> to vector<16xf32>
    %swap3A_57 = vector.shape_cast %broadcast_in_dim3A_2 : vector<16xf32> to vector<16xf32>
    tpu.vector_store %arg6[%swap3A_54], %swap3A_57 {strides = array<i32>} : memref<128xf32, #tpu.memory_space<vmem>>, vector<16xf32>,
    %swap3A_58 = arith.constant 112 : index
    %swap3A_59 = tpu.vector_load %arg7[%swap3A_58] {strides = array<i32>} : memref<128xf32, #tpu.memory_space<vmem>>, vector<16xf32>,
    %swap3A_60 = vector.shape_cast %swap3A_59 : vector<16xf32> to vector<16xf32>
    %swap3A_61 = vector.shape_cast %broadcast_in_dim3A_0 : vector<16xf32> to vector<16xf32>
    tpu.vector_store %arg7[%swap3A_58], %swap3A_61 {strides = array<i32>} : memref<128xf32, #tpu.memory_space<vmem>>, vector<16xf32>,
    %swap3A_62 = arith.constant 112 : index
    %swap3A_63 = tpu.vector_load %arg6[%swap3A_62] {strides = array<i32>} : memref<128xf32, #tpu.memory_space<vmem>>, vector<16xf32>,
    %swap3A_64 = vector.shape_cast %swap3A_63 : vector<16xf32> to vector<16xf32>
    %swap3A_65 = vector.shape_cast %broadcast_in_dim3A_2 : vector<16xf32> to vector<16xf32>
    tpu.vector_store %arg6[%swap3A_62], %swap3A_65 {strides = array<i32>} : memref<128xf32, #tpu.memory_space<vmem>>, vector<16xf32>,
    %mul3A = arith.constant 640 : i32
    %mul3A_66 = arith.muli %arg1, %mul3A : i32
    %scan3A = arith.constant 0 : i32
    %scan3A_67 = arith.constant 0 : i32
    %scan3A_68 = arith.constant 5 : i32
    %scan3A_69 = arith.addi %scan3A_67, %scan3A_68 : i32
    %scan3A_70 = arith.constant 1 : i32
    scf.for %scan3A_83 = %scan3A_67 to %scan3A_69 step %scan3A_70  : i32 {
      %mul3A_84 = arith.constant 128 : i32
      %mul3A_85 = arith.muli %scan3A_83, %mul3A_84 : i32
      %add3A_86 = arith.addi %mul3A_66, %mul3A_85 : i32
      "tpu.region"() ({
        %run_scoped3A = tpu.sem_alloc : memref<!tpu.dma_semaphore, #tpu.memory_space<semaphore_mem>>
        %dma_start3A = tpu.memref_slice %arg4[%add3A_86] : memref<10240xf32, #tpu.memory_space<vmem_shared>> -> memref<128xf32, #tpu.memory_space<vmem_shared>>
        %dma_start3A_87 = tpu.memref_slice %arg4[%add3A_86] : memref<10240xf32, #tpu.memory_space<vmem_shared>> -> memref<128xf32, #tpu.memory_space<vmem_shared>>
        tpu.enqueue_dma source(%arg7 : memref<128xf32, #tpu.memory_space<vmem>>) target(%dma_start3A_87 : memref<128xf32, #tpu.memory_space<vmem_shared>>) target_semaphore(%run_scoped3A : memref<!tpu.dma_semaphore, #tpu.memory_space<semaphore_mem>>)
        %dma_wait3A = tpu.memref_slice %arg4[%add3A_86] : memref<10240xf32, #tpu.memory_space<vmem_shared>> -> memref<128xf32, #tpu.memory_space<vmem_shared>>
        %dma_wait3A_88 = tpu.memref_slice %arg4[%add3A_86] : memref<10240xf32, #tpu.memory_space<vmem_shared>> -> memref<128xf32, #tpu.memory_space<vmem_shared>>
        tpu.wait_dma2 semaphore(%run_scoped3A : memref<!tpu.dma_semaphore, #tpu.memory_space<semaphore_mem>>) src(%arg7 : memref<128xf32, #tpu.memory_space<vmem>>) dst(%dma_wait3A_88 : memref<128xf32, #tpu.memory_space<vmem_shared>>)
        tpu.yield
      }) : () -> ()
    }
    %scan3A_71 = arith.constant 5 : i32
    %barrier3A = arith.constant 0 : index
    tpu.barrier barrier_id(%barrier3A)
    %mul3A_72 = arith.constant 16 : i32
    %mul3A_73 = arith.muli %arg0, %mul3A_72 : i32
    %add3A = arith.addi %mul3A_73, %arg1 : i32
    %mul3A_74 = arith.constant 10112 : i32
    %mul3A_75 = arith.muli %add3A, %mul3A_74 : i32
    %scan3A_76 = arith.constant 0 : i32
    %scan3A_77 = arith.constant 0 : i32
    %scan3A_78 = arith.constant 79 : i32
    %scan3A_79 = arith.addi %scan3A_77, %scan3A_78 : i32
    %scan3A_80 = arith.constant 1 : i32
    scf.for %scan3A_83 = %scan3A_77 to %scan3A_79 step %scan3A_80  : i32 {
      %mul3A_84 = arith.constant 128 : i32
      %mul3A_85 = arith.muli %scan3A_83, %mul3A_84 : i32
      %add3A_86 = arith.addi %mul3A_75, %mul3A_85 : i32
      %run_scoped3A = arith.constant 0 : i32
      "tpu.region"() ({
        %run_scoped3A_88 = tpu.sem_alloc : memref<!tpu.dma_semaphore, #tpu.memory_space<semaphore_mem>>
        %dma_start3A = arith.constant 0 : i32
        %dma_start3A_89 = tpu.memref_slice %arg5[%run_scoped3A, %dma_start3A] : memref<1x128xi32, #tpu.memory_space<vmem>> -> memref<1x128xi32, #tpu.memory_space<vmem>>
        %dma_start3A_90 = tpu.memref_squeeze %dma_start3A_89 : memref<1x128xi32, #tpu.memory_space<vmem>> -> memref<128xi32, #tpu.memory_space<vmem>>
        %dma_start3A_91 = tpu.memref_slice %arg2[%add3A_86] : memref<323584xi32, #tpu.memory_space<hbm>> -> memref<128xi32, #tpu.memory_space<hbm>>
        %dma_start3A_92 = arith.constant 0 : i32
        %dma_start3A_93 = tpu.memref_slice %arg5[%run_scoped3A, %dma_start3A_92] : memref<1x128xi32, #tpu.memory_space<vmem>> -> memref<1x128xi32, #tpu.memory_space<vmem>>
        %dma_start3A_94 = tpu.memref_squeeze %dma_start3A_93 : memref<1x128xi32, #tpu.memory_space<vmem>> -> memref<128xi32, #tpu.memory_space<vmem>>
        %dma_start3A_95 = tpu.memref_slice %arg2[%add3A_86] : memref<323584xi32, #tpu.memory_space<hbm>> -> memref<128xi32, #tpu.memory_space<hbm>>
        tpu.enqueue_dma source(%dma_start3A_95 : memref<128xi32, #tpu.memory_space<hbm>>) target(%dma_start3A_94 : memref<128xi32, #tpu.memory_space<vmem>>) target_semaphore(%run_scoped3A_88 : memref<!tpu.dma_semaphore, #tpu.memory_space<semaphore_mem>>)
        %dma_wait3A = arith.constant 0 : i32
        %dma_wait3A_96 = tpu.memref_slice %arg5[%run_scoped3A, %dma_wait3A] : memref<1x128xi32, #tpu.memory_space<vmem>> -> memref<1x128xi32, #tpu.memory_space<vmem>>
        %dma_wait3A_97 = tpu.memref_squeeze %dma_wait3A_96 : memref<1x128xi32, #tpu.memory_space<vmem>> -> memref<128xi32, #tpu.memory_space<vmem>>
        %dma_wait3A_98 = tpu.memref_slice %arg2[%add3A_86] : memref<323584xi32, #tpu.memory_space<hbm>> -> memref<128xi32, #tpu.memory_space<hbm>>
        %dma_wait3A_99 = arith.constant 0 : i32
        %dma_wait3A_100 = tpu.memref_slice %arg5[%run_scoped3A, %dma_wait3A_99] : memref<1x128xi32, #tpu.memory_space<vmem>> -> memref<1x128xi32, #tpu.memory_space<vmem>>
        %dma_wait3A_101 = tpu.memref_squeeze %dma_wait3A_100 : memref<1x128xi32, #tpu.memory_space<vmem>> -> memref<128xi32, #tpu.memory_space<vmem>>
        %dma_wait3A_102 = tpu.memref_slice %arg2[%add3A_86] : memref<323584xi32, #tpu.memory_space<hbm>> -> memref<128xi32, #tpu.memory_space<hbm>>
        tpu.wait_dma2 semaphore(%run_scoped3A_88 : memref<!tpu.dma_semaphore, #tpu.memory_space<semaphore_mem>>) src(%dma_wait3A_102 : memref<128xi32, #tpu.memory_space<hbm>>) dst(%dma_wait3A_101 : memref<128xi32, #tpu.memory_space<vmem>>)
        tpu.yield
      }) : () -> ()
      %run_scoped3A_87 = arith.constant 0 : i32
      "tpu.region"() ({
        %run_scoped3A_88 = tpu.sem_alloc : memref<!tpu.dma_semaphore, #tpu.memory_space<semaphore_mem>>
        %dma_start3A = arith.constant 0 : i32
        %dma_start3A_89 = tpu.memref_slice %arg5[%run_scoped3A_87, %dma_start3A] : memref<1x128xi32, #tpu.memory_space<vmem>> -> memref<1x128xi32, #tpu.memory_space<vmem>>
        %dma_start3A_90 = tpu.memref_squeeze %dma_start3A_89 : memref<1x128xi32, #tpu.memory_space<vmem>> -> memref<128xi32, #tpu.memory_space<vmem>>
        %dma_start3A_91 = arith.constant 0 : i32
        %dma_start3A_92 = tpu.memref_slice %arg4[%dma_start3A_91] : memref<10240xf32, #tpu.memory_space<vmem_shared>> -> memref<10240xf32, #tpu.memory_space<vmem_shared>>
        tpu.enqueue_indirect_dma source(%arg6 : memref<128xf32, #tpu.memory_space<vmem>>) target(%dma_start3A_92 : memref<10240xf32, #tpu.memory_space<vmem_shared>>) offsets(%dma_start3A_90 : memref<128xi32, #tpu.memory_space<vmem>>) semaphore(%run_scoped3A_88 : memref<!tpu.dma_semaphore, #tpu.memory_space<semaphore_mem>>) {add = true}
        %dma_wait3A = arith.constant 0 : i32
        %dma_wait3A_93 = tpu.memref_slice %arg5[%run_scoped3A_87, %dma_wait3A] : memref<1x128xi32, #tpu.memory_space<vmem>> -> memref<1x128xi32, #tpu.memory_space<vmem>>
        %dma_wait3A_94 = tpu.memref_squeeze %dma_wait3A_93 : memref<1x128xi32, #tpu.memory_space<vmem>> -> memref<128xi32, #tpu.memory_space<vmem>>
        %dma_wait3A_95 = arith.constant 0 : i32
        %dma_wait3A_96 = tpu.memref_slice %arg4[%dma_wait3A_95] : memref<10240xf32, #tpu.memory_space<vmem_shared>> -> memref<10240xf32, #tpu.memory_space<vmem_shared>>
        tpu.wait_indirect_dma semaphore(%run_scoped3A_88 : memref<!tpu.dma_semaphore, #tpu.memory_space<semaphore_mem>>) src(%arg6 : memref<128xf32, #tpu.memory_space<vmem>>) dst(%dma_wait3A_96 : memref<10240xf32, #tpu.memory_space<vmem_shared>>)
        tpu.yield
      }) : () -> ()
    }
    %scan3A_81 = arith.constant 79 : i32
    %barrier3A_82 = arith.constant 0 : index
    tpu.barrier barrier_id(%barrier3A_82)
    "tpu.region"() ({
      %run_scoped3A = tpu.sem_alloc : memref<!tpu.dma_semaphore, #tpu.memory_space<semaphore_mem>>
      %dma_start3A = tpu.memref_slice %arg3[%arg0, %mul3A_66] : memref<2x10240xf32, #tpu.memory_space<hbm>> -> memref<1x640xf32, #tpu.memory_space<hbm>>
      %dma_start3A_83 = tpu.memref_squeeze %dma_start3A : memref<1x640xf32, #tpu.memory_space<hbm>> -> memref<640xf32, #tpu.memory_space<hbm>>
      %dma_start3A_84 = tpu.memref_slice %arg4[%mul3A_66] : memref<10240xf32, #tpu.memory_space<vmem_shared>> -> memref<640xf32, #tpu.memory_space<vmem_shared>>
      tpu.enqueue_dma source(%dma_start3A_84 : memref<640xf32, #tpu.memory_space<vmem_shared>>) target(%dma_start3A_83 : memref<640xf32, #tpu.memory_space<hbm>>) target_semaphore(%run_scoped3A : memref<!tpu.dma_semaphore, #tpu.memory_space<semaphore_mem>>)
      %dma_wait3A = tpu.memref_slice %arg3[%arg0, %mul3A_66] : memref<2x10240xf32, #tpu.memory_space<hbm>> -> memref<1x640xf32, #tpu.memory_space<hbm>>
      %dma_wait3A_85 = tpu.memref_squeeze %dma_wait3A : memref<1x640xf32, #tpu.memory_space<hbm>> -> memref<640xf32, #tpu.memory_space<hbm>>
      %dma_wait3A_86 = tpu.memref_slice %arg4[%mul3A_66] : memref<10240xf32, #tpu.memory_space<vmem_shared>> -> memref<640xf32, #tpu.memory_space<vmem_shared>>
      tpu.wait_dma2 semaphore(%run_scoped3A : memref<!tpu.dma_semaphore, #tpu.memory_space<semaphore_mem>>) src(%dma_wait3A_86 : memref<640xf32, #tpu.memory_space<vmem_shared>>) dst(%dma_wait3A_85 : memref<640xf32, #tpu.memory_space<hbm>>)
      tpu.yield
    }) : () -> ()
    return
  }
}

#map = affine_map<(d0, d1) -> (0, 0)>
#map1 = affine_map<(d0, d1) -> (0)>
#map2 = affine_map<(d0, d1) -> (0, 0, 0)>
module attributes {stable_mosaic.version = 14 : i64} {
  func.func @_scatter_body(%arg0: i32, %arg1: i32, %arg2: memref<10000x128xf32, #tpu.memory_space<hbm>>, %arg3: memref<323584xi32, #tpu.memory_space<hbm>>, %arg4: memref<323584xi32, #tpu.memory_space<hbm>>, %arg5: memref<2x10240x128xf32, #tpu.memory_space<hbm>>, %arg6: memref<10240x128xf32, #tpu.memory_space<vmem_shared>>, %arg7: memref<1x128xi32, #tpu.memory_space<vmem>>, %arg8: memref<1x128xi32, #tpu.memory_space<vmem>>, %arg9: memref<1x128x128xf32, #tpu.memory_space<vmem>>, %arg10: memref<16x128xf32, #tpu.memory_space<vmem>>, %arg11: memref<!tpu.dma_semaphore, #tpu.memory_space<semaphore_mem>>) attributes {dimension_semantics = [#tpu.dimension_semantics<core_parallel>, #tpu.dimension_semantics<subcore_parallel>], iteration_bounds = array<i64: 2, 16>, scalar_prefetch = 0 : i64, scratch_operands = 6 : i64, tpu.core_type = #tpu.core_type<sc_vector_subcore>, window_params = [{transform_indices = #map}, {transform_indices = #map1}, {transform_indices = #map1}, {transform_indices = #map2}]} {
    %broadcast_in_dim3A = arith.constant 0.000000e+00 : f32
    %broadcast_in_dim3A_0 = vector.broadcast %broadcast_in_dim3A : f32 to vector<16xf32>
    %swap3A = arith.constant 0 : i32
    %swap3A_1 = arith.index_cast %swap3A : i32 to index
    %swap3A_2 = arith.constant 0 : index
    %swap3A_3 = tpu.vector_load %arg10[%swap3A_1, %swap3A_2] {strides = array<i32>} : memref<16x128xf32, #tpu.memory_space<vmem>>, vector<1x16xf32>,
    %swap3A_4 = vector.shape_cast %swap3A_3 : vector<1x16xf32> to vector<16xf32>
    %swap3A_5 = vector.shape_cast %broadcast_in_dim3A_0 : vector<16xf32> to vector<1x16xf32>
    tpu.vector_store %arg10[%swap3A_1, %swap3A_2], %swap3A_5 {strides = array<i32>} : memref<16x128xf32, #tpu.memory_space<vmem>>, vector<1x16xf32>,
    %swap3A_6 = arith.constant 0 : i32
    %swap3A_7 = arith.index_cast %swap3A_6 : i32 to index
    %swap3A_8 = arith.constant 16 : index
    %swap3A_9 = tpu.vector_load %arg10[%swap3A_7, %swap3A_8] {strides = array<i32>} : memref<16x128xf32, #tpu.memory_space<vmem>>, vector<1x16xf32>,
    %swap3A_10 = vector.shape_cast %swap3A_9 : vector<1x16xf32> to vector<16xf32>
    %swap3A_11 = vector.shape_cast %broadcast_in_dim3A_0 : vector<16xf32> to vector<1x16xf32>
    tpu.vector_store %arg10[%swap3A_7, %swap3A_8], %swap3A_11 {strides = array<i32>} : memref<16x128xf32, #tpu.memory_space<vmem>>, vector<1x16xf32>,
    %swap3A_12 = arith.constant 0 : i32
    %swap3A_13 = arith.index_cast %swap3A_12 : i32 to index
    %swap3A_14 = arith.constant 32 : index
    %swap3A_15 = tpu.vector_load %arg10[%swap3A_13, %swap3A_14] {strides = array<i32>} : memref<16x128xf32, #tpu.memory_space<vmem>>, vector<1x16xf32>,
    %swap3A_16 = vector.shape_cast %swap3A_15 : vector<1x16xf32> to vector<16xf32>
    %swap3A_17 = vector.shape_cast %broadcast_in_dim3A_0 : vector<16xf32> to vector<1x16xf32>
    tpu.vector_store %arg10[%swap3A_13, %swap3A_14], %swap3A_17 {strides = array<i32>} : memref<16x128xf32, #tpu.memory_space<vmem>>, vector<1x16xf32>,
    %swap3A_18 = arith.constant 0 : i32
    %swap3A_19 = arith.index_cast %swap3A_18 : i32 to index
    %swap3A_20 = arith.constant 48 : index
    %swap3A_21 = tpu.vector_load %arg10[%swap3A_19, %swap3A_20] {strides = array<i32>} : memref<16x128xf32, #tpu.memory_space<vmem>>, vector<1x16xf32>,
    %swap3A_22 = vector.shape_cast %swap3A_21 : vector<1x16xf32> to vector<16xf32>
    %swap3A_23 = vector.shape_cast %broadcast_in_dim3A_0 : vector<16xf32> to vector<1x16xf32>
    tpu.vector_store %arg10[%swap3A_19, %swap3A_20], %swap3A_23 {strides = array<i32>} : memref<16x128xf32, #tpu.memory_space<vmem>>, vector<1x16xf32>,
    %swap3A_24 = arith.constant 0 : i32
    %swap3A_25 = arith.index_cast %swap3A_24 : i32 to index
    %swap3A_26 = arith.constant 64 : index
    %swap3A_27 = tpu.vector_load %arg10[%swap3A_25, %swap3A_26] {strides = array<i32>} : memref<16x128xf32, #tpu.memory_space<vmem>>, vector<1x16xf32>,
    %swap3A_28 = vector.shape_cast %swap3A_27 : vector<1x16xf32> to vector<16xf32>
    %swap3A_29 = vector.shape_cast %broadcast_in_dim3A_0 : vector<16xf32> to vector<1x16xf32>
    tpu.vector_store %arg10[%swap3A_25, %swap3A_26], %swap3A_29 {strides = array<i32>} : memref<16x128xf32, #tpu.memory_space<vmem>>, vector<1x16xf32>,
    %swap3A_30 = arith.constant 0 : i32
    %swap3A_31 = arith.index_cast %swap3A_30 : i32 to index
    %swap3A_32 = arith.constant 80 : index
    %swap3A_33 = tpu.vector_load %arg10[%swap3A_31, %swap3A_32] {strides = array<i32>} : memref<16x128xf32, #tpu.memory_space<vmem>>, vector<1x16xf32>,
    %swap3A_34 = vector.shape_cast %swap3A_33 : vector<1x16xf32> to vector<16xf32>
    %swap3A_35 = vector.shape_cast %broadcast_in_dim3A_0 : vector<16xf32> to vector<1x16xf32>
    tpu.vector_store %arg10[%swap3A_31, %swap3A_32], %swap3A_35 {strides = array<i32>} : memref<16x128xf32, #tpu.memory_space<vmem>>, vector<1x16xf32>,
    %swap3A_36 = arith.constant 0 : i32
    %swap3A_37 = arith.index_cast %swap3A_36 : i32 to index
    %swap3A_38 = arith.constant 96 : index
    %swap3A_39 = tpu.vector_load %arg10[%swap3A_37, %swap3A_38] {strides = array<i32>} : memref<16x128xf32, #tpu.memory_space<vmem>>, vector<1x16xf32>,
    %swap3A_40 = vector.shape_cast %swap3A_39 : vector<1x16xf32> to vector<16xf32>
    %swap3A_41 = vector.shape_cast %broadcast_in_dim3A_0 : vector<16xf32> to vector<1x16xf32>
    tpu.vector_store %arg10[%swap3A_37, %swap3A_38], %swap3A_41 {strides = array<i32>} : memref<16x128xf32, #tpu.memory_space<vmem>>, vector<1x16xf32>,
    %swap3A_42 = arith.constant 0 : i32
    %swap3A_43 = arith.index_cast %swap3A_42 : i32 to index
    %swap3A_44 = arith.constant 112 : index
    %swap3A_45 = tpu.vector_load %arg10[%swap3A_43, %swap3A_44] {strides = array<i32>} : memref<16x128xf32, #tpu.memory_space<vmem>>, vector<1x16xf32>,
    %swap3A_46 = vector.shape_cast %swap3A_45 : vector<1x16xf32> to vector<16xf32>
    %swap3A_47 = vector.shape_cast %broadcast_in_dim3A_0 : vector<16xf32> to vector<1x16xf32>
    tpu.vector_store %arg10[%swap3A_43, %swap3A_44], %swap3A_47 {strides = array<i32>} : memref<16x128xf32, #tpu.memory_space<vmem>>, vector<1x16xf32>,
    %swap3A_48 = arith.constant 1 : i32
    %swap3A_49 = arith.index_cast %swap3A_48 : i32 to index
    %swap3A_50 = arith.constant 0 : index
    %swap3A_51 = tpu.vector_load %arg10[%swap3A_49, %swap3A_50] {strides = array<i32>} : memref<16x128xf32, #tpu.memory_space<vmem>>, vector<1x16xf32>,
    %swap3A_52 = vector.shape_cast %swap3A_51 : vector<1x16xf32> to vector<16xf32>
    %swap3A_53 = vector.shape_cast %broadcast_in_dim3A_0 : vector<16xf32> to vector<1x16xf32>
    tpu.vector_store %arg10[%swap3A_49, %swap3A_50], %swap3A_53 {strides = array<i32>} : memref<16x128xf32, #tpu.memory_space<vmem>>, vector<1x16xf32>,
    %swap3A_54 = arith.constant 1 : i32
    %swap3A_55 = arith.index_cast %swap3A_54 : i32 to index
    %swap3A_56 = arith.constant 16 : index
    %swap3A_57 = tpu.vector_load %arg10[%swap3A_55, %swap3A_56] {strides = array<i32>} : memref<16x128xf32, #tpu.memory_space<vmem>>, vector<1x16xf32>,
    %swap3A_58 = vector.shape_cast %swap3A_57 : vector<1x16xf32> to vector<16xf32>
    %swap3A_59 = vector.shape_cast %broadcast_in_dim3A_0 : vector<16xf32> to vector<1x16xf32>
    tpu.vector_store %arg10[%swap3A_55, %swap3A_56], %swap3A_59 {strides = array<i32>} : memref<16x128xf32, #tpu.memory_space<vmem>>, vector<1x16xf32>,
    %swap3A_60 = arith.constant 1 : i32
    %swap3A_61 = arith.index_cast %swap3A_60 : i32 to index
    %swap3A_62 = arith.constant 32 : index
    %swap3A_63 = tpu.vector_load %arg10[%swap3A_61, %swap3A_62] {strides = array<i32>} : memref<16x128xf32, #tpu.memory_space<vmem>>, vector<1x16xf32>,
    %swap3A_64 = vector.shape_cast %swap3A_63 : vector<1x16xf32> to vector<16xf32>
    %swap3A_65 = vector.shape_cast %broadcast_in_dim3A_0 : vector<16xf32> to vector<1x16xf32>
    tpu.vector_store %arg10[%swap3A_61, %swap3A_62], %swap3A_65 {strides = array<i32>} : memref<16x128xf32, #tpu.memory_space<vmem>>, vector<1x16xf32>,
    %swap3A_66 = arith.constant 1 : i32
    %swap3A_67 = arith.index_cast %swap3A_66 : i32 to index
    %swap3A_68 = arith.constant 48 : index
    %swap3A_69 = tpu.vector_load %arg10[%swap3A_67, %swap3A_68] {strides = array<i32>} : memref<16x128xf32, #tpu.memory_space<vmem>>, vector<1x16xf32>,
    %swap3A_70 = vector.shape_cast %swap3A_69 : vector<1x16xf32> to vector<16xf32>
    %swap3A_71 = vector.shape_cast %broadcast_in_dim3A_0 : vector<16xf32> to vector<1x16xf32>
    tpu.vector_store %arg10[%swap3A_67, %swap3A_68], %swap3A_71 {strides = array<i32>} : memref<16x128xf32, #tpu.memory_space<vmem>>, vector<1x16xf32>,
    %swap3A_72 = arith.constant 1 : i32
    %swap3A_73 = arith.index_cast %swap3A_72 : i32 to index
    %swap3A_74 = arith.constant 64 : index
    %swap3A_75 = tpu.vector_load %arg10[%swap3A_73, %swap3A_74] {strides = array<i32>} : memref<16x128xf32, #tpu.memory_space<vmem>>, vector<1x16xf32>,
    %swap3A_76 = vector.shape_cast %swap3A_75 : vector<1x16xf32> to vector<16xf32>
    %swap3A_77 = vector.shape_cast %broadcast_in_dim3A_0 : vector<16xf32> to vector<1x16xf32>
    tpu.vector_store %arg10[%swap3A_73, %swap3A_74], %swap3A_77 {strides = array<i32>} : memref<16x128xf32, #tpu.memory_space<vmem>>, vector<1x16xf32>,
    %swap3A_78 = arith.constant 1 : i32
    %swap3A_79 = arith.index_cast %swap3A_78 : i32 to index
    %swap3A_80 = arith.constant 80 : index
    %swap3A_81 = tpu.vector_load %arg10[%swap3A_79, %swap3A_80] {strides = array<i32>} : memref<16x128xf32, #tpu.memory_space<vmem>>, vector<1x16xf32>,
    %swap3A_82 = vector.shape_cast %swap3A_81 : vector<1x16xf32> to vector<16xf32>
    %swap3A_83 = vector.shape_cast %broadcast_in_dim3A_0 : vector<16xf32> to vector<1x16xf32>
    tpu.vector_store %arg10[%swap3A_79, %swap3A_80], %swap3A_83 {strides = array<i32>} : memref<16x128xf32, #tpu.memory_space<vmem>>, vector<1x16xf32>,
    %swap3A_84 = arith.constant 1 : i32
    %swap3A_85 = arith.index_cast %swap3A_84 : i32 to index
    %swap3A_86 = arith.constant 96 : index
    %swap3A_87 = tpu.vector_load %arg10[%swap3A_85, %swap3A_86] {strides = array<i32>} : memref<16x128xf32, #tpu.memory_space<vmem>>, vector<1x16xf32>,
    %swap3A_88 = vector.shape_cast %swap3A_87 : vector<1x16xf32> to vector<16xf32>
    %swap3A_89 = vector.shape_cast %broadcast_in_dim3A_0 : vector<16xf32> to vector<1x16xf32>
    tpu.vector_store %arg10[%swap3A_85, %swap3A_86], %swap3A_89 {strides = array<i32>} : memref<16x128xf32, #tpu.memory_space<vmem>>, vector<1x16xf32>,
    %swap3A_90 = arith.constant 1 : i32
    %swap3A_91 = arith.index_cast %swap3A_90 : i32 to index
    %swap3A_92 = arith.constant 112 : index
    %swap3A_93 = tpu.vector_load %arg10[%swap3A_91, %swap3A_92] {strides = array<i32>} : memref<16x128xf32, #tpu.memory_space<vmem>>, vector<1x16xf32>,
    %swap3A_94 = vector.shape_cast %swap3A_93 : vector<1x16xf32> to vector<16xf32>
    %swap3A_95 = vector.shape_cast %broadcast_in_dim3A_0 : vector<16xf32> to vector<1x16xf32>
    tpu.vector_store %arg10[%swap3A_91, %swap3A_92], %swap3A_95 {strides = array<i32>} : memref<16x128xf32, #tpu.memory_space<vmem>>, vector<1x16xf32>,
    %swap3A_96 = arith.constant 2 : i32
    %swap3A_97 = arith.index_cast %swap3A_96 : i32 to index
    %swap3A_98 = arith.constant 0 : index
    %swap3A_99 = tpu.vector_load %arg10[%swap3A_97, %swap3A_98] {strides = array<i32>} : memref<16x128xf32, #tpu.memory_space<vmem>>, vector<1x16xf32>,
    %swap3A_100 = vector.shape_cast %swap3A_99 : vector<1x16xf32> to vector<16xf32>
    %swap3A_101 = vector.shape_cast %broadcast_in_dim3A_0 : vector<16xf32> to vector<1x16xf32>
    tpu.vector_store %arg10[%swap3A_97, %swap3A_98], %swap3A_101 {strides = array<i32>} : memref<16x128xf32, #tpu.memory_space<vmem>>, vector<1x16xf32>,
    %swap3A_102 = arith.constant 2 : i32
    %swap3A_103 = arith.index_cast %swap3A_102 : i32 to index
    %swap3A_104 = arith.constant 16 : index
    %swap3A_105 = tpu.vector_load %arg10[%swap3A_103, %swap3A_104] {strides = array<i32>} : memref<16x128xf32, #tpu.memory_space<vmem>>, vector<1x16xf32>,
    %swap3A_106 = vector.shape_cast %swap3A_105 : vector<1x16xf32> to vector<16xf32>
    %swap3A_107 = vector.shape_cast %broadcast_in_dim3A_0 : vector<16xf32> to vector<1x16xf32>
    tpu.vector_store %arg10[%swap3A_103, %swap3A_104], %swap3A_107 {strides = array<i32>} : memref<16x128xf32, #tpu.memory_space<vmem>>, vector<1x16xf32>,
    %swap3A_108 = arith.constant 2 : i32
    %swap3A_109 = arith.index_cast %swap3A_108 : i32 to index
    %swap3A_110 = arith.constant 32 : index
    %swap3A_111 = tpu.vector_load %arg10[%swap3A_109, %swap3A_110] {strides = array<i32>} : memref<16x128xf32, #tpu.memory_space<vmem>>, vector<1x16xf32>,
    %swap3A_112 = vector.shape_cast %swap3A_111 : vector<1x16xf32> to vector<16xf32>
    %swap3A_113 = vector.shape_cast %broadcast_in_dim3A_0 : vector<16xf32> to vector<1x16xf32>
    tpu.vector_store %arg10[%swap3A_109, %swap3A_110], %swap3A_113 {strides = array<i32>} : memref<16x128xf32, #tpu.memory_space<vmem>>, vector<1x16xf32>,
    %swap3A_114 = arith.constant 2 : i32
    %swap3A_115 = arith.index_cast %swap3A_114 : i32 to index
    %swap3A_116 = arith.constant 48 : index
    %swap3A_117 = tpu.vector_load %arg10[%swap3A_115, %swap3A_116] {strides = array<i32>} : memref<16x128xf32, #tpu.memory_space<vmem>>, vector<1x16xf32>,
    %swap3A_118 = vector.shape_cast %swap3A_117 : vector<1x16xf32> to vector<16xf32>
    %swap3A_119 = vector.shape_cast %broadcast_in_dim3A_0 : vector<16xf32> to vector<1x16xf32>
    tpu.vector_store %arg10[%swap3A_115, %swap3A_116], %swap3A_119 {strides = array<i32>} : memref<16x128xf32, #tpu.memory_space<vmem>>, vector<1x16xf32>,
    %swap3A_120 = arith.constant 2 : i32
    %swap3A_121 = arith.index_cast %swap3A_120 : i32 to index
    %swap3A_122 = arith.constant 64 : index
    %swap3A_123 = tpu.vector_load %arg10[%swap3A_121, %swap3A_122] {strides = array<i32>} : memref<16x128xf32, #tpu.memory_space<vmem>>, vector<1x16xf32>,
    %swap3A_124 = vector.shape_cast %swap3A_123 : vector<1x16xf32> to vector<16xf32>
    %swap3A_125 = vector.shape_cast %broadcast_in_dim3A_0 : vector<16xf32> to vector<1x16xf32>
    tpu.vector_store %arg10[%swap3A_121, %swap3A_122], %swap3A_125 {strides = array<i32>} : memref<16x128xf32, #tpu.memory_space<vmem>>, vector<1x16xf32>,
    %swap3A_126 = arith.constant 2 : i32
    %swap3A_127 = arith.index_cast %swap3A_126 : i32 to index
    %swap3A_128 = arith.constant 80 : index
    %swap3A_129 = tpu.vector_load %arg10[%swap3A_127, %swap3A_128] {strides = array<i32>} : memref<16x128xf32, #tpu.memory_space<vmem>>, vector<1x16xf32>,
    %swap3A_130 = vector.shape_cast %swap3A_129 : vector<1x16xf32> to vector<16xf32>
    %swap3A_131 = vector.shape_cast %broadcast_in_dim3A_0 : vector<16xf32> to vector<1x16xf32>
    tpu.vector_store %arg10[%swap3A_127, %swap3A_128], %swap3A_131 {strides = array<i32>} : memref<16x128xf32, #tpu.memory_space<vmem>>, vector<1x16xf32>,
    %swap3A_132 = arith.constant 2 : i32
    %swap3A_133 = arith.index_cast %swap3A_132 : i32 to index
    %swap3A_134 = arith.constant 96 : index
    %swap3A_135 = tpu.vector_load %arg10[%swap3A_133, %swap3A_134] {strides = array<i32>} : memref<16x128xf32, #tpu.memory_space<vmem>>, vector<1x16xf32>,
    %swap3A_136 = vector.shape_cast %swap3A_135 : vector<1x16xf32> to vector<16xf32>
    %swap3A_137 = vector.shape_cast %broadcast_in_dim3A_0 : vector<16xf32> to vector<1x16xf32>
    tpu.vector_store %arg10[%swap3A_133, %swap3A_134], %swap3A_137 {strides = array<i32>} : memref<16x128xf32, #tpu.memory_space<vmem>>, vector<1x16xf32>,
    %swap3A_138 = arith.constant 2 : i32
    %swap3A_139 = arith.index_cast %swap3A_138 : i32 to index
    %swap3A_140 = arith.constant 112 : index
    %swap3A_141 = tpu.vector_load %arg10[%swap3A_139, %swap3A_140] {strides = array<i32>} : memref<16x128xf32, #tpu.memory_space<vmem>>, vector<1x16xf32>,
    %swap3A_142 = vector.shape_cast %swap3A_141 : vector<1x16xf32> to vector<16xf32>
    %swap3A_143 = vector.shape_cast %broadcast_in_dim3A_0 : vector<16xf32> to vector<1x16xf32>
    tpu.vector_store %arg10[%swap3A_139, %swap3A_140], %swap3A_143 {strides = array<i32>} : memref<16x128xf32, #tpu.memory_space<vmem>>, vector<1x16xf32>,
    %swap3A_144 = arith.constant 3 : i32
    %swap3A_145 = arith.index_cast %swap3A_144 : i32 to index
    %swap3A_146 = arith.constant 0 : index
    %swap3A_147 = tpu.vector_load %arg10[%swap3A_145, %swap3A_146] {strides = array<i32>} : memref<16x128xf32, #tpu.memory_space<vmem>>, vector<1x16xf32>,
    %swap3A_148 = vector.shape_cast %swap3A_147 : vector<1x16xf32> to vector<16xf32>
    %swap3A_149 = vector.shape_cast %broadcast_in_dim3A_0 : vector<16xf32> to vector<1x16xf32>
    tpu.vector_store %arg10[%swap3A_145, %swap3A_146], %swap3A_149 {strides = array<i32>} : memref<16x128xf32, #tpu.memory_space<vmem>>, vector<1x16xf32>,
    %swap3A_150 = arith.constant 3 : i32
    %swap3A_151 = arith.index_cast %swap3A_150 : i32 to index
    %swap3A_152 = arith.constant 16 : index
    %swap3A_153 = tpu.vector_load %arg10[%swap3A_151, %swap3A_152] {strides = array<i32>} : memref<16x128xf32, #tpu.memory_space<vmem>>, vector<1x16xf32>,
    %swap3A_154 = vector.shape_cast %swap3A_153 : vector<1x16xf32> to vector<16xf32>
    %swap3A_155 = vector.shape_cast %broadcast_in_dim3A_0 : vector<16xf32> to vector<1x16xf32>
    tpu.vector_store %arg10[%swap3A_151, %swap3A_152], %swap3A_155 {strides = array<i32>} : memref<16x128xf32, #tpu.memory_space<vmem>>, vector<1x16xf32>,
    %swap3A_156 = arith.constant 3 : i32
    %swap3A_157 = arith.index_cast %swap3A_156 : i32 to index
    %swap3A_158 = arith.constant 32 : index
    %swap3A_159 = tpu.vector_load %arg10[%swap3A_157, %swap3A_158] {strides = array<i32>} : memref<16x128xf32, #tpu.memory_space<vmem>>, vector<1x16xf32>,
    %swap3A_160 = vector.shape_cast %swap3A_159 : vector<1x16xf32> to vector<16xf32>
    %swap3A_161 = vector.shape_cast %broadcast_in_dim3A_0 : vector<16xf32> to vector<1x16xf32>
    tpu.vector_store %arg10[%swap3A_157, %swap3A_158], %swap3A_161 {strides = array<i32>} : memref<16x128xf32, #tpu.memory_space<vmem>>, vector<1x16xf32>,
    %swap3A_162 = arith.constant 3 : i32
    %swap3A_163 = arith.index_cast %swap3A_162 : i32 to index
    %swap3A_164 = arith.constant 48 : index
    %swap3A_165 = tpu.vector_load %arg10[%swap3A_163, %swap3A_164] {strides = array<i32>} : memref<16x128xf32, #tpu.memory_space<vmem>>, vector<1x16xf32>,
    %swap3A_166 = vector.shape_cast %swap3A_165 : vector<1x16xf32> to vector<16xf32>
    %swap3A_167 = vector.shape_cast %broadcast_in_dim3A_0 : vector<16xf32> to vector<1x16xf32>
    tpu.vector_store %arg10[%swap3A_163, %swap3A_164], %swap3A_167 {strides = array<i32>} : memref<16x128xf32, #tpu.memory_space<vmem>>, vector<1x16xf32>,
    %swap3A_168 = arith.constant 3 : i32
    %swap3A_169 = arith.index_cast %swap3A_168 : i32 to index
    %swap3A_170 = arith.constant 64 : index
    %swap3A_171 = tpu.vector_load %arg10[%swap3A_169, %swap3A_170] {strides = array<i32>} : memref<16x128xf32, #tpu.memory_space<vmem>>, vector<1x16xf32>,
    %swap3A_172 = vector.shape_cast %swap3A_171 : vector<1x16xf32> to vector<16xf32>
    %swap3A_173 = vector.shape_cast %broadcast_in_dim3A_0 : vector<16xf32> to vector<1x16xf32>
    tpu.vector_store %arg10[%swap3A_169, %swap3A_170], %swap3A_173 {strides = array<i32>} : memref<16x128xf32, #tpu.memory_space<vmem>>, vector<1x16xf32>,
    %swap3A_174 = arith.constant 3 : i32
    %swap3A_175 = arith.index_cast %swap3A_174 : i32 to index
    %swap3A_176 = arith.constant 80 : index
    %swap3A_177 = tpu.vector_load %arg10[%swap3A_175, %swap3A_176] {strides = array<i32>} : memref<16x128xf32, #tpu.memory_space<vmem>>, vector<1x16xf32>,
    %swap3A_178 = vector.shape_cast %swap3A_177 : vector<1x16xf32> to vector<16xf32>
    %swap3A_179 = vector.shape_cast %broadcast_in_dim3A_0 : vector<16xf32> to vector<1x16xf32>
    tpu.vector_store %arg10[%swap3A_175, %swap3A_176], %swap3A_179 {strides = array<i32>} : memref<16x128xf32, #tpu.memory_space<vmem>>, vector<1x16xf32>,
    %swap3A_180 = arith.constant 3 : i32
    %swap3A_181 = arith.index_cast %swap3A_180 : i32 to index
    %swap3A_182 = arith.constant 96 : index
    %swap3A_183 = tpu.vector_load %arg10[%swap3A_181, %swap3A_182] {strides = array<i32>} : memref<16x128xf32, #tpu.memory_space<vmem>>, vector<1x16xf32>,
    %swap3A_184 = vector.shape_cast %swap3A_183 : vector<1x16xf32> to vector<16xf32>
    %swap3A_185 = vector.shape_cast %broadcast_in_dim3A_0 : vector<16xf32> to vector<1x16xf32>
    tpu.vector_store %arg10[%swap3A_181, %swap3A_182], %swap3A_185 {strides = array<i32>} : memref<16x128xf32, #tpu.memory_space<vmem>>, vector<1x16xf32>,
    %swap3A_186 = arith.constant 3 : i32
    %swap3A_187 = arith.index_cast %swap3A_186 : i32 to index
    %swap3A_188 = arith.constant 112 : index
    %swap3A_189 = tpu.vector_load %arg10[%swap3A_187, %swap3A_188] {strides = array<i32>} : memref<16x128xf32, #tpu.memory_space<vmem>>, vector<1x16xf32>,
    %swap3A_190 = vector.shape_cast %swap3A_189 : vector<1x16xf32> to vector<16xf32>
    %swap3A_191 = vector.shape_cast %broadcast_in_dim3A_0 : vector<16xf32> to vector<1x16xf32>
    tpu.vector_store %arg10[%swap3A_187, %swap3A_188], %swap3A_191 {strides = array<i32>} : memref<16x128xf32, #tpu.memory_space<vmem>>, vector<1x16xf32>,
    %swap3A_192 = arith.constant 4 : i32
    %swap3A_193 = arith.index_cast %swap3A_192 : i32 to index
    %swap3A_194 = arith.constant 0 : index
    %swap3A_195 = tpu.vector_load %arg10[%swap3A_193, %swap3A_194] {strides = array<i32>} : memref<16x128xf32, #tpu.memory_space<vmem>>, vector<1x16xf32>,
    %swap3A_196 = vector.shape_cast %swap3A_195 : vector<1x16xf32> to vector<16xf32>
    %swap3A_197 = vector.shape_cast %broadcast_in_dim3A_0 : vector<16xf32> to vector<1x16xf32>
    tpu.vector_store %arg10[%swap3A_193, %swap3A_194], %swap3A_197 {strides = array<i32>} : memref<16x128xf32, #tpu.memory_space<vmem>>, vector<1x16xf32>,
    %swap3A_198 = arith.constant 4 : i32
    %swap3A_199 = arith.index_cast %swap3A_198 : i32 to index
    %swap3A_200 = arith.constant 16 : index
    %swap3A_201 = tpu.vector_load %arg10[%swap3A_199, %swap3A_200] {strides = array<i32>} : memref<16x128xf32, #tpu.memory_space<vmem>>, vector<1x16xf32>,
    %swap3A_202 = vector.shape_cast %swap3A_201 : vector<1x16xf32> to vector<16xf32>
    %swap3A_203 = vector.shape_cast %broadcast_in_dim3A_0 : vector<16xf32> to vector<1x16xf32>
    tpu.vector_store %arg10[%swap3A_199, %swap3A_200], %swap3A_203 {strides = array<i32>} : memref<16x128xf32, #tpu.memory_space<vmem>>, vector<1x16xf32>,
    %swap3A_204 = arith.constant 4 : i32
    %swap3A_205 = arith.index_cast %swap3A_204 : i32 to index
    %swap3A_206 = arith.constant 32 : index
    %swap3A_207 = tpu.vector_load %arg10[%swap3A_205, %swap3A_206] {strides = array<i32>} : memref<16x128xf32, #tpu.memory_space<vmem>>, vector<1x16xf32>,
    %swap3A_208 = vector.shape_cast %swap3A_207 : vector<1x16xf32> to vector<16xf32>
    %swap3A_209 = vector.shape_cast %broadcast_in_dim3A_0 : vector<16xf32> to vector<1x16xf32>
    tpu.vector_store %arg10[%swap3A_205, %swap3A_206], %swap3A_209 {strides = array<i32>} : memref<16x128xf32, #tpu.memory_space<vmem>>, vector<1x16xf32>,
    %swap3A_210 = arith.constant 4 : i32
    %swap3A_211 = arith.index_cast %swap3A_210 : i32 to index
    %swap3A_212 = arith.constant 48 : index
    %swap3A_213 = tpu.vector_load %arg10[%swap3A_211, %swap3A_212] {strides = array<i32>} : memref<16x128xf32, #tpu.memory_space<vmem>>, vector<1x16xf32>,
    %swap3A_214 = vector.shape_cast %swap3A_213 : vector<1x16xf32> to vector<16xf32>
    %swap3A_215 = vector.shape_cast %broadcast_in_dim3A_0 : vector<16xf32> to vector<1x16xf32>
    tpu.vector_store %arg10[%swap3A_211, %swap3A_212], %swap3A_215 {strides = array<i32>} : memref<16x128xf32, #tpu.memory_space<vmem>>, vector<1x16xf32>,
    %swap3A_216 = arith.constant 4 : i32
    %swap3A_217 = arith.index_cast %swap3A_216 : i32 to index
    %swap3A_218 = arith.constant 64 : index
    %swap3A_219 = tpu.vector_load %arg10[%swap3A_217, %swap3A_218] {strides = array<i32>} : memref<16x128xf32, #tpu.memory_space<vmem>>, vector<1x16xf32>,
    %swap3A_220 = vector.shape_cast %swap3A_219 : vector<1x16xf32> to vector<16xf32>
    %swap3A_221 = vector.shape_cast %broadcast_in_dim3A_0 : vector<16xf32> to vector<1x16xf32>
    tpu.vector_store %arg10[%swap3A_217, %swap3A_218], %swap3A_221 {strides = array<i32>} : memref<16x128xf32, #tpu.memory_space<vmem>>, vector<1x16xf32>,
    %swap3A_222 = arith.constant 4 : i32
    %swap3A_223 = arith.index_cast %swap3A_222 : i32 to index
    %swap3A_224 = arith.constant 80 : index
    %swap3A_225 = tpu.vector_load %arg10[%swap3A_223, %swap3A_224] {strides = array<i32>} : memref<16x128xf32, #tpu.memory_space<vmem>>, vector<1x16xf32>,
    %swap3A_226 = vector.shape_cast %swap3A_225 : vector<1x16xf32> to vector<16xf32>
    %swap3A_227 = vector.shape_cast %broadcast_in_dim3A_0 : vector<16xf32> to vector<1x16xf32>
    tpu.vector_store %arg10[%swap3A_223, %swap3A_224], %swap3A_227 {strides = array<i32>} : memref<16x128xf32, #tpu.memory_space<vmem>>, vector<1x16xf32>,
    %swap3A_228 = arith.constant 4 : i32
    %swap3A_229 = arith.index_cast %swap3A_228 : i32 to index
    %swap3A_230 = arith.constant 96 : index
    %swap3A_231 = tpu.vector_load %arg10[%swap3A_229, %swap3A_230] {strides = array<i32>} : memref<16x128xf32, #tpu.memory_space<vmem>>, vector<1x16xf32>,
    %swap3A_232 = vector.shape_cast %swap3A_231 : vector<1x16xf32> to vector<16xf32>
    %swap3A_233 = vector.shape_cast %broadcast_in_dim3A_0 : vector<16xf32> to vector<1x16xf32>
    tpu.vector_store %arg10[%swap3A_229, %swap3A_230], %swap3A_233 {strides = array<i32>} : memref<16x128xf32, #tpu.memory_space<vmem>>, vector<1x16xf32>,
    %swap3A_234 = arith.constant 4 : i32
    %swap3A_235 = arith.index_cast %swap3A_234 : i32 to index
    %swap3A_236 = arith.constant 112 : index
    %swap3A_237 = tpu.vector_load %arg10[%swap3A_235, %swap3A_236] {strides = array<i32>} : memref<16x128xf32, #tpu.memory_space<vmem>>, vector<1x16xf32>,
    %swap3A_238 = vector.shape_cast %swap3A_237 : vector<1x16xf32> to vector<16xf32>
    %swap3A_239 = vector.shape_cast %broadcast_in_dim3A_0 : vector<16xf32> to vector<1x16xf32>
    tpu.vector_store %arg10[%swap3A_235, %swap3A_236], %swap3A_239 {strides = array<i32>} : memref<16x128xf32, #tpu.memory_space<vmem>>, vector<1x16xf32>,
    %swap3A_240 = arith.constant 5 : i32
    %swap3A_241 = arith.index_cast %swap3A_240 : i32 to index
    %swap3A_242 = arith.constant 0 : index
    %swap3A_243 = tpu.vector_load %arg10[%swap3A_241, %swap3A_242] {strides = array<i32>} : memref<16x128xf32, #tpu.memory_space<vmem>>, vector<1x16xf32>,
    %swap3A_244 = vector.shape_cast %swap3A_243 : vector<1x16xf32> to vector<16xf32>
    %swap3A_245 = vector.shape_cast %broadcast_in_dim3A_0 : vector<16xf32> to vector<1x16xf32>
    tpu.vector_store %arg10[%swap3A_241, %swap3A_242], %swap3A_245 {strides = array<i32>} : memref<16x128xf32, #tpu.memory_space<vmem>>, vector<1x16xf32>,
    %swap3A_246 = arith.constant 5 : i32
    %swap3A_247 = arith.index_cast %swap3A_246 : i32 to index
    %swap3A_248 = arith.constant 16 : index
    %swap3A_249 = tpu.vector_load %arg10[%swap3A_247, %swap3A_248] {strides = array<i32>} : memref<16x128xf32, #tpu.memory_space<vmem>>, vector<1x16xf32>,
    %swap3A_250 = vector.shape_cast %swap3A_249 : vector<1x16xf32> to vector<16xf32>
    %swap3A_251 = vector.shape_cast %broadcast_in_dim3A_0 : vector<16xf32> to vector<1x16xf32>
    tpu.vector_store %arg10[%swap3A_247, %swap3A_248], %swap3A_251 {strides = array<i32>} : memref<16x128xf32, #tpu.memory_space<vmem>>, vector<1x16xf32>,
    %swap3A_252 = arith.constant 5 : i32
    %swap3A_253 = arith.index_cast %swap3A_252 : i32 to index
    %swap3A_254 = arith.constant 32 : index
    %swap3A_255 = tpu.vector_load %arg10[%swap3A_253, %swap3A_254] {strides = array<i32>} : memref<16x128xf32, #tpu.memory_space<vmem>>, vector<1x16xf32>,
    %swap3A_256 = vector.shape_cast %swap3A_255 : vector<1x16xf32> to vector<16xf32>
    %swap3A_257 = vector.shape_cast %broadcast_in_dim3A_0 : vector<16xf32> to vector<1x16xf32>
    tpu.vector_store %arg10[%swap3A_253, %swap3A_254], %swap3A_257 {strides = array<i32>} : memref<16x128xf32, #tpu.memory_space<vmem>>, vector<1x16xf32>,
    %swap3A_258 = arith.constant 5 : i32
    %swap3A_259 = arith.index_cast %swap3A_258 : i32 to index
    %swap3A_260 = arith.constant 48 : index
    %swap3A_261 = tpu.vector_load %arg10[%swap3A_259, %swap3A_260] {strides = array<i32>} : memref<16x128xf32, #tpu.memory_space<vmem>>, vector<1x16xf32>,
    %swap3A_262 = vector.shape_cast %swap3A_261 : vector<1x16xf32> to vector<16xf32>
    %swap3A_263 = vector.shape_cast %broadcast_in_dim3A_0 : vector<16xf32> to vector<1x16xf32>
    tpu.vector_store %arg10[%swap3A_259, %swap3A_260], %swap3A_263 {strides = array<i32>} : memref<16x128xf32, #tpu.memory_space<vmem>>, vector<1x16xf32>,
    %swap3A_264 = arith.constant 5 : i32
    %swap3A_265 = arith.index_cast %swap3A_264 : i32 to index
    %swap3A_266 = arith.constant 64 : index
    %swap3A_267 = tpu.vector_load %arg10[%swap3A_265, %swap3A_266] {strides = array<i32>} : memref<16x128xf32, #tpu.memory_space<vmem>>, vector<1x16xf32>,
    %swap3A_268 = vector.shape_cast %swap3A_267 : vector<1x16xf32> to vector<16xf32>
    %swap3A_269 = vector.shape_cast %broadcast_in_dim3A_0 : vector<16xf32> to vector<1x16xf32>
    tpu.vector_store %arg10[%swap3A_265, %swap3A_266], %swap3A_269 {strides = array<i32>} : memref<16x128xf32, #tpu.memory_space<vmem>>, vector<1x16xf32>,
    %swap3A_270 = arith.constant 5 : i32
    %swap3A_271 = arith.index_cast %swap3A_270 : i32 to index
    %swap3A_272 = arith.constant 80 : index
    %swap3A_273 = tpu.vector_load %arg10[%swap3A_271, %swap3A_272] {strides = array<i32>} : memref<16x128xf32, #tpu.memory_space<vmem>>, vector<1x16xf32>,
    %swap3A_274 = vector.shape_cast %swap3A_273 : vector<1x16xf32> to vector<16xf32>
    %swap3A_275 = vector.shape_cast %broadcast_in_dim3A_0 : vector<16xf32> to vector<1x16xf32>
    tpu.vector_store %arg10[%swap3A_271, %swap3A_272], %swap3A_275 {strides = array<i32>} : memref<16x128xf32, #tpu.memory_space<vmem>>, vector<1x16xf32>,
    %swap3A_276 = arith.constant 5 : i32
    %swap3A_277 = arith.index_cast %swap3A_276 : i32 to index
    %swap3A_278 = arith.constant 96 : index
    %swap3A_279 = tpu.vector_load %arg10[%swap3A_277, %swap3A_278] {strides = array<i32>} : memref<16x128xf32, #tpu.memory_space<vmem>>, vector<1x16xf32>,
    %swap3A_280 = vector.shape_cast %swap3A_279 : vector<1x16xf32> to vector<16xf32>
    %swap3A_281 = vector.shape_cast %broadcast_in_dim3A_0 : vector<16xf32> to vector<1x16xf32>
    tpu.vector_store %arg10[%swap3A_277, %swap3A_278], %swap3A_281 {strides = array<i32>} : memref<16x128xf32, #tpu.memory_space<vmem>>, vector<1x16xf32>,
    %swap3A_282 = arith.constant 5 : i32
    %swap3A_283 = arith.index_cast %swap3A_282 : i32 to index
    %swap3A_284 = arith.constant 112 : index
    %swap3A_285 = tpu.vector_load %arg10[%swap3A_283, %swap3A_284] {strides = array<i32>} : memref<16x128xf32, #tpu.memory_space<vmem>>, vector<1x16xf32>,
    %swap3A_286 = vector.shape_cast %swap3A_285 : vector<1x16xf32> to vector<16xf32>
    %swap3A_287 = vector.shape_cast %broadcast_in_dim3A_0 : vector<16xf32> to vector<1x16xf32>
    tpu.vector_store %arg10[%swap3A_283, %swap3A_284], %swap3A_287 {strides = array<i32>} : memref<16x128xf32, #tpu.memory_space<vmem>>, vector<1x16xf32>,
    %swap3A_288 = arith.constant 6 : i32
    %swap3A_289 = arith.index_cast %swap3A_288 : i32 to index
    %swap3A_290 = arith.constant 0 : index
    %swap3A_291 = tpu.vector_load %arg10[%swap3A_289, %swap3A_290] {strides = array<i32>} : memref<16x128xf32, #tpu.memory_space<vmem>>, vector<1x16xf32>,
    %swap3A_292 = vector.shape_cast %swap3A_291 : vector<1x16xf32> to vector<16xf32>
    %swap3A_293 = vector.shape_cast %broadcast_in_dim3A_0 : vector<16xf32> to vector<1x16xf32>
    tpu.vector_store %arg10[%swap3A_289, %swap3A_290], %swap3A_293 {strides = array<i32>} : memref<16x128xf32, #tpu.memory_space<vmem>>, vector<1x16xf32>,
    %swap3A_294 = arith.constant 6 : i32
    %swap3A_295 = arith.index_cast %swap3A_294 : i32 to index
    %swap3A_296 = arith.constant 16 : index
    %swap3A_297 = tpu.vector_load %arg10[%swap3A_295, %swap3A_296] {strides = array<i32>} : memref<16x128xf32, #tpu.memory_space<vmem>>, vector<1x16xf32>,
    %swap3A_298 = vector.shape_cast %swap3A_297 : vector<1x16xf32> to vector<16xf32>
    %swap3A_299 = vector.shape_cast %broadcast_in_dim3A_0 : vector<16xf32> to vector<1x16xf32>
    tpu.vector_store %arg10[%swap3A_295, %swap3A_296], %swap3A_299 {strides = array<i32>} : memref<16x128xf32, #tpu.memory_space<vmem>>, vector<1x16xf32>,
    %swap3A_300 = arith.constant 6 : i32
    %swap3A_301 = arith.index_cast %swap3A_300 : i32 to index
    %swap3A_302 = arith.constant 32 : index
    %swap3A_303 = tpu.vector_load %arg10[%swap3A_301, %swap3A_302] {strides = array<i32>} : memref<16x128xf32, #tpu.memory_space<vmem>>, vector<1x16xf32>,
    %swap3A_304 = vector.shape_cast %swap3A_303 : vector<1x16xf32> to vector<16xf32>
    %swap3A_305 = vector.shape_cast %broadcast_in_dim3A_0 : vector<16xf32> to vector<1x16xf32>
    tpu.vector_store %arg10[%swap3A_301, %swap3A_302], %swap3A_305 {strides = array<i32>} : memref<16x128xf32, #tpu.memory_space<vmem>>, vector<1x16xf32>,
    %swap3A_306 = arith.constant 6 : i32
    %swap3A_307 = arith.index_cast %swap3A_306 : i32 to index
    %swap3A_308 = arith.constant 48 : index
    %swap3A_309 = tpu.vector_load %arg10[%swap3A_307, %swap3A_308] {strides = array<i32>} : memref<16x128xf32, #tpu.memory_space<vmem>>, vector<1x16xf32>,
    %swap3A_310 = vector.shape_cast %swap3A_309 : vector<1x16xf32> to vector<16xf32>
    %swap3A_311 = vector.shape_cast %broadcast_in_dim3A_0 : vector<16xf32> to vector<1x16xf32>
    tpu.vector_store %arg10[%swap3A_307, %swap3A_308], %swap3A_311 {strides = array<i32>} : memref<16x128xf32, #tpu.memory_space<vmem>>, vector<1x16xf32>,
    %swap3A_312 = arith.constant 6 : i32
    %swap3A_313 = arith.index_cast %swap3A_312 : i32 to index
    %swap3A_314 = arith.constant 64 : index
    %swap3A_315 = tpu.vector_load %arg10[%swap3A_313, %swap3A_314] {strides = array<i32>} : memref<16x128xf32, #tpu.memory_space<vmem>>, vector<1x16xf32>,
    %swap3A_316 = vector.shape_cast %swap3A_315 : vector<1x16xf32> to vector<16xf32>
    %swap3A_317 = vector.shape_cast %broadcast_in_dim3A_0 : vector<16xf32> to vector<1x16xf32>
    tpu.vector_store %arg10[%swap3A_313, %swap3A_314], %swap3A_317 {strides = array<i32>} : memref<16x128xf32, #tpu.memory_space<vmem>>, vector<1x16xf32>,
    %swap3A_318 = arith.constant 6 : i32
    %swap3A_319 = arith.index_cast %swap3A_318 : i32 to index
    %swap3A_320 = arith.constant 80 : index
    %swap3A_321 = tpu.vector_load %arg10[%swap3A_319, %swap3A_320] {strides = array<i32>} : memref<16x128xf32, #tpu.memory_space<vmem>>, vector<1x16xf32>,
    %swap3A_322 = vector.shape_cast %swap3A_321 : vector<1x16xf32> to vector<16xf32>
    %swap3A_323 = vector.shape_cast %broadcast_in_dim3A_0 : vector<16xf32> to vector<1x16xf32>
    tpu.vector_store %arg10[%swap3A_319, %swap3A_320], %swap3A_323 {strides = array<i32>} : memref<16x128xf32, #tpu.memory_space<vmem>>, vector<1x16xf32>,
    %swap3A_324 = arith.constant 6 : i32
    %swap3A_325 = arith.index_cast %swap3A_324 : i32 to index
    %swap3A_326 = arith.constant 96 : index
    %swap3A_327 = tpu.vector_load %arg10[%swap3A_325, %swap3A_326] {strides = array<i32>} : memref<16x128xf32, #tpu.memory_space<vmem>>, vector<1x16xf32>,
    %swap3A_328 = vector.shape_cast %swap3A_327 : vector<1x16xf32> to vector<16xf32>
    %swap3A_329 = vector.shape_cast %broadcast_in_dim3A_0 : vector<16xf32> to vector<1x16xf32>
    tpu.vector_store %arg10[%swap3A_325, %swap3A_326], %swap3A_329 {strides = array<i32>} : memref<16x128xf32, #tpu.memory_space<vmem>>, vector<1x16xf32>,
    %swap3A_330 = arith.constant 6 : i32
    %swap3A_331 = arith.index_cast %swap3A_330 : i32 to index
    %swap3A_332 = arith.constant 112 : index
    %swap3A_333 = tpu.vector_load %arg10[%swap3A_331, %swap3A_332] {strides = array<i32>} : memref<16x128xf32, #tpu.memory_space<vmem>>, vector<1x16xf32>,
    %swap3A_334 = vector.shape_cast %swap3A_333 : vector<1x16xf32> to vector<16xf32>
    %swap3A_335 = vector.shape_cast %broadcast_in_dim3A_0 : vector<16xf32> to vector<1x16xf32>
    tpu.vector_store %arg10[%swap3A_331, %swap3A_332], %swap3A_335 {strides = array<i32>} : memref<16x128xf32, #tpu.memory_space<vmem>>, vector<1x16xf32>,
    %swap3A_336 = arith.constant 7 : i32
    %swap3A_337 = arith.index_cast %swap3A_336 : i32 to index
    %swap3A_338 = arith.constant 0 : index
    %swap3A_339 = tpu.vector_load %arg10[%swap3A_337, %swap3A_338] {strides = array<i32>} : memref<16x128xf32, #tpu.memory_space<vmem>>, vector<1x16xf32>,
    %swap3A_340 = vector.shape_cast %swap3A_339 : vector<1x16xf32> to vector<16xf32>
    %swap3A_341 = vector.shape_cast %broadcast_in_dim3A_0 : vector<16xf32> to vector<1x16xf32>
    tpu.vector_store %arg10[%swap3A_337, %swap3A_338], %swap3A_341 {strides = array<i32>} : memref<16x128xf32, #tpu.memory_space<vmem>>, vector<1x16xf32>,
    %swap3A_342 = arith.constant 7 : i32
    %swap3A_343 = arith.index_cast %swap3A_342 : i32 to index
    %swap3A_344 = arith.constant 16 : index
    %swap3A_345 = tpu.vector_load %arg10[%swap3A_343, %swap3A_344] {strides = array<i32>} : memref<16x128xf32, #tpu.memory_space<vmem>>, vector<1x16xf32>,
    %swap3A_346 = vector.shape_cast %swap3A_345 : vector<1x16xf32> to vector<16xf32>
    %swap3A_347 = vector.shape_cast %broadcast_in_dim3A_0 : vector<16xf32> to vector<1x16xf32>
    tpu.vector_store %arg10[%swap3A_343, %swap3A_344], %swap3A_347 {strides = array<i32>} : memref<16x128xf32, #tpu.memory_space<vmem>>, vector<1x16xf32>,
    %swap3A_348 = arith.constant 7 : i32
    %swap3A_349 = arith.index_cast %swap3A_348 : i32 to index
    %swap3A_350 = arith.constant 32 : index
    %swap3A_351 = tpu.vector_load %arg10[%swap3A_349, %swap3A_350] {strides = array<i32>} : memref<16x128xf32, #tpu.memory_space<vmem>>, vector<1x16xf32>,
    %swap3A_352 = vector.shape_cast %swap3A_351 : vector<1x16xf32> to vector<16xf32>
    %swap3A_353 = vector.shape_cast %broadcast_in_dim3A_0 : vector<16xf32> to vector<1x16xf32>
    tpu.vector_store %arg10[%swap3A_349, %swap3A_350], %swap3A_353 {strides = array<i32>} : memref<16x128xf32, #tpu.memory_space<vmem>>, vector<1x16xf32>,
    %swap3A_354 = arith.constant 7 : i32
    %swap3A_355 = arith.index_cast %swap3A_354 : i32 to index
    %swap3A_356 = arith.constant 48 : index
    %swap3A_357 = tpu.vector_load %arg10[%swap3A_355, %swap3A_356] {strides = array<i32>} : memref<16x128xf32, #tpu.memory_space<vmem>>, vector<1x16xf32>,
    %swap3A_358 = vector.shape_cast %swap3A_357 : vector<1x16xf32> to vector<16xf32>
    %swap3A_359 = vector.shape_cast %broadcast_in_dim3A_0 : vector<16xf32> to vector<1x16xf32>
    tpu.vector_store %arg10[%swap3A_355, %swap3A_356], %swap3A_359 {strides = array<i32>} : memref<16x128xf32, #tpu.memory_space<vmem>>, vector<1x16xf32>,
    %swap3A_360 = arith.constant 7 : i32
    %swap3A_361 = arith.index_cast %swap3A_360 : i32 to index
    %swap3A_362 = arith.constant 64 : index
    %swap3A_363 = tpu.vector_load %arg10[%swap3A_361, %swap3A_362] {strides = array<i32>} : memref<16x128xf32, #tpu.memory_space<vmem>>, vector<1x16xf32>,
    %swap3A_364 = vector.shape_cast %swap3A_363 : vector<1x16xf32> to vector<16xf32>
    %swap3A_365 = vector.shape_cast %broadcast_in_dim3A_0 : vector<16xf32> to vector<1x16xf32>
    tpu.vector_store %arg10[%swap3A_361, %swap3A_362], %swap3A_365 {strides = array<i32>} : memref<16x128xf32, #tpu.memory_space<vmem>>, vector<1x16xf32>,
    %swap3A_366 = arith.constant 7 : i32
    %swap3A_367 = arith.index_cast %swap3A_366 : i32 to index
    %swap3A_368 = arith.constant 80 : index
    %swap3A_369 = tpu.vector_load %arg10[%swap3A_367, %swap3A_368] {strides = array<i32>} : memref<16x128xf32, #tpu.memory_space<vmem>>, vector<1x16xf32>,
    %swap3A_370 = vector.shape_cast %swap3A_369 : vector<1x16xf32> to vector<16xf32>
    %swap3A_371 = vector.shape_cast %broadcast_in_dim3A_0 : vector<16xf32> to vector<1x16xf32>
    tpu.vector_store %arg10[%swap3A_367, %swap3A_368], %swap3A_371 {strides = array<i32>} : memref<16x128xf32, #tpu.memory_space<vmem>>, vector<1x16xf32>,
    %swap3A_372 = arith.constant 7 : i32
    %swap3A_373 = arith.index_cast %swap3A_372 : i32 to index
    %swap3A_374 = arith.constant 96 : index
    %swap3A_375 = tpu.vector_load %arg10[%swap3A_373, %swap3A_374] {strides = array<i32>} : memref<16x128xf32, #tpu.memory_space<vmem>>, vector<1x16xf32>,
    %swap3A_376 = vector.shape_cast %swap3A_375 : vector<1x16xf32> to vector<16xf32>
    %swap3A_377 = vector.shape_cast %broadcast_in_dim3A_0 : vector<16xf32> to vector<1x16xf32>
    tpu.vector_store %arg10[%swap3A_373, %swap3A_374], %swap3A_377 {strides = array<i32>} : memref<16x128xf32, #tpu.memory_space<vmem>>, vector<1x16xf32>,
    %swap3A_378 = arith.constant 7 : i32
    %swap3A_379 = arith.index_cast %swap3A_378 : i32 to index
    %swap3A_380 = arith.constant 112 : index
    %swap3A_381 = tpu.vector_load %arg10[%swap3A_379, %swap3A_380] {strides = array<i32>} : memref<16x128xf32, #tpu.memory_space<vmem>>, vector<1x16xf32>,
    %swap3A_382 = vector.shape_cast %swap3A_381 : vector<1x16xf32> to vector<16xf32>
    %swap3A_383 = vector.shape_cast %broadcast_in_dim3A_0 : vector<16xf32> to vector<1x16xf32>
    tpu.vector_store %arg10[%swap3A_379, %swap3A_380], %swap3A_383 {strides = array<i32>} : memref<16x128xf32, #tpu.memory_space<vmem>>, vector<1x16xf32>,
    %swap3A_384 = arith.constant 8 : i32
    %swap3A_385 = arith.index_cast %swap3A_384 : i32 to index
    %swap3A_386 = arith.constant 0 : index
    %swap3A_387 = tpu.vector_load %arg10[%swap3A_385, %swap3A_386] {strides = array<i32>} : memref<16x128xf32, #tpu.memory_space<vmem>>, vector<1x16xf32>,
    %swap3A_388 = vector.shape_cast %swap3A_387 : vector<1x16xf32> to vector<16xf32>
    %swap3A_389 = vector.shape_cast %broadcast_in_dim3A_0 : vector<16xf32> to vector<1x16xf32>
    tpu.vector_store %arg10[%swap3A_385, %swap3A_386], %swap3A_389 {strides = array<i32>} : memref<16x128xf32, #tpu.memory_space<vmem>>, vector<1x16xf32>,
    %swap3A_390 = arith.constant 8 : i32
    %swap3A_391 = arith.index_cast %swap3A_390 : i32 to index
    %swap3A_392 = arith.constant 16 : index
    %swap3A_393 = tpu.vector_load %arg10[%swap3A_391, %swap3A_392] {strides = array<i32>} : memref<16x128xf32, #tpu.memory_space<vmem>>, vector<1x16xf32>,
    %swap3A_394 = vector.shape_cast %swap3A_393 : vector<1x16xf32> to vector<16xf32>
    %swap3A_395 = vector.shape_cast %broadcast_in_dim3A_0 : vector<16xf32> to vector<1x16xf32>
    tpu.vector_store %arg10[%swap3A_391, %swap3A_392], %swap3A_395 {strides = array<i32>} : memref<16x128xf32, #tpu.memory_space<vmem>>, vector<1x16xf32>,
    %swap3A_396 = arith.constant 8 : i32
    %swap3A_397 = arith.index_cast %swap3A_396 : i32 to index
    %swap3A_398 = arith.constant 32 : index
    %swap3A_399 = tpu.vector_load %arg10[%swap3A_397, %swap3A_398] {strides = array<i32>} : memref<16x128xf32, #tpu.memory_space<vmem>>, vector<1x16xf32>,
    %swap3A_400 = vector.shape_cast %swap3A_399 : vector<1x16xf32> to vector<16xf32>
    %swap3A_401 = vector.shape_cast %broadcast_in_dim3A_0 : vector<16xf32> to vector<1x16xf32>
    tpu.vector_store %arg10[%swap3A_397, %swap3A_398], %swap3A_401 {strides = array<i32>} : memref<16x128xf32, #tpu.memory_space<vmem>>, vector<1x16xf32>,
    %swap3A_402 = arith.constant 8 : i32
    %swap3A_403 = arith.index_cast %swap3A_402 : i32 to index
    %swap3A_404 = arith.constant 48 : index
    %swap3A_405 = tpu.vector_load %arg10[%swap3A_403, %swap3A_404] {strides = array<i32>} : memref<16x128xf32, #tpu.memory_space<vmem>>, vector<1x16xf32>,
    %swap3A_406 = vector.shape_cast %swap3A_405 : vector<1x16xf32> to vector<16xf32>
    %swap3A_407 = vector.shape_cast %broadcast_in_dim3A_0 : vector<16xf32> to vector<1x16xf32>
    tpu.vector_store %arg10[%swap3A_403, %swap3A_404], %swap3A_407 {strides = array<i32>} : memref<16x128xf32, #tpu.memory_space<vmem>>, vector<1x16xf32>,
    %swap3A_408 = arith.constant 8 : i32
    %swap3A_409 = arith.index_cast %swap3A_408 : i32 to index
    %swap3A_410 = arith.constant 64 : index
    %swap3A_411 = tpu.vector_load %arg10[%swap3A_409, %swap3A_410] {strides = array<i32>} : memref<16x128xf32, #tpu.memory_space<vmem>>, vector<1x16xf32>,
    %swap3A_412 = vector.shape_cast %swap3A_411 : vector<1x16xf32> to vector<16xf32>
    %swap3A_413 = vector.shape_cast %broadcast_in_dim3A_0 : vector<16xf32> to vector<1x16xf32>
    tpu.vector_store %arg10[%swap3A_409, %swap3A_410], %swap3A_413 {strides = array<i32>} : memref<16x128xf32, #tpu.memory_space<vmem>>, vector<1x16xf32>,
    %swap3A_414 = arith.constant 8 : i32
    %swap3A_415 = arith.index_cast %swap3A_414 : i32 to index
    %swap3A_416 = arith.constant 80 : index
    %swap3A_417 = tpu.vector_load %arg10[%swap3A_415, %swap3A_416] {strides = array<i32>} : memref<16x128xf32, #tpu.memory_space<vmem>>, vector<1x16xf32>,
    %swap3A_418 = vector.shape_cast %swap3A_417 : vector<1x16xf32> to vector<16xf32>
    %swap3A_419 = vector.shape_cast %broadcast_in_dim3A_0 : vector<16xf32> to vector<1x16xf32>
    tpu.vector_store %arg10[%swap3A_415, %swap3A_416], %swap3A_419 {strides = array<i32>} : memref<16x128xf32, #tpu.memory_space<vmem>>, vector<1x16xf32>,
    %swap3A_420 = arith.constant 8 : i32
    %swap3A_421 = arith.index_cast %swap3A_420 : i32 to index
    %swap3A_422 = arith.constant 96 : index
    %swap3A_423 = tpu.vector_load %arg10[%swap3A_421, %swap3A_422] {strides = array<i32>} : memref<16x128xf32, #tpu.memory_space<vmem>>, vector<1x16xf32>,
    %swap3A_424 = vector.shape_cast %swap3A_423 : vector<1x16xf32> to vector<16xf32>
    %swap3A_425 = vector.shape_cast %broadcast_in_dim3A_0 : vector<16xf32> to vector<1x16xf32>
    tpu.vector_store %arg10[%swap3A_421, %swap3A_422], %swap3A_425 {strides = array<i32>} : memref<16x128xf32, #tpu.memory_space<vmem>>, vector<1x16xf32>,
    %swap3A_426 = arith.constant 8 : i32
    %swap3A_427 = arith.index_cast %swap3A_426 : i32 to index
    %swap3A_428 = arith.constant 112 : index
    %swap3A_429 = tpu.vector_load %arg10[%swap3A_427, %swap3A_428] {strides = array<i32>} : memref<16x128xf32, #tpu.memory_space<vmem>>, vector<1x16xf32>,
    %swap3A_430 = vector.shape_cast %swap3A_429 : vector<1x16xf32> to vector<16xf32>
    %swap3A_431 = vector.shape_cast %broadcast_in_dim3A_0 : vector<16xf32> to vector<1x16xf32>
    tpu.vector_store %arg10[%swap3A_427, %swap3A_428], %swap3A_431 {strides = array<i32>} : memref<16x128xf32, #tpu.memory_space<vmem>>, vector<1x16xf32>,
    %swap3A_432 = arith.constant 9 : i32
    %swap3A_433 = arith.index_cast %swap3A_432 : i32 to index
    %swap3A_434 = arith.constant 0 : index
    %swap3A_435 = tpu.vector_load %arg10[%swap3A_433, %swap3A_434] {strides = array<i32>} : memref<16x128xf32, #tpu.memory_space<vmem>>, vector<1x16xf32>,
    %swap3A_436 = vector.shape_cast %swap3A_435 : vector<1x16xf32> to vector<16xf32>
    %swap3A_437 = vector.shape_cast %broadcast_in_dim3A_0 : vector<16xf32> to vector<1x16xf32>
    tpu.vector_store %arg10[%swap3A_433, %swap3A_434], %swap3A_437 {strides = array<i32>} : memref<16x128xf32, #tpu.memory_space<vmem>>, vector<1x16xf32>,
    %swap3A_438 = arith.constant 9 : i32
    %swap3A_439 = arith.index_cast %swap3A_438 : i32 to index
    %swap3A_440 = arith.constant 16 : index
    %swap3A_441 = tpu.vector_load %arg10[%swap3A_439, %swap3A_440] {strides = array<i32>} : memref<16x128xf32, #tpu.memory_space<vmem>>, vector<1x16xf32>,
    %swap3A_442 = vector.shape_cast %swap3A_441 : vector<1x16xf32> to vector<16xf32>
    %swap3A_443 = vector.shape_cast %broadcast_in_dim3A_0 : vector<16xf32> to vector<1x16xf32>
    tpu.vector_store %arg10[%swap3A_439, %swap3A_440], %swap3A_443 {strides = array<i32>} : memref<16x128xf32, #tpu.memory_space<vmem>>, vector<1x16xf32>,
    %swap3A_444 = arith.constant 9 : i32
    %swap3A_445 = arith.index_cast %swap3A_444 : i32 to index
    %swap3A_446 = arith.constant 32 : index
    %swap3A_447 = tpu.vector_load %arg10[%swap3A_445, %swap3A_446] {strides = array<i32>} : memref<16x128xf32, #tpu.memory_space<vmem>>, vector<1x16xf32>,
    %swap3A_448 = vector.shape_cast %swap3A_447 : vector<1x16xf32> to vector<16xf32>
    %swap3A_449 = vector.shape_cast %broadcast_in_dim3A_0 : vector<16xf32> to vector<1x16xf32>
    tpu.vector_store %arg10[%swap3A_445, %swap3A_446], %swap3A_449 {strides = array<i32>} : memref<16x128xf32, #tpu.memory_space<vmem>>, vector<1x16xf32>,
    %swap3A_450 = arith.constant 9 : i32
    %swap3A_451 = arith.index_cast %swap3A_450 : i32 to index
    %swap3A_452 = arith.constant 48 : index
    %swap3A_453 = tpu.vector_load %arg10[%swap3A_451, %swap3A_452] {strides = array<i32>} : memref<16x128xf32, #tpu.memory_space<vmem>>, vector<1x16xf32>,
    %swap3A_454 = vector.shape_cast %swap3A_453 : vector<1x16xf32> to vector<16xf32>
    %swap3A_455 = vector.shape_cast %broadcast_in_dim3A_0 : vector<16xf32> to vector<1x16xf32>
    tpu.vector_store %arg10[%swap3A_451, %swap3A_452], %swap3A_455 {strides = array<i32>} : memref<16x128xf32, #tpu.memory_space<vmem>>, vector<1x16xf32>,
    %swap3A_456 = arith.constant 9 : i32
    %swap3A_457 = arith.index_cast %swap3A_456 : i32 to index
    %swap3A_458 = arith.constant 64 : index
    %swap3A_459 = tpu.vector_load %arg10[%swap3A_457, %swap3A_458] {strides = array<i32>} : memref<16x128xf32, #tpu.memory_space<vmem>>, vector<1x16xf32>,
    %swap3A_460 = vector.shape_cast %swap3A_459 : vector<1x16xf32> to vector<16xf32>
    %swap3A_461 = vector.shape_cast %broadcast_in_dim3A_0 : vector<16xf32> to vector<1x16xf32>
    tpu.vector_store %arg10[%swap3A_457, %swap3A_458], %swap3A_461 {strides = array<i32>} : memref<16x128xf32, #tpu.memory_space<vmem>>, vector<1x16xf32>,
    %swap3A_462 = arith.constant 9 : i32
    %swap3A_463 = arith.index_cast %swap3A_462 : i32 to index
    %swap3A_464 = arith.constant 80 : index
    %swap3A_465 = tpu.vector_load %arg10[%swap3A_463, %swap3A_464] {strides = array<i32>} : memref<16x128xf32, #tpu.memory_space<vmem>>, vector<1x16xf32>,
    %swap3A_466 = vector.shape_cast %swap3A_465 : vector<1x16xf32> to vector<16xf32>
    %swap3A_467 = vector.shape_cast %broadcast_in_dim3A_0 : vector<16xf32> to vector<1x16xf32>
    tpu.vector_store %arg10[%swap3A_463, %swap3A_464], %swap3A_467 {strides = array<i32>} : memref<16x128xf32, #tpu.memory_space<vmem>>, vector<1x16xf32>,
    %swap3A_468 = arith.constant 9 : i32
    %swap3A_469 = arith.index_cast %swap3A_468 : i32 to index
    %swap3A_470 = arith.constant 96 : index
    %swap3A_471 = tpu.vector_load %arg10[%swap3A_469, %swap3A_470] {strides = array<i32>} : memref<16x128xf32, #tpu.memory_space<vmem>>, vector<1x16xf32>,
    %swap3A_472 = vector.shape_cast %swap3A_471 : vector<1x16xf32> to vector<16xf32>
    %swap3A_473 = vector.shape_cast %broadcast_in_dim3A_0 : vector<16xf32> to vector<1x16xf32>
    tpu.vector_store %arg10[%swap3A_469, %swap3A_470], %swap3A_473 {strides = array<i32>} : memref<16x128xf32, #tpu.memory_space<vmem>>, vector<1x16xf32>,
    %swap3A_474 = arith.constant 9 : i32
    %swap3A_475 = arith.index_cast %swap3A_474 : i32 to index
    %swap3A_476 = arith.constant 112 : index
    %swap3A_477 = tpu.vector_load %arg10[%swap3A_475, %swap3A_476] {strides = array<i32>} : memref<16x128xf32, #tpu.memory_space<vmem>>, vector<1x16xf32>,
    %swap3A_478 = vector.shape_cast %swap3A_477 : vector<1x16xf32> to vector<16xf32>
    %swap3A_479 = vector.shape_cast %broadcast_in_dim3A_0 : vector<16xf32> to vector<1x16xf32>
    tpu.vector_store %arg10[%swap3A_475, %swap3A_476], %swap3A_479 {strides = array<i32>} : memref<16x128xf32, #tpu.memory_space<vmem>>, vector<1x16xf32>,
    %swap3A_480 = arith.constant 10 : i32
    %swap3A_481 = arith.index_cast %swap3A_480 : i32 to index
    %swap3A_482 = arith.constant 0 : index
    %swap3A_483 = tpu.vector_load %arg10[%swap3A_481, %swap3A_482] {strides = array<i32>} : memref<16x128xf32, #tpu.memory_space<vmem>>, vector<1x16xf32>,
    %swap3A_484 = vector.shape_cast %swap3A_483 : vector<1x16xf32> to vector<16xf32>
    %swap3A_485 = vector.shape_cast %broadcast_in_dim3A_0 : vector<16xf32> to vector<1x16xf32>
    tpu.vector_store %arg10[%swap3A_481, %swap3A_482], %swap3A_485 {strides = array<i32>} : memref<16x128xf32, #tpu.memory_space<vmem>>, vector<1x16xf32>,
    %swap3A_486 = arith.constant 10 : i32
    %swap3A_487 = arith.index_cast %swap3A_486 : i32 to index
    %swap3A_488 = arith.constant 16 : index
    %swap3A_489 = tpu.vector_load %arg10[%swap3A_487, %swap3A_488] {strides = array<i32>} : memref<16x128xf32, #tpu.memory_space<vmem>>, vector<1x16xf32>,
    %swap3A_490 = vector.shape_cast %swap3A_489 : vector<1x16xf32> to vector<16xf32>
    %swap3A_491 = vector.shape_cast %broadcast_in_dim3A_0 : vector<16xf32> to vector<1x16xf32>
    tpu.vector_store %arg10[%swap3A_487, %swap3A_488], %swap3A_491 {strides = array<i32>} : memref<16x128xf32, #tpu.memory_space<vmem>>, vector<1x16xf32>,
    %swap3A_492 = arith.constant 10 : i32
    %swap3A_493 = arith.index_cast %swap3A_492 : i32 to index
    %swap3A_494 = arith.constant 32 : index
    %swap3A_495 = tpu.vector_load %arg10[%swap3A_493, %swap3A_494] {strides = array<i32>} : memref<16x128xf32, #tpu.memory_space<vmem>>, vector<1x16xf32>,
    %swap3A_496 = vector.shape_cast %swap3A_495 : vector<1x16xf32> to vector<16xf32>
    %swap3A_497 = vector.shape_cast %broadcast_in_dim3A_0 : vector<16xf32> to vector<1x16xf32>
    tpu.vector_store %arg10[%swap3A_493, %swap3A_494], %swap3A_497 {strides = array<i32>} : memref<16x128xf32, #tpu.memory_space<vmem>>, vector<1x16xf32>,
    %swap3A_498 = arith.constant 10 : i32
    %swap3A_499 = arith.index_cast %swap3A_498 : i32 to index
    %swap3A_500 = arith.constant 48 : index
    %swap3A_501 = tpu.vector_load %arg10[%swap3A_499, %swap3A_500] {strides = array<i32>} : memref<16x128xf32, #tpu.memory_space<vmem>>, vector<1x16xf32>,
    %swap3A_502 = vector.shape_cast %swap3A_501 : vector<1x16xf32> to vector<16xf32>
    %swap3A_503 = vector.shape_cast %broadcast_in_dim3A_0 : vector<16xf32> to vector<1x16xf32>
    tpu.vector_store %arg10[%swap3A_499, %swap3A_500], %swap3A_503 {strides = array<i32>} : memref<16x128xf32, #tpu.memory_space<vmem>>, vector<1x16xf32>,
    %swap3A_504 = arith.constant 10 : i32
    %swap3A_505 = arith.index_cast %swap3A_504 : i32 to index
    %swap3A_506 = arith.constant 64 : index
    %swap3A_507 = tpu.vector_load %arg10[%swap3A_505, %swap3A_506] {strides = array<i32>} : memref<16x128xf32, #tpu.memory_space<vmem>>, vector<1x16xf32>,
    %swap3A_508 = vector.shape_cast %swap3A_507 : vector<1x16xf32> to vector<16xf32>
    %swap3A_509 = vector.shape_cast %broadcast_in_dim3A_0 : vector<16xf32> to vector<1x16xf32>
    tpu.vector_store %arg10[%swap3A_505, %swap3A_506], %swap3A_509 {strides = array<i32>} : memref<16x128xf32, #tpu.memory_space<vmem>>, vector<1x16xf32>,
    %swap3A_510 = arith.constant 10 : i32
    %swap3A_511 = arith.index_cast %swap3A_510 : i32 to index
    %swap3A_512 = arith.constant 80 : index
    %swap3A_513 = tpu.vector_load %arg10[%swap3A_511, %swap3A_512] {strides = array<i32>} : memref<16x128xf32, #tpu.memory_space<vmem>>, vector<1x16xf32>,
    %swap3A_514 = vector.shape_cast %swap3A_513 : vector<1x16xf32> to vector<16xf32>
    %swap3A_515 = vector.shape_cast %broadcast_in_dim3A_0 : vector<16xf32> to vector<1x16xf32>
    tpu.vector_store %arg10[%swap3A_511, %swap3A_512], %swap3A_515 {strides = array<i32>} : memref<16x128xf32, #tpu.memory_space<vmem>>, vector<1x16xf32>,
    %swap3A_516 = arith.constant 10 : i32
    %swap3A_517 = arith.index_cast %swap3A_516 : i32 to index
    %swap3A_518 = arith.constant 96 : index
    %swap3A_519 = tpu.vector_load %arg10[%swap3A_517, %swap3A_518] {strides = array<i32>} : memref<16x128xf32, #tpu.memory_space<vmem>>, vector<1x16xf32>,
    %swap3A_520 = vector.shape_cast %swap3A_519 : vector<1x16xf32> to vector<16xf32>
    %swap3A_521 = vector.shape_cast %broadcast_in_dim3A_0 : vector<16xf32> to vector<1x16xf32>
    tpu.vector_store %arg10[%swap3A_517, %swap3A_518], %swap3A_521 {strides = array<i32>} : memref<16x128xf32, #tpu.memory_space<vmem>>, vector<1x16xf32>,
    %swap3A_522 = arith.constant 10 : i32
    %swap3A_523 = arith.index_cast %swap3A_522 : i32 to index
    %swap3A_524 = arith.constant 112 : index
    %swap3A_525 = tpu.vector_load %arg10[%swap3A_523, %swap3A_524] {strides = array<i32>} : memref<16x128xf32, #tpu.memory_space<vmem>>, vector<1x16xf32>,
    %swap3A_526 = vector.shape_cast %swap3A_525 : vector<1x16xf32> to vector<16xf32>
    %swap3A_527 = vector.shape_cast %broadcast_in_dim3A_0 : vector<16xf32> to vector<1x16xf32>
    tpu.vector_store %arg10[%swap3A_523, %swap3A_524], %swap3A_527 {strides = array<i32>} : memref<16x128xf32, #tpu.memory_space<vmem>>, vector<1x16xf32>,
    %swap3A_528 = arith.constant 11 : i32
    %swap3A_529 = arith.index_cast %swap3A_528 : i32 to index
    %swap3A_530 = arith.constant 0 : index
    %swap3A_531 = tpu.vector_load %arg10[%swap3A_529, %swap3A_530] {strides = array<i32>} : memref<16x128xf32, #tpu.memory_space<vmem>>, vector<1x16xf32>,
    %swap3A_532 = vector.shape_cast %swap3A_531 : vector<1x16xf32> to vector<16xf32>
    %swap3A_533 = vector.shape_cast %broadcast_in_dim3A_0 : vector<16xf32> to vector<1x16xf32>
    tpu.vector_store %arg10[%swap3A_529, %swap3A_530], %swap3A_533 {strides = array<i32>} : memref<16x128xf32, #tpu.memory_space<vmem>>, vector<1x16xf32>,
    %swap3A_534 = arith.constant 11 : i32
    %swap3A_535 = arith.index_cast %swap3A_534 : i32 to index
    %swap3A_536 = arith.constant 16 : index
    %swap3A_537 = tpu.vector_load %arg10[%swap3A_535, %swap3A_536] {strides = array<i32>} : memref<16x128xf32, #tpu.memory_space<vmem>>, vector<1x16xf32>,
    %swap3A_538 = vector.shape_cast %swap3A_537 : vector<1x16xf32> to vector<16xf32>
    %swap3A_539 = vector.shape_cast %broadcast_in_dim3A_0 : vector<16xf32> to vector<1x16xf32>
    tpu.vector_store %arg10[%swap3A_535, %swap3A_536], %swap3A_539 {strides = array<i32>} : memref<16x128xf32, #tpu.memory_space<vmem>>, vector<1x16xf32>,
    %swap3A_540 = arith.constant 11 : i32
    %swap3A_541 = arith.index_cast %swap3A_540 : i32 to index
    %swap3A_542 = arith.constant 32 : index
    %swap3A_543 = tpu.vector_load %arg10[%swap3A_541, %swap3A_542] {strides = array<i32>} : memref<16x128xf32, #tpu.memory_space<vmem>>, vector<1x16xf32>,
    %swap3A_544 = vector.shape_cast %swap3A_543 : vector<1x16xf32> to vector<16xf32>
    %swap3A_545 = vector.shape_cast %broadcast_in_dim3A_0 : vector<16xf32> to vector<1x16xf32>
    tpu.vector_store %arg10[%swap3A_541, %swap3A_542], %swap3A_545 {strides = array<i32>} : memref<16x128xf32, #tpu.memory_space<vmem>>, vector<1x16xf32>,
    %swap3A_546 = arith.constant 11 : i32
    %swap3A_547 = arith.index_cast %swap3A_546 : i32 to index
    %swap3A_548 = arith.constant 48 : index
    %swap3A_549 = tpu.vector_load %arg10[%swap3A_547, %swap3A_548] {strides = array<i32>} : memref<16x128xf32, #tpu.memory_space<vmem>>, vector<1x16xf32>,
    %swap3A_550 = vector.shape_cast %swap3A_549 : vector<1x16xf32> to vector<16xf32>
    %swap3A_551 = vector.shape_cast %broadcast_in_dim3A_0 : vector<16xf32> to vector<1x16xf32>
    tpu.vector_store %arg10[%swap3A_547, %swap3A_548], %swap3A_551 {strides = array<i32>} : memref<16x128xf32, #tpu.memory_space<vmem>>, vector<1x16xf32>,
    %swap3A_552 = arith.constant 11 : i32
    %swap3A_553 = arith.index_cast %swap3A_552 : i32 to index
    %swap3A_554 = arith.constant 64 : index
    %swap3A_555 = tpu.vector_load %arg10[%swap3A_553, %swap3A_554] {strides = array<i32>} : memref<16x128xf32, #tpu.memory_space<vmem>>, vector<1x16xf32>,
    %swap3A_556 = vector.shape_cast %swap3A_555 : vector<1x16xf32> to vector<16xf32>
    %swap3A_557 = vector.shape_cast %broadcast_in_dim3A_0 : vector<16xf32> to vector<1x16xf32>
    tpu.vector_store %arg10[%swap3A_553, %swap3A_554], %swap3A_557 {strides = array<i32>} : memref<16x128xf32, #tpu.memory_space<vmem>>, vector<1x16xf32>,
    %swap3A_558 = arith.constant 11 : i32
    %swap3A_559 = arith.index_cast %swap3A_558 : i32 to index
    %swap3A_560 = arith.constant 80 : index
    %swap3A_561 = tpu.vector_load %arg10[%swap3A_559, %swap3A_560] {strides = array<i32>} : memref<16x128xf32, #tpu.memory_space<vmem>>, vector<1x16xf32>,
    %swap3A_562 = vector.shape_cast %swap3A_561 : vector<1x16xf32> to vector<16xf32>
    %swap3A_563 = vector.shape_cast %broadcast_in_dim3A_0 : vector<16xf32> to vector<1x16xf32>
    tpu.vector_store %arg10[%swap3A_559, %swap3A_560], %swap3A_563 {strides = array<i32>} : memref<16x128xf32, #tpu.memory_space<vmem>>, vector<1x16xf32>,
    %swap3A_564 = arith.constant 11 : i32
    %swap3A_565 = arith.index_cast %swap3A_564 : i32 to index
    %swap3A_566 = arith.constant 96 : index
    %swap3A_567 = tpu.vector_load %arg10[%swap3A_565, %swap3A_566] {strides = array<i32>} : memref<16x128xf32, #tpu.memory_space<vmem>>, vector<1x16xf32>,
    %swap3A_568 = vector.shape_cast %swap3A_567 : vector<1x16xf32> to vector<16xf32>
    %swap3A_569 = vector.shape_cast %broadcast_in_dim3A_0 : vector<16xf32> to vector<1x16xf32>
    tpu.vector_store %arg10[%swap3A_565, %swap3A_566], %swap3A_569 {strides = array<i32>} : memref<16x128xf32, #tpu.memory_space<vmem>>, vector<1x16xf32>,
    %swap3A_570 = arith.constant 11 : i32
    %swap3A_571 = arith.index_cast %swap3A_570 : i32 to index
    %swap3A_572 = arith.constant 112 : index
    %swap3A_573 = tpu.vector_load %arg10[%swap3A_571, %swap3A_572] {strides = array<i32>} : memref<16x128xf32, #tpu.memory_space<vmem>>, vector<1x16xf32>,
    %swap3A_574 = vector.shape_cast %swap3A_573 : vector<1x16xf32> to vector<16xf32>
    %swap3A_575 = vector.shape_cast %broadcast_in_dim3A_0 : vector<16xf32> to vector<1x16xf32>
    tpu.vector_store %arg10[%swap3A_571, %swap3A_572], %swap3A_575 {strides = array<i32>} : memref<16x128xf32, #tpu.memory_space<vmem>>, vector<1x16xf32>,
    %swap3A_576 = arith.constant 12 : i32
    %swap3A_577 = arith.index_cast %swap3A_576 : i32 to index
    %swap3A_578 = arith.constant 0 : index
    %swap3A_579 = tpu.vector_load %arg10[%swap3A_577, %swap3A_578] {strides = array<i32>} : memref<16x128xf32, #tpu.memory_space<vmem>>, vector<1x16xf32>,
    %swap3A_580 = vector.shape_cast %swap3A_579 : vector<1x16xf32> to vector<16xf32>
    %swap3A_581 = vector.shape_cast %broadcast_in_dim3A_0 : vector<16xf32> to vector<1x16xf32>
    tpu.vector_store %arg10[%swap3A_577, %swap3A_578], %swap3A_581 {strides = array<i32>} : memref<16x128xf32, #tpu.memory_space<vmem>>, vector<1x16xf32>,
    %swap3A_582 = arith.constant 12 : i32
    %swap3A_583 = arith.index_cast %swap3A_582 : i32 to index
    %swap3A_584 = arith.constant 16 : index
    %swap3A_585 = tpu.vector_load %arg10[%swap3A_583, %swap3A_584] {strides = array<i32>} : memref<16x128xf32, #tpu.memory_space<vmem>>, vector<1x16xf32>,
    %swap3A_586 = vector.shape_cast %swap3A_585 : vector<1x16xf32> to vector<16xf32>
    %swap3A_587 = vector.shape_cast %broadcast_in_dim3A_0 : vector<16xf32> to vector<1x16xf32>
    tpu.vector_store %arg10[%swap3A_583, %swap3A_584], %swap3A_587 {strides = array<i32>} : memref<16x128xf32, #tpu.memory_space<vmem>>, vector<1x16xf32>,
    %swap3A_588 = arith.constant 12 : i32
    %swap3A_589 = arith.index_cast %swap3A_588 : i32 to index
    %swap3A_590 = arith.constant 32 : index
    %swap3A_591 = tpu.vector_load %arg10[%swap3A_589, %swap3A_590] {strides = array<i32>} : memref<16x128xf32, #tpu.memory_space<vmem>>, vector<1x16xf32>,
    %swap3A_592 = vector.shape_cast %swap3A_591 : vector<1x16xf32> to vector<16xf32>
    %swap3A_593 = vector.shape_cast %broadcast_in_dim3A_0 : vector<16xf32> to vector<1x16xf32>
    tpu.vector_store %arg10[%swap3A_589, %swap3A_590], %swap3A_593 {strides = array<i32>} : memref<16x128xf32, #tpu.memory_space<vmem>>, vector<1x16xf32>,
    %swap3A_594 = arith.constant 12 : i32
    %swap3A_595 = arith.index_cast %swap3A_594 : i32 to index
    %swap3A_596 = arith.constant 48 : index
    %swap3A_597 = tpu.vector_load %arg10[%swap3A_595, %swap3A_596] {strides = array<i32>} : memref<16x128xf32, #tpu.memory_space<vmem>>, vector<1x16xf32>,
    %swap3A_598 = vector.shape_cast %swap3A_597 : vector<1x16xf32> to vector<16xf32>
    %swap3A_599 = vector.shape_cast %broadcast_in_dim3A_0 : vector<16xf32> to vector<1x16xf32>
    tpu.vector_store %arg10[%swap3A_595, %swap3A_596], %swap3A_599 {strides = array<i32>} : memref<16x128xf32, #tpu.memory_space<vmem>>, vector<1x16xf32>,
    %swap3A_600 = arith.constant 12 : i32
    %swap3A_601 = arith.index_cast %swap3A_600 : i32 to index
    %swap3A_602 = arith.constant 64 : index
    %swap3A_603 = tpu.vector_load %arg10[%swap3A_601, %swap3A_602] {strides = array<i32>} : memref<16x128xf32, #tpu.memory_space<vmem>>, vector<1x16xf32>,
    %swap3A_604 = vector.shape_cast %swap3A_603 : vector<1x16xf32> to vector<16xf32>
    %swap3A_605 = vector.shape_cast %broadcast_in_dim3A_0 : vector<16xf32> to vector<1x16xf32>
    tpu.vector_store %arg10[%swap3A_601, %swap3A_602], %swap3A_605 {strides = array<i32>} : memref<16x128xf32, #tpu.memory_space<vmem>>, vector<1x16xf32>,
    %swap3A_606 = arith.constant 12 : i32
    %swap3A_607 = arith.index_cast %swap3A_606 : i32 to index
    %swap3A_608 = arith.constant 80 : index
    %swap3A_609 = tpu.vector_load %arg10[%swap3A_607, %swap3A_608] {strides = array<i32>} : memref<16x128xf32, #tpu.memory_space<vmem>>, vector<1x16xf32>,
    %swap3A_610 = vector.shape_cast %swap3A_609 : vector<1x16xf32> to vector<16xf32>
    %swap3A_611 = vector.shape_cast %broadcast_in_dim3A_0 : vector<16xf32> to vector<1x16xf32>
    tpu.vector_store %arg10[%swap3A_607, %swap3A_608], %swap3A_611 {strides = array<i32>} : memref<16x128xf32, #tpu.memory_space<vmem>>, vector<1x16xf32>,
    %swap3A_612 = arith.constant 12 : i32
    %swap3A_613 = arith.index_cast %swap3A_612 : i32 to index
    %swap3A_614 = arith.constant 96 : index
    %swap3A_615 = tpu.vector_load %arg10[%swap3A_613, %swap3A_614] {strides = array<i32>} : memref<16x128xf32, #tpu.memory_space<vmem>>, vector<1x16xf32>,
    %swap3A_616 = vector.shape_cast %swap3A_615 : vector<1x16xf32> to vector<16xf32>
    %swap3A_617 = vector.shape_cast %broadcast_in_dim3A_0 : vector<16xf32> to vector<1x16xf32>
    tpu.vector_store %arg10[%swap3A_613, %swap3A_614], %swap3A_617 {strides = array<i32>} : memref<16x128xf32, #tpu.memory_space<vmem>>, vector<1x16xf32>,
    %swap3A_618 = arith.constant 12 : i32
    %swap3A_619 = arith.index_cast %swap3A_618 : i32 to index
    %swap3A_620 = arith.constant 112 : index
    %swap3A_621 = tpu.vector_load %arg10[%swap3A_619, %swap3A_620] {strides = array<i32>} : memref<16x128xf32, #tpu.memory_space<vmem>>, vector<1x16xf32>,
    %swap3A_622 = vector.shape_cast %swap3A_621 : vector<1x16xf32> to vector<16xf32>
    %swap3A_623 = vector.shape_cast %broadcast_in_dim3A_0 : vector<16xf32> to vector<1x16xf32>
    tpu.vector_store %arg10[%swap3A_619, %swap3A_620], %swap3A_623 {strides = array<i32>} : memref<16x128xf32, #tpu.memory_space<vmem>>, vector<1x16xf32>,
    %swap3A_624 = arith.constant 13 : i32
    %swap3A_625 = arith.index_cast %swap3A_624 : i32 to index
    %swap3A_626 = arith.constant 0 : index
    %swap3A_627 = tpu.vector_load %arg10[%swap3A_625, %swap3A_626] {strides = array<i32>} : memref<16x128xf32, #tpu.memory_space<vmem>>, vector<1x16xf32>,
    %swap3A_628 = vector.shape_cast %swap3A_627 : vector<1x16xf32> to vector<16xf32>
    %swap3A_629 = vector.shape_cast %broadcast_in_dim3A_0 : vector<16xf32> to vector<1x16xf32>
    tpu.vector_store %arg10[%swap3A_625, %swap3A_626], %swap3A_629 {strides = array<i32>} : memref<16x128xf32, #tpu.memory_space<vmem>>, vector<1x16xf32>,
    %swap3A_630 = arith.constant 13 : i32
    %swap3A_631 = arith.index_cast %swap3A_630 : i32 to index
    %swap3A_632 = arith.constant 16 : index
    %swap3A_633 = tpu.vector_load %arg10[%swap3A_631, %swap3A_632] {strides = array<i32>} : memref<16x128xf32, #tpu.memory_space<vmem>>, vector<1x16xf32>,
    %swap3A_634 = vector.shape_cast %swap3A_633 : vector<1x16xf32> to vector<16xf32>
    %swap3A_635 = vector.shape_cast %broadcast_in_dim3A_0 : vector<16xf32> to vector<1x16xf32>
    tpu.vector_store %arg10[%swap3A_631, %swap3A_632], %swap3A_635 {strides = array<i32>} : memref<16x128xf32, #tpu.memory_space<vmem>>, vector<1x16xf32>,
    %swap3A_636 = arith.constant 13 : i32
    %swap3A_637 = arith.index_cast %swap3A_636 : i32 to index
    %swap3A_638 = arith.constant 32 : index
    %swap3A_639 = tpu.vector_load %arg10[%swap3A_637, %swap3A_638] {strides = array<i32>} : memref<16x128xf32, #tpu.memory_space<vmem>>, vector<1x16xf32>,
    %swap3A_640 = vector.shape_cast %swap3A_639 : vector<1x16xf32> to vector<16xf32>
    %swap3A_641 = vector.shape_cast %broadcast_in_dim3A_0 : vector<16xf32> to vector<1x16xf32>
    tpu.vector_store %arg10[%swap3A_637, %swap3A_638], %swap3A_641 {strides = array<i32>} : memref<16x128xf32, #tpu.memory_space<vmem>>, vector<1x16xf32>,
    %swap3A_642 = arith.constant 13 : i32
    %swap3A_643 = arith.index_cast %swap3A_642 : i32 to index
    %swap3A_644 = arith.constant 48 : index
    %swap3A_645 = tpu.vector_load %arg10[%swap3A_643, %swap3A_644] {strides = array<i32>} : memref<16x128xf32, #tpu.memory_space<vmem>>, vector<1x16xf32>,
    %swap3A_646 = vector.shape_cast %swap3A_645 : vector<1x16xf32> to vector<16xf32>
    %swap3A_647 = vector.shape_cast %broadcast_in_dim3A_0 : vector<16xf32> to vector<1x16xf32>
    tpu.vector_store %arg10[%swap3A_643, %swap3A_644], %swap3A_647 {strides = array<i32>} : memref<16x128xf32, #tpu.memory_space<vmem>>, vector<1x16xf32>,
    %swap3A_648 = arith.constant 13 : i32
    %swap3A_649 = arith.index_cast %swap3A_648 : i32 to index
    %swap3A_650 = arith.constant 64 : index
    %swap3A_651 = tpu.vector_load %arg10[%swap3A_649, %swap3A_650] {strides = array<i32>} : memref<16x128xf32, #tpu.memory_space<vmem>>, vector<1x16xf32>,
    %swap3A_652 = vector.shape_cast %swap3A_651 : vector<1x16xf32> to vector<16xf32>
    %swap3A_653 = vector.shape_cast %broadcast_in_dim3A_0 : vector<16xf32> to vector<1x16xf32>
    tpu.vector_store %arg10[%swap3A_649, %swap3A_650], %swap3A_653 {strides = array<i32>} : memref<16x128xf32, #tpu.memory_space<vmem>>, vector<1x16xf32>,
    %swap3A_654 = arith.constant 13 : i32
    %swap3A_655 = arith.index_cast %swap3A_654 : i32 to index
    %swap3A_656 = arith.constant 80 : index
    %swap3A_657 = tpu.vector_load %arg10[%swap3A_655, %swap3A_656] {strides = array<i32>} : memref<16x128xf32, #tpu.memory_space<vmem>>, vector<1x16xf32>,
    %swap3A_658 = vector.shape_cast %swap3A_657 : vector<1x16xf32> to vector<16xf32>
    %swap3A_659 = vector.shape_cast %broadcast_in_dim3A_0 : vector<16xf32> to vector<1x16xf32>
    tpu.vector_store %arg10[%swap3A_655, %swap3A_656], %swap3A_659 {strides = array<i32>} : memref<16x128xf32, #tpu.memory_space<vmem>>, vector<1x16xf32>,
    %swap3A_660 = arith.constant 13 : i32
    %swap3A_661 = arith.index_cast %swap3A_660 : i32 to index
    %swap3A_662 = arith.constant 96 : index
    %swap3A_663 = tpu.vector_load %arg10[%swap3A_661, %swap3A_662] {strides = array<i32>} : memref<16x128xf32, #tpu.memory_space<vmem>>, vector<1x16xf32>,
    %swap3A_664 = vector.shape_cast %swap3A_663 : vector<1x16xf32> to vector<16xf32>
    %swap3A_665 = vector.shape_cast %broadcast_in_dim3A_0 : vector<16xf32> to vector<1x16xf32>
    tpu.vector_store %arg10[%swap3A_661, %swap3A_662], %swap3A_665 {strides = array<i32>} : memref<16x128xf32, #tpu.memory_space<vmem>>, vector<1x16xf32>,
    %swap3A_666 = arith.constant 13 : i32
    %swap3A_667 = arith.index_cast %swap3A_666 : i32 to index
    %swap3A_668 = arith.constant 112 : index
    %swap3A_669 = tpu.vector_load %arg10[%swap3A_667, %swap3A_668] {strides = array<i32>} : memref<16x128xf32, #tpu.memory_space<vmem>>, vector<1x16xf32>,
    %swap3A_670 = vector.shape_cast %swap3A_669 : vector<1x16xf32> to vector<16xf32>
    %swap3A_671 = vector.shape_cast %broadcast_in_dim3A_0 : vector<16xf32> to vector<1x16xf32>
    tpu.vector_store %arg10[%swap3A_667, %swap3A_668], %swap3A_671 {strides = array<i32>} : memref<16x128xf32, #tpu.memory_space<vmem>>, vector<1x16xf32>,
    %swap3A_672 = arith.constant 14 : i32
    %swap3A_673 = arith.index_cast %swap3A_672 : i32 to index
    %swap3A_674 = arith.constant 0 : index
    %swap3A_675 = tpu.vector_load %arg10[%swap3A_673, %swap3A_674] {strides = array<i32>} : memref<16x128xf32, #tpu.memory_space<vmem>>, vector<1x16xf32>,
    %swap3A_676 = vector.shape_cast %swap3A_675 : vector<1x16xf32> to vector<16xf32>
    %swap3A_677 = vector.shape_cast %broadcast_in_dim3A_0 : vector<16xf32> to vector<1x16xf32>
    tpu.vector_store %arg10[%swap3A_673, %swap3A_674], %swap3A_677 {strides = array<i32>} : memref<16x128xf32, #tpu.memory_space<vmem>>, vector<1x16xf32>,
    %swap3A_678 = arith.constant 14 : i32
    %swap3A_679 = arith.index_cast %swap3A_678 : i32 to index
    %swap3A_680 = arith.constant 16 : index
    %swap3A_681 = tpu.vector_load %arg10[%swap3A_679, %swap3A_680] {strides = array<i32>} : memref<16x128xf32, #tpu.memory_space<vmem>>, vector<1x16xf32>,
    %swap3A_682 = vector.shape_cast %swap3A_681 : vector<1x16xf32> to vector<16xf32>
    %swap3A_683 = vector.shape_cast %broadcast_in_dim3A_0 : vector<16xf32> to vector<1x16xf32>
    tpu.vector_store %arg10[%swap3A_679, %swap3A_680], %swap3A_683 {strides = array<i32>} : memref<16x128xf32, #tpu.memory_space<vmem>>, vector<1x16xf32>,
    %swap3A_684 = arith.constant 14 : i32
    %swap3A_685 = arith.index_cast %swap3A_684 : i32 to index
    %swap3A_686 = arith.constant 32 : index
    %swap3A_687 = tpu.vector_load %arg10[%swap3A_685, %swap3A_686] {strides = array<i32>} : memref<16x128xf32, #tpu.memory_space<vmem>>, vector<1x16xf32>,
    %swap3A_688 = vector.shape_cast %swap3A_687 : vector<1x16xf32> to vector<16xf32>
    %swap3A_689 = vector.shape_cast %broadcast_in_dim3A_0 : vector<16xf32> to vector<1x16xf32>
    tpu.vector_store %arg10[%swap3A_685, %swap3A_686], %swap3A_689 {strides = array<i32>} : memref<16x128xf32, #tpu.memory_space<vmem>>, vector<1x16xf32>,
    %swap3A_690 = arith.constant 14 : i32
    %swap3A_691 = arith.index_cast %swap3A_690 : i32 to index
    %swap3A_692 = arith.constant 48 : index
    %swap3A_693 = tpu.vector_load %arg10[%swap3A_691, %swap3A_692] {strides = array<i32>} : memref<16x128xf32, #tpu.memory_space<vmem>>, vector<1x16xf32>,
    %swap3A_694 = vector.shape_cast %swap3A_693 : vector<1x16xf32> to vector<16xf32>
    %swap3A_695 = vector.shape_cast %broadcast_in_dim3A_0 : vector<16xf32> to vector<1x16xf32>
    tpu.vector_store %arg10[%swap3A_691, %swap3A_692], %swap3A_695 {strides = array<i32>} : memref<16x128xf32, #tpu.memory_space<vmem>>, vector<1x16xf32>,
    %swap3A_696 = arith.constant 14 : i32
    %swap3A_697 = arith.index_cast %swap3A_696 : i32 to index
    %swap3A_698 = arith.constant 64 : index
    %swap3A_699 = tpu.vector_load %arg10[%swap3A_697, %swap3A_698] {strides = array<i32>} : memref<16x128xf32, #tpu.memory_space<vmem>>, vector<1x16xf32>,
    %swap3A_700 = vector.shape_cast %swap3A_699 : vector<1x16xf32> to vector<16xf32>
    %swap3A_701 = vector.shape_cast %broadcast_in_dim3A_0 : vector<16xf32> to vector<1x16xf32>
    tpu.vector_store %arg10[%swap3A_697, %swap3A_698], %swap3A_701 {strides = array<i32>} : memref<16x128xf32, #tpu.memory_space<vmem>>, vector<1x16xf32>,
    %swap3A_702 = arith.constant 14 : i32
    %swap3A_703 = arith.index_cast %swap3A_702 : i32 to index
    %swap3A_704 = arith.constant 80 : index
    %swap3A_705 = tpu.vector_load %arg10[%swap3A_703, %swap3A_704] {strides = array<i32>} : memref<16x128xf32, #tpu.memory_space<vmem>>, vector<1x16xf32>,
    %swap3A_706 = vector.shape_cast %swap3A_705 : vector<1x16xf32> to vector<16xf32>
    %swap3A_707 = vector.shape_cast %broadcast_in_dim3A_0 : vector<16xf32> to vector<1x16xf32>
    tpu.vector_store %arg10[%swap3A_703, %swap3A_704], %swap3A_707 {strides = array<i32>} : memref<16x128xf32, #tpu.memory_space<vmem>>, vector<1x16xf32>,
    %swap3A_708 = arith.constant 14 : i32
    %swap3A_709 = arith.index_cast %swap3A_708 : i32 to index
    %swap3A_710 = arith.constant 96 : index
    %swap3A_711 = tpu.vector_load %arg10[%swap3A_709, %swap3A_710] {strides = array<i32>} : memref<16x128xf32, #tpu.memory_space<vmem>>, vector<1x16xf32>,
    %swap3A_712 = vector.shape_cast %swap3A_711 : vector<1x16xf32> to vector<16xf32>
    %swap3A_713 = vector.shape_cast %broadcast_in_dim3A_0 : vector<16xf32> to vector<1x16xf32>
    tpu.vector_store %arg10[%swap3A_709, %swap3A_710], %swap3A_713 {strides = array<i32>} : memref<16x128xf32, #tpu.memory_space<vmem>>, vector<1x16xf32>,
    %swap3A_714 = arith.constant 14 : i32
    %swap3A_715 = arith.index_cast %swap3A_714 : i32 to index
    %swap3A_716 = arith.constant 112 : index
    %swap3A_717 = tpu.vector_load %arg10[%swap3A_715, %swap3A_716] {strides = array<i32>} : memref<16x128xf32, #tpu.memory_space<vmem>>, vector<1x16xf32>,
    %swap3A_718 = vector.shape_cast %swap3A_717 : vector<1x16xf32> to vector<16xf32>
    %swap3A_719 = vector.shape_cast %broadcast_in_dim3A_0 : vector<16xf32> to vector<1x16xf32>
    tpu.vector_store %arg10[%swap3A_715, %swap3A_716], %swap3A_719 {strides = array<i32>} : memref<16x128xf32, #tpu.memory_space<vmem>>, vector<1x16xf32>,
    %swap3A_720 = arith.constant 15 : i32
    %swap3A_721 = arith.index_cast %swap3A_720 : i32 to index
    %swap3A_722 = arith.constant 0 : index
    %swap3A_723 = tpu.vector_load %arg10[%swap3A_721, %swap3A_722] {strides = array<i32>} : memref<16x128xf32, #tpu.memory_space<vmem>>, vector<1x16xf32>,
    %swap3A_724 = vector.shape_cast %swap3A_723 : vector<1x16xf32> to vector<16xf32>
    %swap3A_725 = vector.shape_cast %broadcast_in_dim3A_0 : vector<16xf32> to vector<1x16xf32>
    tpu.vector_store %arg10[%swap3A_721, %swap3A_722], %swap3A_725 {strides = array<i32>} : memref<16x128xf32, #tpu.memory_space<vmem>>, vector<1x16xf32>,
    %swap3A_726 = arith.constant 15 : i32
    %swap3A_727 = arith.index_cast %swap3A_726 : i32 to index
    %swap3A_728 = arith.constant 16 : index
    %swap3A_729 = tpu.vector_load %arg10[%swap3A_727, %swap3A_728] {strides = array<i32>} : memref<16x128xf32, #tpu.memory_space<vmem>>, vector<1x16xf32>,
    %swap3A_730 = vector.shape_cast %swap3A_729 : vector<1x16xf32> to vector<16xf32>
    %swap3A_731 = vector.shape_cast %broadcast_in_dim3A_0 : vector<16xf32> to vector<1x16xf32>
    tpu.vector_store %arg10[%swap3A_727, %swap3A_728], %swap3A_731 {strides = array<i32>} : memref<16x128xf32, #tpu.memory_space<vmem>>, vector<1x16xf32>,
    %swap3A_732 = arith.constant 15 : i32
    %swap3A_733 = arith.index_cast %swap3A_732 : i32 to index
    %swap3A_734 = arith.constant 32 : index
    %swap3A_735 = tpu.vector_load %arg10[%swap3A_733, %swap3A_734] {strides = array<i32>} : memref<16x128xf32, #tpu.memory_space<vmem>>, vector<1x16xf32>,
    %swap3A_736 = vector.shape_cast %swap3A_735 : vector<1x16xf32> to vector<16xf32>
    %swap3A_737 = vector.shape_cast %broadcast_in_dim3A_0 : vector<16xf32> to vector<1x16xf32>
    tpu.vector_store %arg10[%swap3A_733, %swap3A_734], %swap3A_737 {strides = array<i32>} : memref<16x128xf32, #tpu.memory_space<vmem>>, vector<1x16xf32>,
    %swap3A_738 = arith.constant 15 : i32
    %swap3A_739 = arith.index_cast %swap3A_738 : i32 to index
    %swap3A_740 = arith.constant 48 : index
    %swap3A_741 = tpu.vector_load %arg10[%swap3A_739, %swap3A_740] {strides = array<i32>} : memref<16x128xf32, #tpu.memory_space<vmem>>, vector<1x16xf32>,
    %swap3A_742 = vector.shape_cast %swap3A_741 : vector<1x16xf32> to vector<16xf32>
    %swap3A_743 = vector.shape_cast %broadcast_in_dim3A_0 : vector<16xf32> to vector<1x16xf32>
    tpu.vector_store %arg10[%swap3A_739, %swap3A_740], %swap3A_743 {strides = array<i32>} : memref<16x128xf32, #tpu.memory_space<vmem>>, vector<1x16xf32>,
    %swap3A_744 = arith.constant 15 : i32
    %swap3A_745 = arith.index_cast %swap3A_744 : i32 to index
    %swap3A_746 = arith.constant 64 : index
    %swap3A_747 = tpu.vector_load %arg10[%swap3A_745, %swap3A_746] {strides = array<i32>} : memref<16x128xf32, #tpu.memory_space<vmem>>, vector<1x16xf32>,
    %swap3A_748 = vector.shape_cast %swap3A_747 : vector<1x16xf32> to vector<16xf32>
    %swap3A_749 = vector.shape_cast %broadcast_in_dim3A_0 : vector<16xf32> to vector<1x16xf32>
    tpu.vector_store %arg10[%swap3A_745, %swap3A_746], %swap3A_749 {strides = array<i32>} : memref<16x128xf32, #tpu.memory_space<vmem>>, vector<1x16xf32>,
    %swap3A_750 = arith.constant 15 : i32
    %swap3A_751 = arith.index_cast %swap3A_750 : i32 to index
    %swap3A_752 = arith.constant 80 : index
    %swap3A_753 = tpu.vector_load %arg10[%swap3A_751, %swap3A_752] {strides = array<i32>} : memref<16x128xf32, #tpu.memory_space<vmem>>, vector<1x16xf32>,
    %swap3A_754 = vector.shape_cast %swap3A_753 : vector<1x16xf32> to vector<16xf32>
    %swap3A_755 = vector.shape_cast %broadcast_in_dim3A_0 : vector<16xf32> to vector<1x16xf32>
    tpu.vector_store %arg10[%swap3A_751, %swap3A_752], %swap3A_755 {strides = array<i32>} : memref<16x128xf32, #tpu.memory_space<vmem>>, vector<1x16xf32>,
    %swap3A_756 = arith.constant 15 : i32
    %swap3A_757 = arith.index_cast %swap3A_756 : i32 to index
    %swap3A_758 = arith.constant 96 : index
    %swap3A_759 = tpu.vector_load %arg10[%swap3A_757, %swap3A_758] {strides = array<i32>} : memref<16x128xf32, #tpu.memory_space<vmem>>, vector<1x16xf32>,
    %swap3A_760 = vector.shape_cast %swap3A_759 : vector<1x16xf32> to vector<16xf32>
    %swap3A_761 = vector.shape_cast %broadcast_in_dim3A_0 : vector<16xf32> to vector<1x16xf32>
    tpu.vector_store %arg10[%swap3A_757, %swap3A_758], %swap3A_761 {strides = array<i32>} : memref<16x128xf32, #tpu.memory_space<vmem>>, vector<1x16xf32>,
    %swap3A_762 = arith.constant 15 : i32
    %swap3A_763 = arith.index_cast %swap3A_762 : i32 to index
    %swap3A_764 = arith.constant 112 : index
    %swap3A_765 = tpu.vector_load %arg10[%swap3A_763, %swap3A_764] {strides = array<i32>} : memref<16x128xf32, #tpu.memory_space<vmem>>, vector<1x16xf32>,
    %swap3A_766 = vector.shape_cast %swap3A_765 : vector<1x16xf32> to vector<16xf32>
    %swap3A_767 = vector.shape_cast %broadcast_in_dim3A_0 : vector<16xf32> to vector<1x16xf32>
    tpu.vector_store %arg10[%swap3A_763, %swap3A_764], %swap3A_767 {strides = array<i32>} : memref<16x128xf32, #tpu.memory_space<vmem>>, vector<1x16xf32>,
    %mul3A = arith.constant 640 : i32
    %mul3A_768 = arith.muli %arg1, %mul3A : i32
    %scan3A = arith.constant 0 : i32
    %scan3A_769 = arith.constant 0 : i32
    %scan3A_770 = arith.constant 40 : i32
    %scan3A_771 = arith.addi %scan3A_769, %scan3A_770 : i32
    %scan3A_772 = arith.constant 1 : i32
    scf.for %scan3A_785 = %scan3A_769 to %scan3A_771 step %scan3A_772  : i32 {
      %mul3A_786 = arith.constant 16 : i32
      %mul3A_787 = arith.muli %scan3A_785, %mul3A_786 : i32
      %add3A_788 = arith.addi %mul3A_768, %mul3A_787 : i32
      "tpu.region"() ({
        %run_scoped3A = tpu.sem_alloc : memref<!tpu.dma_semaphore, #tpu.memory_space<semaphore_mem>>
        %dma_start3A = arith.constant 0 : i32
        %dma_start3A_789 = tpu.memref_slice %arg6[%add3A_788, %dma_start3A] : memref<10240x128xf32, #tpu.memory_space<vmem_shared>> -> memref<16x128xf32, #tpu.memory_space<vmem_shared>>
        %dma_start3A_790 = arith.constant 0 : i32
        %dma_start3A_791 = tpu.memref_slice %arg6[%add3A_788, %dma_start3A_790] : memref<10240x128xf32, #tpu.memory_space<vmem_shared>> -> memref<16x128xf32, #tpu.memory_space<vmem_shared>>
        tpu.enqueue_dma source(%arg10 : memref<16x128xf32, #tpu.memory_space<vmem>>) target(%dma_start3A_791 : memref<16x128xf32, #tpu.memory_space<vmem_shared>>) target_semaphore(%run_scoped3A : memref<!tpu.dma_semaphore, #tpu.memory_space<semaphore_mem>>)
        %dma_wait3A = arith.constant 0 : i32
        %dma_wait3A_792 = tpu.memref_slice %arg6[%add3A_788, %dma_wait3A] : memref<10240x128xf32, #tpu.memory_space<vmem_shared>> -> memref<16x128xf32, #tpu.memory_space<vmem_shared>>
        %dma_wait3A_793 = arith.constant 0 : i32
        %dma_wait3A_794 = tpu.memref_slice %arg6[%add3A_788, %dma_wait3A_793] : memref<10240x128xf32, #tpu.memory_space<vmem_shared>> -> memref<16x128xf32, #tpu.memory_space<vmem_shared>>
        tpu.wait_dma2 semaphore(%run_scoped3A : memref<!tpu.dma_semaphore, #tpu.memory_space<semaphore_mem>>) src(%arg10 : memref<16x128xf32, #tpu.memory_space<vmem>>) dst(%dma_wait3A_794 : memref<16x128xf32, #tpu.memory_space<vmem_shared>>)
        tpu.yield
      }) : () -> ()
    }
    %scan3A_773 = arith.constant 40 : i32
    %barrier3A = arith.constant 0 : index
    tpu.barrier barrier_id(%barrier3A)
    %mul3A_774 = arith.constant 16 : i32
    %mul3A_775 = arith.muli %arg0, %mul3A_774 : i32
    %add3A = arith.addi %mul3A_775, %arg1 : i32
    %mul3A_776 = arith.constant 10112 : i32
    %mul3A_777 = arith.muli %add3A, %mul3A_776 : i32
    %scan3A_778 = arith.constant 0 : i32
    %scan3A_779 = arith.constant 0 : i32
    %scan3A_780 = arith.constant 79 : i32
    %scan3A_781 = arith.addi %scan3A_779, %scan3A_780 : i32
    %scan3A_782 = arith.constant 1 : i32
    scf.for %scan3A_785 = %scan3A_779 to %scan3A_781 step %scan3A_782  : i32 {
      %mul3A_786 = arith.constant 128 : i32
      %mul3A_787 = arith.muli %scan3A_785, %mul3A_786 : i32
      %add3A_788 = arith.addi %mul3A_777, %mul3A_787 : i32
      %run_scoped3A = arith.constant 0 : i32
      "tpu.region"() ({
        %run_scoped3A_814 = tpu.sem_alloc : memref<!tpu.dma_semaphore, #tpu.memory_space<semaphore_mem>>
        %dma_start3A_815 = arith.constant 0 : i32
        %dma_start3A_816 = tpu.memref_slice %arg7[%run_scoped3A, %dma_start3A_815] : memref<1x128xi32, #tpu.memory_space<vmem>> -> memref<1x128xi32, #tpu.memory_space<vmem>>
        %dma_start3A_817 = tpu.memref_squeeze %dma_start3A_816 : memref<1x128xi32, #tpu.memory_space<vmem>> -> memref<128xi32, #tpu.memory_space<vmem>>
        %dma_start3A_818 = tpu.memref_slice %arg3[%add3A_788] : memref<323584xi32, #tpu.memory_space<hbm>> -> memref<128xi32, #tpu.memory_space<hbm>>
        %dma_start3A_819 = arith.constant 0 : i32
        %dma_start3A_820 = tpu.memref_slice %arg7[%run_scoped3A, %dma_start3A_819] : memref<1x128xi32, #tpu.memory_space<vmem>> -> memref<1x128xi32, #tpu.memory_space<vmem>>
        %dma_start3A_821 = tpu.memref_squeeze %dma_start3A_820 : memref<1x128xi32, #tpu.memory_space<vmem>> -> memref<128xi32, #tpu.memory_space<vmem>>
        %dma_start3A_822 = tpu.memref_slice %arg3[%add3A_788] : memref<323584xi32, #tpu.memory_space<hbm>> -> memref<128xi32, #tpu.memory_space<hbm>>
        tpu.enqueue_dma source(%dma_start3A_822 : memref<128xi32, #tpu.memory_space<hbm>>) target(%dma_start3A_821 : memref<128xi32, #tpu.memory_space<vmem>>) target_semaphore(%run_scoped3A_814 : memref<!tpu.dma_semaphore, #tpu.memory_space<semaphore_mem>>)
        %dma_wait3A_823 = arith.constant 0 : i32
        %dma_wait3A_824 = tpu.memref_slice %arg7[%run_scoped3A, %dma_wait3A_823] : memref<1x128xi32, #tpu.memory_space<vmem>> -> memref<1x128xi32, #tpu.memory_space<vmem>>
        %dma_wait3A_825 = tpu.memref_squeeze %dma_wait3A_824 : memref<1x128xi32, #tpu.memory_space<vmem>> -> memref<128xi32, #tpu.memory_space<vmem>>
        %dma_wait3A_826 = tpu.memref_slice %arg3[%add3A_788] : memref<323584xi32, #tpu.memory_space<hbm>> -> memref<128xi32, #tpu.memory_space<hbm>>
        %dma_wait3A_827 = arith.constant 0 : i32
        %dma_wait3A_828 = tpu.memref_slice %arg7[%run_scoped3A, %dma_wait3A_827] : memref<1x128xi32, #tpu.memory_space<vmem>> -> memref<1x128xi32, #tpu.memory_space<vmem>>
        %dma_wait3A_829 = tpu.memref_squeeze %dma_wait3A_828 : memref<1x128xi32, #tpu.memory_space<vmem>> -> memref<128xi32, #tpu.memory_space<vmem>>
        %dma_wait3A_830 = tpu.memref_slice %arg3[%add3A_788] : memref<323584xi32, #tpu.memory_space<hbm>> -> memref<128xi32, #tpu.memory_space<hbm>>
        tpu.wait_dma2 semaphore(%run_scoped3A_814 : memref<!tpu.dma_semaphore, #tpu.memory_space<semaphore_mem>>) src(%dma_wait3A_830 : memref<128xi32, #tpu.memory_space<hbm>>) dst(%dma_wait3A_829 : memref<128xi32, #tpu.memory_space<vmem>>)
        tpu.yield
      }) : () -> ()
      %run_scoped3A_789 = arith.constant 0 : i32
      "tpu.region"() ({
        %run_scoped3A_814 = tpu.sem_alloc : memref<!tpu.dma_semaphore, #tpu.memory_space<semaphore_mem>>
        %dma_start3A_815 = arith.constant 0 : i32
        %dma_start3A_816 = tpu.memref_slice %arg8[%run_scoped3A_789, %dma_start3A_815] : memref<1x128xi32, #tpu.memory_space<vmem>> -> memref<1x128xi32, #tpu.memory_space<vmem>>
        %dma_start3A_817 = tpu.memref_squeeze %dma_start3A_816 : memref<1x128xi32, #tpu.memory_space<vmem>> -> memref<128xi32, #tpu.memory_space<vmem>>
        %dma_start3A_818 = tpu.memref_slice %arg4[%add3A_788] : memref<323584xi32, #tpu.memory_space<hbm>> -> memref<128xi32, #tpu.memory_space<hbm>>
        %dma_start3A_819 = arith.constant 0 : i32
        %dma_start3A_820 = tpu.memref_slice %arg8[%run_scoped3A_789, %dma_start3A_819] : memref<1x128xi32, #tpu.memory_space<vmem>> -> memref<1x128xi32, #tpu.memory_space<vmem>>
        %dma_start3A_821 = tpu.memref_squeeze %dma_start3A_820 : memref<1x128xi32, #tpu.memory_space<vmem>> -> memref<128xi32, #tpu.memory_space<vmem>>
        %dma_start3A_822 = tpu.memref_slice %arg4[%add3A_788] : memref<323584xi32, #tpu.memory_space<hbm>> -> memref<128xi32, #tpu.memory_space<hbm>>
        tpu.enqueue_dma source(%dma_start3A_822 : memref<128xi32, #tpu.memory_space<hbm>>) target(%dma_start3A_821 : memref<128xi32, #tpu.memory_space<vmem>>) target_semaphore(%run_scoped3A_814 : memref<!tpu.dma_semaphore, #tpu.memory_space<semaphore_mem>>)
        %dma_wait3A_823 = arith.constant 0 : i32
        %dma_wait3A_824 = tpu.memref_slice %arg8[%run_scoped3A_789, %dma_wait3A_823] : memref<1x128xi32, #tpu.memory_space<vmem>> -> memref<1x128xi32, #tpu.memory_space<vmem>>
        %dma_wait3A_825 = tpu.memref_squeeze %dma_wait3A_824 : memref<1x128xi32, #tpu.memory_space<vmem>> -> memref<128xi32, #tpu.memory_space<vmem>>
        %dma_wait3A_826 = tpu.memref_slice %arg4[%add3A_788] : memref<323584xi32, #tpu.memory_space<hbm>> -> memref<128xi32, #tpu.memory_space<hbm>>
        %dma_wait3A_827 = arith.constant 0 : i32
        %dma_wait3A_828 = tpu.memref_slice %arg8[%run_scoped3A_789, %dma_wait3A_827] : memref<1x128xi32, #tpu.memory_space<vmem>> -> memref<1x128xi32, #tpu.memory_space<vmem>>
        %dma_wait3A_829 = tpu.memref_squeeze %dma_wait3A_828 : memref<1x128xi32, #tpu.memory_space<vmem>> -> memref<128xi32, #tpu.memory_space<vmem>>
        %dma_wait3A_830 = tpu.memref_slice %arg4[%add3A_788] : memref<323584xi32, #tpu.memory_space<hbm>> -> memref<128xi32, #tpu.memory_space<hbm>>
        tpu.wait_dma2 semaphore(%run_scoped3A_814 : memref<!tpu.dma_semaphore, #tpu.memory_space<semaphore_mem>>) src(%dma_wait3A_830 : memref<128xi32, #tpu.memory_space<hbm>>) dst(%dma_wait3A_829 : memref<128xi32, #tpu.memory_space<vmem>>)
        tpu.yield
      }) : () -> ()
      %dma_start3A = arith.constant 0 : i32
      %dma_start3A_790 = arith.constant 0 : i32
      %dma_start3A_791 = arith.constant 0 : i32
      %dma_start3A_792 = arith.constant 0 : i32
      %dma_start3A_793 = tpu.memref_slice %arg9[%dma_start3A_790, %dma_start3A_791, %dma_start3A_792] : memref<1x128x128xf32, #tpu.memory_space<vmem>> -> memref<1x128x128xf32, #tpu.memory_space<vmem>>
      %dma_start3A_794 = tpu.memref_squeeze %dma_start3A_793 : memref<1x128x128xf32, #tpu.memory_space<vmem>> -> memref<128x128xf32, #tpu.memory_space<vmem>>
      %dma_start3A_795 = arith.constant 0 : i32
      %dma_start3A_796 = tpu.memref_slice %arg7[%dma_start3A, %dma_start3A_795] : memref<1x128xi32, #tpu.memory_space<vmem>> -> memref<1x128xi32, #tpu.memory_space<vmem>>
      %dma_start3A_797 = tpu.memref_squeeze %dma_start3A_796 : memref<1x128xi32, #tpu.memory_space<vmem>> -> memref<128xi32, #tpu.memory_space<vmem>>
      %dma_start3A_798 = arith.constant 0 : i32
      %dma_start3A_799 = arith.constant 0 : i32
      %dma_start3A_800 = tpu.memref_slice %arg2[%dma_start3A_798, %dma_start3A_799] : memref<10000x128xf32, #tpu.memory_space<hbm>> -> memref<10000x128xf32, #tpu.memory_space<hbm>>
      tpu.enqueue_indirect_dma source(%dma_start3A_800 : memref<10000x128xf32, #tpu.memory_space<hbm>>) target(%dma_start3A_794 : memref<128x128xf32, #tpu.memory_space<vmem>>) offsets(%dma_start3A_797 : memref<128xi32, #tpu.memory_space<vmem>>) semaphore(%arg11 : memref<!tpu.dma_semaphore, #tpu.memory_space<semaphore_mem>>)
      %dma_wait3A = arith.constant 0 : i32
      %dma_wait3A_801 = arith.constant 0 : i32
      %dma_wait3A_802 = arith.constant 0 : i32
      %dma_wait3A_803 = arith.constant 0 : i32
      %dma_wait3A_804 = tpu.memref_slice %arg9[%dma_wait3A_801, %dma_wait3A_802, %dma_wait3A_803] : memref<1x128x128xf32, #tpu.memory_space<vmem>> -> memref<1x128x128xf32, #tpu.memory_space<vmem>>
      %dma_wait3A_805 = tpu.memref_squeeze %dma_wait3A_804 : memref<1x128x128xf32, #tpu.memory_space<vmem>> -> memref<128x128xf32, #tpu.memory_space<vmem>>
      %dma_wait3A_806 = arith.constant 0 : i32
      %dma_wait3A_807 = tpu.memref_slice %arg7[%dma_wait3A, %dma_wait3A_806] : memref<1x128xi32, #tpu.memory_space<vmem>> -> memref<1x128xi32, #tpu.memory_space<vmem>>
      %dma_wait3A_808 = tpu.memref_squeeze %dma_wait3A_807 : memref<1x128xi32, #tpu.memory_space<vmem>> -> memref<128xi32, #tpu.memory_space<vmem>>
      %dma_wait3A_809 = arith.constant 0 : i32
      %dma_wait3A_810 = arith.constant 0 : i32
      %dma_wait3A_811 = tpu.memref_slice %arg2[%dma_wait3A_809, %dma_wait3A_810] : memref<10000x128xf32, #tpu.memory_space<hbm>> -> memref<10000x128xf32, #tpu.memory_space<hbm>>
      tpu.wait_indirect_dma semaphore(%arg11 : memref<!tpu.dma_semaphore, #tpu.memory_space<semaphore_mem>>) src(%dma_wait3A_811 : memref<10000x128xf32, #tpu.memory_space<hbm>>) dst(%dma_wait3A_805 : memref<128x128xf32, #tpu.memory_space<vmem>>)
      %run_scoped3A_812 = arith.constant 0 : i32
      %run_scoped3A_813 = arith.constant 0 : i32
      "tpu.region"() ({
        %run_scoped3A_814 = tpu.sem_alloc : memref<!tpu.dma_semaphore, #tpu.memory_space<semaphore_mem>>
        %dma_start3A_815 = arith.constant 0 : i32
        %dma_start3A_816 = arith.constant 0 : i32
        %dma_start3A_817 = tpu.memref_slice %arg9[%run_scoped3A_812, %dma_start3A_815, %dma_start3A_816] : memref<1x128x128xf32, #tpu.memory_space<vmem>> -> memref<1x128x128xf32, #tpu.memory_space<vmem>>
        %dma_start3A_818 = tpu.memref_squeeze %dma_start3A_817 : memref<1x128x128xf32, #tpu.memory_space<vmem>> -> memref<128x128xf32, #tpu.memory_space<vmem>>
        %dma_start3A_819 = arith.constant 0 : i32
        %dma_start3A_820 = tpu.memref_slice %arg8[%run_scoped3A_813, %dma_start3A_819] : memref<1x128xi32, #tpu.memory_space<vmem>> -> memref<1x128xi32, #tpu.memory_space<vmem>>
        %dma_start3A_821 = tpu.memref_squeeze %dma_start3A_820 : memref<1x128xi32, #tpu.memory_space<vmem>> -> memref<128xi32, #tpu.memory_space<vmem>>
        %dma_start3A_822 = arith.constant 0 : i32
        %dma_start3A_823 = arith.constant 0 : i32
        %dma_start3A_824 = tpu.memref_slice %arg6[%dma_start3A_822, %dma_start3A_823] : memref<10240x128xf32, #tpu.memory_space<vmem_shared>> -> memref<10240x128xf32, #tpu.memory_space<vmem_shared>>
        tpu.enqueue_indirect_dma source(%dma_start3A_818 : memref<128x128xf32, #tpu.memory_space<vmem>>) target(%dma_start3A_824 : memref<10240x128xf32, #tpu.memory_space<vmem_shared>>) offsets(%dma_start3A_821 : memref<128xi32, #tpu.memory_space<vmem>>) semaphore(%run_scoped3A_814 : memref<!tpu.dma_semaphore, #tpu.memory_space<semaphore_mem>>) {add = true}
        %dma_wait3A_825 = arith.constant 0 : i32
        %dma_wait3A_826 = arith.constant 0 : i32
        %dma_wait3A_827 = tpu.memref_slice %arg9[%run_scoped3A_812, %dma_wait3A_825, %dma_wait3A_826] : memref<1x128x128xf32, #tpu.memory_space<vmem>> -> memref<1x128x128xf32, #tpu.memory_space<vmem>>
        %dma_wait3A_828 = tpu.memref_squeeze %dma_wait3A_827 : memref<1x128x128xf32, #tpu.memory_space<vmem>> -> memref<128x128xf32, #tpu.memory_space<vmem>>
        %dma_wait3A_829 = arith.constant 0 : i32
        %dma_wait3A_830 = tpu.memref_slice %arg8[%run_scoped3A_813, %dma_wait3A_829] : memref<1x128xi32, #tpu.memory_space<vmem>> -> memref<1x128xi32, #tpu.memory_space<vmem>>
        %dma_wait3A_831 = tpu.memref_squeeze %dma_wait3A_830 : memref<1x128xi32, #tpu.memory_space<vmem>> -> memref<128xi32, #tpu.memory_space<vmem>>
        %dma_wait3A_832 = arith.constant 0 : i32
        %dma_wait3A_833 = arith.constant 0 : i32
        %dma_wait3A_834 = tpu.memref_slice %arg6[%dma_wait3A_832, %dma_wait3A_833] : memref<10240x128xf32, #tpu.memory_space<vmem_shared>> -> memref<10240x128xf32, #tpu.memory_space<vmem_shared>>
        tpu.wait_indirect_dma semaphore(%run_scoped3A_814 : memref<!tpu.dma_semaphore, #tpu.memory_space<semaphore_mem>>) src(%dma_wait3A_828 : memref<128x128xf32, #tpu.memory_space<vmem>>) dst(%dma_wait3A_834 : memref<10240x128xf32, #tpu.memory_space<vmem_shared>>)
        tpu.yield
      }) : () -> ()
    }
    %scan3A_783 = arith.constant 79 : i32
    %barrier3A_784 = arith.constant 0 : index
    tpu.barrier barrier_id(%barrier3A_784)
    "tpu.region"() ({
      %run_scoped3A = tpu.sem_alloc : memref<!tpu.dma_semaphore, #tpu.memory_space<semaphore_mem>>
      %dma_start3A = arith.constant 0 : i32
      %dma_start3A_785 = tpu.memref_slice %arg5[%arg0, %mul3A_768, %dma_start3A] : memref<2x10240x128xf32, #tpu.memory_space<hbm>> -> memref<1x640x128xf32, #tpu.memory_space<hbm>>
      %dma_start3A_786 = tpu.memref_squeeze %dma_start3A_785 : memref<1x640x128xf32, #tpu.memory_space<hbm>> -> memref<640x128xf32, #tpu.memory_space<hbm>>
      %dma_start3A_787 = arith.constant 0 : i32
      %dma_start3A_788 = tpu.memref_slice %arg6[%mul3A_768, %dma_start3A_787] : memref<10240x128xf32, #tpu.memory_space<vmem_shared>> -> memref<640x128xf32, #tpu.memory_space<vmem_shared>>
      tpu.enqueue_dma source(%dma_start3A_788 : memref<640x128xf32, #tpu.memory_space<vmem_shared>>) target(%dma_start3A_786 : memref<640x128xf32, #tpu.memory_space<hbm>>) target_semaphore(%run_scoped3A : memref<!tpu.dma_semaphore, #tpu.memory_space<semaphore_mem>>)
      %dma_wait3A = arith.constant 0 : i32
      %dma_wait3A_789 = tpu.memref_slice %arg5[%arg0, %mul3A_768, %dma_wait3A] : memref<2x10240x128xf32, #tpu.memory_space<hbm>> -> memref<1x640x128xf32, #tpu.memory_space<hbm>>
      %dma_wait3A_790 = tpu.memref_squeeze %dma_wait3A_789 : memref<1x640x128xf32, #tpu.memory_space<hbm>> -> memref<640x128xf32, #tpu.memory_space<hbm>>
      %dma_wait3A_791 = arith.constant 0 : i32
      %dma_wait3A_792 = tpu.memref_slice %arg6[%mul3A_768, %dma_wait3A_791] : memref<10240x128xf32, #tpu.memory_space<vmem_shared>> -> memref<640x128xf32, #tpu.memory_space<vmem_shared>>
      tpu.wait_dma2 semaphore(%run_scoped3A : memref<!tpu.dma_semaphore, #tpu.memory_space<semaphore_mem>>) src(%dma_wait3A_792 : memref<640x128xf32, #tpu.memory_space<vmem_shared>>) dst(%dma_wait3A_790 : memref<640x128xf32, #tpu.memory_space<hbm>>)
      tpu.yield
    }) : () -> ()
    return
  }
}

#map = affine_map<(d0, d1) -> (0, 0)>
#map1 = affine_map<(d0, d1) -> (0)>
#map2 = affine_map<(d0, d1) -> (0, 0, 0)>
module attributes {stable_mosaic.version = 14 : i64} {
  func.func @_scatter_body(%arg0: i32, %arg1: i32, %arg2: memref<10000x128xf32, #tpu.memory_space<hbm>>, %arg3: memref<323584xi32, #tpu.memory_space<hbm>>, %arg4: memref<323584xi32, #tpu.memory_space<hbm>>, %arg5: memref<2x10240x128xf32, #tpu.memory_space<hbm>>, %arg6: memref<10240x128xf32, #tpu.memory_space<vmem_shared>>, %arg7: memref<1x128xi32, #tpu.memory_space<vmem>>, %arg8: memref<1x128xi32, #tpu.memory_space<vmem>>, %arg9: memref<1x128x128xf32, #tpu.memory_space<vmem>>, %arg10: memref<16x128xf32, #tpu.memory_space<vmem>>, %arg11: memref<!tpu.dma_semaphore, #tpu.memory_space<semaphore_mem>>) attributes {dimension_semantics = [#tpu.dimension_semantics<core_parallel>, #tpu.dimension_semantics<subcore_parallel>], iteration_bounds = array<i64: 2, 16>, scalar_prefetch = 0 : i64, scratch_operands = 6 : i64, tpu.core_type = #tpu.core_type<sc_vector_subcore>, window_params = [{transform_indices = #map}, {transform_indices = #map1}, {transform_indices = #map1}, {transform_indices = #map2}]} {
    %broadcast_in_dim3A = arith.constant 0.000000e+00 : f32
    %broadcast_in_dim3A_0 = vector.broadcast %broadcast_in_dim3A : f32 to vector<16xf32>
    %swap3A = arith.constant 0 : i32
    %swap3A_1 = arith.index_cast %swap3A : i32 to index
    %swap3A_2 = arith.constant 0 : index
    %swap3A_3 = tpu.vector_load %arg10[%swap3A_1, %swap3A_2] {strides = array<i32>} : memref<16x128xf32, #tpu.memory_space<vmem>>, vector<1x16xf32>,
    %swap3A_4 = vector.shape_cast %swap3A_3 : vector<1x16xf32> to vector<16xf32>
    %swap3A_5 = vector.shape_cast %broadcast_in_dim3A_0 : vector<16xf32> to vector<1x16xf32>
    tpu.vector_store %arg10[%swap3A_1, %swap3A_2], %swap3A_5 {strides = array<i32>} : memref<16x128xf32, #tpu.memory_space<vmem>>, vector<1x16xf32>,
    %swap3A_6 = arith.constant 0 : i32
    %swap3A_7 = arith.index_cast %swap3A_6 : i32 to index
    %swap3A_8 = arith.constant 16 : index
    %swap3A_9 = tpu.vector_load %arg10[%swap3A_7, %swap3A_8] {strides = array<i32>} : memref<16x128xf32, #tpu.memory_space<vmem>>, vector<1x16xf32>,
    %swap3A_10 = vector.shape_cast %swap3A_9 : vector<1x16xf32> to vector<16xf32>
    %swap3A_11 = vector.shape_cast %broadcast_in_dim3A_0 : vector<16xf32> to vector<1x16xf32>
    tpu.vector_store %arg10[%swap3A_7, %swap3A_8], %swap3A_11 {strides = array<i32>} : memref<16x128xf32, #tpu.memory_space<vmem>>, vector<1x16xf32>,
    %swap3A_12 = arith.constant 0 : i32
    %swap3A_13 = arith.index_cast %swap3A_12 : i32 to index
    %swap3A_14 = arith.constant 32 : index
    %swap3A_15 = tpu.vector_load %arg10[%swap3A_13, %swap3A_14] {strides = array<i32>} : memref<16x128xf32, #tpu.memory_space<vmem>>, vector<1x16xf32>,
    %swap3A_16 = vector.shape_cast %swap3A_15 : vector<1x16xf32> to vector<16xf32>
    %swap3A_17 = vector.shape_cast %broadcast_in_dim3A_0 : vector<16xf32> to vector<1x16xf32>
    tpu.vector_store %arg10[%swap3A_13, %swap3A_14], %swap3A_17 {strides = array<i32>} : memref<16x128xf32, #tpu.memory_space<vmem>>, vector<1x16xf32>,
    %swap3A_18 = arith.constant 0 : i32
    %swap3A_19 = arith.index_cast %swap3A_18 : i32 to index
    %swap3A_20 = arith.constant 48 : index
    %swap3A_21 = tpu.vector_load %arg10[%swap3A_19, %swap3A_20] {strides = array<i32>} : memref<16x128xf32, #tpu.memory_space<vmem>>, vector<1x16xf32>,
    %swap3A_22 = vector.shape_cast %swap3A_21 : vector<1x16xf32> to vector<16xf32>
    %swap3A_23 = vector.shape_cast %broadcast_in_dim3A_0 : vector<16xf32> to vector<1x16xf32>
    tpu.vector_store %arg10[%swap3A_19, %swap3A_20], %swap3A_23 {strides = array<i32>} : memref<16x128xf32, #tpu.memory_space<vmem>>, vector<1x16xf32>,
    %swap3A_24 = arith.constant 0 : i32
    %swap3A_25 = arith.index_cast %swap3A_24 : i32 to index
    %swap3A_26 = arith.constant 64 : index
    %swap3A_27 = tpu.vector_load %arg10[%swap3A_25, %swap3A_26] {strides = array<i32>} : memref<16x128xf32, #tpu.memory_space<vmem>>, vector<1x16xf32>,
    %swap3A_28 = vector.shape_cast %swap3A_27 : vector<1x16xf32> to vector<16xf32>
    %swap3A_29 = vector.shape_cast %broadcast_in_dim3A_0 : vector<16xf32> to vector<1x16xf32>
    tpu.vector_store %arg10[%swap3A_25, %swap3A_26], %swap3A_29 {strides = array<i32>} : memref<16x128xf32, #tpu.memory_space<vmem>>, vector<1x16xf32>,
    %swap3A_30 = arith.constant 0 : i32
    %swap3A_31 = arith.index_cast %swap3A_30 : i32 to index
    %swap3A_32 = arith.constant 80 : index
    %swap3A_33 = tpu.vector_load %arg10[%swap3A_31, %swap3A_32] {strides = array<i32>} : memref<16x128xf32, #tpu.memory_space<vmem>>, vector<1x16xf32>,
    %swap3A_34 = vector.shape_cast %swap3A_33 : vector<1x16xf32> to vector<16xf32>
    %swap3A_35 = vector.shape_cast %broadcast_in_dim3A_0 : vector<16xf32> to vector<1x16xf32>
    tpu.vector_store %arg10[%swap3A_31, %swap3A_32], %swap3A_35 {strides = array<i32>} : memref<16x128xf32, #tpu.memory_space<vmem>>, vector<1x16xf32>,
    %swap3A_36 = arith.constant 0 : i32
    %swap3A_37 = arith.index_cast %swap3A_36 : i32 to index
    %swap3A_38 = arith.constant 96 : index
    %swap3A_39 = tpu.vector_load %arg10[%swap3A_37, %swap3A_38] {strides = array<i32>} : memref<16x128xf32, #tpu.memory_space<vmem>>, vector<1x16xf32>,
    %swap3A_40 = vector.shape_cast %swap3A_39 : vector<1x16xf32> to vector<16xf32>
    %swap3A_41 = vector.shape_cast %broadcast_in_dim3A_0 : vector<16xf32> to vector<1x16xf32>
    tpu.vector_store %arg10[%swap3A_37, %swap3A_38], %swap3A_41 {strides = array<i32>} : memref<16x128xf32, #tpu.memory_space<vmem>>, vector<1x16xf32>,
    %swap3A_42 = arith.constant 0 : i32
    %swap3A_43 = arith.index_cast %swap3A_42 : i32 to index
    %swap3A_44 = arith.constant 112 : index
    %swap3A_45 = tpu.vector_load %arg10[%swap3A_43, %swap3A_44] {strides = array<i32>} : memref<16x128xf32, #tpu.memory_space<vmem>>, vector<1x16xf32>,
    %swap3A_46 = vector.shape_cast %swap3A_45 : vector<1x16xf32> to vector<16xf32>
    %swap3A_47 = vector.shape_cast %broadcast_in_dim3A_0 : vector<16xf32> to vector<1x16xf32>
    tpu.vector_store %arg10[%swap3A_43, %swap3A_44], %swap3A_47 {strides = array<i32>} : memref<16x128xf32, #tpu.memory_space<vmem>>, vector<1x16xf32>,
    %swap3A_48 = arith.constant 1 : i32
    %swap3A_49 = arith.index_cast %swap3A_48 : i32 to index
    %swap3A_50 = arith.constant 0 : index
    %swap3A_51 = tpu.vector_load %arg10[%swap3A_49, %swap3A_50] {strides = array<i32>} : memref<16x128xf32, #tpu.memory_space<vmem>>, vector<1x16xf32>,
    %swap3A_52 = vector.shape_cast %swap3A_51 : vector<1x16xf32> to vector<16xf32>
    %swap3A_53 = vector.shape_cast %broadcast_in_dim3A_0 : vector<16xf32> to vector<1x16xf32>
    tpu.vector_store %arg10[%swap3A_49, %swap3A_50], %swap3A_53 {strides = array<i32>} : memref<16x128xf32, #tpu.memory_space<vmem>>, vector<1x16xf32>,
    %swap3A_54 = arith.constant 1 : i32
    %swap3A_55 = arith.index_cast %swap3A_54 : i32 to index
    %swap3A_56 = arith.constant 16 : index
    %swap3A_57 = tpu.vector_load %arg10[%swap3A_55, %swap3A_56] {strides = array<i32>} : memref<16x128xf32, #tpu.memory_space<vmem>>, vector<1x16xf32>,
    %swap3A_58 = vector.shape_cast %swap3A_57 : vector<1x16xf32> to vector<16xf32>
    %swap3A_59 = vector.shape_cast %broadcast_in_dim3A_0 : vector<16xf32> to vector<1x16xf32>
    tpu.vector_store %arg10[%swap3A_55, %swap3A_56], %swap3A_59 {strides = array<i32>} : memref<16x128xf32, #tpu.memory_space<vmem>>, vector<1x16xf32>,
    %swap3A_60 = arith.constant 1 : i32
    %swap3A_61 = arith.index_cast %swap3A_60 : i32 to index
    %swap3A_62 = arith.constant 32 : index
    %swap3A_63 = tpu.vector_load %arg10[%swap3A_61, %swap3A_62] {strides = array<i32>} : memref<16x128xf32, #tpu.memory_space<vmem>>, vector<1x16xf32>,
    %swap3A_64 = vector.shape_cast %swap3A_63 : vector<1x16xf32> to vector<16xf32>
    %swap3A_65 = vector.shape_cast %broadcast_in_dim3A_0 : vector<16xf32> to vector<1x16xf32>
    tpu.vector_store %arg10[%swap3A_61, %swap3A_62], %swap3A_65 {strides = array<i32>} : memref<16x128xf32, #tpu.memory_space<vmem>>, vector<1x16xf32>,
    %swap3A_66 = arith.constant 1 : i32
    %swap3A_67 = arith.index_cast %swap3A_66 : i32 to index
    %swap3A_68 = arith.constant 48 : index
    %swap3A_69 = tpu.vector_load %arg10[%swap3A_67, %swap3A_68] {strides = array<i32>} : memref<16x128xf32, #tpu.memory_space<vmem>>, vector<1x16xf32>,
    %swap3A_70 = vector.shape_cast %swap3A_69 : vector<1x16xf32> to vector<16xf32>
    %swap3A_71 = vector.shape_cast %broadcast_in_dim3A_0 : vector<16xf32> to vector<1x16xf32>
    tpu.vector_store %arg10[%swap3A_67, %swap3A_68], %swap3A_71 {strides = array<i32>} : memref<16x128xf32, #tpu.memory_space<vmem>>, vector<1x16xf32>,
    %swap3A_72 = arith.constant 1 : i32
    %swap3A_73 = arith.index_cast %swap3A_72 : i32 to index
    %swap3A_74 = arith.constant 64 : index
    %swap3A_75 = tpu.vector_load %arg10[%swap3A_73, %swap3A_74] {strides = array<i32>} : memref<16x128xf32, #tpu.memory_space<vmem>>, vector<1x16xf32>,
    %swap3A_76 = vector.shape_cast %swap3A_75 : vector<1x16xf32> to vector<16xf32>
    %swap3A_77 = vector.shape_cast %broadcast_in_dim3A_0 : vector<16xf32> to vector<1x16xf32>
    tpu.vector_store %arg10[%swap3A_73, %swap3A_74], %swap3A_77 {strides = array<i32>} : memref<16x128xf32, #tpu.memory_space<vmem>>, vector<1x16xf32>,
    %swap3A_78 = arith.constant 1 : i32
    %swap3A_79 = arith.index_cast %swap3A_78 : i32 to index
    %swap3A_80 = arith.constant 80 : index
    %swap3A_81 = tpu.vector_load %arg10[%swap3A_79, %swap3A_80] {strides = array<i32>} : memref<16x128xf32, #tpu.memory_space<vmem>>, vector<1x16xf32>,
    %swap3A_82 = vector.shape_cast %swap3A_81 : vector<1x16xf32> to vector<16xf32>
    %swap3A_83 = vector.shape_cast %broadcast_in_dim3A_0 : vector<16xf32> to vector<1x16xf32>
    tpu.vector_store %arg10[%swap3A_79, %swap3A_80], %swap3A_83 {strides = array<i32>} : memref<16x128xf32, #tpu.memory_space<vmem>>, vector<1x16xf32>,
    %swap3A_84 = arith.constant 1 : i32
    %swap3A_85 = arith.index_cast %swap3A_84 : i32 to index
    %swap3A_86 = arith.constant 96 : index
    %swap3A_87 = tpu.vector_load %arg10[%swap3A_85, %swap3A_86] {strides = array<i32>} : memref<16x128xf32, #tpu.memory_space<vmem>>, vector<1x16xf32>,
    %swap3A_88 = vector.shape_cast %swap3A_87 : vector<1x16xf32> to vector<16xf32>
    %swap3A_89 = vector.shape_cast %broadcast_in_dim3A_0 : vector<16xf32> to vector<1x16xf32>
    tpu.vector_store %arg10[%swap3A_85, %swap3A_86], %swap3A_89 {strides = array<i32>} : memref<16x128xf32, #tpu.memory_space<vmem>>, vector<1x16xf32>,
    %swap3A_90 = arith.constant 1 : i32
    %swap3A_91 = arith.index_cast %swap3A_90 : i32 to index
    %swap3A_92 = arith.constant 112 : index
    %swap3A_93 = tpu.vector_load %arg10[%swap3A_91, %swap3A_92] {strides = array<i32>} : memref<16x128xf32, #tpu.memory_space<vmem>>, vector<1x16xf32>,
    %swap3A_94 = vector.shape_cast %swap3A_93 : vector<1x16xf32> to vector<16xf32>
    %swap3A_95 = vector.shape_cast %broadcast_in_dim3A_0 : vector<16xf32> to vector<1x16xf32>
    tpu.vector_store %arg10[%swap3A_91, %swap3A_92], %swap3A_95 {strides = array<i32>} : memref<16x128xf32, #tpu.memory_space<vmem>>, vector<1x16xf32>,
    %swap3A_96 = arith.constant 2 : i32
    %swap3A_97 = arith.index_cast %swap3A_96 : i32 to index
    %swap3A_98 = arith.constant 0 : index
    %swap3A_99 = tpu.vector_load %arg10[%swap3A_97, %swap3A_98] {strides = array<i32>} : memref<16x128xf32, #tpu.memory_space<vmem>>, vector<1x16xf32>,
    %swap3A_100 = vector.shape_cast %swap3A_99 : vector<1x16xf32> to vector<16xf32>
    %swap3A_101 = vector.shape_cast %broadcast_in_dim3A_0 : vector<16xf32> to vector<1x16xf32>
    tpu.vector_store %arg10[%swap3A_97, %swap3A_98], %swap3A_101 {strides = array<i32>} : memref<16x128xf32, #tpu.memory_space<vmem>>, vector<1x16xf32>,
    %swap3A_102 = arith.constant 2 : i32
    %swap3A_103 = arith.index_cast %swap3A_102 : i32 to index
    %swap3A_104 = arith.constant 16 : index
    %swap3A_105 = tpu.vector_load %arg10[%swap3A_103, %swap3A_104] {strides = array<i32>} : memref<16x128xf32, #tpu.memory_space<vmem>>, vector<1x16xf32>,
    %swap3A_106 = vector.shape_cast %swap3A_105 : vector<1x16xf32> to vector<16xf32>
    %swap3A_107 = vector.shape_cast %broadcast_in_dim3A_0 : vector<16xf32> to vector<1x16xf32>
    tpu.vector_store %arg10[%swap3A_103, %swap3A_104], %swap3A_107 {strides = array<i32>} : memref<16x128xf32, #tpu.memory_space<vmem>>, vector<1x16xf32>,
    %swap3A_108 = arith.constant 2 : i32
    %swap3A_109 = arith.index_cast %swap3A_108 : i32 to index
    %swap3A_110 = arith.constant 32 : index
    %swap3A_111 = tpu.vector_load %arg10[%swap3A_109, %swap3A_110] {strides = array<i32>} : memref<16x128xf32, #tpu.memory_space<vmem>>, vector<1x16xf32>,
    %swap3A_112 = vector.shape_cast %swap3A_111 : vector<1x16xf32> to vector<16xf32>
    %swap3A_113 = vector.shape_cast %broadcast_in_dim3A_0 : vector<16xf32> to vector<1x16xf32>
    tpu.vector_store %arg10[%swap3A_109, %swap3A_110], %swap3A_113 {strides = array<i32>} : memref<16x128xf32, #tpu.memory_space<vmem>>, vector<1x16xf32>,
    %swap3A_114 = arith.constant 2 : i32
    %swap3A_115 = arith.index_cast %swap3A_114 : i32 to index
    %swap3A_116 = arith.constant 48 : index
    %swap3A_117 = tpu.vector_load %arg10[%swap3A_115, %swap3A_116] {strides = array<i32>} : memref<16x128xf32, #tpu.memory_space<vmem>>, vector<1x16xf32>,
    %swap3A_118 = vector.shape_cast %swap3A_117 : vector<1x16xf32> to vector<16xf32>
    %swap3A_119 = vector.shape_cast %broadcast_in_dim3A_0 : vector<16xf32> to vector<1x16xf32>
    tpu.vector_store %arg10[%swap3A_115, %swap3A_116], %swap3A_119 {strides = array<i32>} : memref<16x128xf32, #tpu.memory_space<vmem>>, vector<1x16xf32>,
    %swap3A_120 = arith.constant 2 : i32
    %swap3A_121 = arith.index_cast %swap3A_120 : i32 to index
    %swap3A_122 = arith.constant 64 : index
    %swap3A_123 = tpu.vector_load %arg10[%swap3A_121, %swap3A_122] {strides = array<i32>} : memref<16x128xf32, #tpu.memory_space<vmem>>, vector<1x16xf32>,
    %swap3A_124 = vector.shape_cast %swap3A_123 : vector<1x16xf32> to vector<16xf32>
    %swap3A_125 = vector.shape_cast %broadcast_in_dim3A_0 : vector<16xf32> to vector<1x16xf32>
    tpu.vector_store %arg10[%swap3A_121, %swap3A_122], %swap3A_125 {strides = array<i32>} : memref<16x128xf32, #tpu.memory_space<vmem>>, vector<1x16xf32>,
    %swap3A_126 = arith.constant 2 : i32
    %swap3A_127 = arith.index_cast %swap3A_126 : i32 to index
    %swap3A_128 = arith.constant 80 : index
    %swap3A_129 = tpu.vector_load %arg10[%swap3A_127, %swap3A_128] {strides = array<i32>} : memref<16x128xf32, #tpu.memory_space<vmem>>, vector<1x16xf32>,
    %swap3A_130 = vector.shape_cast %swap3A_129 : vector<1x16xf32> to vector<16xf32>
    %swap3A_131 = vector.shape_cast %broadcast_in_dim3A_0 : vector<16xf32> to vector<1x16xf32>
    tpu.vector_store %arg10[%swap3A_127, %swap3A_128], %swap3A_131 {strides = array<i32>} : memref<16x128xf32, #tpu.memory_space<vmem>>, vector<1x16xf32>,
    %swap3A_132 = arith.constant 2 : i32
    %swap3A_133 = arith.index_cast %swap3A_132 : i32 to index
    %swap3A_134 = arith.constant 96 : index
    %swap3A_135 = tpu.vector_load %arg10[%swap3A_133, %swap3A_134] {strides = array<i32>} : memref<16x128xf32, #tpu.memory_space<vmem>>, vector<1x16xf32>,
    %swap3A_136 = vector.shape_cast %swap3A_135 : vector<1x16xf32> to vector<16xf32>
    %swap3A_137 = vector.shape_cast %broadcast_in_dim3A_0 : vector<16xf32> to vector<1x16xf32>
    tpu.vector_store %arg10[%swap3A_133, %swap3A_134], %swap3A_137 {strides = array<i32>} : memref<16x128xf32, #tpu.memory_space<vmem>>, vector<1x16xf32>,
    %swap3A_138 = arith.constant 2 : i32
    %swap3A_139 = arith.index_cast %swap3A_138 : i32 to index
    %swap3A_140 = arith.constant 112 : index
    %swap3A_141 = tpu.vector_load %arg10[%swap3A_139, %swap3A_140] {strides = array<i32>} : memref<16x128xf32, #tpu.memory_space<vmem>>, vector<1x16xf32>,
    %swap3A_142 = vector.shape_cast %swap3A_141 : vector<1x16xf32> to vector<16xf32>
    %swap3A_143 = vector.shape_cast %broadcast_in_dim3A_0 : vector<16xf32> to vector<1x16xf32>
    tpu.vector_store %arg10[%swap3A_139, %swap3A_140], %swap3A_143 {strides = array<i32>} : memref<16x128xf32, #tpu.memory_space<vmem>>, vector<1x16xf32>,
    %swap3A_144 = arith.constant 3 : i32
    %swap3A_145 = arith.index_cast %swap3A_144 : i32 to index
    %swap3A_146 = arith.constant 0 : index
    %swap3A_147 = tpu.vector_load %arg10[%swap3A_145, %swap3A_146] {strides = array<i32>} : memref<16x128xf32, #tpu.memory_space<vmem>>, vector<1x16xf32>,
    %swap3A_148 = vector.shape_cast %swap3A_147 : vector<1x16xf32> to vector<16xf32>
    %swap3A_149 = vector.shape_cast %broadcast_in_dim3A_0 : vector<16xf32> to vector<1x16xf32>
    tpu.vector_store %arg10[%swap3A_145, %swap3A_146], %swap3A_149 {strides = array<i32>} : memref<16x128xf32, #tpu.memory_space<vmem>>, vector<1x16xf32>,
    %swap3A_150 = arith.constant 3 : i32
    %swap3A_151 = arith.index_cast %swap3A_150 : i32 to index
    %swap3A_152 = arith.constant 16 : index
    %swap3A_153 = tpu.vector_load %arg10[%swap3A_151, %swap3A_152] {strides = array<i32>} : memref<16x128xf32, #tpu.memory_space<vmem>>, vector<1x16xf32>,
    %swap3A_154 = vector.shape_cast %swap3A_153 : vector<1x16xf32> to vector<16xf32>
    %swap3A_155 = vector.shape_cast %broadcast_in_dim3A_0 : vector<16xf32> to vector<1x16xf32>
    tpu.vector_store %arg10[%swap3A_151, %swap3A_152], %swap3A_155 {strides = array<i32>} : memref<16x128xf32, #tpu.memory_space<vmem>>, vector<1x16xf32>,
    %swap3A_156 = arith.constant 3 : i32
    %swap3A_157 = arith.index_cast %swap3A_156 : i32 to index
    %swap3A_158 = arith.constant 32 : index
    %swap3A_159 = tpu.vector_load %arg10[%swap3A_157, %swap3A_158] {strides = array<i32>} : memref<16x128xf32, #tpu.memory_space<vmem>>, vector<1x16xf32>,
    %swap3A_160 = vector.shape_cast %swap3A_159 : vector<1x16xf32> to vector<16xf32>
    %swap3A_161 = vector.shape_cast %broadcast_in_dim3A_0 : vector<16xf32> to vector<1x16xf32>
    tpu.vector_store %arg10[%swap3A_157, %swap3A_158], %swap3A_161 {strides = array<i32>} : memref<16x128xf32, #tpu.memory_space<vmem>>, vector<1x16xf32>,
    %swap3A_162 = arith.constant 3 : i32
    %swap3A_163 = arith.index_cast %swap3A_162 : i32 to index
    %swap3A_164 = arith.constant 48 : index
    %swap3A_165 = tpu.vector_load %arg10[%swap3A_163, %swap3A_164] {strides = array<i32>} : memref<16x128xf32, #tpu.memory_space<vmem>>, vector<1x16xf32>,
    %swap3A_166 = vector.shape_cast %swap3A_165 : vector<1x16xf32> to vector<16xf32>
    %swap3A_167 = vector.shape_cast %broadcast_in_dim3A_0 : vector<16xf32> to vector<1x16xf32>
    tpu.vector_store %arg10[%swap3A_163, %swap3A_164], %swap3A_167 {strides = array<i32>} : memref<16x128xf32, #tpu.memory_space<vmem>>, vector<1x16xf32>,
    %swap3A_168 = arith.constant 3 : i32
    %swap3A_169 = arith.index_cast %swap3A_168 : i32 to index
    %swap3A_170 = arith.constant 64 : index
    %swap3A_171 = tpu.vector_load %arg10[%swap3A_169, %swap3A_170] {strides = array<i32>} : memref<16x128xf32, #tpu.memory_space<vmem>>, vector<1x16xf32>,
    %swap3A_172 = vector.shape_cast %swap3A_171 : vector<1x16xf32> to vector<16xf32>
    %swap3A_173 = vector.shape_cast %broadcast_in_dim3A_0 : vector<16xf32> to vector<1x16xf32>
    tpu.vector_store %arg10[%swap3A_169, %swap3A_170], %swap3A_173 {strides = array<i32>} : memref<16x128xf32, #tpu.memory_space<vmem>>, vector<1x16xf32>,
    %swap3A_174 = arith.constant 3 : i32
    %swap3A_175 = arith.index_cast %swap3A_174 : i32 to index
    %swap3A_176 = arith.constant 80 : index
    %swap3A_177 = tpu.vector_load %arg10[%swap3A_175, %swap3A_176] {strides = array<i32>} : memref<16x128xf32, #tpu.memory_space<vmem>>, vector<1x16xf32>,
    %swap3A_178 = vector.shape_cast %swap3A_177 : vector<1x16xf32> to vector<16xf32>
    %swap3A_179 = vector.shape_cast %broadcast_in_dim3A_0 : vector<16xf32> to vector<1x16xf32>
    tpu.vector_store %arg10[%swap3A_175, %swap3A_176], %swap3A_179 {strides = array<i32>} : memref<16x128xf32, #tpu.memory_space<vmem>>, vector<1x16xf32>,
    %swap3A_180 = arith.constant 3 : i32
    %swap3A_181 = arith.index_cast %swap3A_180 : i32 to index
    %swap3A_182 = arith.constant 96 : index
    %swap3A_183 = tpu.vector_load %arg10[%swap3A_181, %swap3A_182] {strides = array<i32>} : memref<16x128xf32, #tpu.memory_space<vmem>>, vector<1x16xf32>,
    %swap3A_184 = vector.shape_cast %swap3A_183 : vector<1x16xf32> to vector<16xf32>
    %swap3A_185 = vector.shape_cast %broadcast_in_dim3A_0 : vector<16xf32> to vector<1x16xf32>
    tpu.vector_store %arg10[%swap3A_181, %swap3A_182], %swap3A_185 {strides = array<i32>} : memref<16x128xf32, #tpu.memory_space<vmem>>, vector<1x16xf32>,
    %swap3A_186 = arith.constant 3 : i32
    %swap3A_187 = arith.index_cast %swap3A_186 : i32 to index
    %swap3A_188 = arith.constant 112 : index
    %swap3A_189 = tpu.vector_load %arg10[%swap3A_187, %swap3A_188] {strides = array<i32>} : memref<16x128xf32, #tpu.memory_space<vmem>>, vector<1x16xf32>,
    %swap3A_190 = vector.shape_cast %swap3A_189 : vector<1x16xf32> to vector<16xf32>
    %swap3A_191 = vector.shape_cast %broadcast_in_dim3A_0 : vector<16xf32> to vector<1x16xf32>
    tpu.vector_store %arg10[%swap3A_187, %swap3A_188], %swap3A_191 {strides = array<i32>} : memref<16x128xf32, #tpu.memory_space<vmem>>, vector<1x16xf32>,
    %swap3A_192 = arith.constant 4 : i32
    %swap3A_193 = arith.index_cast %swap3A_192 : i32 to index
    %swap3A_194 = arith.constant 0 : index
    %swap3A_195 = tpu.vector_load %arg10[%swap3A_193, %swap3A_194] {strides = array<i32>} : memref<16x128xf32, #tpu.memory_space<vmem>>, vector<1x16xf32>,
    %swap3A_196 = vector.shape_cast %swap3A_195 : vector<1x16xf32> to vector<16xf32>
    %swap3A_197 = vector.shape_cast %broadcast_in_dim3A_0 : vector<16xf32> to vector<1x16xf32>
    tpu.vector_store %arg10[%swap3A_193, %swap3A_194], %swap3A_197 {strides = array<i32>} : memref<16x128xf32, #tpu.memory_space<vmem>>, vector<1x16xf32>,
    %swap3A_198 = arith.constant 4 : i32
    %swap3A_199 = arith.index_cast %swap3A_198 : i32 to index
    %swap3A_200 = arith.constant 16 : index
    %swap3A_201 = tpu.vector_load %arg10[%swap3A_199, %swap3A_200] {strides = array<i32>} : memref<16x128xf32, #tpu.memory_space<vmem>>, vector<1x16xf32>,
    %swap3A_202 = vector.shape_cast %swap3A_201 : vector<1x16xf32> to vector<16xf32>
    %swap3A_203 = vector.shape_cast %broadcast_in_dim3A_0 : vector<16xf32> to vector<1x16xf32>
    tpu.vector_store %arg10[%swap3A_199, %swap3A_200], %swap3A_203 {strides = array<i32>} : memref<16x128xf32, #tpu.memory_space<vmem>>, vector<1x16xf32>,
    %swap3A_204 = arith.constant 4 : i32
    %swap3A_205 = arith.index_cast %swap3A_204 : i32 to index
    %swap3A_206 = arith.constant 32 : index
    %swap3A_207 = tpu.vector_load %arg10[%swap3A_205, %swap3A_206] {strides = array<i32>} : memref<16x128xf32, #tpu.memory_space<vmem>>, vector<1x16xf32>,
    %swap3A_208 = vector.shape_cast %swap3A_207 : vector<1x16xf32> to vector<16xf32>
    %swap3A_209 = vector.shape_cast %broadcast_in_dim3A_0 : vector<16xf32> to vector<1x16xf32>
    tpu.vector_store %arg10[%swap3A_205, %swap3A_206], %swap3A_209 {strides = array<i32>} : memref<16x128xf32, #tpu.memory_space<vmem>>, vector<1x16xf32>,
    %swap3A_210 = arith.constant 4 : i32
    %swap3A_211 = arith.index_cast %swap3A_210 : i32 to index
    %swap3A_212 = arith.constant 48 : index
    %swap3A_213 = tpu.vector_load %arg10[%swap3A_211, %swap3A_212] {strides = array<i32>} : memref<16x128xf32, #tpu.memory_space<vmem>>, vector<1x16xf32>,
    %swap3A_214 = vector.shape_cast %swap3A_213 : vector<1x16xf32> to vector<16xf32>
    %swap3A_215 = vector.shape_cast %broadcast_in_dim3A_0 : vector<16xf32> to vector<1x16xf32>
    tpu.vector_store %arg10[%swap3A_211, %swap3A_212], %swap3A_215 {strides = array<i32>} : memref<16x128xf32, #tpu.memory_space<vmem>>, vector<1x16xf32>,
    %swap3A_216 = arith.constant 4 : i32
    %swap3A_217 = arith.index_cast %swap3A_216 : i32 to index
    %swap3A_218 = arith.constant 64 : index
    %swap3A_219 = tpu.vector_load %arg10[%swap3A_217, %swap3A_218] {strides = array<i32>} : memref<16x128xf32, #tpu.memory_space<vmem>>, vector<1x16xf32>,
    %swap3A_220 = vector.shape_cast %swap3A_219 : vector<1x16xf32> to vector<16xf32>
    %swap3A_221 = vector.shape_cast %broadcast_in_dim3A_0 : vector<16xf32> to vector<1x16xf32>
    tpu.vector_store %arg10[%swap3A_217, %swap3A_218], %swap3A_221 {strides = array<i32>} : memref<16x128xf32, #tpu.memory_space<vmem>>, vector<1x16xf32>,
    %swap3A_222 = arith.constant 4 : i32
    %swap3A_223 = arith.index_cast %swap3A_222 : i32 to index
    %swap3A_224 = arith.constant 80 : index
    %swap3A_225 = tpu.vector_load %arg10[%swap3A_223, %swap3A_224] {strides = array<i32>} : memref<16x128xf32, #tpu.memory_space<vmem>>, vector<1x16xf32>,
    %swap3A_226 = vector.shape_cast %swap3A_225 : vector<1x16xf32> to vector<16xf32>
    %swap3A_227 = vector.shape_cast %broadcast_in_dim3A_0 : vector<16xf32> to vector<1x16xf32>
    tpu.vector_store %arg10[%swap3A_223, %swap3A_224], %swap3A_227 {strides = array<i32>} : memref<16x128xf32, #tpu.memory_space<vmem>>, vector<1x16xf32>,
    %swap3A_228 = arith.constant 4 : i32
    %swap3A_229 = arith.index_cast %swap3A_228 : i32 to index
    %swap3A_230 = arith.constant 96 : index
    %swap3A_231 = tpu.vector_load %arg10[%swap3A_229, %swap3A_230] {strides = array<i32>} : memref<16x128xf32, #tpu.memory_space<vmem>>, vector<1x16xf32>,
    %swap3A_232 = vector.shape_cast %swap3A_231 : vector<1x16xf32> to vector<16xf32>
    %swap3A_233 = vector.shape_cast %broadcast_in_dim3A_0 : vector<16xf32> to vector<1x16xf32>
    tpu.vector_store %arg10[%swap3A_229, %swap3A_230], %swap3A_233 {strides = array<i32>} : memref<16x128xf32, #tpu.memory_space<vmem>>, vector<1x16xf32>,
    %swap3A_234 = arith.constant 4 : i32
    %swap3A_235 = arith.index_cast %swap3A_234 : i32 to index
    %swap3A_236 = arith.constant 112 : index
    %swap3A_237 = tpu.vector_load %arg10[%swap3A_235, %swap3A_236] {strides = array<i32>} : memref<16x128xf32, #tpu.memory_space<vmem>>, vector<1x16xf32>,
    %swap3A_238 = vector.shape_cast %swap3A_237 : vector<1x16xf32> to vector<16xf32>
    %swap3A_239 = vector.shape_cast %broadcast_in_dim3A_0 : vector<16xf32> to vector<1x16xf32>
    tpu.vector_store %arg10[%swap3A_235, %swap3A_236], %swap3A_239 {strides = array<i32>} : memref<16x128xf32, #tpu.memory_space<vmem>>, vector<1x16xf32>,
    %swap3A_240 = arith.constant 5 : i32
    %swap3A_241 = arith.index_cast %swap3A_240 : i32 to index
    %swap3A_242 = arith.constant 0 : index
    %swap3A_243 = tpu.vector_load %arg10[%swap3A_241, %swap3A_242] {strides = array<i32>} : memref<16x128xf32, #tpu.memory_space<vmem>>, vector<1x16xf32>,
    %swap3A_244 = vector.shape_cast %swap3A_243 : vector<1x16xf32> to vector<16xf32>
    %swap3A_245 = vector.shape_cast %broadcast_in_dim3A_0 : vector<16xf32> to vector<1x16xf32>
    tpu.vector_store %arg10[%swap3A_241, %swap3A_242], %swap3A_245 {strides = array<i32>} : memref<16x128xf32, #tpu.memory_space<vmem>>, vector<1x16xf32>,
    %swap3A_246 = arith.constant 5 : i32
    %swap3A_247 = arith.index_cast %swap3A_246 : i32 to index
    %swap3A_248 = arith.constant 16 : index
    %swap3A_249 = tpu.vector_load %arg10[%swap3A_247, %swap3A_248] {strides = array<i32>} : memref<16x128xf32, #tpu.memory_space<vmem>>, vector<1x16xf32>,
    %swap3A_250 = vector.shape_cast %swap3A_249 : vector<1x16xf32> to vector<16xf32>
    %swap3A_251 = vector.shape_cast %broadcast_in_dim3A_0 : vector<16xf32> to vector<1x16xf32>
    tpu.vector_store %arg10[%swap3A_247, %swap3A_248], %swap3A_251 {strides = array<i32>} : memref<16x128xf32, #tpu.memory_space<vmem>>, vector<1x16xf32>,
    %swap3A_252 = arith.constant 5 : i32
    %swap3A_253 = arith.index_cast %swap3A_252 : i32 to index
    %swap3A_254 = arith.constant 32 : index
    %swap3A_255 = tpu.vector_load %arg10[%swap3A_253, %swap3A_254] {strides = array<i32>} : memref<16x128xf32, #tpu.memory_space<vmem>>, vector<1x16xf32>,
    %swap3A_256 = vector.shape_cast %swap3A_255 : vector<1x16xf32> to vector<16xf32>
    %swap3A_257 = vector.shape_cast %broadcast_in_dim3A_0 : vector<16xf32> to vector<1x16xf32>
    tpu.vector_store %arg10[%swap3A_253, %swap3A_254], %swap3A_257 {strides = array<i32>} : memref<16x128xf32, #tpu.memory_space<vmem>>, vector<1x16xf32>,
    %swap3A_258 = arith.constant 5 : i32
    %swap3A_259 = arith.index_cast %swap3A_258 : i32 to index
    %swap3A_260 = arith.constant 48 : index
    %swap3A_261 = tpu.vector_load %arg10[%swap3A_259, %swap3A_260] {strides = array<i32>} : memref<16x128xf32, #tpu.memory_space<vmem>>, vector<1x16xf32>,
    %swap3A_262 = vector.shape_cast %swap3A_261 : vector<1x16xf32> to vector<16xf32>
    %swap3A_263 = vector.shape_cast %broadcast_in_dim3A_0 : vector<16xf32> to vector<1x16xf32>
    tpu.vector_store %arg10[%swap3A_259, %swap3A_260], %swap3A_263 {strides = array<i32>} : memref<16x128xf32, #tpu.memory_space<vmem>>, vector<1x16xf32>,
    %swap3A_264 = arith.constant 5 : i32
    %swap3A_265 = arith.index_cast %swap3A_264 : i32 to index
    %swap3A_266 = arith.constant 64 : index
    %swap3A_267 = tpu.vector_load %arg10[%swap3A_265, %swap3A_266] {strides = array<i32>} : memref<16x128xf32, #tpu.memory_space<vmem>>, vector<1x16xf32>,
    %swap3A_268 = vector.shape_cast %swap3A_267 : vector<1x16xf32> to vector<16xf32>
    %swap3A_269 = vector.shape_cast %broadcast_in_dim3A_0 : vector<16xf32> to vector<1x16xf32>
    tpu.vector_store %arg10[%swap3A_265, %swap3A_266], %swap3A_269 {strides = array<i32>} : memref<16x128xf32, #tpu.memory_space<vmem>>, vector<1x16xf32>,
    %swap3A_270 = arith.constant 5 : i32
    %swap3A_271 = arith.index_cast %swap3A_270 : i32 to index
    %swap3A_272 = arith.constant 80 : index
    %swap3A_273 = tpu.vector_load %arg10[%swap3A_271, %swap3A_272] {strides = array<i32>} : memref<16x128xf32, #tpu.memory_space<vmem>>, vector<1x16xf32>,
    %swap3A_274 = vector.shape_cast %swap3A_273 : vector<1x16xf32> to vector<16xf32>
    %swap3A_275 = vector.shape_cast %broadcast_in_dim3A_0 : vector<16xf32> to vector<1x16xf32>
    tpu.vector_store %arg10[%swap3A_271, %swap3A_272], %swap3A_275 {strides = array<i32>} : memref<16x128xf32, #tpu.memory_space<vmem>>, vector<1x16xf32>,
    %swap3A_276 = arith.constant 5 : i32
    %swap3A_277 = arith.index_cast %swap3A_276 : i32 to index
    %swap3A_278 = arith.constant 96 : index
    %swap3A_279 = tpu.vector_load %arg10[%swap3A_277, %swap3A_278] {strides = array<i32>} : memref<16x128xf32, #tpu.memory_space<vmem>>, vector<1x16xf32>,
    %swap3A_280 = vector.shape_cast %swap3A_279 : vector<1x16xf32> to vector<16xf32>
    %swap3A_281 = vector.shape_cast %broadcast_in_dim3A_0 : vector<16xf32> to vector<1x16xf32>
    tpu.vector_store %arg10[%swap3A_277, %swap3A_278], %swap3A_281 {strides = array<i32>} : memref<16x128xf32, #tpu.memory_space<vmem>>, vector<1x16xf32>,
    %swap3A_282 = arith.constant 5 : i32
    %swap3A_283 = arith.index_cast %swap3A_282 : i32 to index
    %swap3A_284 = arith.constant 112 : index
    %swap3A_285 = tpu.vector_load %arg10[%swap3A_283, %swap3A_284] {strides = array<i32>} : memref<16x128xf32, #tpu.memory_space<vmem>>, vector<1x16xf32>,
    %swap3A_286 = vector.shape_cast %swap3A_285 : vector<1x16xf32> to vector<16xf32>
    %swap3A_287 = vector.shape_cast %broadcast_in_dim3A_0 : vector<16xf32> to vector<1x16xf32>
    tpu.vector_store %arg10[%swap3A_283, %swap3A_284], %swap3A_287 {strides = array<i32>} : memref<16x128xf32, #tpu.memory_space<vmem>>, vector<1x16xf32>,
    %swap3A_288 = arith.constant 6 : i32
    %swap3A_289 = arith.index_cast %swap3A_288 : i32 to index
    %swap3A_290 = arith.constant 0 : index
    %swap3A_291 = tpu.vector_load %arg10[%swap3A_289, %swap3A_290] {strides = array<i32>} : memref<16x128xf32, #tpu.memory_space<vmem>>, vector<1x16xf32>,
    %swap3A_292 = vector.shape_cast %swap3A_291 : vector<1x16xf32> to vector<16xf32>
    %swap3A_293 = vector.shape_cast %broadcast_in_dim3A_0 : vector<16xf32> to vector<1x16xf32>
    tpu.vector_store %arg10[%swap3A_289, %swap3A_290], %swap3A_293 {strides = array<i32>} : memref<16x128xf32, #tpu.memory_space<vmem>>, vector<1x16xf32>,
    %swap3A_294 = arith.constant 6 : i32
    %swap3A_295 = arith.index_cast %swap3A_294 : i32 to index
    %swap3A_296 = arith.constant 16 : index
    %swap3A_297 = tpu.vector_load %arg10[%swap3A_295, %swap3A_296] {strides = array<i32>} : memref<16x128xf32, #tpu.memory_space<vmem>>, vector<1x16xf32>,
    %swap3A_298 = vector.shape_cast %swap3A_297 : vector<1x16xf32> to vector<16xf32>
    %swap3A_299 = vector.shape_cast %broadcast_in_dim3A_0 : vector<16xf32> to vector<1x16xf32>
    tpu.vector_store %arg10[%swap3A_295, %swap3A_296], %swap3A_299 {strides = array<i32>} : memref<16x128xf32, #tpu.memory_space<vmem>>, vector<1x16xf32>,
    %swap3A_300 = arith.constant 6 : i32
    %swap3A_301 = arith.index_cast %swap3A_300 : i32 to index
    %swap3A_302 = arith.constant 32 : index
    %swap3A_303 = tpu.vector_load %arg10[%swap3A_301, %swap3A_302] {strides = array<i32>} : memref<16x128xf32, #tpu.memory_space<vmem>>, vector<1x16xf32>,
    %swap3A_304 = vector.shape_cast %swap3A_303 : vector<1x16xf32> to vector<16xf32>
    %swap3A_305 = vector.shape_cast %broadcast_in_dim3A_0 : vector<16xf32> to vector<1x16xf32>
    tpu.vector_store %arg10[%swap3A_301, %swap3A_302], %swap3A_305 {strides = array<i32>} : memref<16x128xf32, #tpu.memory_space<vmem>>, vector<1x16xf32>,
    %swap3A_306 = arith.constant 6 : i32
    %swap3A_307 = arith.index_cast %swap3A_306 : i32 to index
    %swap3A_308 = arith.constant 48 : index
    %swap3A_309 = tpu.vector_load %arg10[%swap3A_307, %swap3A_308] {strides = array<i32>} : memref<16x128xf32, #tpu.memory_space<vmem>>, vector<1x16xf32>,
    %swap3A_310 = vector.shape_cast %swap3A_309 : vector<1x16xf32> to vector<16xf32>
    %swap3A_311 = vector.shape_cast %broadcast_in_dim3A_0 : vector<16xf32> to vector<1x16xf32>
    tpu.vector_store %arg10[%swap3A_307, %swap3A_308], %swap3A_311 {strides = array<i32>} : memref<16x128xf32, #tpu.memory_space<vmem>>, vector<1x16xf32>,
    %swap3A_312 = arith.constant 6 : i32
    %swap3A_313 = arith.index_cast %swap3A_312 : i32 to index
    %swap3A_314 = arith.constant 64 : index
    %swap3A_315 = tpu.vector_load %arg10[%swap3A_313, %swap3A_314] {strides = array<i32>} : memref<16x128xf32, #tpu.memory_space<vmem>>, vector<1x16xf32>,
    %swap3A_316 = vector.shape_cast %swap3A_315 : vector<1x16xf32> to vector<16xf32>
    %swap3A_317 = vector.shape_cast %broadcast_in_dim3A_0 : vector<16xf32> to vector<1x16xf32>
    tpu.vector_store %arg10[%swap3A_313, %swap3A_314], %swap3A_317 {strides = array<i32>} : memref<16x128xf32, #tpu.memory_space<vmem>>, vector<1x16xf32>,
    %swap3A_318 = arith.constant 6 : i32
    %swap3A_319 = arith.index_cast %swap3A_318 : i32 to index
    %swap3A_320 = arith.constant 80 : index
    %swap3A_321 = tpu.vector_load %arg10[%swap3A_319, %swap3A_320] {strides = array<i32>} : memref<16x128xf32, #tpu.memory_space<vmem>>, vector<1x16xf32>,
    %swap3A_322 = vector.shape_cast %swap3A_321 : vector<1x16xf32> to vector<16xf32>
    %swap3A_323 = vector.shape_cast %broadcast_in_dim3A_0 : vector<16xf32> to vector<1x16xf32>
    tpu.vector_store %arg10[%swap3A_319, %swap3A_320], %swap3A_323 {strides = array<i32>} : memref<16x128xf32, #tpu.memory_space<vmem>>, vector<1x16xf32>,
    %swap3A_324 = arith.constant 6 : i32
    %swap3A_325 = arith.index_cast %swap3A_324 : i32 to index
    %swap3A_326 = arith.constant 96 : index
    %swap3A_327 = tpu.vector_load %arg10[%swap3A_325, %swap3A_326] {strides = array<i32>} : memref<16x128xf32, #tpu.memory_space<vmem>>, vector<1x16xf32>,
    %swap3A_328 = vector.shape_cast %swap3A_327 : vector<1x16xf32> to vector<16xf32>
    %swap3A_329 = vector.shape_cast %broadcast_in_dim3A_0 : vector<16xf32> to vector<1x16xf32>
    tpu.vector_store %arg10[%swap3A_325, %swap3A_326], %swap3A_329 {strides = array<i32>} : memref<16x128xf32, #tpu.memory_space<vmem>>, vector<1x16xf32>,
    %swap3A_330 = arith.constant 6 : i32
    %swap3A_331 = arith.index_cast %swap3A_330 : i32 to index
    %swap3A_332 = arith.constant 112 : index
    %swap3A_333 = tpu.vector_load %arg10[%swap3A_331, %swap3A_332] {strides = array<i32>} : memref<16x128xf32, #tpu.memory_space<vmem>>, vector<1x16xf32>,
    %swap3A_334 = vector.shape_cast %swap3A_333 : vector<1x16xf32> to vector<16xf32>
    %swap3A_335 = vector.shape_cast %broadcast_in_dim3A_0 : vector<16xf32> to vector<1x16xf32>
    tpu.vector_store %arg10[%swap3A_331, %swap3A_332], %swap3A_335 {strides = array<i32>} : memref<16x128xf32, #tpu.memory_space<vmem>>, vector<1x16xf32>,
    %swap3A_336 = arith.constant 7 : i32
    %swap3A_337 = arith.index_cast %swap3A_336 : i32 to index
    %swap3A_338 = arith.constant 0 : index
    %swap3A_339 = tpu.vector_load %arg10[%swap3A_337, %swap3A_338] {strides = array<i32>} : memref<16x128xf32, #tpu.memory_space<vmem>>, vector<1x16xf32>,
    %swap3A_340 = vector.shape_cast %swap3A_339 : vector<1x16xf32> to vector<16xf32>
    %swap3A_341 = vector.shape_cast %broadcast_in_dim3A_0 : vector<16xf32> to vector<1x16xf32>
    tpu.vector_store %arg10[%swap3A_337, %swap3A_338], %swap3A_341 {strides = array<i32>} : memref<16x128xf32, #tpu.memory_space<vmem>>, vector<1x16xf32>,
    %swap3A_342 = arith.constant 7 : i32
    %swap3A_343 = arith.index_cast %swap3A_342 : i32 to index
    %swap3A_344 = arith.constant 16 : index
    %swap3A_345 = tpu.vector_load %arg10[%swap3A_343, %swap3A_344] {strides = array<i32>} : memref<16x128xf32, #tpu.memory_space<vmem>>, vector<1x16xf32>,
    %swap3A_346 = vector.shape_cast %swap3A_345 : vector<1x16xf32> to vector<16xf32>
    %swap3A_347 = vector.shape_cast %broadcast_in_dim3A_0 : vector<16xf32> to vector<1x16xf32>
    tpu.vector_store %arg10[%swap3A_343, %swap3A_344], %swap3A_347 {strides = array<i32>} : memref<16x128xf32, #tpu.memory_space<vmem>>, vector<1x16xf32>,
    %swap3A_348 = arith.constant 7 : i32
    %swap3A_349 = arith.index_cast %swap3A_348 : i32 to index
    %swap3A_350 = arith.constant 32 : index
    %swap3A_351 = tpu.vector_load %arg10[%swap3A_349, %swap3A_350] {strides = array<i32>} : memref<16x128xf32, #tpu.memory_space<vmem>>, vector<1x16xf32>,
    %swap3A_352 = vector.shape_cast %swap3A_351 : vector<1x16xf32> to vector<16xf32>
    %swap3A_353 = vector.shape_cast %broadcast_in_dim3A_0 : vector<16xf32> to vector<1x16xf32>
    tpu.vector_store %arg10[%swap3A_349, %swap3A_350], %swap3A_353 {strides = array<i32>} : memref<16x128xf32, #tpu.memory_space<vmem>>, vector<1x16xf32>,
    %swap3A_354 = arith.constant 7 : i32
    %swap3A_355 = arith.index_cast %swap3A_354 : i32 to index
    %swap3A_356 = arith.constant 48 : index
    %swap3A_357 = tpu.vector_load %arg10[%swap3A_355, %swap3A_356] {strides = array<i32>} : memref<16x128xf32, #tpu.memory_space<vmem>>, vector<1x16xf32>,
    %swap3A_358 = vector.shape_cast %swap3A_357 : vector<1x16xf32> to vector<16xf32>
    %swap3A_359 = vector.shape_cast %broadcast_in_dim3A_0 : vector<16xf32> to vector<1x16xf32>
    tpu.vector_store %arg10[%swap3A_355, %swap3A_356], %swap3A_359 {strides = array<i32>} : memref<16x128xf32, #tpu.memory_space<vmem>>, vector<1x16xf32>,
    %swap3A_360 = arith.constant 7 : i32
    %swap3A_361 = arith.index_cast %swap3A_360 : i32 to index
    %swap3A_362 = arith.constant 64 : index
    %swap3A_363 = tpu.vector_load %arg10[%swap3A_361, %swap3A_362] {strides = array<i32>} : memref<16x128xf32, #tpu.memory_space<vmem>>, vector<1x16xf32>,
    %swap3A_364 = vector.shape_cast %swap3A_363 : vector<1x16xf32> to vector<16xf32>
    %swap3A_365 = vector.shape_cast %broadcast_in_dim3A_0 : vector<16xf32> to vector<1x16xf32>
    tpu.vector_store %arg10[%swap3A_361, %swap3A_362], %swap3A_365 {strides = array<i32>} : memref<16x128xf32, #tpu.memory_space<vmem>>, vector<1x16xf32>,
    %swap3A_366 = arith.constant 7 : i32
    %swap3A_367 = arith.index_cast %swap3A_366 : i32 to index
    %swap3A_368 = arith.constant 80 : index
    %swap3A_369 = tpu.vector_load %arg10[%swap3A_367, %swap3A_368] {strides = array<i32>} : memref<16x128xf32, #tpu.memory_space<vmem>>, vector<1x16xf32>,
    %swap3A_370 = vector.shape_cast %swap3A_369 : vector<1x16xf32> to vector<16xf32>
    %swap3A_371 = vector.shape_cast %broadcast_in_dim3A_0 : vector<16xf32> to vector<1x16xf32>
    tpu.vector_store %arg10[%swap3A_367, %swap3A_368], %swap3A_371 {strides = array<i32>} : memref<16x128xf32, #tpu.memory_space<vmem>>, vector<1x16xf32>,
    %swap3A_372 = arith.constant 7 : i32
    %swap3A_373 = arith.index_cast %swap3A_372 : i32 to index
    %swap3A_374 = arith.constant 96 : index
    %swap3A_375 = tpu.vector_load %arg10[%swap3A_373, %swap3A_374] {strides = array<i32>} : memref<16x128xf32, #tpu.memory_space<vmem>>, vector<1x16xf32>,
    %swap3A_376 = vector.shape_cast %swap3A_375 : vector<1x16xf32> to vector<16xf32>
    %swap3A_377 = vector.shape_cast %broadcast_in_dim3A_0 : vector<16xf32> to vector<1x16xf32>
    tpu.vector_store %arg10[%swap3A_373, %swap3A_374], %swap3A_377 {strides = array<i32>} : memref<16x128xf32, #tpu.memory_space<vmem>>, vector<1x16xf32>,
    %swap3A_378 = arith.constant 7 : i32
    %swap3A_379 = arith.index_cast %swap3A_378 : i32 to index
    %swap3A_380 = arith.constant 112 : index
    %swap3A_381 = tpu.vector_load %arg10[%swap3A_379, %swap3A_380] {strides = array<i32>} : memref<16x128xf32, #tpu.memory_space<vmem>>, vector<1x16xf32>,
    %swap3A_382 = vector.shape_cast %swap3A_381 : vector<1x16xf32> to vector<16xf32>
    %swap3A_383 = vector.shape_cast %broadcast_in_dim3A_0 : vector<16xf32> to vector<1x16xf32>
    tpu.vector_store %arg10[%swap3A_379, %swap3A_380], %swap3A_383 {strides = array<i32>} : memref<16x128xf32, #tpu.memory_space<vmem>>, vector<1x16xf32>,
    %swap3A_384 = arith.constant 8 : i32
    %swap3A_385 = arith.index_cast %swap3A_384 : i32 to index
    %swap3A_386 = arith.constant 0 : index
    %swap3A_387 = tpu.vector_load %arg10[%swap3A_385, %swap3A_386] {strides = array<i32>} : memref<16x128xf32, #tpu.memory_space<vmem>>, vector<1x16xf32>,
    %swap3A_388 = vector.shape_cast %swap3A_387 : vector<1x16xf32> to vector<16xf32>
    %swap3A_389 = vector.shape_cast %broadcast_in_dim3A_0 : vector<16xf32> to vector<1x16xf32>
    tpu.vector_store %arg10[%swap3A_385, %swap3A_386], %swap3A_389 {strides = array<i32>} : memref<16x128xf32, #tpu.memory_space<vmem>>, vector<1x16xf32>,
    %swap3A_390 = arith.constant 8 : i32
    %swap3A_391 = arith.index_cast %swap3A_390 : i32 to index
    %swap3A_392 = arith.constant 16 : index
    %swap3A_393 = tpu.vector_load %arg10[%swap3A_391, %swap3A_392] {strides = array<i32>} : memref<16x128xf32, #tpu.memory_space<vmem>>, vector<1x16xf32>,
    %swap3A_394 = vector.shape_cast %swap3A_393 : vector<1x16xf32> to vector<16xf32>
    %swap3A_395 = vector.shape_cast %broadcast_in_dim3A_0 : vector<16xf32> to vector<1x16xf32>
    tpu.vector_store %arg10[%swap3A_391, %swap3A_392], %swap3A_395 {strides = array<i32>} : memref<16x128xf32, #tpu.memory_space<vmem>>, vector<1x16xf32>,
    %swap3A_396 = arith.constant 8 : i32
    %swap3A_397 = arith.index_cast %swap3A_396 : i32 to index
    %swap3A_398 = arith.constant 32 : index
    %swap3A_399 = tpu.vector_load %arg10[%swap3A_397, %swap3A_398] {strides = array<i32>} : memref<16x128xf32, #tpu.memory_space<vmem>>, vector<1x16xf32>,
    %swap3A_400 = vector.shape_cast %swap3A_399 : vector<1x16xf32> to vector<16xf32>
    %swap3A_401 = vector.shape_cast %broadcast_in_dim3A_0 : vector<16xf32> to vector<1x16xf32>
    tpu.vector_store %arg10[%swap3A_397, %swap3A_398], %swap3A_401 {strides = array<i32>} : memref<16x128xf32, #tpu.memory_space<vmem>>, vector<1x16xf32>,
    %swap3A_402 = arith.constant 8 : i32
    %swap3A_403 = arith.index_cast %swap3A_402 : i32 to index
    %swap3A_404 = arith.constant 48 : index
    %swap3A_405 = tpu.vector_load %arg10[%swap3A_403, %swap3A_404] {strides = array<i32>} : memref<16x128xf32, #tpu.memory_space<vmem>>, vector<1x16xf32>,
    %swap3A_406 = vector.shape_cast %swap3A_405 : vector<1x16xf32> to vector<16xf32>
    %swap3A_407 = vector.shape_cast %broadcast_in_dim3A_0 : vector<16xf32> to vector<1x16xf32>
    tpu.vector_store %arg10[%swap3A_403, %swap3A_404], %swap3A_407 {strides = array<i32>} : memref<16x128xf32, #tpu.memory_space<vmem>>, vector<1x16xf32>,
    %swap3A_408 = arith.constant 8 : i32
    %swap3A_409 = arith.index_cast %swap3A_408 : i32 to index
    %swap3A_410 = arith.constant 64 : index
    %swap3A_411 = tpu.vector_load %arg10[%swap3A_409, %swap3A_410] {strides = array<i32>} : memref<16x128xf32, #tpu.memory_space<vmem>>, vector<1x16xf32>,
    %swap3A_412 = vector.shape_cast %swap3A_411 : vector<1x16xf32> to vector<16xf32>
    %swap3A_413 = vector.shape_cast %broadcast_in_dim3A_0 : vector<16xf32> to vector<1x16xf32>
    tpu.vector_store %arg10[%swap3A_409, %swap3A_410], %swap3A_413 {strides = array<i32>} : memref<16x128xf32, #tpu.memory_space<vmem>>, vector<1x16xf32>,
    %swap3A_414 = arith.constant 8 : i32
    %swap3A_415 = arith.index_cast %swap3A_414 : i32 to index
    %swap3A_416 = arith.constant 80 : index
    %swap3A_417 = tpu.vector_load %arg10[%swap3A_415, %swap3A_416] {strides = array<i32>} : memref<16x128xf32, #tpu.memory_space<vmem>>, vector<1x16xf32>,
    %swap3A_418 = vector.shape_cast %swap3A_417 : vector<1x16xf32> to vector<16xf32>
    %swap3A_419 = vector.shape_cast %broadcast_in_dim3A_0 : vector<16xf32> to vector<1x16xf32>
    tpu.vector_store %arg10[%swap3A_415, %swap3A_416], %swap3A_419 {strides = array<i32>} : memref<16x128xf32, #tpu.memory_space<vmem>>, vector<1x16xf32>,
    %swap3A_420 = arith.constant 8 : i32
    %swap3A_421 = arith.index_cast %swap3A_420 : i32 to index
    %swap3A_422 = arith.constant 96 : index
    %swap3A_423 = tpu.vector_load %arg10[%swap3A_421, %swap3A_422] {strides = array<i32>} : memref<16x128xf32, #tpu.memory_space<vmem>>, vector<1x16xf32>,
    %swap3A_424 = vector.shape_cast %swap3A_423 : vector<1x16xf32> to vector<16xf32>
    %swap3A_425 = vector.shape_cast %broadcast_in_dim3A_0 : vector<16xf32> to vector<1x16xf32>
    tpu.vector_store %arg10[%swap3A_421, %swap3A_422], %swap3A_425 {strides = array<i32>} : memref<16x128xf32, #tpu.memory_space<vmem>>, vector<1x16xf32>,
    %swap3A_426 = arith.constant 8 : i32
    %swap3A_427 = arith.index_cast %swap3A_426 : i32 to index
    %swap3A_428 = arith.constant 112 : index
    %swap3A_429 = tpu.vector_load %arg10[%swap3A_427, %swap3A_428] {strides = array<i32>} : memref<16x128xf32, #tpu.memory_space<vmem>>, vector<1x16xf32>,
    %swap3A_430 = vector.shape_cast %swap3A_429 : vector<1x16xf32> to vector<16xf32>
    %swap3A_431 = vector.shape_cast %broadcast_in_dim3A_0 : vector<16xf32> to vector<1x16xf32>
    tpu.vector_store %arg10[%swap3A_427, %swap3A_428], %swap3A_431 {strides = array<i32>} : memref<16x128xf32, #tpu.memory_space<vmem>>, vector<1x16xf32>,
    %swap3A_432 = arith.constant 9 : i32
    %swap3A_433 = arith.index_cast %swap3A_432 : i32 to index
    %swap3A_434 = arith.constant 0 : index
    %swap3A_435 = tpu.vector_load %arg10[%swap3A_433, %swap3A_434] {strides = array<i32>} : memref<16x128xf32, #tpu.memory_space<vmem>>, vector<1x16xf32>,
    %swap3A_436 = vector.shape_cast %swap3A_435 : vector<1x16xf32> to vector<16xf32>
    %swap3A_437 = vector.shape_cast %broadcast_in_dim3A_0 : vector<16xf32> to vector<1x16xf32>
    tpu.vector_store %arg10[%swap3A_433, %swap3A_434], %swap3A_437 {strides = array<i32>} : memref<16x128xf32, #tpu.memory_space<vmem>>, vector<1x16xf32>,
    %swap3A_438 = arith.constant 9 : i32
    %swap3A_439 = arith.index_cast %swap3A_438 : i32 to index
    %swap3A_440 = arith.constant 16 : index
    %swap3A_441 = tpu.vector_load %arg10[%swap3A_439, %swap3A_440] {strides = array<i32>} : memref<16x128xf32, #tpu.memory_space<vmem>>, vector<1x16xf32>,
    %swap3A_442 = vector.shape_cast %swap3A_441 : vector<1x16xf32> to vector<16xf32>
    %swap3A_443 = vector.shape_cast %broadcast_in_dim3A_0 : vector<16xf32> to vector<1x16xf32>
    tpu.vector_store %arg10[%swap3A_439, %swap3A_440], %swap3A_443 {strides = array<i32>} : memref<16x128xf32, #tpu.memory_space<vmem>>, vector<1x16xf32>,
    %swap3A_444 = arith.constant 9 : i32
    %swap3A_445 = arith.index_cast %swap3A_444 : i32 to index
    %swap3A_446 = arith.constant 32 : index
    %swap3A_447 = tpu.vector_load %arg10[%swap3A_445, %swap3A_446] {strides = array<i32>} : memref<16x128xf32, #tpu.memory_space<vmem>>, vector<1x16xf32>,
    %swap3A_448 = vector.shape_cast %swap3A_447 : vector<1x16xf32> to vector<16xf32>
    %swap3A_449 = vector.shape_cast %broadcast_in_dim3A_0 : vector<16xf32> to vector<1x16xf32>
    tpu.vector_store %arg10[%swap3A_445, %swap3A_446], %swap3A_449 {strides = array<i32>} : memref<16x128xf32, #tpu.memory_space<vmem>>, vector<1x16xf32>,
    %swap3A_450 = arith.constant 9 : i32
    %swap3A_451 = arith.index_cast %swap3A_450 : i32 to index
    %swap3A_452 = arith.constant 48 : index
    %swap3A_453 = tpu.vector_load %arg10[%swap3A_451, %swap3A_452] {strides = array<i32>} : memref<16x128xf32, #tpu.memory_space<vmem>>, vector<1x16xf32>,
    %swap3A_454 = vector.shape_cast %swap3A_453 : vector<1x16xf32> to vector<16xf32>
    %swap3A_455 = vector.shape_cast %broadcast_in_dim3A_0 : vector<16xf32> to vector<1x16xf32>
    tpu.vector_store %arg10[%swap3A_451, %swap3A_452], %swap3A_455 {strides = array<i32>} : memref<16x128xf32, #tpu.memory_space<vmem>>, vector<1x16xf32>,
    %swap3A_456 = arith.constant 9 : i32
    %swap3A_457 = arith.index_cast %swap3A_456 : i32 to index
    %swap3A_458 = arith.constant 64 : index
    %swap3A_459 = tpu.vector_load %arg10[%swap3A_457, %swap3A_458] {strides = array<i32>} : memref<16x128xf32, #tpu.memory_space<vmem>>, vector<1x16xf32>,
    %swap3A_460 = vector.shape_cast %swap3A_459 : vector<1x16xf32> to vector<16xf32>
    %swap3A_461 = vector.shape_cast %broadcast_in_dim3A_0 : vector<16xf32> to vector<1x16xf32>
    tpu.vector_store %arg10[%swap3A_457, %swap3A_458], %swap3A_461 {strides = array<i32>} : memref<16x128xf32, #tpu.memory_space<vmem>>, vector<1x16xf32>,
    %swap3A_462 = arith.constant 9 : i32
    %swap3A_463 = arith.index_cast %swap3A_462 : i32 to index
    %swap3A_464 = arith.constant 80 : index
    %swap3A_465 = tpu.vector_load %arg10[%swap3A_463, %swap3A_464] {strides = array<i32>} : memref<16x128xf32, #tpu.memory_space<vmem>>, vector<1x16xf32>,
    %swap3A_466 = vector.shape_cast %swap3A_465 : vector<1x16xf32> to vector<16xf32>
    %swap3A_467 = vector.shape_cast %broadcast_in_dim3A_0 : vector<16xf32> to vector<1x16xf32>
    tpu.vector_store %arg10[%swap3A_463, %swap3A_464], %swap3A_467 {strides = array<i32>} : memref<16x128xf32, #tpu.memory_space<vmem>>, vector<1x16xf32>,
    %swap3A_468 = arith.constant 9 : i32
    %swap3A_469 = arith.index_cast %swap3A_468 : i32 to index
    %swap3A_470 = arith.constant 96 : index
    %swap3A_471 = tpu.vector_load %arg10[%swap3A_469, %swap3A_470] {strides = array<i32>} : memref<16x128xf32, #tpu.memory_space<vmem>>, vector<1x16xf32>,
    %swap3A_472 = vector.shape_cast %swap3A_471 : vector<1x16xf32> to vector<16xf32>
    %swap3A_473 = vector.shape_cast %broadcast_in_dim3A_0 : vector<16xf32> to vector<1x16xf32>
    tpu.vector_store %arg10[%swap3A_469, %swap3A_470], %swap3A_473 {strides = array<i32>} : memref<16x128xf32, #tpu.memory_space<vmem>>, vector<1x16xf32>,
    %swap3A_474 = arith.constant 9 : i32
    %swap3A_475 = arith.index_cast %swap3A_474 : i32 to index
    %swap3A_476 = arith.constant 112 : index
    %swap3A_477 = tpu.vector_load %arg10[%swap3A_475, %swap3A_476] {strides = array<i32>} : memref<16x128xf32, #tpu.memory_space<vmem>>, vector<1x16xf32>,
    %swap3A_478 = vector.shape_cast %swap3A_477 : vector<1x16xf32> to vector<16xf32>
    %swap3A_479 = vector.shape_cast %broadcast_in_dim3A_0 : vector<16xf32> to vector<1x16xf32>
    tpu.vector_store %arg10[%swap3A_475, %swap3A_476], %swap3A_479 {strides = array<i32>} : memref<16x128xf32, #tpu.memory_space<vmem>>, vector<1x16xf32>,
    %swap3A_480 = arith.constant 10 : i32
    %swap3A_481 = arith.index_cast %swap3A_480 : i32 to index
    %swap3A_482 = arith.constant 0 : index
    %swap3A_483 = tpu.vector_load %arg10[%swap3A_481, %swap3A_482] {strides = array<i32>} : memref<16x128xf32, #tpu.memory_space<vmem>>, vector<1x16xf32>,
    %swap3A_484 = vector.shape_cast %swap3A_483 : vector<1x16xf32> to vector<16xf32>
    %swap3A_485 = vector.shape_cast %broadcast_in_dim3A_0 : vector<16xf32> to vector<1x16xf32>
    tpu.vector_store %arg10[%swap3A_481, %swap3A_482], %swap3A_485 {strides = array<i32>} : memref<16x128xf32, #tpu.memory_space<vmem>>, vector<1x16xf32>,
    %swap3A_486 = arith.constant 10 : i32
    %swap3A_487 = arith.index_cast %swap3A_486 : i32 to index
    %swap3A_488 = arith.constant 16 : index
    %swap3A_489 = tpu.vector_load %arg10[%swap3A_487, %swap3A_488] {strides = array<i32>} : memref<16x128xf32, #tpu.memory_space<vmem>>, vector<1x16xf32>,
    %swap3A_490 = vector.shape_cast %swap3A_489 : vector<1x16xf32> to vector<16xf32>
    %swap3A_491 = vector.shape_cast %broadcast_in_dim3A_0 : vector<16xf32> to vector<1x16xf32>
    tpu.vector_store %arg10[%swap3A_487, %swap3A_488], %swap3A_491 {strides = array<i32>} : memref<16x128xf32, #tpu.memory_space<vmem>>, vector<1x16xf32>,
    %swap3A_492 = arith.constant 10 : i32
    %swap3A_493 = arith.index_cast %swap3A_492 : i32 to index
    %swap3A_494 = arith.constant 32 : index
    %swap3A_495 = tpu.vector_load %arg10[%swap3A_493, %swap3A_494] {strides = array<i32>} : memref<16x128xf32, #tpu.memory_space<vmem>>, vector<1x16xf32>,
    %swap3A_496 = vector.shape_cast %swap3A_495 : vector<1x16xf32> to vector<16xf32>
    %swap3A_497 = vector.shape_cast %broadcast_in_dim3A_0 : vector<16xf32> to vector<1x16xf32>
    tpu.vector_store %arg10[%swap3A_493, %swap3A_494], %swap3A_497 {strides = array<i32>} : memref<16x128xf32, #tpu.memory_space<vmem>>, vector<1x16xf32>,
    %swap3A_498 = arith.constant 10 : i32
    %swap3A_499 = arith.index_cast %swap3A_498 : i32 to index
    %swap3A_500 = arith.constant 48 : index
    %swap3A_501 = tpu.vector_load %arg10[%swap3A_499, %swap3A_500] {strides = array<i32>} : memref<16x128xf32, #tpu.memory_space<vmem>>, vector<1x16xf32>,
    %swap3A_502 = vector.shape_cast %swap3A_501 : vector<1x16xf32> to vector<16xf32>
    %swap3A_503 = vector.shape_cast %broadcast_in_dim3A_0 : vector<16xf32> to vector<1x16xf32>
    tpu.vector_store %arg10[%swap3A_499, %swap3A_500], %swap3A_503 {strides = array<i32>} : memref<16x128xf32, #tpu.memory_space<vmem>>, vector<1x16xf32>,
    %swap3A_504 = arith.constant 10 : i32
    %swap3A_505 = arith.index_cast %swap3A_504 : i32 to index
    %swap3A_506 = arith.constant 64 : index
    %swap3A_507 = tpu.vector_load %arg10[%swap3A_505, %swap3A_506] {strides = array<i32>} : memref<16x128xf32, #tpu.memory_space<vmem>>, vector<1x16xf32>,
    %swap3A_508 = vector.shape_cast %swap3A_507 : vector<1x16xf32> to vector<16xf32>
    %swap3A_509 = vector.shape_cast %broadcast_in_dim3A_0 : vector<16xf32> to vector<1x16xf32>
    tpu.vector_store %arg10[%swap3A_505, %swap3A_506], %swap3A_509 {strides = array<i32>} : memref<16x128xf32, #tpu.memory_space<vmem>>, vector<1x16xf32>,
    %swap3A_510 = arith.constant 10 : i32
    %swap3A_511 = arith.index_cast %swap3A_510 : i32 to index
    %swap3A_512 = arith.constant 80 : index
    %swap3A_513 = tpu.vector_load %arg10[%swap3A_511, %swap3A_512] {strides = array<i32>} : memref<16x128xf32, #tpu.memory_space<vmem>>, vector<1x16xf32>,
    %swap3A_514 = vector.shape_cast %swap3A_513 : vector<1x16xf32> to vector<16xf32>
    %swap3A_515 = vector.shape_cast %broadcast_in_dim3A_0 : vector<16xf32> to vector<1x16xf32>
    tpu.vector_store %arg10[%swap3A_511, %swap3A_512], %swap3A_515 {strides = array<i32>} : memref<16x128xf32, #tpu.memory_space<vmem>>, vector<1x16xf32>,
    %swap3A_516 = arith.constant 10 : i32
    %swap3A_517 = arith.index_cast %swap3A_516 : i32 to index
    %swap3A_518 = arith.constant 96 : index
    %swap3A_519 = tpu.vector_load %arg10[%swap3A_517, %swap3A_518] {strides = array<i32>} : memref<16x128xf32, #tpu.memory_space<vmem>>, vector<1x16xf32>,
    %swap3A_520 = vector.shape_cast %swap3A_519 : vector<1x16xf32> to vector<16xf32>
    %swap3A_521 = vector.shape_cast %broadcast_in_dim3A_0 : vector<16xf32> to vector<1x16xf32>
    tpu.vector_store %arg10[%swap3A_517, %swap3A_518], %swap3A_521 {strides = array<i32>} : memref<16x128xf32, #tpu.memory_space<vmem>>, vector<1x16xf32>,
    %swap3A_522 = arith.constant 10 : i32
    %swap3A_523 = arith.index_cast %swap3A_522 : i32 to index
    %swap3A_524 = arith.constant 112 : index
    %swap3A_525 = tpu.vector_load %arg10[%swap3A_523, %swap3A_524] {strides = array<i32>} : memref<16x128xf32, #tpu.memory_space<vmem>>, vector<1x16xf32>,
    %swap3A_526 = vector.shape_cast %swap3A_525 : vector<1x16xf32> to vector<16xf32>
    %swap3A_527 = vector.shape_cast %broadcast_in_dim3A_0 : vector<16xf32> to vector<1x16xf32>
    tpu.vector_store %arg10[%swap3A_523, %swap3A_524], %swap3A_527 {strides = array<i32>} : memref<16x128xf32, #tpu.memory_space<vmem>>, vector<1x16xf32>,
    %swap3A_528 = arith.constant 11 : i32
    %swap3A_529 = arith.index_cast %swap3A_528 : i32 to index
    %swap3A_530 = arith.constant 0 : index
    %swap3A_531 = tpu.vector_load %arg10[%swap3A_529, %swap3A_530] {strides = array<i32>} : memref<16x128xf32, #tpu.memory_space<vmem>>, vector<1x16xf32>,
    %swap3A_532 = vector.shape_cast %swap3A_531 : vector<1x16xf32> to vector<16xf32>
    %swap3A_533 = vector.shape_cast %broadcast_in_dim3A_0 : vector<16xf32> to vector<1x16xf32>
    tpu.vector_store %arg10[%swap3A_529, %swap3A_530], %swap3A_533 {strides = array<i32>} : memref<16x128xf32, #tpu.memory_space<vmem>>, vector<1x16xf32>,
    %swap3A_534 = arith.constant 11 : i32
    %swap3A_535 = arith.index_cast %swap3A_534 : i32 to index
    %swap3A_536 = arith.constant 16 : index
    %swap3A_537 = tpu.vector_load %arg10[%swap3A_535, %swap3A_536] {strides = array<i32>} : memref<16x128xf32, #tpu.memory_space<vmem>>, vector<1x16xf32>,
    %swap3A_538 = vector.shape_cast %swap3A_537 : vector<1x16xf32> to vector<16xf32>
    %swap3A_539 = vector.shape_cast %broadcast_in_dim3A_0 : vector<16xf32> to vector<1x16xf32>
    tpu.vector_store %arg10[%swap3A_535, %swap3A_536], %swap3A_539 {strides = array<i32>} : memref<16x128xf32, #tpu.memory_space<vmem>>, vector<1x16xf32>,
    %swap3A_540 = arith.constant 11 : i32
    %swap3A_541 = arith.index_cast %swap3A_540 : i32 to index
    %swap3A_542 = arith.constant 32 : index
    %swap3A_543 = tpu.vector_load %arg10[%swap3A_541, %swap3A_542] {strides = array<i32>} : memref<16x128xf32, #tpu.memory_space<vmem>>, vector<1x16xf32>,
    %swap3A_544 = vector.shape_cast %swap3A_543 : vector<1x16xf32> to vector<16xf32>
    %swap3A_545 = vector.shape_cast %broadcast_in_dim3A_0 : vector<16xf32> to vector<1x16xf32>
    tpu.vector_store %arg10[%swap3A_541, %swap3A_542], %swap3A_545 {strides = array<i32>} : memref<16x128xf32, #tpu.memory_space<vmem>>, vector<1x16xf32>,
    %swap3A_546 = arith.constant 11 : i32
    %swap3A_547 = arith.index_cast %swap3A_546 : i32 to index
    %swap3A_548 = arith.constant 48 : index
    %swap3A_549 = tpu.vector_load %arg10[%swap3A_547, %swap3A_548] {strides = array<i32>} : memref<16x128xf32, #tpu.memory_space<vmem>>, vector<1x16xf32>,
    %swap3A_550 = vector.shape_cast %swap3A_549 : vector<1x16xf32> to vector<16xf32>
    %swap3A_551 = vector.shape_cast %broadcast_in_dim3A_0 : vector<16xf32> to vector<1x16xf32>
    tpu.vector_store %arg10[%swap3A_547, %swap3A_548], %swap3A_551 {strides = array<i32>} : memref<16x128xf32, #tpu.memory_space<vmem>>, vector<1x16xf32>,
    %swap3A_552 = arith.constant 11 : i32
    %swap3A_553 = arith.index_cast %swap3A_552 : i32 to index
    %swap3A_554 = arith.constant 64 : index
    %swap3A_555 = tpu.vector_load %arg10[%swap3A_553, %swap3A_554] {strides = array<i32>} : memref<16x128xf32, #tpu.memory_space<vmem>>, vector<1x16xf32>,
    %swap3A_556 = vector.shape_cast %swap3A_555 : vector<1x16xf32> to vector<16xf32>
    %swap3A_557 = vector.shape_cast %broadcast_in_dim3A_0 : vector<16xf32> to vector<1x16xf32>
    tpu.vector_store %arg10[%swap3A_553, %swap3A_554], %swap3A_557 {strides = array<i32>} : memref<16x128xf32, #tpu.memory_space<vmem>>, vector<1x16xf32>,
    %swap3A_558 = arith.constant 11 : i32
    %swap3A_559 = arith.index_cast %swap3A_558 : i32 to index
    %swap3A_560 = arith.constant 80 : index
    %swap3A_561 = tpu.vector_load %arg10[%swap3A_559, %swap3A_560] {strides = array<i32>} : memref<16x128xf32, #tpu.memory_space<vmem>>, vector<1x16xf32>,
    %swap3A_562 = vector.shape_cast %swap3A_561 : vector<1x16xf32> to vector<16xf32>
    %swap3A_563 = vector.shape_cast %broadcast_in_dim3A_0 : vector<16xf32> to vector<1x16xf32>
    tpu.vector_store %arg10[%swap3A_559, %swap3A_560], %swap3A_563 {strides = array<i32>} : memref<16x128xf32, #tpu.memory_space<vmem>>, vector<1x16xf32>,
    %swap3A_564 = arith.constant 11 : i32
    %swap3A_565 = arith.index_cast %swap3A_564 : i32 to index
    %swap3A_566 = arith.constant 96 : index
    %swap3A_567 = tpu.vector_load %arg10[%swap3A_565, %swap3A_566] {strides = array<i32>} : memref<16x128xf32, #tpu.memory_space<vmem>>, vector<1x16xf32>,
    %swap3A_568 = vector.shape_cast %swap3A_567 : vector<1x16xf32> to vector<16xf32>
    %swap3A_569 = vector.shape_cast %broadcast_in_dim3A_0 : vector<16xf32> to vector<1x16xf32>
    tpu.vector_store %arg10[%swap3A_565, %swap3A_566], %swap3A_569 {strides = array<i32>} : memref<16x128xf32, #tpu.memory_space<vmem>>, vector<1x16xf32>,
    %swap3A_570 = arith.constant 11 : i32
    %swap3A_571 = arith.index_cast %swap3A_570 : i32 to index
    %swap3A_572 = arith.constant 112 : index
    %swap3A_573 = tpu.vector_load %arg10[%swap3A_571, %swap3A_572] {strides = array<i32>} : memref<16x128xf32, #tpu.memory_space<vmem>>, vector<1x16xf32>,
    %swap3A_574 = vector.shape_cast %swap3A_573 : vector<1x16xf32> to vector<16xf32>
    %swap3A_575 = vector.shape_cast %broadcast_in_dim3A_0 : vector<16xf32> to vector<1x16xf32>
    tpu.vector_store %arg10[%swap3A_571, %swap3A_572], %swap3A_575 {strides = array<i32>} : memref<16x128xf32, #tpu.memory_space<vmem>>, vector<1x16xf32>,
    %swap3A_576 = arith.constant 12 : i32
    %swap3A_577 = arith.index_cast %swap3A_576 : i32 to index
    %swap3A_578 = arith.constant 0 : index
    %swap3A_579 = tpu.vector_load %arg10[%swap3A_577, %swap3A_578] {strides = array<i32>} : memref<16x128xf32, #tpu.memory_space<vmem>>, vector<1x16xf32>,
    %swap3A_580 = vector.shape_cast %swap3A_579 : vector<1x16xf32> to vector<16xf32>
    %swap3A_581 = vector.shape_cast %broadcast_in_dim3A_0 : vector<16xf32> to vector<1x16xf32>
    tpu.vector_store %arg10[%swap3A_577, %swap3A_578], %swap3A_581 {strides = array<i32>} : memref<16x128xf32, #tpu.memory_space<vmem>>, vector<1x16xf32>,
    %swap3A_582 = arith.constant 12 : i32
    %swap3A_583 = arith.index_cast %swap3A_582 : i32 to index
    %swap3A_584 = arith.constant 16 : index
    %swap3A_585 = tpu.vector_load %arg10[%swap3A_583, %swap3A_584] {strides = array<i32>} : memref<16x128xf32, #tpu.memory_space<vmem>>, vector<1x16xf32>,
    %swap3A_586 = vector.shape_cast %swap3A_585 : vector<1x16xf32> to vector<16xf32>
    %swap3A_587 = vector.shape_cast %broadcast_in_dim3A_0 : vector<16xf32> to vector<1x16xf32>
    tpu.vector_store %arg10[%swap3A_583, %swap3A_584], %swap3A_587 {strides = array<i32>} : memref<16x128xf32, #tpu.memory_space<vmem>>, vector<1x16xf32>,
    %swap3A_588 = arith.constant 12 : i32
    %swap3A_589 = arith.index_cast %swap3A_588 : i32 to index
    %swap3A_590 = arith.constant 32 : index
    %swap3A_591 = tpu.vector_load %arg10[%swap3A_589, %swap3A_590] {strides = array<i32>} : memref<16x128xf32, #tpu.memory_space<vmem>>, vector<1x16xf32>,
    %swap3A_592 = vector.shape_cast %swap3A_591 : vector<1x16xf32> to vector<16xf32>
    %swap3A_593 = vector.shape_cast %broadcast_in_dim3A_0 : vector<16xf32> to vector<1x16xf32>
    tpu.vector_store %arg10[%swap3A_589, %swap3A_590], %swap3A_593 {strides = array<i32>} : memref<16x128xf32, #tpu.memory_space<vmem>>, vector<1x16xf32>,
    %swap3A_594 = arith.constant 12 : i32
    %swap3A_595 = arith.index_cast %swap3A_594 : i32 to index
    %swap3A_596 = arith.constant 48 : index
    %swap3A_597 = tpu.vector_load %arg10[%swap3A_595, %swap3A_596] {strides = array<i32>} : memref<16x128xf32, #tpu.memory_space<vmem>>, vector<1x16xf32>,
    %swap3A_598 = vector.shape_cast %swap3A_597 : vector<1x16xf32> to vector<16xf32>
    %swap3A_599 = vector.shape_cast %broadcast_in_dim3A_0 : vector<16xf32> to vector<1x16xf32>
    tpu.vector_store %arg10[%swap3A_595, %swap3A_596], %swap3A_599 {strides = array<i32>} : memref<16x128xf32, #tpu.memory_space<vmem>>, vector<1x16xf32>,
    %swap3A_600 = arith.constant 12 : i32
    %swap3A_601 = arith.index_cast %swap3A_600 : i32 to index
    %swap3A_602 = arith.constant 64 : index
    %swap3A_603 = tpu.vector_load %arg10[%swap3A_601, %swap3A_602] {strides = array<i32>} : memref<16x128xf32, #tpu.memory_space<vmem>>, vector<1x16xf32>,
    %swap3A_604 = vector.shape_cast %swap3A_603 : vector<1x16xf32> to vector<16xf32>
    %swap3A_605 = vector.shape_cast %broadcast_in_dim3A_0 : vector<16xf32> to vector<1x16xf32>
    tpu.vector_store %arg10[%swap3A_601, %swap3A_602], %swap3A_605 {strides = array<i32>} : memref<16x128xf32, #tpu.memory_space<vmem>>, vector<1x16xf32>,
    %swap3A_606 = arith.constant 12 : i32
    %swap3A_607 = arith.index_cast %swap3A_606 : i32 to index
    %swap3A_608 = arith.constant 80 : index
    %swap3A_609 = tpu.vector_load %arg10[%swap3A_607, %swap3A_608] {strides = array<i32>} : memref<16x128xf32, #tpu.memory_space<vmem>>, vector<1x16xf32>,
    %swap3A_610 = vector.shape_cast %swap3A_609 : vector<1x16xf32> to vector<16xf32>
    %swap3A_611 = vector.shape_cast %broadcast_in_dim3A_0 : vector<16xf32> to vector<1x16xf32>
    tpu.vector_store %arg10[%swap3A_607, %swap3A_608], %swap3A_611 {strides = array<i32>} : memref<16x128xf32, #tpu.memory_space<vmem>>, vector<1x16xf32>,
    %swap3A_612 = arith.constant 12 : i32
    %swap3A_613 = arith.index_cast %swap3A_612 : i32 to index
    %swap3A_614 = arith.constant 96 : index
    %swap3A_615 = tpu.vector_load %arg10[%swap3A_613, %swap3A_614] {strides = array<i32>} : memref<16x128xf32, #tpu.memory_space<vmem>>, vector<1x16xf32>,
    %swap3A_616 = vector.shape_cast %swap3A_615 : vector<1x16xf32> to vector<16xf32>
    %swap3A_617 = vector.shape_cast %broadcast_in_dim3A_0 : vector<16xf32> to vector<1x16xf32>
    tpu.vector_store %arg10[%swap3A_613, %swap3A_614], %swap3A_617 {strides = array<i32>} : memref<16x128xf32, #tpu.memory_space<vmem>>, vector<1x16xf32>,
    %swap3A_618 = arith.constant 12 : i32
    %swap3A_619 = arith.index_cast %swap3A_618 : i32 to index
    %swap3A_620 = arith.constant 112 : index
    %swap3A_621 = tpu.vector_load %arg10[%swap3A_619, %swap3A_620] {strides = array<i32>} : memref<16x128xf32, #tpu.memory_space<vmem>>, vector<1x16xf32>,
    %swap3A_622 = vector.shape_cast %swap3A_621 : vector<1x16xf32> to vector<16xf32>
    %swap3A_623 = vector.shape_cast %broadcast_in_dim3A_0 : vector<16xf32> to vector<1x16xf32>
    tpu.vector_store %arg10[%swap3A_619, %swap3A_620], %swap3A_623 {strides = array<i32>} : memref<16x128xf32, #tpu.memory_space<vmem>>, vector<1x16xf32>,
    %swap3A_624 = arith.constant 13 : i32
    %swap3A_625 = arith.index_cast %swap3A_624 : i32 to index
    %swap3A_626 = arith.constant 0 : index
    %swap3A_627 = tpu.vector_load %arg10[%swap3A_625, %swap3A_626] {strides = array<i32>} : memref<16x128xf32, #tpu.memory_space<vmem>>, vector<1x16xf32>,
    %swap3A_628 = vector.shape_cast %swap3A_627 : vector<1x16xf32> to vector<16xf32>
    %swap3A_629 = vector.shape_cast %broadcast_in_dim3A_0 : vector<16xf32> to vector<1x16xf32>
    tpu.vector_store %arg10[%swap3A_625, %swap3A_626], %swap3A_629 {strides = array<i32>} : memref<16x128xf32, #tpu.memory_space<vmem>>, vector<1x16xf32>,
    %swap3A_630 = arith.constant 13 : i32
    %swap3A_631 = arith.index_cast %swap3A_630 : i32 to index
    %swap3A_632 = arith.constant 16 : index
    %swap3A_633 = tpu.vector_load %arg10[%swap3A_631, %swap3A_632] {strides = array<i32>} : memref<16x128xf32, #tpu.memory_space<vmem>>, vector<1x16xf32>,
    %swap3A_634 = vector.shape_cast %swap3A_633 : vector<1x16xf32> to vector<16xf32>
    %swap3A_635 = vector.shape_cast %broadcast_in_dim3A_0 : vector<16xf32> to vector<1x16xf32>
    tpu.vector_store %arg10[%swap3A_631, %swap3A_632], %swap3A_635 {strides = array<i32>} : memref<16x128xf32, #tpu.memory_space<vmem>>, vector<1x16xf32>,
    %swap3A_636 = arith.constant 13 : i32
    %swap3A_637 = arith.index_cast %swap3A_636 : i32 to index
    %swap3A_638 = arith.constant 32 : index
    %swap3A_639 = tpu.vector_load %arg10[%swap3A_637, %swap3A_638] {strides = array<i32>} : memref<16x128xf32, #tpu.memory_space<vmem>>, vector<1x16xf32>,
    %swap3A_640 = vector.shape_cast %swap3A_639 : vector<1x16xf32> to vector<16xf32>
    %swap3A_641 = vector.shape_cast %broadcast_in_dim3A_0 : vector<16xf32> to vector<1x16xf32>
    tpu.vector_store %arg10[%swap3A_637, %swap3A_638], %swap3A_641 {strides = array<i32>} : memref<16x128xf32, #tpu.memory_space<vmem>>, vector<1x16xf32>,
    %swap3A_642 = arith.constant 13 : i32
    %swap3A_643 = arith.index_cast %swap3A_642 : i32 to index
    %swap3A_644 = arith.constant 48 : index
    %swap3A_645 = tpu.vector_load %arg10[%swap3A_643, %swap3A_644] {strides = array<i32>} : memref<16x128xf32, #tpu.memory_space<vmem>>, vector<1x16xf32>,
    %swap3A_646 = vector.shape_cast %swap3A_645 : vector<1x16xf32> to vector<16xf32>
    %swap3A_647 = vector.shape_cast %broadcast_in_dim3A_0 : vector<16xf32> to vector<1x16xf32>
    tpu.vector_store %arg10[%swap3A_643, %swap3A_644], %swap3A_647 {strides = array<i32>} : memref<16x128xf32, #tpu.memory_space<vmem>>, vector<1x16xf32>,
    %swap3A_648 = arith.constant 13 : i32
    %swap3A_649 = arith.index_cast %swap3A_648 : i32 to index
    %swap3A_650 = arith.constant 64 : index
    %swap3A_651 = tpu.vector_load %arg10[%swap3A_649, %swap3A_650] {strides = array<i32>} : memref<16x128xf32, #tpu.memory_space<vmem>>, vector<1x16xf32>,
    %swap3A_652 = vector.shape_cast %swap3A_651 : vector<1x16xf32> to vector<16xf32>
    %swap3A_653 = vector.shape_cast %broadcast_in_dim3A_0 : vector<16xf32> to vector<1x16xf32>
    tpu.vector_store %arg10[%swap3A_649, %swap3A_650], %swap3A_653 {strides = array<i32>} : memref<16x128xf32, #tpu.memory_space<vmem>>, vector<1x16xf32>,
    %swap3A_654 = arith.constant 13 : i32
    %swap3A_655 = arith.index_cast %swap3A_654 : i32 to index
    %swap3A_656 = arith.constant 80 : index
    %swap3A_657 = tpu.vector_load %arg10[%swap3A_655, %swap3A_656] {strides = array<i32>} : memref<16x128xf32, #tpu.memory_space<vmem>>, vector<1x16xf32>,
    %swap3A_658 = vector.shape_cast %swap3A_657 : vector<1x16xf32> to vector<16xf32>
    %swap3A_659 = vector.shape_cast %broadcast_in_dim3A_0 : vector<16xf32> to vector<1x16xf32>
    tpu.vector_store %arg10[%swap3A_655, %swap3A_656], %swap3A_659 {strides = array<i32>} : memref<16x128xf32, #tpu.memory_space<vmem>>, vector<1x16xf32>,
    %swap3A_660 = arith.constant 13 : i32
    %swap3A_661 = arith.index_cast %swap3A_660 : i32 to index
    %swap3A_662 = arith.constant 96 : index
    %swap3A_663 = tpu.vector_load %arg10[%swap3A_661, %swap3A_662] {strides = array<i32>} : memref<16x128xf32, #tpu.memory_space<vmem>>, vector<1x16xf32>,
    %swap3A_664 = vector.shape_cast %swap3A_663 : vector<1x16xf32> to vector<16xf32>
    %swap3A_665 = vector.shape_cast %broadcast_in_dim3A_0 : vector<16xf32> to vector<1x16xf32>
    tpu.vector_store %arg10[%swap3A_661, %swap3A_662], %swap3A_665 {strides = array<i32>} : memref<16x128xf32, #tpu.memory_space<vmem>>, vector<1x16xf32>,
    %swap3A_666 = arith.constant 13 : i32
    %swap3A_667 = arith.index_cast %swap3A_666 : i32 to index
    %swap3A_668 = arith.constant 112 : index
    %swap3A_669 = tpu.vector_load %arg10[%swap3A_667, %swap3A_668] {strides = array<i32>} : memref<16x128xf32, #tpu.memory_space<vmem>>, vector<1x16xf32>,
    %swap3A_670 = vector.shape_cast %swap3A_669 : vector<1x16xf32> to vector<16xf32>
    %swap3A_671 = vector.shape_cast %broadcast_in_dim3A_0 : vector<16xf32> to vector<1x16xf32>
    tpu.vector_store %arg10[%swap3A_667, %swap3A_668], %swap3A_671 {strides = array<i32>} : memref<16x128xf32, #tpu.memory_space<vmem>>, vector<1x16xf32>,
    %swap3A_672 = arith.constant 14 : i32
    %swap3A_673 = arith.index_cast %swap3A_672 : i32 to index
    %swap3A_674 = arith.constant 0 : index
    %swap3A_675 = tpu.vector_load %arg10[%swap3A_673, %swap3A_674] {strides = array<i32>} : memref<16x128xf32, #tpu.memory_space<vmem>>, vector<1x16xf32>,
    %swap3A_676 = vector.shape_cast %swap3A_675 : vector<1x16xf32> to vector<16xf32>
    %swap3A_677 = vector.shape_cast %broadcast_in_dim3A_0 : vector<16xf32> to vector<1x16xf32>
    tpu.vector_store %arg10[%swap3A_673, %swap3A_674], %swap3A_677 {strides = array<i32>} : memref<16x128xf32, #tpu.memory_space<vmem>>, vector<1x16xf32>,
    %swap3A_678 = arith.constant 14 : i32
    %swap3A_679 = arith.index_cast %swap3A_678 : i32 to index
    %swap3A_680 = arith.constant 16 : index
    %swap3A_681 = tpu.vector_load %arg10[%swap3A_679, %swap3A_680] {strides = array<i32>} : memref<16x128xf32, #tpu.memory_space<vmem>>, vector<1x16xf32>,
    %swap3A_682 = vector.shape_cast %swap3A_681 : vector<1x16xf32> to vector<16xf32>
    %swap3A_683 = vector.shape_cast %broadcast_in_dim3A_0 : vector<16xf32> to vector<1x16xf32>
    tpu.vector_store %arg10[%swap3A_679, %swap3A_680], %swap3A_683 {strides = array<i32>} : memref<16x128xf32, #tpu.memory_space<vmem>>, vector<1x16xf32>,
    %swap3A_684 = arith.constant 14 : i32
    %swap3A_685 = arith.index_cast %swap3A_684 : i32 to index
    %swap3A_686 = arith.constant 32 : index
    %swap3A_687 = tpu.vector_load %arg10[%swap3A_685, %swap3A_686] {strides = array<i32>} : memref<16x128xf32, #tpu.memory_space<vmem>>, vector<1x16xf32>,
    %swap3A_688 = vector.shape_cast %swap3A_687 : vector<1x16xf32> to vector<16xf32>
    %swap3A_689 = vector.shape_cast %broadcast_in_dim3A_0 : vector<16xf32> to vector<1x16xf32>
    tpu.vector_store %arg10[%swap3A_685, %swap3A_686], %swap3A_689 {strides = array<i32>} : memref<16x128xf32, #tpu.memory_space<vmem>>, vector<1x16xf32>,
    %swap3A_690 = arith.constant 14 : i32
    %swap3A_691 = arith.index_cast %swap3A_690 : i32 to index
    %swap3A_692 = arith.constant 48 : index
    %swap3A_693 = tpu.vector_load %arg10[%swap3A_691, %swap3A_692] {strides = array<i32>} : memref<16x128xf32, #tpu.memory_space<vmem>>, vector<1x16xf32>,
    %swap3A_694 = vector.shape_cast %swap3A_693 : vector<1x16xf32> to vector<16xf32>
    %swap3A_695 = vector.shape_cast %broadcast_in_dim3A_0 : vector<16xf32> to vector<1x16xf32>
    tpu.vector_store %arg10[%swap3A_691, %swap3A_692], %swap3A_695 {strides = array<i32>} : memref<16x128xf32, #tpu.memory_space<vmem>>, vector<1x16xf32>,
    %swap3A_696 = arith.constant 14 : i32
    %swap3A_697 = arith.index_cast %swap3A_696 : i32 to index
    %swap3A_698 = arith.constant 64 : index
    %swap3A_699 = tpu.vector_load %arg10[%swap3A_697, %swap3A_698] {strides = array<i32>} : memref<16x128xf32, #tpu.memory_space<vmem>>, vector<1x16xf32>,
    %swap3A_700 = vector.shape_cast %swap3A_699 : vector<1x16xf32> to vector<16xf32>
    %swap3A_701 = vector.shape_cast %broadcast_in_dim3A_0 : vector<16xf32> to vector<1x16xf32>
    tpu.vector_store %arg10[%swap3A_697, %swap3A_698], %swap3A_701 {strides = array<i32>} : memref<16x128xf32, #tpu.memory_space<vmem>>, vector<1x16xf32>,
    %swap3A_702 = arith.constant 14 : i32
    %swap3A_703 = arith.index_cast %swap3A_702 : i32 to index
    %swap3A_704 = arith.constant 80 : index
    %swap3A_705 = tpu.vector_load %arg10[%swap3A_703, %swap3A_704] {strides = array<i32>} : memref<16x128xf32, #tpu.memory_space<vmem>>, vector<1x16xf32>,
    %swap3A_706 = vector.shape_cast %swap3A_705 : vector<1x16xf32> to vector<16xf32>
    %swap3A_707 = vector.shape_cast %broadcast_in_dim3A_0 : vector<16xf32> to vector<1x16xf32>
    tpu.vector_store %arg10[%swap3A_703, %swap3A_704], %swap3A_707 {strides = array<i32>} : memref<16x128xf32, #tpu.memory_space<vmem>>, vector<1x16xf32>,
    %swap3A_708 = arith.constant 14 : i32
    %swap3A_709 = arith.index_cast %swap3A_708 : i32 to index
    %swap3A_710 = arith.constant 96 : index
    %swap3A_711 = tpu.vector_load %arg10[%swap3A_709, %swap3A_710] {strides = array<i32>} : memref<16x128xf32, #tpu.memory_space<vmem>>, vector<1x16xf32>,
    %swap3A_712 = vector.shape_cast %swap3A_711 : vector<1x16xf32> to vector<16xf32>
    %swap3A_713 = vector.shape_cast %broadcast_in_dim3A_0 : vector<16xf32> to vector<1x16xf32>
    tpu.vector_store %arg10[%swap3A_709, %swap3A_710], %swap3A_713 {strides = array<i32>} : memref<16x128xf32, #tpu.memory_space<vmem>>, vector<1x16xf32>,
    %swap3A_714 = arith.constant 14 : i32
    %swap3A_715 = arith.index_cast %swap3A_714 : i32 to index
    %swap3A_716 = arith.constant 112 : index
    %swap3A_717 = tpu.vector_load %arg10[%swap3A_715, %swap3A_716] {strides = array<i32>} : memref<16x128xf32, #tpu.memory_space<vmem>>, vector<1x16xf32>,
    %swap3A_718 = vector.shape_cast %swap3A_717 : vector<1x16xf32> to vector<16xf32>
    %swap3A_719 = vector.shape_cast %broadcast_in_dim3A_0 : vector<16xf32> to vector<1x16xf32>
    tpu.vector_store %arg10[%swap3A_715, %swap3A_716], %swap3A_719 {strides = array<i32>} : memref<16x128xf32, #tpu.memory_space<vmem>>, vector<1x16xf32>,
    %swap3A_720 = arith.constant 15 : i32
    %swap3A_721 = arith.index_cast %swap3A_720 : i32 to index
    %swap3A_722 = arith.constant 0 : index
    %swap3A_723 = tpu.vector_load %arg10[%swap3A_721, %swap3A_722] {strides = array<i32>} : memref<16x128xf32, #tpu.memory_space<vmem>>, vector<1x16xf32>,
    %swap3A_724 = vector.shape_cast %swap3A_723 : vector<1x16xf32> to vector<16xf32>
    %swap3A_725 = vector.shape_cast %broadcast_in_dim3A_0 : vector<16xf32> to vector<1x16xf32>
    tpu.vector_store %arg10[%swap3A_721, %swap3A_722], %swap3A_725 {strides = array<i32>} : memref<16x128xf32, #tpu.memory_space<vmem>>, vector<1x16xf32>,
    %swap3A_726 = arith.constant 15 : i32
    %swap3A_727 = arith.index_cast %swap3A_726 : i32 to index
    %swap3A_728 = arith.constant 16 : index
    %swap3A_729 = tpu.vector_load %arg10[%swap3A_727, %swap3A_728] {strides = array<i32>} : memref<16x128xf32, #tpu.memory_space<vmem>>, vector<1x16xf32>,
    %swap3A_730 = vector.shape_cast %swap3A_729 : vector<1x16xf32> to vector<16xf32>
    %swap3A_731 = vector.shape_cast %broadcast_in_dim3A_0 : vector<16xf32> to vector<1x16xf32>
    tpu.vector_store %arg10[%swap3A_727, %swap3A_728], %swap3A_731 {strides = array<i32>} : memref<16x128xf32, #tpu.memory_space<vmem>>, vector<1x16xf32>,
    %swap3A_732 = arith.constant 15 : i32
    %swap3A_733 = arith.index_cast %swap3A_732 : i32 to index
    %swap3A_734 = arith.constant 32 : index
    %swap3A_735 = tpu.vector_load %arg10[%swap3A_733, %swap3A_734] {strides = array<i32>} : memref<16x128xf32, #tpu.memory_space<vmem>>, vector<1x16xf32>,
    %swap3A_736 = vector.shape_cast %swap3A_735 : vector<1x16xf32> to vector<16xf32>
    %swap3A_737 = vector.shape_cast %broadcast_in_dim3A_0 : vector<16xf32> to vector<1x16xf32>
    tpu.vector_store %arg10[%swap3A_733, %swap3A_734], %swap3A_737 {strides = array<i32>} : memref<16x128xf32, #tpu.memory_space<vmem>>, vector<1x16xf32>,
    %swap3A_738 = arith.constant 15 : i32
    %swap3A_739 = arith.index_cast %swap3A_738 : i32 to index
    %swap3A_740 = arith.constant 48 : index
    %swap3A_741 = tpu.vector_load %arg10[%swap3A_739, %swap3A_740] {strides = array<i32>} : memref<16x128xf32, #tpu.memory_space<vmem>>, vector<1x16xf32>,
    %swap3A_742 = vector.shape_cast %swap3A_741 : vector<1x16xf32> to vector<16xf32>
    %swap3A_743 = vector.shape_cast %broadcast_in_dim3A_0 : vector<16xf32> to vector<1x16xf32>
    tpu.vector_store %arg10[%swap3A_739, %swap3A_740], %swap3A_743 {strides = array<i32>} : memref<16x128xf32, #tpu.memory_space<vmem>>, vector<1x16xf32>,
    %swap3A_744 = arith.constant 15 : i32
    %swap3A_745 = arith.index_cast %swap3A_744 : i32 to index
    %swap3A_746 = arith.constant 64 : index
    %swap3A_747 = tpu.vector_load %arg10[%swap3A_745, %swap3A_746] {strides = array<i32>} : memref<16x128xf32, #tpu.memory_space<vmem>>, vector<1x16xf32>,
    %swap3A_748 = vector.shape_cast %swap3A_747 : vector<1x16xf32> to vector<16xf32>
    %swap3A_749 = vector.shape_cast %broadcast_in_dim3A_0 : vector<16xf32> to vector<1x16xf32>
    tpu.vector_store %arg10[%swap3A_745, %swap3A_746], %swap3A_749 {strides = array<i32>} : memref<16x128xf32, #tpu.memory_space<vmem>>, vector<1x16xf32>,
    %swap3A_750 = arith.constant 15 : i32
    %swap3A_751 = arith.index_cast %swap3A_750 : i32 to index
    %swap3A_752 = arith.constant 80 : index
    %swap3A_753 = tpu.vector_load %arg10[%swap3A_751, %swap3A_752] {strides = array<i32>} : memref<16x128xf32, #tpu.memory_space<vmem>>, vector<1x16xf32>,
    %swap3A_754 = vector.shape_cast %swap3A_753 : vector<1x16xf32> to vector<16xf32>
    %swap3A_755 = vector.shape_cast %broadcast_in_dim3A_0 : vector<16xf32> to vector<1x16xf32>
    tpu.vector_store %arg10[%swap3A_751, %swap3A_752], %swap3A_755 {strides = array<i32>} : memref<16x128xf32, #tpu.memory_space<vmem>>, vector<1x16xf32>,
    %swap3A_756 = arith.constant 15 : i32
    %swap3A_757 = arith.index_cast %swap3A_756 : i32 to index
    %swap3A_758 = arith.constant 96 : index
    %swap3A_759 = tpu.vector_load %arg10[%swap3A_757, %swap3A_758] {strides = array<i32>} : memref<16x128xf32, #tpu.memory_space<vmem>>, vector<1x16xf32>,
    %swap3A_760 = vector.shape_cast %swap3A_759 : vector<1x16xf32> to vector<16xf32>
    %swap3A_761 = vector.shape_cast %broadcast_in_dim3A_0 : vector<16xf32> to vector<1x16xf32>
    tpu.vector_store %arg10[%swap3A_757, %swap3A_758], %swap3A_761 {strides = array<i32>} : memref<16x128xf32, #tpu.memory_space<vmem>>, vector<1x16xf32>,
    %swap3A_762 = arith.constant 15 : i32
    %swap3A_763 = arith.index_cast %swap3A_762 : i32 to index
    %swap3A_764 = arith.constant 112 : index
    %swap3A_765 = tpu.vector_load %arg10[%swap3A_763, %swap3A_764] {strides = array<i32>} : memref<16x128xf32, #tpu.memory_space<vmem>>, vector<1x16xf32>,
    %swap3A_766 = vector.shape_cast %swap3A_765 : vector<1x16xf32> to vector<16xf32>
    %swap3A_767 = vector.shape_cast %broadcast_in_dim3A_0 : vector<16xf32> to vector<1x16xf32>
    tpu.vector_store %arg10[%swap3A_763, %swap3A_764], %swap3A_767 {strides = array<i32>} : memref<16x128xf32, #tpu.memory_space<vmem>>, vector<1x16xf32>,
    %mul3A = arith.constant 640 : i32
    %mul3A_768 = arith.muli %arg1, %mul3A : i32
    %scan3A = arith.constant 0 : i32
    %scan3A_769 = arith.constant 0 : i32
    %scan3A_770 = arith.constant 40 : i32
    %scan3A_771 = arith.addi %scan3A_769, %scan3A_770 : i32
    %scan3A_772 = arith.constant 1 : i32
    scf.for %scan3A_785 = %scan3A_769 to %scan3A_771 step %scan3A_772  : i32 {
      %mul3A_786 = arith.constant 16 : i32
      %mul3A_787 = arith.muli %scan3A_785, %mul3A_786 : i32
      %add3A_788 = arith.addi %mul3A_768, %mul3A_787 : i32
      "tpu.region"() ({
        %run_scoped3A = tpu.sem_alloc : memref<!tpu.dma_semaphore, #tpu.memory_space<semaphore_mem>>
        %dma_start3A = arith.constant 0 : i32
        %dma_start3A_789 = tpu.memref_slice %arg6[%add3A_788, %dma_start3A] : memref<10240x128xf32, #tpu.memory_space<vmem_shared>> -> memref<16x128xf32, #tpu.memory_space<vmem_shared>>
        %dma_start3A_790 = arith.constant 0 : i32
        %dma_start3A_791 = tpu.memref_slice %arg6[%add3A_788, %dma_start3A_790] : memref<10240x128xf32, #tpu.memory_space<vmem_shared>> -> memref<16x128xf32, #tpu.memory_space<vmem_shared>>
        tpu.enqueue_dma source(%arg10 : memref<16x128xf32, #tpu.memory_space<vmem>>) target(%dma_start3A_791 : memref<16x128xf32, #tpu.memory_space<vmem_shared>>) target_semaphore(%run_scoped3A : memref<!tpu.dma_semaphore, #tpu.memory_space<semaphore_mem>>)
        %dma_wait3A = arith.constant 0 : i32
        %dma_wait3A_792 = tpu.memref_slice %arg6[%add3A_788, %dma_wait3A] : memref<10240x128xf32, #tpu.memory_space<vmem_shared>> -> memref<16x128xf32, #tpu.memory_space<vmem_shared>>
        %dma_wait3A_793 = arith.constant 0 : i32
        %dma_wait3A_794 = tpu.memref_slice %arg6[%add3A_788, %dma_wait3A_793] : memref<10240x128xf32, #tpu.memory_space<vmem_shared>> -> memref<16x128xf32, #tpu.memory_space<vmem_shared>>
        tpu.wait_dma2 semaphore(%run_scoped3A : memref<!tpu.dma_semaphore, #tpu.memory_space<semaphore_mem>>) src(%arg10 : memref<16x128xf32, #tpu.memory_space<vmem>>) dst(%dma_wait3A_794 : memref<16x128xf32, #tpu.memory_space<vmem_shared>>)
        tpu.yield
      }) : () -> ()
    }
    %scan3A_773 = arith.constant 40 : i32
    %barrier3A = arith.constant 0 : index
    tpu.barrier barrier_id(%barrier3A)
    %mul3A_774 = arith.constant 16 : i32
    %mul3A_775 = arith.muli %arg0, %mul3A_774 : i32
    %add3A = arith.addi %mul3A_775, %arg1 : i32
    %mul3A_776 = arith.constant 10112 : i32
    %mul3A_777 = arith.muli %add3A, %mul3A_776 : i32
    %scan3A_778 = arith.constant 0 : i32
    %scan3A_779 = arith.constant 0 : i32
    %scan3A_780 = arith.constant 79 : i32
    %scan3A_781 = arith.addi %scan3A_779, %scan3A_780 : i32
    %scan3A_782 = arith.constant 1 : i32
    scf.for %scan3A_785 = %scan3A_779 to %scan3A_781 step %scan3A_782  : i32 {
      %mul3A_786 = arith.constant 128 : i32
      %mul3A_787 = arith.muli %scan3A_785, %mul3A_786 : i32
      %add3A_788 = arith.addi %mul3A_777, %mul3A_787 : i32
      %run_scoped3A = arith.constant 0 : i32
      "tpu.region"() ({
        %run_scoped3A_814 = tpu.sem_alloc : memref<!tpu.dma_semaphore, #tpu.memory_space<semaphore_mem>>
        %dma_start3A_815 = arith.constant 0 : i32
        %dma_start3A_816 = tpu.memref_slice %arg7[%run_scoped3A, %dma_start3A_815] : memref<1x128xi32, #tpu.memory_space<vmem>> -> memref<1x128xi32, #tpu.memory_space<vmem>>
        %dma_start3A_817 = tpu.memref_squeeze %dma_start3A_816 : memref<1x128xi32, #tpu.memory_space<vmem>> -> memref<128xi32, #tpu.memory_space<vmem>>
        %dma_start3A_818 = tpu.memref_slice %arg3[%add3A_788] : memref<323584xi32, #tpu.memory_space<hbm>> -> memref<128xi32, #tpu.memory_space<hbm>>
        %dma_start3A_819 = arith.constant 0 : i32
        %dma_start3A_820 = tpu.memref_slice %arg7[%run_scoped3A, %dma_start3A_819] : memref<1x128xi32, #tpu.memory_space<vmem>> -> memref<1x128xi32, #tpu.memory_space<vmem>>
        %dma_start3A_821 = tpu.memref_squeeze %dma_start3A_820 : memref<1x128xi32, #tpu.memory_space<vmem>> -> memref<128xi32, #tpu.memory_space<vmem>>
        %dma_start3A_822 = tpu.memref_slice %arg3[%add3A_788] : memref<323584xi32, #tpu.memory_space<hbm>> -> memref<128xi32, #tpu.memory_space<hbm>>
        tpu.enqueue_dma source(%dma_start3A_822 : memref<128xi32, #tpu.memory_space<hbm>>) target(%dma_start3A_821 : memref<128xi32, #tpu.memory_space<vmem>>) target_semaphore(%run_scoped3A_814 : memref<!tpu.dma_semaphore, #tpu.memory_space<semaphore_mem>>)
        %dma_wait3A_823 = arith.constant 0 : i32
        %dma_wait3A_824 = tpu.memref_slice %arg7[%run_scoped3A, %dma_wait3A_823] : memref<1x128xi32, #tpu.memory_space<vmem>> -> memref<1x128xi32, #tpu.memory_space<vmem>>
        %dma_wait3A_825 = tpu.memref_squeeze %dma_wait3A_824 : memref<1x128xi32, #tpu.memory_space<vmem>> -> memref<128xi32, #tpu.memory_space<vmem>>
        %dma_wait3A_826 = tpu.memref_slice %arg3[%add3A_788] : memref<323584xi32, #tpu.memory_space<hbm>> -> memref<128xi32, #tpu.memory_space<hbm>>
        %dma_wait3A_827 = arith.constant 0 : i32
        %dma_wait3A_828 = tpu.memref_slice %arg7[%run_scoped3A, %dma_wait3A_827] : memref<1x128xi32, #tpu.memory_space<vmem>> -> memref<1x128xi32, #tpu.memory_space<vmem>>
        %dma_wait3A_829 = tpu.memref_squeeze %dma_wait3A_828 : memref<1x128xi32, #tpu.memory_space<vmem>> -> memref<128xi32, #tpu.memory_space<vmem>>
        %dma_wait3A_830 = tpu.memref_slice %arg3[%add3A_788] : memref<323584xi32, #tpu.memory_space<hbm>> -> memref<128xi32, #tpu.memory_space<hbm>>
        tpu.wait_dma2 semaphore(%run_scoped3A_814 : memref<!tpu.dma_semaphore, #tpu.memory_space<semaphore_mem>>) src(%dma_wait3A_830 : memref<128xi32, #tpu.memory_space<hbm>>) dst(%dma_wait3A_829 : memref<128xi32, #tpu.memory_space<vmem>>)
        tpu.yield
      }) : () -> ()
      %run_scoped3A_789 = arith.constant 0 : i32
      "tpu.region"() ({
        %run_scoped3A_814 = tpu.sem_alloc : memref<!tpu.dma_semaphore, #tpu.memory_space<semaphore_mem>>
        %dma_start3A_815 = arith.constant 0 : i32
        %dma_start3A_816 = tpu.memref_slice %arg8[%run_scoped3A_789, %dma_start3A_815] : memref<1x128xi32, #tpu.memory_space<vmem>> -> memref<1x128xi32, #tpu.memory_space<vmem>>
        %dma_start3A_817 = tpu.memref_squeeze %dma_start3A_816 : memref<1x128xi32, #tpu.memory_space<vmem>> -> memref<128xi32, #tpu.memory_space<vmem>>
        %dma_start3A_818 = tpu.memref_slice %arg4[%add3A_788] : memref<323584xi32, #tpu.memory_space<hbm>> -> memref<128xi32, #tpu.memory_space<hbm>>
        %dma_start3A_819 = arith.constant 0 : i32
        %dma_start3A_820 = tpu.memref_slice %arg8[%run_scoped3A_789, %dma_start3A_819] : memref<1x128xi32, #tpu.memory_space<vmem>> -> memref<1x128xi32, #tpu.memory_space<vmem>>
        %dma_start3A_821 = tpu.memref_squeeze %dma_start3A_820 : memref<1x128xi32, #tpu.memory_space<vmem>> -> memref<128xi32, #tpu.memory_space<vmem>>
        %dma_start3A_822 = tpu.memref_slice %arg4[%add3A_788] : memref<323584xi32, #tpu.memory_space<hbm>> -> memref<128xi32, #tpu.memory_space<hbm>>
        tpu.enqueue_dma source(%dma_start3A_822 : memref<128xi32, #tpu.memory_space<hbm>>) target(%dma_start3A_821 : memref<128xi32, #tpu.memory_space<vmem>>) target_semaphore(%run_scoped3A_814 : memref<!tpu.dma_semaphore, #tpu.memory_space<semaphore_mem>>)
        %dma_wait3A_823 = arith.constant 0 : i32
        %dma_wait3A_824 = tpu.memref_slice %arg8[%run_scoped3A_789, %dma_wait3A_823] : memref<1x128xi32, #tpu.memory_space<vmem>> -> memref<1x128xi32, #tpu.memory_space<vmem>>
        %dma_wait3A_825 = tpu.memref_squeeze %dma_wait3A_824 : memref<1x128xi32, #tpu.memory_space<vmem>> -> memref<128xi32, #tpu.memory_space<vmem>>
        %dma_wait3A_826 = tpu.memref_slice %arg4[%add3A_788] : memref<323584xi32, #tpu.memory_space<hbm>> -> memref<128xi32, #tpu.memory_space<hbm>>
        %dma_wait3A_827 = arith.constant 0 : i32
        %dma_wait3A_828 = tpu.memref_slice %arg8[%run_scoped3A_789, %dma_wait3A_827] : memref<1x128xi32, #tpu.memory_space<vmem>> -> memref<1x128xi32, #tpu.memory_space<vmem>>
        %dma_wait3A_829 = tpu.memref_squeeze %dma_wait3A_828 : memref<1x128xi32, #tpu.memory_space<vmem>> -> memref<128xi32, #tpu.memory_space<vmem>>
        %dma_wait3A_830 = tpu.memref_slice %arg4[%add3A_788] : memref<323584xi32, #tpu.memory_space<hbm>> -> memref<128xi32, #tpu.memory_space<hbm>>
        tpu.wait_dma2 semaphore(%run_scoped3A_814 : memref<!tpu.dma_semaphore, #tpu.memory_space<semaphore_mem>>) src(%dma_wait3A_830 : memref<128xi32, #tpu.memory_space<hbm>>) dst(%dma_wait3A_829 : memref<128xi32, #tpu.memory_space<vmem>>)
        tpu.yield
      }) : () -> ()
      %dma_start3A = arith.constant 0 : i32
      %dma_start3A_790 = arith.constant 0 : i32
      %dma_start3A_791 = arith.constant 0 : i32
      %dma_start3A_792 = arith.constant 0 : i32
      %dma_start3A_793 = tpu.memref_slice %arg9[%dma_start3A_790, %dma_start3A_791, %dma_start3A_792] : memref<1x128x128xf32, #tpu.memory_space<vmem>> -> memref<1x128x128xf32, #tpu.memory_space<vmem>>
      %dma_start3A_794 = tpu.memref_squeeze %dma_start3A_793 : memref<1x128x128xf32, #tpu.memory_space<vmem>> -> memref<128x128xf32, #tpu.memory_space<vmem>>
      %dma_start3A_795 = arith.constant 0 : i32
      %dma_start3A_796 = tpu.memref_slice %arg7[%dma_start3A, %dma_start3A_795] : memref<1x128xi32, #tpu.memory_space<vmem>> -> memref<1x128xi32, #tpu.memory_space<vmem>>
      %dma_start3A_797 = tpu.memref_squeeze %dma_start3A_796 : memref<1x128xi32, #tpu.memory_space<vmem>> -> memref<128xi32, #tpu.memory_space<vmem>>
      %dma_start3A_798 = arith.constant 0 : i32
      %dma_start3A_799 = arith.constant 0 : i32
      %dma_start3A_800 = tpu.memref_slice %arg2[%dma_start3A_798, %dma_start3A_799] : memref<10000x128xf32, #tpu.memory_space<hbm>> -> memref<10000x128xf32, #tpu.memory_space<hbm>>
      tpu.enqueue_indirect_dma source(%dma_start3A_800 : memref<10000x128xf32, #tpu.memory_space<hbm>>) target(%dma_start3A_794 : memref<128x128xf32, #tpu.memory_space<vmem>>) offsets(%dma_start3A_797 : memref<128xi32, #tpu.memory_space<vmem>>) semaphore(%arg11 : memref<!tpu.dma_semaphore, #tpu.memory_space<semaphore_mem>>)
      %dma_wait3A = arith.constant 0 : i32
      %dma_wait3A_801 = arith.constant 0 : i32
      %dma_wait3A_802 = arith.constant 0 : i32
      %dma_wait3A_803 = arith.constant 0 : i32
      %dma_wait3A_804 = tpu.memref_slice %arg9[%dma_wait3A_801, %dma_wait3A_802, %dma_wait3A_803] : memref<1x128x128xf32, #tpu.memory_space<vmem>> -> memref<1x128x128xf32, #tpu.memory_space<vmem>>
      %dma_wait3A_805 = tpu.memref_squeeze %dma_wait3A_804 : memref<1x128x128xf32, #tpu.memory_space<vmem>> -> memref<128x128xf32, #tpu.memory_space<vmem>>
      %dma_wait3A_806 = arith.constant 0 : i32
      %dma_wait3A_807 = tpu.memref_slice %arg7[%dma_wait3A, %dma_wait3A_806] : memref<1x128xi32, #tpu.memory_space<vmem>> -> memref<1x128xi32, #tpu.memory_space<vmem>>
      %dma_wait3A_808 = tpu.memref_squeeze %dma_wait3A_807 : memref<1x128xi32, #tpu.memory_space<vmem>> -> memref<128xi32, #tpu.memory_space<vmem>>
      %dma_wait3A_809 = arith.constant 0 : i32
      %dma_wait3A_810 = arith.constant 0 : i32
      %dma_wait3A_811 = tpu.memref_slice %arg2[%dma_wait3A_809, %dma_wait3A_810] : memref<10000x128xf32, #tpu.memory_space<hbm>> -> memref<10000x128xf32, #tpu.memory_space<hbm>>
      tpu.wait_indirect_dma semaphore(%arg11 : memref<!tpu.dma_semaphore, #tpu.memory_space<semaphore_mem>>) src(%dma_wait3A_811 : memref<10000x128xf32, #tpu.memory_space<hbm>>) dst(%dma_wait3A_805 : memref<128x128xf32, #tpu.memory_space<vmem>>)
      %run_scoped3A_812 = arith.constant 0 : i32
      %run_scoped3A_813 = arith.constant 0 : i32
      "tpu.region"() ({
        %run_scoped3A_814 = tpu.sem_alloc : memref<!tpu.dma_semaphore, #tpu.memory_space<semaphore_mem>>
        %dma_start3A_815 = arith.constant 0 : i32
        %dma_start3A_816 = arith.constant 0 : i32
        %dma_start3A_817 = tpu.memref_slice %arg9[%run_scoped3A_812, %dma_start3A_815, %dma_start3A_816] : memref<1x128x128xf32, #tpu.memory_space<vmem>> -> memref<1x128x128xf32, #tpu.memory_space<vmem>>
        %dma_start3A_818 = tpu.memref_squeeze %dma_start3A_817 : memref<1x128x128xf32, #tpu.memory_space<vmem>> -> memref<128x128xf32, #tpu.memory_space<vmem>>
        %dma_start3A_819 = arith.constant 0 : i32
        %dma_start3A_820 = tpu.memref_slice %arg8[%run_scoped3A_813, %dma_start3A_819] : memref<1x128xi32, #tpu.memory_space<vmem>> -> memref<1x128xi32, #tpu.memory_space<vmem>>
        %dma_start3A_821 = tpu.memref_squeeze %dma_start3A_820 : memref<1x128xi32, #tpu.memory_space<vmem>> -> memref<128xi32, #tpu.memory_space<vmem>>
        %dma_start3A_822 = arith.constant 0 : i32
        %dma_start3A_823 = arith.constant 0 : i32
        %dma_start3A_824 = tpu.memref_slice %arg6[%dma_start3A_822, %dma_start3A_823] : memref<10240x128xf32, #tpu.memory_space<vmem_shared>> -> memref<10240x128xf32, #tpu.memory_space<vmem_shared>>
        tpu.enqueue_indirect_dma source(%dma_start3A_818 : memref<128x128xf32, #tpu.memory_space<vmem>>) target(%dma_start3A_824 : memref<10240x128xf32, #tpu.memory_space<vmem_shared>>) offsets(%dma_start3A_821 : memref<128xi32, #tpu.memory_space<vmem>>) semaphore(%run_scoped3A_814 : memref<!tpu.dma_semaphore, #tpu.memory_space<semaphore_mem>>) {add = true}
        %dma_wait3A_825 = arith.constant 0 : i32
        %dma_wait3A_826 = arith.constant 0 : i32
        %dma_wait3A_827 = tpu.memref_slice %arg9[%run_scoped3A_812, %dma_wait3A_825, %dma_wait3A_826] : memref<1x128x128xf32, #tpu.memory_space<vmem>> -> memref<1x128x128xf32, #tpu.memory_space<vmem>>
        %dma_wait3A_828 = tpu.memref_squeeze %dma_wait3A_827 : memref<1x128x128xf32, #tpu.memory_space<vmem>> -> memref<128x128xf32, #tpu.memory_space<vmem>>
        %dma_wait3A_829 = arith.constant 0 : i32
        %dma_wait3A_830 = tpu.memref_slice %arg8[%run_scoped3A_813, %dma_wait3A_829] : memref<1x128xi32, #tpu.memory_space<vmem>> -> memref<1x128xi32, #tpu.memory_space<vmem>>
        %dma_wait3A_831 = tpu.memref_squeeze %dma_wait3A_830 : memref<1x128xi32, #tpu.memory_space<vmem>> -> memref<128xi32, #tpu.memory_space<vmem>>
        %dma_wait3A_832 = arith.constant 0 : i32
        %dma_wait3A_833 = arith.constant 0 : i32
        %dma_wait3A_834 = tpu.memref_slice %arg6[%dma_wait3A_832, %dma_wait3A_833] : memref<10240x128xf32, #tpu.memory_space<vmem_shared>> -> memref<10240x128xf32, #tpu.memory_space<vmem_shared>>
        tpu.wait_indirect_dma semaphore(%run_scoped3A_814 : memref<!tpu.dma_semaphore, #tpu.memory_space<semaphore_mem>>) src(%dma_wait3A_828 : memref<128x128xf32, #tpu.memory_space<vmem>>) dst(%dma_wait3A_834 : memref<10240x128xf32, #tpu.memory_space<vmem_shared>>)
        tpu.yield
      }) : () -> ()
    }
    %scan3A_783 = arith.constant 79 : i32
    %barrier3A_784 = arith.constant 0 : index
    tpu.barrier barrier_id(%barrier3A_784)
    "tpu.region"() ({
      %run_scoped3A = tpu.sem_alloc : memref<!tpu.dma_semaphore, #tpu.memory_space<semaphore_mem>>
      %dma_start3A = arith.constant 0 : i32
      %dma_start3A_785 = tpu.memref_slice %arg5[%arg0, %mul3A_768, %dma_start3A] : memref<2x10240x128xf32, #tpu.memory_space<hbm>> -> memref<1x640x128xf32, #tpu.memory_space<hbm>>
      %dma_start3A_786 = tpu.memref_squeeze %dma_start3A_785 : memref<1x640x128xf32, #tpu.memory_space<hbm>> -> memref<640x128xf32, #tpu.memory_space<hbm>>
      %dma_start3A_787 = arith.constant 0 : i32
      %dma_start3A_788 = tpu.memref_slice %arg6[%mul3A_768, %dma_start3A_787] : memref<10240x128xf32, #tpu.memory_space<vmem_shared>> -> memref<640x128xf32, #tpu.memory_space<vmem_shared>>
      tpu.enqueue_dma source(%dma_start3A_788 : memref<640x128xf32, #tpu.memory_space<vmem_shared>>) target(%dma_start3A_786 : memref<640x128xf32, #tpu.memory_space<hbm>>) target_semaphore(%run_scoped3A : memref<!tpu.dma_semaphore, #tpu.memory_space<semaphore_mem>>)
      %dma_wait3A = arith.constant 0 : i32
      %dma_wait3A_789 = tpu.memref_slice %arg5[%arg0, %mul3A_768, %dma_wait3A] : memref<2x10240x128xf32, #tpu.memory_space<hbm>> -> memref<1x640x128xf32, #tpu.memory_space<hbm>>
      %dma_wait3A_790 = tpu.memref_squeeze %dma_wait3A_789 : memref<1x640x128xf32, #tpu.memory_space<hbm>> -> memref<640x128xf32, #tpu.memory_space<hbm>>
      %dma_wait3A_791 = arith.constant 0 : i32
      %dma_wait3A_792 = tpu.memref_slice %arg6[%mul3A_768, %dma_wait3A_791] : memref<10240x128xf32, #tpu.memory_space<vmem_shared>> -> memref<640x128xf32, #tpu.memory_space<vmem_shared>>
      tpu.wait_dma2 semaphore(%run_scoped3A : memref<!tpu.dma_semaphore, #tpu.memory_space<semaphore_mem>>) src(%dma_wait3A_792 : memref<640x128xf32, #tpu.memory_space<vmem_shared>>) dst(%dma_wait3A_790 : memref<640x128xf32, #tpu.memory_space<hbm>>)
      tpu.yield
    }) : () -> ()
    return
  }
}

#map = affine_map<(d0, d1) -> (0, 0)>
#map1 = affine_map<(d0, d1) -> (0)>
#map2 = affine_map<(d0, d1) -> (0, 0, 0)>
module attributes {stable_mosaic.version = 14 : i64} {
  func.func @_scatter_body(%arg0: i32, %arg1: i32, %arg2: memref<10000x64xf32, #tpu.memory_space<hbm>>, %arg3: memref<323584xi32, #tpu.memory_space<hbm>>, %arg4: memref<323584xi32, #tpu.memory_space<hbm>>, %arg5: memref<2x10240x64xf32, #tpu.memory_space<hbm>>, %arg6: memref<10240x64xf32, #tpu.memory_space<vmem_shared>>, %arg7: memref<1x128xi32, #tpu.memory_space<vmem>>, %arg8: memref<1x128xi32, #tpu.memory_space<vmem>>, %arg9: memref<1x128x64xf32, #tpu.memory_space<vmem>>, %arg10: memref<16x64xf32, #tpu.memory_space<vmem>>, %arg11: memref<!tpu.dma_semaphore, #tpu.memory_space<semaphore_mem>>) attributes {dimension_semantics = [#tpu.dimension_semantics<core_parallel>, #tpu.dimension_semantics<subcore_parallel>], iteration_bounds = array<i64: 2, 16>, scalar_prefetch = 0 : i64, scratch_operands = 6 : i64, tpu.core_type = #tpu.core_type<sc_vector_subcore>, window_params = [{transform_indices = #map}, {transform_indices = #map1}, {transform_indices = #map1}, {transform_indices = #map2}]} {
    %broadcast_in_dim3A = arith.constant 0.000000e+00 : f32
    %broadcast_in_dim3A_0 = vector.broadcast %broadcast_in_dim3A : f32 to vector<16xf32>
    %swap3A = arith.constant 0 : i32
    %swap3A_1 = arith.index_cast %swap3A : i32 to index
    %swap3A_2 = arith.constant 0 : index
    %swap3A_3 = tpu.vector_load %arg10[%swap3A_1, %swap3A_2] {strides = array<i32>} : memref<16x64xf32, #tpu.memory_space<vmem>>, vector<1x16xf32>,
    %swap3A_4 = vector.shape_cast %swap3A_3 : vector<1x16xf32> to vector<16xf32>
    %swap3A_5 = vector.shape_cast %broadcast_in_dim3A_0 : vector<16xf32> to vector<1x16xf32>
    tpu.vector_store %arg10[%swap3A_1, %swap3A_2], %swap3A_5 {strides = array<i32>} : memref<16x64xf32, #tpu.memory_space<vmem>>, vector<1x16xf32>,
    %swap3A_6 = arith.constant 0 : i32
    %swap3A_7 = arith.index_cast %swap3A_6 : i32 to index
    %swap3A_8 = arith.constant 16 : index
    %swap3A_9 = tpu.vector_load %arg10[%swap3A_7, %swap3A_8] {strides = array<i32>} : memref<16x64xf32, #tpu.memory_space<vmem>>, vector<1x16xf32>,
    %swap3A_10 = vector.shape_cast %swap3A_9 : vector<1x16xf32> to vector<16xf32>
    %swap3A_11 = vector.shape_cast %broadcast_in_dim3A_0 : vector<16xf32> to vector<1x16xf32>
    tpu.vector_store %arg10[%swap3A_7, %swap3A_8], %swap3A_11 {strides = array<i32>} : memref<16x64xf32, #tpu.memory_space<vmem>>, vector<1x16xf32>,
    %swap3A_12 = arith.constant 0 : i32
    %swap3A_13 = arith.index_cast %swap3A_12 : i32 to index
    %swap3A_14 = arith.constant 32 : index
    %swap3A_15 = tpu.vector_load %arg10[%swap3A_13, %swap3A_14] {strides = array<i32>} : memref<16x64xf32, #tpu.memory_space<vmem>>, vector<1x16xf32>,
    %swap3A_16 = vector.shape_cast %swap3A_15 : vector<1x16xf32> to vector<16xf32>
    %swap3A_17 = vector.shape_cast %broadcast_in_dim3A_0 : vector<16xf32> to vector<1x16xf32>
    tpu.vector_store %arg10[%swap3A_13, %swap3A_14], %swap3A_17 {strides = array<i32>} : memref<16x64xf32, #tpu.memory_space<vmem>>, vector<1x16xf32>,
    %swap3A_18 = arith.constant 0 : i32
    %swap3A_19 = arith.index_cast %swap3A_18 : i32 to index
    %swap3A_20 = arith.constant 48 : index
    %swap3A_21 = tpu.vector_load %arg10[%swap3A_19, %swap3A_20] {strides = array<i32>} : memref<16x64xf32, #tpu.memory_space<vmem>>, vector<1x16xf32>,
    %swap3A_22 = vector.shape_cast %swap3A_21 : vector<1x16xf32> to vector<16xf32>
    %swap3A_23 = vector.shape_cast %broadcast_in_dim3A_0 : vector<16xf32> to vector<1x16xf32>
    tpu.vector_store %arg10[%swap3A_19, %swap3A_20], %swap3A_23 {strides = array<i32>} : memref<16x64xf32, #tpu.memory_space<vmem>>, vector<1x16xf32>,
    %swap3A_24 = arith.constant 1 : i32
    %swap3A_25 = arith.index_cast %swap3A_24 : i32 to index
    %swap3A_26 = arith.constant 0 : index
    %swap3A_27 = tpu.vector_load %arg10[%swap3A_25, %swap3A_26] {strides = array<i32>} : memref<16x64xf32, #tpu.memory_space<vmem>>, vector<1x16xf32>,
    %swap3A_28 = vector.shape_cast %swap3A_27 : vector<1x16xf32> to vector<16xf32>
    %swap3A_29 = vector.shape_cast %broadcast_in_dim3A_0 : vector<16xf32> to vector<1x16xf32>
    tpu.vector_store %arg10[%swap3A_25, %swap3A_26], %swap3A_29 {strides = array<i32>} : memref<16x64xf32, #tpu.memory_space<vmem>>, vector<1x16xf32>,
    %swap3A_30 = arith.constant 1 : i32
    %swap3A_31 = arith.index_cast %swap3A_30 : i32 to index
    %swap3A_32 = arith.constant 16 : index
    %swap3A_33 = tpu.vector_load %arg10[%swap3A_31, %swap3A_32] {strides = array<i32>} : memref<16x64xf32, #tpu.memory_space<vmem>>, vector<1x16xf32>,
    %swap3A_34 = vector.shape_cast %swap3A_33 : vector<1x16xf32> to vector<16xf32>
    %swap3A_35 = vector.shape_cast %broadcast_in_dim3A_0 : vector<16xf32> to vector<1x16xf32>
    tpu.vector_store %arg10[%swap3A_31, %swap3A_32], %swap3A_35 {strides = array<i32>} : memref<16x64xf32, #tpu.memory_space<vmem>>, vector<1x16xf32>,
    %swap3A_36 = arith.constant 1 : i32
    %swap3A_37 = arith.index_cast %swap3A_36 : i32 to index
    %swap3A_38 = arith.constant 32 : index
    %swap3A_39 = tpu.vector_load %arg10[%swap3A_37, %swap3A_38] {strides = array<i32>} : memref<16x64xf32, #tpu.memory_space<vmem>>, vector<1x16xf32>,
    %swap3A_40 = vector.shape_cast %swap3A_39 : vector<1x16xf32> to vector<16xf32>
    %swap3A_41 = vector.shape_cast %broadcast_in_dim3A_0 : vector<16xf32> to vector<1x16xf32>
    tpu.vector_store %arg10[%swap3A_37, %swap3A_38], %swap3A_41 {strides = array<i32>} : memref<16x64xf32, #tpu.memory_space<vmem>>, vector<1x16xf32>,
    %swap3A_42 = arith.constant 1 : i32
    %swap3A_43 = arith.index_cast %swap3A_42 : i32 to index
    %swap3A_44 = arith.constant 48 : index
    %swap3A_45 = tpu.vector_load %arg10[%swap3A_43, %swap3A_44] {strides = array<i32>} : memref<16x64xf32, #tpu.memory_space<vmem>>, vector<1x16xf32>,
    %swap3A_46 = vector.shape_cast %swap3A_45 : vector<1x16xf32> to vector<16xf32>
    %swap3A_47 = vector.shape_cast %broadcast_in_dim3A_0 : vector<16xf32> to vector<1x16xf32>
    tpu.vector_store %arg10[%swap3A_43, %swap3A_44], %swap3A_47 {strides = array<i32>} : memref<16x64xf32, #tpu.memory_space<vmem>>, vector<1x16xf32>,
    %swap3A_48 = arith.constant 2 : i32
    %swap3A_49 = arith.index_cast %swap3A_48 : i32 to index
    %swap3A_50 = arith.constant 0 : index
    %swap3A_51 = tpu.vector_load %arg10[%swap3A_49, %swap3A_50] {strides = array<i32>} : memref<16x64xf32, #tpu.memory_space<vmem>>, vector<1x16xf32>,
    %swap3A_52 = vector.shape_cast %swap3A_51 : vector<1x16xf32> to vector<16xf32>
    %swap3A_53 = vector.shape_cast %broadcast_in_dim3A_0 : vector<16xf32> to vector<1x16xf32>
    tpu.vector_store %arg10[%swap3A_49, %swap3A_50], %swap3A_53 {strides = array<i32>} : memref<16x64xf32, #tpu.memory_space<vmem>>, vector<1x16xf32>,
    %swap3A_54 = arith.constant 2 : i32
    %swap3A_55 = arith.index_cast %swap3A_54 : i32 to index
    %swap3A_56 = arith.constant 16 : index
    %swap3A_57 = tpu.vector_load %arg10[%swap3A_55, %swap3A_56] {strides = array<i32>} : memref<16x64xf32, #tpu.memory_space<vmem>>, vector<1x16xf32>,
    %swap3A_58 = vector.shape_cast %swap3A_57 : vector<1x16xf32> to vector<16xf32>
    %swap3A_59 = vector.shape_cast %broadcast_in_dim3A_0 : vector<16xf32> to vector<1x16xf32>
    tpu.vector_store %arg10[%swap3A_55, %swap3A_56], %swap3A_59 {strides = array<i32>} : memref<16x64xf32, #tpu.memory_space<vmem>>, vector<1x16xf32>,
    %swap3A_60 = arith.constant 2 : i32
    %swap3A_61 = arith.index_cast %swap3A_60 : i32 to index
    %swap3A_62 = arith.constant 32 : index
    %swap3A_63 = tpu.vector_load %arg10[%swap3A_61, %swap3A_62] {strides = array<i32>} : memref<16x64xf32, #tpu.memory_space<vmem>>, vector<1x16xf32>,
    %swap3A_64 = vector.shape_cast %swap3A_63 : vector<1x16xf32> to vector<16xf32>
    %swap3A_65 = vector.shape_cast %broadcast_in_dim3A_0 : vector<16xf32> to vector<1x16xf32>
    tpu.vector_store %arg10[%swap3A_61, %swap3A_62], %swap3A_65 {strides = array<i32>} : memref<16x64xf32, #tpu.memory_space<vmem>>, vector<1x16xf32>,
    %swap3A_66 = arith.constant 2 : i32
    %swap3A_67 = arith.index_cast %swap3A_66 : i32 to index
    %swap3A_68 = arith.constant 48 : index
    %swap3A_69 = tpu.vector_load %arg10[%swap3A_67, %swap3A_68] {strides = array<i32>} : memref<16x64xf32, #tpu.memory_space<vmem>>, vector<1x16xf32>,
    %swap3A_70 = vector.shape_cast %swap3A_69 : vector<1x16xf32> to vector<16xf32>
    %swap3A_71 = vector.shape_cast %broadcast_in_dim3A_0 : vector<16xf32> to vector<1x16xf32>
    tpu.vector_store %arg10[%swap3A_67, %swap3A_68], %swap3A_71 {strides = array<i32>} : memref<16x64xf32, #tpu.memory_space<vmem>>, vector<1x16xf32>,
    %swap3A_72 = arith.constant 3 : i32
    %swap3A_73 = arith.index_cast %swap3A_72 : i32 to index
    %swap3A_74 = arith.constant 0 : index
    %swap3A_75 = tpu.vector_load %arg10[%swap3A_73, %swap3A_74] {strides = array<i32>} : memref<16x64xf32, #tpu.memory_space<vmem>>, vector<1x16xf32>,
    %swap3A_76 = vector.shape_cast %swap3A_75 : vector<1x16xf32> to vector<16xf32>
    %swap3A_77 = vector.shape_cast %broadcast_in_dim3A_0 : vector<16xf32> to vector<1x16xf32>
    tpu.vector_store %arg10[%swap3A_73, %swap3A_74], %swap3A_77 {strides = array<i32>} : memref<16x64xf32, #tpu.memory_space<vmem>>, vector<1x16xf32>,
    %swap3A_78 = arith.constant 3 : i32
    %swap3A_79 = arith.index_cast %swap3A_78 : i32 to index
    %swap3A_80 = arith.constant 16 : index
    %swap3A_81 = tpu.vector_load %arg10[%swap3A_79, %swap3A_80] {strides = array<i32>} : memref<16x64xf32, #tpu.memory_space<vmem>>, vector<1x16xf32>,
    %swap3A_82 = vector.shape_cast %swap3A_81 : vector<1x16xf32> to vector<16xf32>
    %swap3A_83 = vector.shape_cast %broadcast_in_dim3A_0 : vector<16xf32> to vector<1x16xf32>
    tpu.vector_store %arg10[%swap3A_79, %swap3A_80], %swap3A_83 {strides = array<i32>} : memref<16x64xf32, #tpu.memory_space<vmem>>, vector<1x16xf32>,
    %swap3A_84 = arith.constant 3 : i32
    %swap3A_85 = arith.index_cast %swap3A_84 : i32 to index
    %swap3A_86 = arith.constant 32 : index
    %swap3A_87 = tpu.vector_load %arg10[%swap3A_85, %swap3A_86] {strides = array<i32>} : memref<16x64xf32, #tpu.memory_space<vmem>>, vector<1x16xf32>,
    %swap3A_88 = vector.shape_cast %swap3A_87 : vector<1x16xf32> to vector<16xf32>
    %swap3A_89 = vector.shape_cast %broadcast_in_dim3A_0 : vector<16xf32> to vector<1x16xf32>
    tpu.vector_store %arg10[%swap3A_85, %swap3A_86], %swap3A_89 {strides = array<i32>} : memref<16x64xf32, #tpu.memory_space<vmem>>, vector<1x16xf32>,
    %swap3A_90 = arith.constant 3 : i32
    %swap3A_91 = arith.index_cast %swap3A_90 : i32 to index
    %swap3A_92 = arith.constant 48 : index
    %swap3A_93 = tpu.vector_load %arg10[%swap3A_91, %swap3A_92] {strides = array<i32>} : memref<16x64xf32, #tpu.memory_space<vmem>>, vector<1x16xf32>,
    %swap3A_94 = vector.shape_cast %swap3A_93 : vector<1x16xf32> to vector<16xf32>
    %swap3A_95 = vector.shape_cast %broadcast_in_dim3A_0 : vector<16xf32> to vector<1x16xf32>
    tpu.vector_store %arg10[%swap3A_91, %swap3A_92], %swap3A_95 {strides = array<i32>} : memref<16x64xf32, #tpu.memory_space<vmem>>, vector<1x16xf32>,
    %swap3A_96 = arith.constant 4 : i32
    %swap3A_97 = arith.index_cast %swap3A_96 : i32 to index
    %swap3A_98 = arith.constant 0 : index
    %swap3A_99 = tpu.vector_load %arg10[%swap3A_97, %swap3A_98] {strides = array<i32>} : memref<16x64xf32, #tpu.memory_space<vmem>>, vector<1x16xf32>,
    %swap3A_100 = vector.shape_cast %swap3A_99 : vector<1x16xf32> to vector<16xf32>
    %swap3A_101 = vector.shape_cast %broadcast_in_dim3A_0 : vector<16xf32> to vector<1x16xf32>
    tpu.vector_store %arg10[%swap3A_97, %swap3A_98], %swap3A_101 {strides = array<i32>} : memref<16x64xf32, #tpu.memory_space<vmem>>, vector<1x16xf32>,
    %swap3A_102 = arith.constant 4 : i32
    %swap3A_103 = arith.index_cast %swap3A_102 : i32 to index
    %swap3A_104 = arith.constant 16 : index
    %swap3A_105 = tpu.vector_load %arg10[%swap3A_103, %swap3A_104] {strides = array<i32>} : memref<16x64xf32, #tpu.memory_space<vmem>>, vector<1x16xf32>,
    %swap3A_106 = vector.shape_cast %swap3A_105 : vector<1x16xf32> to vector<16xf32>
    %swap3A_107 = vector.shape_cast %broadcast_in_dim3A_0 : vector<16xf32> to vector<1x16xf32>
    tpu.vector_store %arg10[%swap3A_103, %swap3A_104], %swap3A_107 {strides = array<i32>} : memref<16x64xf32, #tpu.memory_space<vmem>>, vector<1x16xf32>,
    %swap3A_108 = arith.constant 4 : i32
    %swap3A_109 = arith.index_cast %swap3A_108 : i32 to index
    %swap3A_110 = arith.constant 32 : index
    %swap3A_111 = tpu.vector_load %arg10[%swap3A_109, %swap3A_110] {strides = array<i32>} : memref<16x64xf32, #tpu.memory_space<vmem>>, vector<1x16xf32>,
    %swap3A_112 = vector.shape_cast %swap3A_111 : vector<1x16xf32> to vector<16xf32>
    %swap3A_113 = vector.shape_cast %broadcast_in_dim3A_0 : vector<16xf32> to vector<1x16xf32>
    tpu.vector_store %arg10[%swap3A_109, %swap3A_110], %swap3A_113 {strides = array<i32>} : memref<16x64xf32, #tpu.memory_space<vmem>>, vector<1x16xf32>,
    %swap3A_114 = arith.constant 4 : i32
    %swap3A_115 = arith.index_cast %swap3A_114 : i32 to index
    %swap3A_116 = arith.constant 48 : index
    %swap3A_117 = tpu.vector_load %arg10[%swap3A_115, %swap3A_116] {strides = array<i32>} : memref<16x64xf32, #tpu.memory_space<vmem>>, vector<1x16xf32>,
    %swap3A_118 = vector.shape_cast %swap3A_117 : vector<1x16xf32> to vector<16xf32>
    %swap3A_119 = vector.shape_cast %broadcast_in_dim3A_0 : vector<16xf32> to vector<1x16xf32>
    tpu.vector_store %arg10[%swap3A_115, %swap3A_116], %swap3A_119 {strides = array<i32>} : memref<16x64xf32, #tpu.memory_space<vmem>>, vector<1x16xf32>,
    %swap3A_120 = arith.constant 5 : i32
    %swap3A_121 = arith.index_cast %swap3A_120 : i32 to index
    %swap3A_122 = arith.constant 0 : index
    %swap3A_123 = tpu.vector_load %arg10[%swap3A_121, %swap3A_122] {strides = array<i32>} : memref<16x64xf32, #tpu.memory_space<vmem>>, vector<1x16xf32>,
    %swap3A_124 = vector.shape_cast %swap3A_123 : vector<1x16xf32> to vector<16xf32>
    %swap3A_125 = vector.shape_cast %broadcast_in_dim3A_0 : vector<16xf32> to vector<1x16xf32>
    tpu.vector_store %arg10[%swap3A_121, %swap3A_122], %swap3A_125 {strides = array<i32>} : memref<16x64xf32, #tpu.memory_space<vmem>>, vector<1x16xf32>,
    %swap3A_126 = arith.constant 5 : i32
    %swap3A_127 = arith.index_cast %swap3A_126 : i32 to index
    %swap3A_128 = arith.constant 16 : index
    %swap3A_129 = tpu.vector_load %arg10[%swap3A_127, %swap3A_128] {strides = array<i32>} : memref<16x64xf32, #tpu.memory_space<vmem>>, vector<1x16xf32>,
    %swap3A_130 = vector.shape_cast %swap3A_129 : vector<1x16xf32> to vector<16xf32>
    %swap3A_131 = vector.shape_cast %broadcast_in_dim3A_0 : vector<16xf32> to vector<1x16xf32>
    tpu.vector_store %arg10[%swap3A_127, %swap3A_128], %swap3A_131 {strides = array<i32>} : memref<16x64xf32, #tpu.memory_space<vmem>>, vector<1x16xf32>,
    %swap3A_132 = arith.constant 5 : i32
    %swap3A_133 = arith.index_cast %swap3A_132 : i32 to index
    %swap3A_134 = arith.constant 32 : index
    %swap3A_135 = tpu.vector_load %arg10[%swap3A_133, %swap3A_134] {strides = array<i32>} : memref<16x64xf32, #tpu.memory_space<vmem>>, vector<1x16xf32>,
    %swap3A_136 = vector.shape_cast %swap3A_135 : vector<1x16xf32> to vector<16xf32>
    %swap3A_137 = vector.shape_cast %broadcast_in_dim3A_0 : vector<16xf32> to vector<1x16xf32>
    tpu.vector_store %arg10[%swap3A_133, %swap3A_134], %swap3A_137 {strides = array<i32>} : memref<16x64xf32, #tpu.memory_space<vmem>>, vector<1x16xf32>,
    %swap3A_138 = arith.constant 5 : i32
    %swap3A_139 = arith.index_cast %swap3A_138 : i32 to index
    %swap3A_140 = arith.constant 48 : index
    %swap3A_141 = tpu.vector_load %arg10[%swap3A_139, %swap3A_140] {strides = array<i32>} : memref<16x64xf32, #tpu.memory_space<vmem>>, vector<1x16xf32>,
    %swap3A_142 = vector.shape_cast %swap3A_141 : vector<1x16xf32> to vector<16xf32>
    %swap3A_143 = vector.shape_cast %broadcast_in_dim3A_0 : vector<16xf32> to vector<1x16xf32>
    tpu.vector_store %arg10[%swap3A_139, %swap3A_140], %swap3A_143 {strides = array<i32>} : memref<16x64xf32, #tpu.memory_space<vmem>>, vector<1x16xf32>,
    %swap3A_144 = arith.constant 6 : i32
    %swap3A_145 = arith.index_cast %swap3A_144 : i32 to index
    %swap3A_146 = arith.constant 0 : index
    %swap3A_147 = tpu.vector_load %arg10[%swap3A_145, %swap3A_146] {strides = array<i32>} : memref<16x64xf32, #tpu.memory_space<vmem>>, vector<1x16xf32>,
    %swap3A_148 = vector.shape_cast %swap3A_147 : vector<1x16xf32> to vector<16xf32>
    %swap3A_149 = vector.shape_cast %broadcast_in_dim3A_0 : vector<16xf32> to vector<1x16xf32>
    tpu.vector_store %arg10[%swap3A_145, %swap3A_146], %swap3A_149 {strides = array<i32>} : memref<16x64xf32, #tpu.memory_space<vmem>>, vector<1x16xf32>,
    %swap3A_150 = arith.constant 6 : i32
    %swap3A_151 = arith.index_cast %swap3A_150 : i32 to index
    %swap3A_152 = arith.constant 16 : index
    %swap3A_153 = tpu.vector_load %arg10[%swap3A_151, %swap3A_152] {strides = array<i32>} : memref<16x64xf32, #tpu.memory_space<vmem>>, vector<1x16xf32>,
    %swap3A_154 = vector.shape_cast %swap3A_153 : vector<1x16xf32> to vector<16xf32>
    %swap3A_155 = vector.shape_cast %broadcast_in_dim3A_0 : vector<16xf32> to vector<1x16xf32>
    tpu.vector_store %arg10[%swap3A_151, %swap3A_152], %swap3A_155 {strides = array<i32>} : memref<16x64xf32, #tpu.memory_space<vmem>>, vector<1x16xf32>,
    %swap3A_156 = arith.constant 6 : i32
    %swap3A_157 = arith.index_cast %swap3A_156 : i32 to index
    %swap3A_158 = arith.constant 32 : index
    %swap3A_159 = tpu.vector_load %arg10[%swap3A_157, %swap3A_158] {strides = array<i32>} : memref<16x64xf32, #tpu.memory_space<vmem>>, vector<1x16xf32>,
    %swap3A_160 = vector.shape_cast %swap3A_159 : vector<1x16xf32> to vector<16xf32>
    %swap3A_161 = vector.shape_cast %broadcast_in_dim3A_0 : vector<16xf32> to vector<1x16xf32>
    tpu.vector_store %arg10[%swap3A_157, %swap3A_158], %swap3A_161 {strides = array<i32>} : memref<16x64xf32, #tpu.memory_space<vmem>>, vector<1x16xf32>,
    %swap3A_162 = arith.constant 6 : i32
    %swap3A_163 = arith.index_cast %swap3A_162 : i32 to index
    %swap3A_164 = arith.constant 48 : index
    %swap3A_165 = tpu.vector_load %arg10[%swap3A_163, %swap3A_164] {strides = array<i32>} : memref<16x64xf32, #tpu.memory_space<vmem>>, vector<1x16xf32>,
    %swap3A_166 = vector.shape_cast %swap3A_165 : vector<1x16xf32> to vector<16xf32>
    %swap3A_167 = vector.shape_cast %broadcast_in_dim3A_0 : vector<16xf32> to vector<1x16xf32>
    tpu.vector_store %arg10[%swap3A_163, %swap3A_164], %swap3A_167 {strides = array<i32>} : memref<16x64xf32, #tpu.memory_space<vmem>>, vector<1x16xf32>,
    %swap3A_168 = arith.constant 7 : i32
    %swap3A_169 = arith.index_cast %swap3A_168 : i32 to index
    %swap3A_170 = arith.constant 0 : index
    %swap3A_171 = tpu.vector_load %arg10[%swap3A_169, %swap3A_170] {strides = array<i32>} : memref<16x64xf32, #tpu.memory_space<vmem>>, vector<1x16xf32>,
    %swap3A_172 = vector.shape_cast %swap3A_171 : vector<1x16xf32> to vector<16xf32>
    %swap3A_173 = vector.shape_cast %broadcast_in_dim3A_0 : vector<16xf32> to vector<1x16xf32>
    tpu.vector_store %arg10[%swap3A_169, %swap3A_170], %swap3A_173 {strides = array<i32>} : memref<16x64xf32, #tpu.memory_space<vmem>>, vector<1x16xf32>,
    %swap3A_174 = arith.constant 7 : i32
    %swap3A_175 = arith.index_cast %swap3A_174 : i32 to index
    %swap3A_176 = arith.constant 16 : index
    %swap3A_177 = tpu.vector_load %arg10[%swap3A_175, %swap3A_176] {strides = array<i32>} : memref<16x64xf32, #tpu.memory_space<vmem>>, vector<1x16xf32>,
    %swap3A_178 = vector.shape_cast %swap3A_177 : vector<1x16xf32> to vector<16xf32>
    %swap3A_179 = vector.shape_cast %broadcast_in_dim3A_0 : vector<16xf32> to vector<1x16xf32>
    tpu.vector_store %arg10[%swap3A_175, %swap3A_176], %swap3A_179 {strides = array<i32>} : memref<16x64xf32, #tpu.memory_space<vmem>>, vector<1x16xf32>,
    %swap3A_180 = arith.constant 7 : i32
    %swap3A_181 = arith.index_cast %swap3A_180 : i32 to index
    %swap3A_182 = arith.constant 32 : index
    %swap3A_183 = tpu.vector_load %arg10[%swap3A_181, %swap3A_182] {strides = array<i32>} : memref<16x64xf32, #tpu.memory_space<vmem>>, vector<1x16xf32>,
    %swap3A_184 = vector.shape_cast %swap3A_183 : vector<1x16xf32> to vector<16xf32>
    %swap3A_185 = vector.shape_cast %broadcast_in_dim3A_0 : vector<16xf32> to vector<1x16xf32>
    tpu.vector_store %arg10[%swap3A_181, %swap3A_182], %swap3A_185 {strides = array<i32>} : memref<16x64xf32, #tpu.memory_space<vmem>>, vector<1x16xf32>,
    %swap3A_186 = arith.constant 7 : i32
    %swap3A_187 = arith.index_cast %swap3A_186 : i32 to index
    %swap3A_188 = arith.constant 48 : index
    %swap3A_189 = tpu.vector_load %arg10[%swap3A_187, %swap3A_188] {strides = array<i32>} : memref<16x64xf32, #tpu.memory_space<vmem>>, vector<1x16xf32>,
    %swap3A_190 = vector.shape_cast %swap3A_189 : vector<1x16xf32> to vector<16xf32>
    %swap3A_191 = vector.shape_cast %broadcast_in_dim3A_0 : vector<16xf32> to vector<1x16xf32>
    tpu.vector_store %arg10[%swap3A_187, %swap3A_188], %swap3A_191 {strides = array<i32>} : memref<16x64xf32, #tpu.memory_space<vmem>>, vector<1x16xf32>,
    %swap3A_192 = arith.constant 8 : i32
    %swap3A_193 = arith.index_cast %swap3A_192 : i32 to index
    %swap3A_194 = arith.constant 0 : index
    %swap3A_195 = tpu.vector_load %arg10[%swap3A_193, %swap3A_194] {strides = array<i32>} : memref<16x64xf32, #tpu.memory_space<vmem>>, vector<1x16xf32>,
    %swap3A_196 = vector.shape_cast %swap3A_195 : vector<1x16xf32> to vector<16xf32>
    %swap3A_197 = vector.shape_cast %broadcast_in_dim3A_0 : vector<16xf32> to vector<1x16xf32>
    tpu.vector_store %arg10[%swap3A_193, %swap3A_194], %swap3A_197 {strides = array<i32>} : memref<16x64xf32, #tpu.memory_space<vmem>>, vector<1x16xf32>,
    %swap3A_198 = arith.constant 8 : i32
    %swap3A_199 = arith.index_cast %swap3A_198 : i32 to index
    %swap3A_200 = arith.constant 16 : index
    %swap3A_201 = tpu.vector_load %arg10[%swap3A_199, %swap3A_200] {strides = array<i32>} : memref<16x64xf32, #tpu.memory_space<vmem>>, vector<1x16xf32>,
    %swap3A_202 = vector.shape_cast %swap3A_201 : vector<1x16xf32> to vector<16xf32>
    %swap3A_203 = vector.shape_cast %broadcast_in_dim3A_0 : vector<16xf32> to vector<1x16xf32>
    tpu.vector_store %arg10[%swap3A_199, %swap3A_200], %swap3A_203 {strides = array<i32>} : memref<16x64xf32, #tpu.memory_space<vmem>>, vector<1x16xf32>,
    %swap3A_204 = arith.constant 8 : i32
    %swap3A_205 = arith.index_cast %swap3A_204 : i32 to index
    %swap3A_206 = arith.constant 32 : index
    %swap3A_207 = tpu.vector_load %arg10[%swap3A_205, %swap3A_206] {strides = array<i32>} : memref<16x64xf32, #tpu.memory_space<vmem>>, vector<1x16xf32>,
    %swap3A_208 = vector.shape_cast %swap3A_207 : vector<1x16xf32> to vector<16xf32>
    %swap3A_209 = vector.shape_cast %broadcast_in_dim3A_0 : vector<16xf32> to vector<1x16xf32>
    tpu.vector_store %arg10[%swap3A_205, %swap3A_206], %swap3A_209 {strides = array<i32>} : memref<16x64xf32, #tpu.memory_space<vmem>>, vector<1x16xf32>,
    %swap3A_210 = arith.constant 8 : i32
    %swap3A_211 = arith.index_cast %swap3A_210 : i32 to index
    %swap3A_212 = arith.constant 48 : index
    %swap3A_213 = tpu.vector_load %arg10[%swap3A_211, %swap3A_212] {strides = array<i32>} : memref<16x64xf32, #tpu.memory_space<vmem>>, vector<1x16xf32>,
    %swap3A_214 = vector.shape_cast %swap3A_213 : vector<1x16xf32> to vector<16xf32>
    %swap3A_215 = vector.shape_cast %broadcast_in_dim3A_0 : vector<16xf32> to vector<1x16xf32>
    tpu.vector_store %arg10[%swap3A_211, %swap3A_212], %swap3A_215 {strides = array<i32>} : memref<16x64xf32, #tpu.memory_space<vmem>>, vector<1x16xf32>,
    %swap3A_216 = arith.constant 9 : i32
    %swap3A_217 = arith.index_cast %swap3A_216 : i32 to index
    %swap3A_218 = arith.constant 0 : index
    %swap3A_219 = tpu.vector_load %arg10[%swap3A_217, %swap3A_218] {strides = array<i32>} : memref<16x64xf32, #tpu.memory_space<vmem>>, vector<1x16xf32>,
    %swap3A_220 = vector.shape_cast %swap3A_219 : vector<1x16xf32> to vector<16xf32>
    %swap3A_221 = vector.shape_cast %broadcast_in_dim3A_0 : vector<16xf32> to vector<1x16xf32>
    tpu.vector_store %arg10[%swap3A_217, %swap3A_218], %swap3A_221 {strides = array<i32>} : memref<16x64xf32, #tpu.memory_space<vmem>>, vector<1x16xf32>,
    %swap3A_222 = arith.constant 9 : i32
    %swap3A_223 = arith.index_cast %swap3A_222 : i32 to index
    %swap3A_224 = arith.constant 16 : index
    %swap3A_225 = tpu.vector_load %arg10[%swap3A_223, %swap3A_224] {strides = array<i32>} : memref<16x64xf32, #tpu.memory_space<vmem>>, vector<1x16xf32>,
    %swap3A_226 = vector.shape_cast %swap3A_225 : vector<1x16xf32> to vector<16xf32>
    %swap3A_227 = vector.shape_cast %broadcast_in_dim3A_0 : vector<16xf32> to vector<1x16xf32>
    tpu.vector_store %arg10[%swap3A_223, %swap3A_224], %swap3A_227 {strides = array<i32>} : memref<16x64xf32, #tpu.memory_space<vmem>>, vector<1x16xf32>,
    %swap3A_228 = arith.constant 9 : i32
    %swap3A_229 = arith.index_cast %swap3A_228 : i32 to index
    %swap3A_230 = arith.constant 32 : index
    %swap3A_231 = tpu.vector_load %arg10[%swap3A_229, %swap3A_230] {strides = array<i32>} : memref<16x64xf32, #tpu.memory_space<vmem>>, vector<1x16xf32>,
    %swap3A_232 = vector.shape_cast %swap3A_231 : vector<1x16xf32> to vector<16xf32>
    %swap3A_233 = vector.shape_cast %broadcast_in_dim3A_0 : vector<16xf32> to vector<1x16xf32>
    tpu.vector_store %arg10[%swap3A_229, %swap3A_230], %swap3A_233 {strides = array<i32>} : memref<16x64xf32, #tpu.memory_space<vmem>>, vector<1x16xf32>,
    %swap3A_234 = arith.constant 9 : i32
    %swap3A_235 = arith.index_cast %swap3A_234 : i32 to index
    %swap3A_236 = arith.constant 48 : index
    %swap3A_237 = tpu.vector_load %arg10[%swap3A_235, %swap3A_236] {strides = array<i32>} : memref<16x64xf32, #tpu.memory_space<vmem>>, vector<1x16xf32>,
    %swap3A_238 = vector.shape_cast %swap3A_237 : vector<1x16xf32> to vector<16xf32>
    %swap3A_239 = vector.shape_cast %broadcast_in_dim3A_0 : vector<16xf32> to vector<1x16xf32>
    tpu.vector_store %arg10[%swap3A_235, %swap3A_236], %swap3A_239 {strides = array<i32>} : memref<16x64xf32, #tpu.memory_space<vmem>>, vector<1x16xf32>,
    %swap3A_240 = arith.constant 10 : i32
    %swap3A_241 = arith.index_cast %swap3A_240 : i32 to index
    %swap3A_242 = arith.constant 0 : index
    %swap3A_243 = tpu.vector_load %arg10[%swap3A_241, %swap3A_242] {strides = array<i32>} : memref<16x64xf32, #tpu.memory_space<vmem>>, vector<1x16xf32>,
    %swap3A_244 = vector.shape_cast %swap3A_243 : vector<1x16xf32> to vector<16xf32>
    %swap3A_245 = vector.shape_cast %broadcast_in_dim3A_0 : vector<16xf32> to vector<1x16xf32>
    tpu.vector_store %arg10[%swap3A_241, %swap3A_242], %swap3A_245 {strides = array<i32>} : memref<16x64xf32, #tpu.memory_space<vmem>>, vector<1x16xf32>,
    %swap3A_246 = arith.constant 10 : i32
    %swap3A_247 = arith.index_cast %swap3A_246 : i32 to index
    %swap3A_248 = arith.constant 16 : index
    %swap3A_249 = tpu.vector_load %arg10[%swap3A_247, %swap3A_248] {strides = array<i32>} : memref<16x64xf32, #tpu.memory_space<vmem>>, vector<1x16xf32>,
    %swap3A_250 = vector.shape_cast %swap3A_249 : vector<1x16xf32> to vector<16xf32>
    %swap3A_251 = vector.shape_cast %broadcast_in_dim3A_0 : vector<16xf32> to vector<1x16xf32>
    tpu.vector_store %arg10[%swap3A_247, %swap3A_248], %swap3A_251 {strides = array<i32>} : memref<16x64xf32, #tpu.memory_space<vmem>>, vector<1x16xf32>,
    %swap3A_252 = arith.constant 10 : i32
    %swap3A_253 = arith.index_cast %swap3A_252 : i32 to index
    %swap3A_254 = arith.constant 32 : index
    %swap3A_255 = tpu.vector_load %arg10[%swap3A_253, %swap3A_254] {strides = array<i32>} : memref<16x64xf32, #tpu.memory_space<vmem>>, vector<1x16xf32>,
    %swap3A_256 = vector.shape_cast %swap3A_255 : vector<1x16xf32> to vector<16xf32>
    %swap3A_257 = vector.shape_cast %broadcast_in_dim3A_0 : vector<16xf32> to vector<1x16xf32>
    tpu.vector_store %arg10[%swap3A_253, %swap3A_254], %swap3A_257 {strides = array<i32>} : memref<16x64xf32, #tpu.memory_space<vmem>>, vector<1x16xf32>,
    %swap3A_258 = arith.constant 10 : i32
    %swap3A_259 = arith.index_cast %swap3A_258 : i32 to index
    %swap3A_260 = arith.constant 48 : index
    %swap3A_261 = tpu.vector_load %arg10[%swap3A_259, %swap3A_260] {strides = array<i32>} : memref<16x64xf32, #tpu.memory_space<vmem>>, vector<1x16xf32>,
    %swap3A_262 = vector.shape_cast %swap3A_261 : vector<1x16xf32> to vector<16xf32>
    %swap3A_263 = vector.shape_cast %broadcast_in_dim3A_0 : vector<16xf32> to vector<1x16xf32>
    tpu.vector_store %arg10[%swap3A_259, %swap3A_260], %swap3A_263 {strides = array<i32>} : memref<16x64xf32, #tpu.memory_space<vmem>>, vector<1x16xf32>,
    %swap3A_264 = arith.constant 11 : i32
    %swap3A_265 = arith.index_cast %swap3A_264 : i32 to index
    %swap3A_266 = arith.constant 0 : index
    %swap3A_267 = tpu.vector_load %arg10[%swap3A_265, %swap3A_266] {strides = array<i32>} : memref<16x64xf32, #tpu.memory_space<vmem>>, vector<1x16xf32>,
    %swap3A_268 = vector.shape_cast %swap3A_267 : vector<1x16xf32> to vector<16xf32>
    %swap3A_269 = vector.shape_cast %broadcast_in_dim3A_0 : vector<16xf32> to vector<1x16xf32>
    tpu.vector_store %arg10[%swap3A_265, %swap3A_266], %swap3A_269 {strides = array<i32>} : memref<16x64xf32, #tpu.memory_space<vmem>>, vector<1x16xf32>,
    %swap3A_270 = arith.constant 11 : i32
    %swap3A_271 = arith.index_cast %swap3A_270 : i32 to index
    %swap3A_272 = arith.constant 16 : index
    %swap3A_273 = tpu.vector_load %arg10[%swap3A_271, %swap3A_272] {strides = array<i32>} : memref<16x64xf32, #tpu.memory_space<vmem>>, vector<1x16xf32>,
    %swap3A_274 = vector.shape_cast %swap3A_273 : vector<1x16xf32> to vector<16xf32>
    %swap3A_275 = vector.shape_cast %broadcast_in_dim3A_0 : vector<16xf32> to vector<1x16xf32>
    tpu.vector_store %arg10[%swap3A_271, %swap3A_272], %swap3A_275 {strides = array<i32>} : memref<16x64xf32, #tpu.memory_space<vmem>>, vector<1x16xf32>,
    %swap3A_276 = arith.constant 11 : i32
    %swap3A_277 = arith.index_cast %swap3A_276 : i32 to index
    %swap3A_278 = arith.constant 32 : index
    %swap3A_279 = tpu.vector_load %arg10[%swap3A_277, %swap3A_278] {strides = array<i32>} : memref<16x64xf32, #tpu.memory_space<vmem>>, vector<1x16xf32>,
    %swap3A_280 = vector.shape_cast %swap3A_279 : vector<1x16xf32> to vector<16xf32>
    %swap3A_281 = vector.shape_cast %broadcast_in_dim3A_0 : vector<16xf32> to vector<1x16xf32>
    tpu.vector_store %arg10[%swap3A_277, %swap3A_278], %swap3A_281 {strides = array<i32>} : memref<16x64xf32, #tpu.memory_space<vmem>>, vector<1x16xf32>,
    %swap3A_282 = arith.constant 11 : i32
    %swap3A_283 = arith.index_cast %swap3A_282 : i32 to index
    %swap3A_284 = arith.constant 48 : index
    %swap3A_285 = tpu.vector_load %arg10[%swap3A_283, %swap3A_284] {strides = array<i32>} : memref<16x64xf32, #tpu.memory_space<vmem>>, vector<1x16xf32>,
    %swap3A_286 = vector.shape_cast %swap3A_285 : vector<1x16xf32> to vector<16xf32>
    %swap3A_287 = vector.shape_cast %broadcast_in_dim3A_0 : vector<16xf32> to vector<1x16xf32>
    tpu.vector_store %arg10[%swap3A_283, %swap3A_284], %swap3A_287 {strides = array<i32>} : memref<16x64xf32, #tpu.memory_space<vmem>>, vector<1x16xf32>,
    %swap3A_288 = arith.constant 12 : i32
    %swap3A_289 = arith.index_cast %swap3A_288 : i32 to index
    %swap3A_290 = arith.constant 0 : index
    %swap3A_291 = tpu.vector_load %arg10[%swap3A_289, %swap3A_290] {strides = array<i32>} : memref<16x64xf32, #tpu.memory_space<vmem>>, vector<1x16xf32>,
    %swap3A_292 = vector.shape_cast %swap3A_291 : vector<1x16xf32> to vector<16xf32>
    %swap3A_293 = vector.shape_cast %broadcast_in_dim3A_0 : vector<16xf32> to vector<1x16xf32>
    tpu.vector_store %arg10[%swap3A_289, %swap3A_290], %swap3A_293 {strides = array<i32>} : memref<16x64xf32, #tpu.memory_space<vmem>>, vector<1x16xf32>,
    %swap3A_294 = arith.constant 12 : i32
    %swap3A_295 = arith.index_cast %swap3A_294 : i32 to index
    %swap3A_296 = arith.constant 16 : index
    %swap3A_297 = tpu.vector_load %arg10[%swap3A_295, %swap3A_296] {strides = array<i32>} : memref<16x64xf32, #tpu.memory_space<vmem>>, vector<1x16xf32>,
    %swap3A_298 = vector.shape_cast %swap3A_297 : vector<1x16xf32> to vector<16xf32>
    %swap3A_299 = vector.shape_cast %broadcast_in_dim3A_0 : vector<16xf32> to vector<1x16xf32>
    tpu.vector_store %arg10[%swap3A_295, %swap3A_296], %swap3A_299 {strides = array<i32>} : memref<16x64xf32, #tpu.memory_space<vmem>>, vector<1x16xf32>,
    %swap3A_300 = arith.constant 12 : i32
    %swap3A_301 = arith.index_cast %swap3A_300 : i32 to index
    %swap3A_302 = arith.constant 32 : index
    %swap3A_303 = tpu.vector_load %arg10[%swap3A_301, %swap3A_302] {strides = array<i32>} : memref<16x64xf32, #tpu.memory_space<vmem>>, vector<1x16xf32>,
    %swap3A_304 = vector.shape_cast %swap3A_303 : vector<1x16xf32> to vector<16xf32>
    %swap3A_305 = vector.shape_cast %broadcast_in_dim3A_0 : vector<16xf32> to vector<1x16xf32>
    tpu.vector_store %arg10[%swap3A_301, %swap3A_302], %swap3A_305 {strides = array<i32>} : memref<16x64xf32, #tpu.memory_space<vmem>>, vector<1x16xf32>,
    %swap3A_306 = arith.constant 12 : i32
    %swap3A_307 = arith.index_cast %swap3A_306 : i32 to index
    %swap3A_308 = arith.constant 48 : index
    %swap3A_309 = tpu.vector_load %arg10[%swap3A_307, %swap3A_308] {strides = array<i32>} : memref<16x64xf32, #tpu.memory_space<vmem>>, vector<1x16xf32>,
    %swap3A_310 = vector.shape_cast %swap3A_309 : vector<1x16xf32> to vector<16xf32>
    %swap3A_311 = vector.shape_cast %broadcast_in_dim3A_0 : vector<16xf32> to vector<1x16xf32>
    tpu.vector_store %arg10[%swap3A_307, %swap3A_308], %swap3A_311 {strides = array<i32>} : memref<16x64xf32, #tpu.memory_space<vmem>>, vector<1x16xf32>,
    %swap3A_312 = arith.constant 13 : i32
    %swap3A_313 = arith.index_cast %swap3A_312 : i32 to index
    %swap3A_314 = arith.constant 0 : index
    %swap3A_315 = tpu.vector_load %arg10[%swap3A_313, %swap3A_314] {strides = array<i32>} : memref<16x64xf32, #tpu.memory_space<vmem>>, vector<1x16xf32>,
    %swap3A_316 = vector.shape_cast %swap3A_315 : vector<1x16xf32> to vector<16xf32>
    %swap3A_317 = vector.shape_cast %broadcast_in_dim3A_0 : vector<16xf32> to vector<1x16xf32>
    tpu.vector_store %arg10[%swap3A_313, %swap3A_314], %swap3A_317 {strides = array<i32>} : memref<16x64xf32, #tpu.memory_space<vmem>>, vector<1x16xf32>,
    %swap3A_318 = arith.constant 13 : i32
    %swap3A_319 = arith.index_cast %swap3A_318 : i32 to index
    %swap3A_320 = arith.constant 16 : index
    %swap3A_321 = tpu.vector_load %arg10[%swap3A_319, %swap3A_320] {strides = array<i32>} : memref<16x64xf32, #tpu.memory_space<vmem>>, vector<1x16xf32>,
    %swap3A_322 = vector.shape_cast %swap3A_321 : vector<1x16xf32> to vector<16xf32>
    %swap3A_323 = vector.shape_cast %broadcast_in_dim3A_0 : vector<16xf32> to vector<1x16xf32>
    tpu.vector_store %arg10[%swap3A_319, %swap3A_320], %swap3A_323 {strides = array<i32>} : memref<16x64xf32, #tpu.memory_space<vmem>>, vector<1x16xf32>,
    %swap3A_324 = arith.constant 13 : i32
    %swap3A_325 = arith.index_cast %swap3A_324 : i32 to index
    %swap3A_326 = arith.constant 32 : index
    %swap3A_327 = tpu.vector_load %arg10[%swap3A_325, %swap3A_326] {strides = array<i32>} : memref<16x64xf32, #tpu.memory_space<vmem>>, vector<1x16xf32>,
    %swap3A_328 = vector.shape_cast %swap3A_327 : vector<1x16xf32> to vector<16xf32>
    %swap3A_329 = vector.shape_cast %broadcast_in_dim3A_0 : vector<16xf32> to vector<1x16xf32>
    tpu.vector_store %arg10[%swap3A_325, %swap3A_326], %swap3A_329 {strides = array<i32>} : memref<16x64xf32, #tpu.memory_space<vmem>>, vector<1x16xf32>,
    %swap3A_330 = arith.constant 13 : i32
    %swap3A_331 = arith.index_cast %swap3A_330 : i32 to index
    %swap3A_332 = arith.constant 48 : index
    %swap3A_333 = tpu.vector_load %arg10[%swap3A_331, %swap3A_332] {strides = array<i32>} : memref<16x64xf32, #tpu.memory_space<vmem>>, vector<1x16xf32>,
    %swap3A_334 = vector.shape_cast %swap3A_333 : vector<1x16xf32> to vector<16xf32>
    %swap3A_335 = vector.shape_cast %broadcast_in_dim3A_0 : vector<16xf32> to vector<1x16xf32>
    tpu.vector_store %arg10[%swap3A_331, %swap3A_332], %swap3A_335 {strides = array<i32>} : memref<16x64xf32, #tpu.memory_space<vmem>>, vector<1x16xf32>,
    %swap3A_336 = arith.constant 14 : i32
    %swap3A_337 = arith.index_cast %swap3A_336 : i32 to index
    %swap3A_338 = arith.constant 0 : index
    %swap3A_339 = tpu.vector_load %arg10[%swap3A_337, %swap3A_338] {strides = array<i32>} : memref<16x64xf32, #tpu.memory_space<vmem>>, vector<1x16xf32>,
    %swap3A_340 = vector.shape_cast %swap3A_339 : vector<1x16xf32> to vector<16xf32>
    %swap3A_341 = vector.shape_cast %broadcast_in_dim3A_0 : vector<16xf32> to vector<1x16xf32>
    tpu.vector_store %arg10[%swap3A_337, %swap3A_338], %swap3A_341 {strides = array<i32>} : memref<16x64xf32, #tpu.memory_space<vmem>>, vector<1x16xf32>,
    %swap3A_342 = arith.constant 14 : i32
    %swap3A_343 = arith.index_cast %swap3A_342 : i32 to index
    %swap3A_344 = arith.constant 16 : index
    %swap3A_345 = tpu.vector_load %arg10[%swap3A_343, %swap3A_344] {strides = array<i32>} : memref<16x64xf32, #tpu.memory_space<vmem>>, vector<1x16xf32>,
    %swap3A_346 = vector.shape_cast %swap3A_345 : vector<1x16xf32> to vector<16xf32>
    %swap3A_347 = vector.shape_cast %broadcast_in_dim3A_0 : vector<16xf32> to vector<1x16xf32>
    tpu.vector_store %arg10[%swap3A_343, %swap3A_344], %swap3A_347 {strides = array<i32>} : memref<16x64xf32, #tpu.memory_space<vmem>>, vector<1x16xf32>,
    %swap3A_348 = arith.constant 14 : i32
    %swap3A_349 = arith.index_cast %swap3A_348 : i32 to index
    %swap3A_350 = arith.constant 32 : index
    %swap3A_351 = tpu.vector_load %arg10[%swap3A_349, %swap3A_350] {strides = array<i32>} : memref<16x64xf32, #tpu.memory_space<vmem>>, vector<1x16xf32>,
    %swap3A_352 = vector.shape_cast %swap3A_351 : vector<1x16xf32> to vector<16xf32>
    %swap3A_353 = vector.shape_cast %broadcast_in_dim3A_0 : vector<16xf32> to vector<1x16xf32>
    tpu.vector_store %arg10[%swap3A_349, %swap3A_350], %swap3A_353 {strides = array<i32>} : memref<16x64xf32, #tpu.memory_space<vmem>>, vector<1x16xf32>,
    %swap3A_354 = arith.constant 14 : i32
    %swap3A_355 = arith.index_cast %swap3A_354 : i32 to index
    %swap3A_356 = arith.constant 48 : index
    %swap3A_357 = tpu.vector_load %arg10[%swap3A_355, %swap3A_356] {strides = array<i32>} : memref<16x64xf32, #tpu.memory_space<vmem>>, vector<1x16xf32>,
    %swap3A_358 = vector.shape_cast %swap3A_357 : vector<1x16xf32> to vector<16xf32>
    %swap3A_359 = vector.shape_cast %broadcast_in_dim3A_0 : vector<16xf32> to vector<1x16xf32>
    tpu.vector_store %arg10[%swap3A_355, %swap3A_356], %swap3A_359 {strides = array<i32>} : memref<16x64xf32, #tpu.memory_space<vmem>>, vector<1x16xf32>,
    %swap3A_360 = arith.constant 15 : i32
    %swap3A_361 = arith.index_cast %swap3A_360 : i32 to index
    %swap3A_362 = arith.constant 0 : index
    %swap3A_363 = tpu.vector_load %arg10[%swap3A_361, %swap3A_362] {strides = array<i32>} : memref<16x64xf32, #tpu.memory_space<vmem>>, vector<1x16xf32>,
    %swap3A_364 = vector.shape_cast %swap3A_363 : vector<1x16xf32> to vector<16xf32>
    %swap3A_365 = vector.shape_cast %broadcast_in_dim3A_0 : vector<16xf32> to vector<1x16xf32>
    tpu.vector_store %arg10[%swap3A_361, %swap3A_362], %swap3A_365 {strides = array<i32>} : memref<16x64xf32, #tpu.memory_space<vmem>>, vector<1x16xf32>,
    %swap3A_366 = arith.constant 15 : i32
    %swap3A_367 = arith.index_cast %swap3A_366 : i32 to index
    %swap3A_368 = arith.constant 16 : index
    %swap3A_369 = tpu.vector_load %arg10[%swap3A_367, %swap3A_368] {strides = array<i32>} : memref<16x64xf32, #tpu.memory_space<vmem>>, vector<1x16xf32>,
    %swap3A_370 = vector.shape_cast %swap3A_369 : vector<1x16xf32> to vector<16xf32>
    %swap3A_371 = vector.shape_cast %broadcast_in_dim3A_0 : vector<16xf32> to vector<1x16xf32>
    tpu.vector_store %arg10[%swap3A_367, %swap3A_368], %swap3A_371 {strides = array<i32>} : memref<16x64xf32, #tpu.memory_space<vmem>>, vector<1x16xf32>,
    %swap3A_372 = arith.constant 15 : i32
    %swap3A_373 = arith.index_cast %swap3A_372 : i32 to index
    %swap3A_374 = arith.constant 32 : index
    %swap3A_375 = tpu.vector_load %arg10[%swap3A_373, %swap3A_374] {strides = array<i32>} : memref<16x64xf32, #tpu.memory_space<vmem>>, vector<1x16xf32>,
    %swap3A_376 = vector.shape_cast %swap3A_375 : vector<1x16xf32> to vector<16xf32>
    %swap3A_377 = vector.shape_cast %broadcast_in_dim3A_0 : vector<16xf32> to vector<1x16xf32>
    tpu.vector_store %arg10[%swap3A_373, %swap3A_374], %swap3A_377 {strides = array<i32>} : memref<16x64xf32, #tpu.memory_space<vmem>>, vector<1x16xf32>,
    %swap3A_378 = arith.constant 15 : i32
    %swap3A_379 = arith.index_cast %swap3A_378 : i32 to index
    %swap3A_380 = arith.constant 48 : index
    %swap3A_381 = tpu.vector_load %arg10[%swap3A_379, %swap3A_380] {strides = array<i32>} : memref<16x64xf32, #tpu.memory_space<vmem>>, vector<1x16xf32>,
    %swap3A_382 = vector.shape_cast %swap3A_381 : vector<1x16xf32> to vector<16xf32>
    %swap3A_383 = vector.shape_cast %broadcast_in_dim3A_0 : vector<16xf32> to vector<1x16xf32>
    tpu.vector_store %arg10[%swap3A_379, %swap3A_380], %swap3A_383 {strides = array<i32>} : memref<16x64xf32, #tpu.memory_space<vmem>>, vector<1x16xf32>,
    %mul3A = arith.constant 640 : i32
    %mul3A_384 = arith.muli %arg1, %mul3A : i32
    %scan3A = arith.constant 0 : i32
    %scan3A_385 = arith.constant 0 : i32
    %scan3A_386 = arith.constant 40 : i32
    %scan3A_387 = arith.addi %scan3A_385, %scan3A_386 : i32
    %scan3A_388 = arith.constant 1 : i32
    scf.for %scan3A_401 = %scan3A_385 to %scan3A_387 step %scan3A_388  : i32 {
      %mul3A_402 = arith.constant 16 : i32
      %mul3A_403 = arith.muli %scan3A_401, %mul3A_402 : i32
      %add3A_404 = arith.addi %mul3A_384, %mul3A_403 : i32
      "tpu.region"() ({
        %run_scoped3A = tpu.sem_alloc : memref<!tpu.dma_semaphore, #tpu.memory_space<semaphore_mem>>
        %dma_start3A = arith.constant 0 : i32
        %dma_start3A_405 = tpu.memref_slice %arg6[%add3A_404, %dma_start3A] : memref<10240x64xf32, #tpu.memory_space<vmem_shared>> -> memref<16x64xf32, #tpu.memory_space<vmem_shared>>
        %dma_start3A_406 = arith.constant 0 : i32
        %dma_start3A_407 = tpu.memref_slice %arg6[%add3A_404, %dma_start3A_406] : memref<10240x64xf32, #tpu.memory_space<vmem_shared>> -> memref<16x64xf32, #tpu.memory_space<vmem_shared>>
        tpu.enqueue_dma source(%arg10 : memref<16x64xf32, #tpu.memory_space<vmem>>) target(%dma_start3A_407 : memref<16x64xf32, #tpu.memory_space<vmem_shared>>) target_semaphore(%run_scoped3A : memref<!tpu.dma_semaphore, #tpu.memory_space<semaphore_mem>>)
        %dma_wait3A = arith.constant 0 : i32
        %dma_wait3A_408 = tpu.memref_slice %arg6[%add3A_404, %dma_wait3A] : memref<10240x64xf32, #tpu.memory_space<vmem_shared>> -> memref<16x64xf32, #tpu.memory_space<vmem_shared>>
        %dma_wait3A_409 = arith.constant 0 : i32
        %dma_wait3A_410 = tpu.memref_slice %arg6[%add3A_404, %dma_wait3A_409] : memref<10240x64xf32, #tpu.memory_space<vmem_shared>> -> memref<16x64xf32, #tpu.memory_space<vmem_shared>>
        tpu.wait_dma2 semaphore(%run_scoped3A : memref<!tpu.dma_semaphore, #tpu.memory_space<semaphore_mem>>) src(%arg10 : memref<16x64xf32, #tpu.memory_space<vmem>>) dst(%dma_wait3A_410 : memref<16x64xf32, #tpu.memory_space<vmem_shared>>)
        tpu.yield
      }) : () -> ()
    }
    %scan3A_389 = arith.constant 40 : i32
    %barrier3A = arith.constant 0 : index
    tpu.barrier barrier_id(%barrier3A)
    %mul3A_390 = arith.constant 16 : i32
    %mul3A_391 = arith.muli %arg0, %mul3A_390 : i32
    %add3A = arith.addi %mul3A_391, %arg1 : i32
    %mul3A_392 = arith.constant 10112 : i32
    %mul3A_393 = arith.muli %add3A, %mul3A_392 : i32
    %scan3A_394 = arith.constant 0 : i32
    %scan3A_395 = arith.constant 0 : i32
    %scan3A_396 = arith.constant 79 : i32
    %scan3A_397 = arith.addi %scan3A_395, %scan3A_396 : i32
    %scan3A_398 = arith.constant 1 : i32
    scf.for %scan3A_401 = %scan3A_395 to %scan3A_397 step %scan3A_398  : i32 {
      %mul3A_402 = arith.constant 128 : i32
      %mul3A_403 = arith.muli %scan3A_401, %mul3A_402 : i32
      %add3A_404 = arith.addi %mul3A_393, %mul3A_403 : i32
      %run_scoped3A = arith.constant 0 : i32
      "tpu.region"() ({
        %run_scoped3A_430 = tpu.sem_alloc : memref<!tpu.dma_semaphore, #tpu.memory_space<semaphore_mem>>
        %dma_start3A_431 = arith.constant 0 : i32
        %dma_start3A_432 = tpu.memref_slice %arg7[%run_scoped3A, %dma_start3A_431] : memref<1x128xi32, #tpu.memory_space<vmem>> -> memref<1x128xi32, #tpu.memory_space<vmem>>
        %dma_start3A_433 = tpu.memref_squeeze %dma_start3A_432 : memref<1x128xi32, #tpu.memory_space<vmem>> -> memref<128xi32, #tpu.memory_space<vmem>>
        %dma_start3A_434 = tpu.memref_slice %arg3[%add3A_404] : memref<323584xi32, #tpu.memory_space<hbm>> -> memref<128xi32, #tpu.memory_space<hbm>>
        %dma_start3A_435 = arith.constant 0 : i32
        %dma_start3A_436 = tpu.memref_slice %arg7[%run_scoped3A, %dma_start3A_435] : memref<1x128xi32, #tpu.memory_space<vmem>> -> memref<1x128xi32, #tpu.memory_space<vmem>>
        %dma_start3A_437 = tpu.memref_squeeze %dma_start3A_436 : memref<1x128xi32, #tpu.memory_space<vmem>> -> memref<128xi32, #tpu.memory_space<vmem>>
        %dma_start3A_438 = tpu.memref_slice %arg3[%add3A_404] : memref<323584xi32, #tpu.memory_space<hbm>> -> memref<128xi32, #tpu.memory_space<hbm>>
        tpu.enqueue_dma source(%dma_start3A_438 : memref<128xi32, #tpu.memory_space<hbm>>) target(%dma_start3A_437 : memref<128xi32, #tpu.memory_space<vmem>>) target_semaphore(%run_scoped3A_430 : memref<!tpu.dma_semaphore, #tpu.memory_space<semaphore_mem>>)
        %dma_wait3A_439 = arith.constant 0 : i32
        %dma_wait3A_440 = tpu.memref_slice %arg7[%run_scoped3A, %dma_wait3A_439] : memref<1x128xi32, #tpu.memory_space<vmem>> -> memref<1x128xi32, #tpu.memory_space<vmem>>
        %dma_wait3A_441 = tpu.memref_squeeze %dma_wait3A_440 : memref<1x128xi32, #tpu.memory_space<vmem>> -> memref<128xi32, #tpu.memory_space<vmem>>
        %dma_wait3A_442 = tpu.memref_slice %arg3[%add3A_404] : memref<323584xi32, #tpu.memory_space<hbm>> -> memref<128xi32, #tpu.memory_space<hbm>>
        %dma_wait3A_443 = arith.constant 0 : i32
        %dma_wait3A_444 = tpu.memref_slice %arg7[%run_scoped3A, %dma_wait3A_443] : memref<1x128xi32, #tpu.memory_space<vmem>> -> memref<1x128xi32, #tpu.memory_space<vmem>>
        %dma_wait3A_445 = tpu.memref_squeeze %dma_wait3A_444 : memref<1x128xi32, #tpu.memory_space<vmem>> -> memref<128xi32, #tpu.memory_space<vmem>>
        %dma_wait3A_446 = tpu.memref_slice %arg3[%add3A_404] : memref<323584xi32, #tpu.memory_space<hbm>> -> memref<128xi32, #tpu.memory_space<hbm>>
        tpu.wait_dma2 semaphore(%run_scoped3A_430 : memref<!tpu.dma_semaphore, #tpu.memory_space<semaphore_mem>>) src(%dma_wait3A_446 : memref<128xi32, #tpu.memory_space<hbm>>) dst(%dma_wait3A_445 : memref<128xi32, #tpu.memory_space<vmem>>)
        tpu.yield
      }) : () -> ()
      %run_scoped3A_405 = arith.constant 0 : i32
      "tpu.region"() ({
        %run_scoped3A_430 = tpu.sem_alloc : memref<!tpu.dma_semaphore, #tpu.memory_space<semaphore_mem>>
        %dma_start3A_431 = arith.constant 0 : i32
        %dma_start3A_432 = tpu.memref_slice %arg8[%run_scoped3A_405, %dma_start3A_431] : memref<1x128xi32, #tpu.memory_space<vmem>> -> memref<1x128xi32, #tpu.memory_space<vmem>>
        %dma_start3A_433 = tpu.memref_squeeze %dma_start3A_432 : memref<1x128xi32, #tpu.memory_space<vmem>> -> memref<128xi32, #tpu.memory_space<vmem>>
        %dma_start3A_434 = tpu.memref_slice %arg4[%add3A_404] : memref<323584xi32, #tpu.memory_space<hbm>> -> memref<128xi32, #tpu.memory_space<hbm>>
        %dma_start3A_435 = arith.constant 0 : i32
        %dma_start3A_436 = tpu.memref_slice %arg8[%run_scoped3A_405, %dma_start3A_435] : memref<1x128xi32, #tpu.memory_space<vmem>> -> memref<1x128xi32, #tpu.memory_space<vmem>>
        %dma_start3A_437 = tpu.memref_squeeze %dma_start3A_436 : memref<1x128xi32, #tpu.memory_space<vmem>> -> memref<128xi32, #tpu.memory_space<vmem>>
        %dma_start3A_438 = tpu.memref_slice %arg4[%add3A_404] : memref<323584xi32, #tpu.memory_space<hbm>> -> memref<128xi32, #tpu.memory_space<hbm>>
        tpu.enqueue_dma source(%dma_start3A_438 : memref<128xi32, #tpu.memory_space<hbm>>) target(%dma_start3A_437 : memref<128xi32, #tpu.memory_space<vmem>>) target_semaphore(%run_scoped3A_430 : memref<!tpu.dma_semaphore, #tpu.memory_space<semaphore_mem>>)
        %dma_wait3A_439 = arith.constant 0 : i32
        %dma_wait3A_440 = tpu.memref_slice %arg8[%run_scoped3A_405, %dma_wait3A_439] : memref<1x128xi32, #tpu.memory_space<vmem>> -> memref<1x128xi32, #tpu.memory_space<vmem>>
        %dma_wait3A_441 = tpu.memref_squeeze %dma_wait3A_440 : memref<1x128xi32, #tpu.memory_space<vmem>> -> memref<128xi32, #tpu.memory_space<vmem>>
        %dma_wait3A_442 = tpu.memref_slice %arg4[%add3A_404] : memref<323584xi32, #tpu.memory_space<hbm>> -> memref<128xi32, #tpu.memory_space<hbm>>
        %dma_wait3A_443 = arith.constant 0 : i32
        %dma_wait3A_444 = tpu.memref_slice %arg8[%run_scoped3A_405, %dma_wait3A_443] : memref<1x128xi32, #tpu.memory_space<vmem>> -> memref<1x128xi32, #tpu.memory_space<vmem>>
        %dma_wait3A_445 = tpu.memref_squeeze %dma_wait3A_444 : memref<1x128xi32, #tpu.memory_space<vmem>> -> memref<128xi32, #tpu.memory_space<vmem>>
        %dma_wait3A_446 = tpu.memref_slice %arg4[%add3A_404] : memref<323584xi32, #tpu.memory_space<hbm>> -> memref<128xi32, #tpu.memory_space<hbm>>
        tpu.wait_dma2 semaphore(%run_scoped3A_430 : memref<!tpu.dma_semaphore, #tpu.memory_space<semaphore_mem>>) src(%dma_wait3A_446 : memref<128xi32, #tpu.memory_space<hbm>>) dst(%dma_wait3A_445 : memref<128xi32, #tpu.memory_space<vmem>>)
        tpu.yield
      }) : () -> ()
      %dma_start3A = arith.constant 0 : i32
      %dma_start3A_406 = arith.constant 0 : i32
      %dma_start3A_407 = arith.constant 0 : i32
      %dma_start3A_408 = arith.constant 0 : i32
      %dma_start3A_409 = tpu.memref_slice %arg9[%dma_start3A_406, %dma_start3A_407, %dma_start3A_408] : memref<1x128x64xf32, #tpu.memory_space<vmem>> -> memref<1x128x64xf32, #tpu.memory_space<vmem>>
      %dma_start3A_410 = tpu.memref_squeeze %dma_start3A_409 : memref<1x128x64xf32, #tpu.memory_space<vmem>> -> memref<128x64xf32, #tpu.memory_space<vmem>>
      %dma_start3A_411 = arith.constant 0 : i32
      %dma_start3A_412 = tpu.memref_slice %arg7[%dma_start3A, %dma_start3A_411] : memref<1x128xi32, #tpu.memory_space<vmem>> -> memref<1x128xi32, #tpu.memory_space<vmem>>
      %dma_start3A_413 = tpu.memref_squeeze %dma_start3A_412 : memref<1x128xi32, #tpu.memory_space<vmem>> -> memref<128xi32, #tpu.memory_space<vmem>>
      %dma_start3A_414 = arith.constant 0 : i32
      %dma_start3A_415 = arith.constant 0 : i32
      %dma_start3A_416 = tpu.memref_slice %arg2[%dma_start3A_414, %dma_start3A_415] : memref<10000x64xf32, #tpu.memory_space<hbm>> -> memref<10000x64xf32, #tpu.memory_space<hbm>>
      tpu.enqueue_indirect_dma source(%dma_start3A_416 : memref<10000x64xf32, #tpu.memory_space<hbm>>) target(%dma_start3A_410 : memref<128x64xf32, #tpu.memory_space<vmem>>) offsets(%dma_start3A_413 : memref<128xi32, #tpu.memory_space<vmem>>) semaphore(%arg11 : memref<!tpu.dma_semaphore, #tpu.memory_space<semaphore_mem>>)
      %dma_wait3A = arith.constant 0 : i32
      %dma_wait3A_417 = arith.constant 0 : i32
      %dma_wait3A_418 = arith.constant 0 : i32
      %dma_wait3A_419 = arith.constant 0 : i32
      %dma_wait3A_420 = tpu.memref_slice %arg9[%dma_wait3A_417, %dma_wait3A_418, %dma_wait3A_419] : memref<1x128x64xf32, #tpu.memory_space<vmem>> -> memref<1x128x64xf32, #tpu.memory_space<vmem>>
      %dma_wait3A_421 = tpu.memref_squeeze %dma_wait3A_420 : memref<1x128x64xf32, #tpu.memory_space<vmem>> -> memref<128x64xf32, #tpu.memory_space<vmem>>
      %dma_wait3A_422 = arith.constant 0 : i32
      %dma_wait3A_423 = tpu.memref_slice %arg7[%dma_wait3A, %dma_wait3A_422] : memref<1x128xi32, #tpu.memory_space<vmem>> -> memref<1x128xi32, #tpu.memory_space<vmem>>
      %dma_wait3A_424 = tpu.memref_squeeze %dma_wait3A_423 : memref<1x128xi32, #tpu.memory_space<vmem>> -> memref<128xi32, #tpu.memory_space<vmem>>
      %dma_wait3A_425 = arith.constant 0 : i32
      %dma_wait3A_426 = arith.constant 0 : i32
      %dma_wait3A_427 = tpu.memref_slice %arg2[%dma_wait3A_425, %dma_wait3A_426] : memref<10000x64xf32, #tpu.memory_space<hbm>> -> memref<10000x64xf32, #tpu.memory_space<hbm>>
      tpu.wait_indirect_dma semaphore(%arg11 : memref<!tpu.dma_semaphore, #tpu.memory_space<semaphore_mem>>) src(%dma_wait3A_427 : memref<10000x64xf32, #tpu.memory_space<hbm>>) dst(%dma_wait3A_421 : memref<128x64xf32, #tpu.memory_space<vmem>>)
      %run_scoped3A_428 = arith.constant 0 : i32
      %run_scoped3A_429 = arith.constant 0 : i32
      "tpu.region"() ({
        %run_scoped3A_430 = tpu.sem_alloc : memref<!tpu.dma_semaphore, #tpu.memory_space<semaphore_mem>>
        %dma_start3A_431 = arith.constant 0 : i32
        %dma_start3A_432 = arith.constant 0 : i32
        %dma_start3A_433 = tpu.memref_slice %arg9[%run_scoped3A_428, %dma_start3A_431, %dma_start3A_432] : memref<1x128x64xf32, #tpu.memory_space<vmem>> -> memref<1x128x64xf32, #tpu.memory_space<vmem>>
        %dma_start3A_434 = tpu.memref_squeeze %dma_start3A_433 : memref<1x128x64xf32, #tpu.memory_space<vmem>> -> memref<128x64xf32, #tpu.memory_space<vmem>>
        %dma_start3A_435 = arith.constant 0 : i32
        %dma_start3A_436 = tpu.memref_slice %arg8[%run_scoped3A_429, %dma_start3A_435] : memref<1x128xi32, #tpu.memory_space<vmem>> -> memref<1x128xi32, #tpu.memory_space<vmem>>
        %dma_start3A_437 = tpu.memref_squeeze %dma_start3A_436 : memref<1x128xi32, #tpu.memory_space<vmem>> -> memref<128xi32, #tpu.memory_space<vmem>>
        %dma_start3A_438 = arith.constant 0 : i32
        %dma_start3A_439 = arith.constant 0 : i32
        %dma_start3A_440 = tpu.memref_slice %arg6[%dma_start3A_438, %dma_start3A_439] : memref<10240x64xf32, #tpu.memory_space<vmem_shared>> -> memref<10240x64xf32, #tpu.memory_space<vmem_shared>>
        tpu.enqueue_indirect_dma source(%dma_start3A_434 : memref<128x64xf32, #tpu.memory_space<vmem>>) target(%dma_start3A_440 : memref<10240x64xf32, #tpu.memory_space<vmem_shared>>) offsets(%dma_start3A_437 : memref<128xi32, #tpu.memory_space<vmem>>) semaphore(%run_scoped3A_430 : memref<!tpu.dma_semaphore, #tpu.memory_space<semaphore_mem>>) {add = true}
        %dma_wait3A_441 = arith.constant 0 : i32
        %dma_wait3A_442 = arith.constant 0 : i32
        %dma_wait3A_443 = tpu.memref_slice %arg9[%run_scoped3A_428, %dma_wait3A_441, %dma_wait3A_442] : memref<1x128x64xf32, #tpu.memory_space<vmem>> -> memref<1x128x64xf32, #tpu.memory_space<vmem>>
        %dma_wait3A_444 = tpu.memref_squeeze %dma_wait3A_443 : memref<1x128x64xf32, #tpu.memory_space<vmem>> -> memref<128x64xf32, #tpu.memory_space<vmem>>
        %dma_wait3A_445 = arith.constant 0 : i32
        %dma_wait3A_446 = tpu.memref_slice %arg8[%run_scoped3A_429, %dma_wait3A_445] : memref<1x128xi32, #tpu.memory_space<vmem>> -> memref<1x128xi32, #tpu.memory_space<vmem>>
        %dma_wait3A_447 = tpu.memref_squeeze %dma_wait3A_446 : memref<1x128xi32, #tpu.memory_space<vmem>> -> memref<128xi32, #tpu.memory_space<vmem>>
        %dma_wait3A_448 = arith.constant 0 : i32
        %dma_wait3A_449 = arith.constant 0 : i32
        %dma_wait3A_450 = tpu.memref_slice %arg6[%dma_wait3A_448, %dma_wait3A_449] : memref<10240x64xf32, #tpu.memory_space<vmem_shared>> -> memref<10240x64xf32, #tpu.memory_space<vmem_shared>>
        tpu.wait_indirect_dma semaphore(%run_scoped3A_430 : memref<!tpu.dma_semaphore, #tpu.memory_space<semaphore_mem>>) src(%dma_wait3A_444 : memref<128x64xf32, #tpu.memory_space<vmem>>) dst(%dma_wait3A_450 : memref<10240x64xf32, #tpu.memory_space<vmem_shared>>)
        tpu.yield
      }) : () -> ()
    }
    %scan3A_399 = arith.constant 79 : i32
    %barrier3A_400 = arith.constant 0 : index
    tpu.barrier barrier_id(%barrier3A_400)
    "tpu.region"() ({
      %run_scoped3A = tpu.sem_alloc : memref<!tpu.dma_semaphore, #tpu.memory_space<semaphore_mem>>
      %dma_start3A = arith.constant 0 : i32
      %dma_start3A_401 = tpu.memref_slice %arg5[%arg0, %mul3A_384, %dma_start3A] : memref<2x10240x64xf32, #tpu.memory_space<hbm>> -> memref<1x640x64xf32, #tpu.memory_space<hbm>>
      %dma_start3A_402 = tpu.memref_squeeze %dma_start3A_401 : memref<1x640x64xf32, #tpu.memory_space<hbm>> -> memref<640x64xf32, #tpu.memory_space<hbm>>
      %dma_start3A_403 = arith.constant 0 : i32
      %dma_start3A_404 = tpu.memref_slice %arg6[%mul3A_384, %dma_start3A_403] : memref<10240x64xf32, #tpu.memory_space<vmem_shared>> -> memref<640x64xf32, #tpu.memory_space<vmem_shared>>
      tpu.enqueue_dma source(%dma_start3A_404 : memref<640x64xf32, #tpu.memory_space<vmem_shared>>) target(%dma_start3A_402 : memref<640x64xf32, #tpu.memory_space<hbm>>) target_semaphore(%run_scoped3A : memref<!tpu.dma_semaphore, #tpu.memory_space<semaphore_mem>>)
      %dma_wait3A = arith.constant 0 : i32
      %dma_wait3A_405 = tpu.memref_slice %arg5[%arg0, %mul3A_384, %dma_wait3A] : memref<2x10240x64xf32, #tpu.memory_space<hbm>> -> memref<1x640x64xf32, #tpu.memory_space<hbm>>
      %dma_wait3A_406 = tpu.memref_squeeze %dma_wait3A_405 : memref<1x640x64xf32, #tpu.memory_space<hbm>> -> memref<640x64xf32, #tpu.memory_space<hbm>>
      %dma_wait3A_407 = arith.constant 0 : i32
      %dma_wait3A_408 = tpu.memref_slice %arg6[%mul3A_384, %dma_wait3A_407] : memref<10240x64xf32, #tpu.memory_space<vmem_shared>> -> memref<640x64xf32, #tpu.memory_space<vmem_shared>>
      tpu.wait_dma2 semaphore(%run_scoped3A : memref<!tpu.dma_semaphore, #tpu.memory_space<semaphore_mem>>) src(%dma_wait3A_408 : memref<640x64xf32, #tpu.memory_space<vmem_shared>>) dst(%dma_wait3A_406 : memref<640x64xf32, #tpu.memory_space<hbm>>)
      tpu.yield
    }) : () -> ()
    return
  }
}

module attributes {stable_mosaic.version = 14 : i64} {
  func.func @_prep_body(%arg0: i32, %arg1: memref<2x1024x1xf32, #tpu.memory_space<vmem>>, %arg2: memref<1024x128xf32, #tpu.memory_space<vmem>>, %arg3: memref<128x128xf32, #tpu.memory_space<vmem>>, %arg4: memref<1024x128xf32, #tpu.memory_space<vmem>>) attributes {dimension_semantics = [#tpu.dimension_semantics<arbitrary>], iteration_bounds = array<i64: 10>, scalar_prefetch = 0 : i64, scratch_operands = 0 : i64, tpu.core_type = #tpu.core_type<tc>, window_params = [{transform_indices = @transform_0, window_bounds = array<i64: 2, 1024, 1>}, {transform_indices = @transform_1, window_bounds = array<i64: 1024, 128>}, {pipeline_mode = #tpu.pipeline_mode<synchronous>, transform_indices = @transform_2, window_bounds = array<i64: 128, 128>}, {transform_indices = @transform_3, window_bounds = array<i64: 1024, 128>}]} {
    %get3A = arith.constant 0 : index
    %get3A_0 = arith.constant 0 : index
    %get3A_1 = vector.load %arg2[%get3A, %get3A_0] : memref<1024x128xf32, #tpu.memory_space<vmem>>, vector<1024x128xf32>
    %get3A_2 = arith.constant 0 : index
    %get3A_3 = arith.constant 0 : index
    %get3A_4 = vector.load %arg3[%get3A_2, %get3A_3] : memref<128x128xf32, #tpu.memory_space<vmem>>, vector<128x128xf32>
    %dot_general3A = arith.constant dense<0.000000e+00> : vector<1024x128xf32>
    %dot_general3A_5 = tpu.matmul %get3A_1, %get3A_4, %dot_general3A {dimension_numbers = #tpu.dot_dimension_numbers<[1], [0], [0], [1], [0, 0, 1, 1], [], []>, transpose_lhs_hint = false} : vector<1024x128xf32>, vector<128x128xf32>, vector<1024x128xf32> -> vector<1024x128xf32>
    %get3A_6 = arith.constant 0 : index
    %get3A_7 = arith.constant 0 : index
    %get3A_8 = arith.constant 0 : index
    %get3A_9 = vector.load %arg1[%get3A_6, %get3A_7, %get3A_8] : memref<2x1024x1xf32, #tpu.memory_space<vmem>>, vector<1x1024x1xf32>
    %get3A_10 = vector.shape_cast %get3A_9 : vector<1x1024x1xf32> to vector<1024x1xf32>
    %get3A_11 = arith.constant 1 : index
    %get3A_12 = arith.constant 0 : index
    %get3A_13 = arith.constant 0 : index
    %get3A_14 = vector.load %arg1[%get3A_11, %get3A_12, %get3A_13] : memref<2x1024x1xf32, #tpu.memory_space<vmem>>, vector<1x1024x1xf32>
    %get3A_15 = vector.shape_cast %get3A_14 : vector<1x1024x1xf32> to vector<1024x1xf32>
    %add3A = arith.addf %get3A_10, %get3A_15 : vector<1024x1xf32>
    %add3A_16 = arith.constant 1.000000e+00 : f32
    %add3A_17 = vector.broadcast %add3A_16 : f32 to vector<1024x1xf32>
    %add3A_18 = arith.addf %add3A, %add3A_17 : vector<1024x1xf32>
    %rsqrt3A = math.rsqrt %add3A_18 : vector<1024x1xf32>
    %mul3A = vector.broadcast %rsqrt3A : vector<1024x1xf32> to vector<1024x128xf32>
    %mul3A_19 = arith.mulf %dot_general3A_5, %mul3A : vector<1024x128xf32>
    %swap3A = arith.constant 0 : index
    %swap3A_20 = arith.constant 0 : index
    %swap3A_21 = vector.load %arg4[%swap3A, %swap3A_20] : memref<1024x128xf32, #tpu.memory_space<vmem>>, vector<1024x128xf32>
    tpu.vector_store %arg4[%swap3A, %swap3A_20], %mul3A_19 {strides = array<i32>} : memref<1024x128xf32, #tpu.memory_space<vmem>>, vector<1024x128xf32>,
    return
  }
  func.func @transform_0(%arg0: i32) -> (i32, i32, i32) {
    %c0_i32 = arith.constant 0 : i32
    %c0_i32_0 = arith.constant 0 : i32
    %c0_i32_1 = arith.constant 0 : i32
    return %c0_i32, %arg0, %c0_i32_0 : i32, i32, i32
  }
  func.func @transform_1(%arg0: i32) -> (i32, i32) {
    %c0_i32 = arith.constant 0 : i32
    %c0_i32_0 = arith.constant 0 : i32
    return %arg0, %c0_i32 : i32, i32
  }
  func.func @transform_2(%arg0: i32) -> (i32, i32) {
    %c0_i32 = arith.constant 0 : i32
    %c0_i32_0 = arith.constant 0 : i32
    %c0_i32_1 = arith.constant 0 : i32
    return %c0_i32, %c0_i32_0 : i32, i32
  }
  func.func @transform_3(%arg0: i32) -> (i32, i32) {
    %c0_i32 = arith.constant 0 : i32
    %c0_i32_0 = arith.constant 0 : i32
    return %arg0, %c0_i32 : i32, i32
  }
}

module attributes {stable_mosaic.version = 14 : i64} {
  func.func @_combine_mm_body(%arg0: i32, %arg1: memref<2x1024x1xf32, #tpu.memory_space<vmem>>, %arg2: memref<2x1024x128xf32, #tpu.memory_space<vmem>>, %arg3: memref<1024x128xf32, #tpu.memory_space<vmem>>, %arg4: memref<128xf32, #tpu.memory_space<vmem>>, %arg5: memref<128x128xf32, #tpu.memory_space<vmem>>, %arg6: memref<1024x128xf32, #tpu.memory_space<vmem>>) attributes {dimension_semantics = [#tpu.dimension_semantics<arbitrary>], iteration_bounds = array<i64: 10>, scalar_prefetch = 0 : i64, scratch_operands = 0 : i64, tpu.core_type = #tpu.core_type<tc>, window_params = [{transform_indices = @transform_0, window_bounds = array<i64: 2, 1024, 1>}, {transform_indices = @transform_1, window_bounds = array<i64: 2, 1024, 128>}, {transform_indices = @transform_2, window_bounds = array<i64: 1024, 128>}, {pipeline_mode = #tpu.pipeline_mode<synchronous>, transform_indices = @transform_3, window_bounds = array<i64: 128>}, {pipeline_mode = #tpu.pipeline_mode<synchronous>, transform_indices = @transform_4, window_bounds = array<i64: 128, 128>}, {transform_indices = @transform_5, window_bounds = array<i64: 1024, 128>}]} {
    %get3A = arith.constant 0 : index
    %get3A_0 = arith.constant 0 : index
    %get3A_1 = arith.constant 0 : index
    %get3A_2 = vector.load %arg1[%get3A, %get3A_0, %get3A_1] : memref<2x1024x1xf32, #tpu.memory_space<vmem>>, vector<1x1024x1xf32>
    %get3A_3 = vector.shape_cast %get3A_2 : vector<1x1024x1xf32> to vector<1024x1xf32>
    %get3A_4 = arith.constant 1 : index
    %get3A_5 = arith.constant 0 : index
    %get3A_6 = arith.constant 0 : index
    %get3A_7 = vector.load %arg1[%get3A_4, %get3A_5, %get3A_6] : memref<2x1024x1xf32, #tpu.memory_space<vmem>>, vector<1x1024x1xf32>
    %get3A_8 = vector.shape_cast %get3A_7 : vector<1x1024x1xf32> to vector<1024x1xf32>
    %add3A = arith.addf %get3A_3, %get3A_8 : vector<1024x1xf32>
    %add3A_9 = arith.constant 1.000000e+00 : f32
    %add3A_10 = vector.broadcast %add3A_9 : f32 to vector<1024x1xf32>
    %add3A_11 = arith.addf %add3A, %add3A_10 : vector<1024x1xf32>
    %rsqrt3A = math.rsqrt %add3A_11 : vector<1024x1xf32>
    %get3A_12 = arith.constant 0 : index
    %get3A_13 = arith.constant 0 : index
    %get3A_14 = arith.constant 0 : index
    %get3A_15 = vector.load %arg2[%get3A_12, %get3A_13, %get3A_14] : memref<2x1024x128xf32, #tpu.memory_space<vmem>>, vector<1x1024x128xf32>
    %get3A_16 = vector.shape_cast %get3A_15 : vector<1x1024x128xf32> to vector<1024x128xf32>
    %get3A_17 = arith.constant 1 : index
    %get3A_18 = arith.constant 0 : index
    %get3A_19 = arith.constant 0 : index
    %get3A_20 = vector.load %arg2[%get3A_17, %get3A_18, %get3A_19] : memref<2x1024x128xf32, #tpu.memory_space<vmem>>, vector<1x1024x128xf32>
    %get3A_21 = vector.shape_cast %get3A_20 : vector<1x1024x128xf32> to vector<1024x128xf32>
    %add3A_22 = arith.addf %get3A_16, %get3A_21 : vector<1024x128xf32>
    %get3A_23 = arith.constant 0 : index
    %get3A_24 = arith.constant 0 : index
    %get3A_25 = vector.load %arg3[%get3A_23, %get3A_24] : memref<1024x128xf32, #tpu.memory_space<vmem>>, vector<1024x128xf32>
    %add3A_26 = arith.addf %add3A_22, %get3A_25 : vector<1024x128xf32>
    %mul3A = vector.broadcast %rsqrt3A : vector<1024x1xf32> to vector<1024x128xf32>
    %mul3A_27 = arith.mulf %add3A_26, %mul3A : vector<1024x128xf32>
    %get3A_28 = arith.constant 0 : index
    %get3A_29 = vector.load %arg4[%get3A_28] : memref<128xf32, #tpu.memory_space<vmem>>, vector<128xf32>
    %broadcast_in_dim3A = vector.shape_cast %get3A_29 : vector<128xf32> to vector<1x128xf32>
    %add3A_30 = vector.broadcast %broadcast_in_dim3A : vector<1x128xf32> to vector<1024x128xf32>
    %add3A_31 = arith.addf %mul3A_27, %add3A_30 : vector<1024x128xf32>
    %max3A = arith.constant 0.000000e+00 : f32
    %max3A_32 = vector.broadcast %max3A : f32 to vector<1024x128xf32>
    %max3A_33 = arith.maximumf %add3A_31, %max3A_32 : vector<1024x128xf32>
    %get3A_34 = arith.constant 0 : index
    %get3A_35 = arith.constant 0 : index
    %get3A_36 = vector.load %arg5[%get3A_34, %get3A_35] : memref<128x128xf32, #tpu.memory_space<vmem>>, vector<128x128xf32>
    %dot_general3A = arith.constant dense<0.000000e+00> : vector<1024x128xf32>
    %dot_general3A_37 = tpu.matmul %max3A_33, %get3A_36, %dot_general3A {dimension_numbers = #tpu.dot_dimension_numbers<[1], [0], [0], [1], [0, 0, 1, 1], [], []>, transpose_lhs_hint = false} : vector<1024x128xf32>, vector<128x128xf32>, vector<1024x128xf32> -> vector<1024x128xf32>
    %mul3A_38 = vector.broadcast %rsqrt3A : vector<1024x1xf32> to vector<1024x128xf32>
    %mul3A_39 = arith.mulf %dot_general3A_37, %mul3A_38 : vector<1024x128xf32>
    %swap3A = arith.constant 0 : index
    %swap3A_40 = arith.constant 0 : index
    %swap3A_41 = vector.load %arg6[%swap3A, %swap3A_40] : memref<1024x128xf32, #tpu.memory_space<vmem>>, vector<1024x128xf32>
    tpu.vector_store %arg6[%swap3A, %swap3A_40], %mul3A_39 {strides = array<i32>} : memref<1024x128xf32, #tpu.memory_space<vmem>>, vector<1024x128xf32>,
    return
  }
  func.func @transform_0(%arg0: i32) -> (i32, i32, i32) {
    %c0_i32 = arith.constant 0 : i32
    %c0_i32_0 = arith.constant 0 : i32
    %c0_i32_1 = arith.constant 0 : i32
    return %c0_i32, %arg0, %c0_i32_0 : i32, i32, i32
  }
  func.func @transform_1(%arg0: i32) -> (i32, i32, i32) {
    %c0_i32 = arith.constant 0 : i32
    %c0_i32_0 = arith.constant 0 : i32
    %c0_i32_1 = arith.constant 0 : i32
    return %c0_i32, %arg0, %c0_i32_0 : i32, i32, i32
  }
  func.func @transform_2(%arg0: i32) -> (i32, i32) {
    %c0_i32 = arith.constant 0 : i32
    %c0_i32_0 = arith.constant 0 : i32
    return %arg0, %c0_i32 : i32, i32
  }
  func.func @transform_3(%arg0: i32) -> i32 {
    %c0_i32 = arith.constant 0 : i32
    %c0_i32_0 = arith.constant 0 : i32
    return %c0_i32 : i32
  }
  func.func @transform_4(%arg0: i32) -> (i32, i32) {
    %c0_i32 = arith.constant 0 : i32
    %c0_i32_0 = arith.constant 0 : i32
    %c0_i32_1 = arith.constant 0 : i32
    return %c0_i32, %c0_i32_0 : i32, i32
  }
  func.func @transform_5(%arg0: i32) -> (i32, i32) {
    %c0_i32 = arith.constant 0 : i32
    %c0_i32_0 = arith.constant 0 : i32
    return %arg0, %c0_i32 : i32, i32
  }
}

module attributes {stable_mosaic.version = 14 : i64} {
  func.func @_combine2_body(%arg0: i32, %arg1: memref<2x1024x1xf32, #tpu.memory_space<vmem>>, %arg2: memref<2x1024x128xf32, #tpu.memory_space<vmem>>, %arg3: memref<1024x128xf32, #tpu.memory_space<vmem>>, %arg4: memref<128xf32, #tpu.memory_space<vmem>>, %arg5: memref<128x64xf32, #tpu.memory_space<vmem>>, %arg6: memref<1024x128xf32, #tpu.memory_space<vmem>>, %arg7: memref<1024x64xf32, #tpu.memory_space<vmem>>) attributes {dimension_semantics = [#tpu.dimension_semantics<arbitrary>], iteration_bounds = array<i64: 10>, scalar_prefetch = 0 : i64, scratch_operands = 0 : i64, tpu.core_type = #tpu.core_type<tc>, window_params = [{transform_indices = @transform_0, window_bounds = array<i64: 2, 1024, 1>}, {transform_indices = @transform_1, window_bounds = array<i64: 2, 1024, 128>}, {transform_indices = @transform_2, window_bounds = array<i64: 1024, 128>}, {pipeline_mode = #tpu.pipeline_mode<synchronous>, transform_indices = @transform_3, window_bounds = array<i64: 128>}, {pipeline_mode = #tpu.pipeline_mode<synchronous>, transform_indices = @transform_4, window_bounds = array<i64: 128, 64>}, {transform_indices = @transform_5, window_bounds = array<i64: 1024, 128>}, {transform_indices = @transform_6, window_bounds = array<i64: 1024, 64>}]} {
    %get3A = arith.constant 0 : index
    %get3A_0 = arith.constant 0 : index
    %get3A_1 = arith.constant 0 : index
    %get3A_2 = vector.load %arg1[%get3A, %get3A_0, %get3A_1] : memref<2x1024x1xf32, #tpu.memory_space<vmem>>, vector<1x1024x1xf32>
    %get3A_3 = vector.shape_cast %get3A_2 : vector<1x1024x1xf32> to vector<1024x1xf32>
    %get3A_4 = arith.constant 1 : index
    %get3A_5 = arith.constant 0 : index
    %get3A_6 = arith.constant 0 : index
    %get3A_7 = vector.load %arg1[%get3A_4, %get3A_5, %get3A_6] : memref<2x1024x1xf32, #tpu.memory_space<vmem>>, vector<1x1024x1xf32>
    %get3A_8 = vector.shape_cast %get3A_7 : vector<1x1024x1xf32> to vector<1024x1xf32>
    %add3A = arith.addf %get3A_3, %get3A_8 : vector<1024x1xf32>
    %add3A_9 = arith.constant 1.000000e+00 : f32
    %add3A_10 = vector.broadcast %add3A_9 : f32 to vector<1024x1xf32>
    %add3A_11 = arith.addf %add3A, %add3A_10 : vector<1024x1xf32>
    %rsqrt3A = math.rsqrt %add3A_11 : vector<1024x1xf32>
    %get3A_12 = arith.constant 0 : index
    %get3A_13 = arith.constant 0 : index
    %get3A_14 = arith.constant 0 : index
    %get3A_15 = vector.load %arg2[%get3A_12, %get3A_13, %get3A_14] : memref<2x1024x128xf32, #tpu.memory_space<vmem>>, vector<1x1024x128xf32>
    %get3A_16 = vector.shape_cast %get3A_15 : vector<1x1024x128xf32> to vector<1024x128xf32>
    %get3A_17 = arith.constant 1 : index
    %get3A_18 = arith.constant 0 : index
    %get3A_19 = arith.constant 0 : index
    %get3A_20 = vector.load %arg2[%get3A_17, %get3A_18, %get3A_19] : memref<2x1024x128xf32, #tpu.memory_space<vmem>>, vector<1x1024x128xf32>
    %get3A_21 = vector.shape_cast %get3A_20 : vector<1x1024x128xf32> to vector<1024x128xf32>
    %add3A_22 = arith.addf %get3A_16, %get3A_21 : vector<1024x128xf32>
    %get3A_23 = arith.constant 0 : index
    %get3A_24 = arith.constant 0 : index
    %get3A_25 = vector.load %arg3[%get3A_23, %get3A_24] : memref<1024x128xf32, #tpu.memory_space<vmem>>, vector<1024x128xf32>
    %add3A_26 = arith.addf %add3A_22, %get3A_25 : vector<1024x128xf32>
    %mul3A = vector.broadcast %rsqrt3A : vector<1024x1xf32> to vector<1024x128xf32>
    %mul3A_27 = arith.mulf %add3A_26, %mul3A : vector<1024x128xf32>
    %get3A_28 = arith.constant 0 : index
    %get3A_29 = vector.load %arg4[%get3A_28] : memref<128xf32, #tpu.memory_space<vmem>>, vector<128xf32>
    %broadcast_in_dim3A = vector.shape_cast %get3A_29 : vector<128xf32> to vector<1x128xf32>
    %add3A_30 = vector.broadcast %broadcast_in_dim3A : vector<1x128xf32> to vector<1024x128xf32>
    %add3A_31 = arith.addf %mul3A_27, %add3A_30 : vector<1024x128xf32>
    %max3A = arith.constant 0.000000e+00 : f32
    %max3A_32 = vector.broadcast %max3A : f32 to vector<1024x128xf32>
    %max3A_33 = arith.maximumf %add3A_31, %max3A_32 : vector<1024x128xf32>
    %swap3A = arith.constant 0 : index
    %swap3A_34 = arith.constant 0 : index
    %swap3A_35 = vector.load %arg6[%swap3A, %swap3A_34] : memref<1024x128xf32, #tpu.memory_space<vmem>>, vector<1024x128xf32>
    tpu.vector_store %arg6[%swap3A, %swap3A_34], %max3A_33 {strides = array<i32>} : memref<1024x128xf32, #tpu.memory_space<vmem>>, vector<1024x128xf32>,
    %get3A_36 = arith.constant 0 : index
    %get3A_37 = arith.constant 0 : index
    %get3A_38 = vector.load %arg5[%get3A_36, %get3A_37] : memref<128x64xf32, #tpu.memory_space<vmem>>, vector<128x64xf32>
    %dot_general3A = arith.constant dense<0.000000e+00> : vector<1024x64xf32>
    %dot_general3A_39 = tpu.matmul %max3A_33, %get3A_38, %dot_general3A {dimension_numbers = #tpu.dot_dimension_numbers<[1], [0], [0], [1], [0, 0, 1, 1], [], []>, transpose_lhs_hint = false} : vector<1024x128xf32>, vector<128x64xf32>, vector<1024x64xf32> -> vector<1024x64xf32>
    %mul3A_40 = vector.broadcast %rsqrt3A : vector<1024x1xf32> to vector<1024x64xf32>
    %mul3A_41 = arith.mulf %dot_general3A_39, %mul3A_40 : vector<1024x64xf32>
    %swap3A_42 = arith.constant 0 : index
    %swap3A_43 = arith.constant 0 : index
    %swap3A_44 = vector.load %arg7[%swap3A_42, %swap3A_43] : memref<1024x64xf32, #tpu.memory_space<vmem>>, vector<1024x64xf32>
    tpu.vector_store %arg7[%swap3A_42, %swap3A_43], %mul3A_41 {strides = array<i32>} : memref<1024x64xf32, #tpu.memory_space<vmem>>, vector<1024x64xf32>,
    return
  }
  func.func @transform_0(%arg0: i32) -> (i32, i32, i32) {
    %c0_i32 = arith.constant 0 : i32
    %c0_i32_0 = arith.constant 0 : i32
    %c0_i32_1 = arith.constant 0 : i32
    return %c0_i32, %arg0, %c0_i32_0 : i32, i32, i32
  }
  func.func @transform_1(%arg0: i32) -> (i32, i32, i32) {
    %c0_i32 = arith.constant 0 : i32
    %c0_i32_0 = arith.constant 0 : i32
    %c0_i32_1 = arith.constant 0 : i32
    return %c0_i32, %arg0, %c0_i32_0 : i32, i32, i32
  }
  func.func @transform_2(%arg0: i32) -> (i32, i32) {
    %c0_i32 = arith.constant 0 : i32
    %c0_i32_0 = arith.constant 0 : i32
    return %arg0, %c0_i32 : i32, i32
  }
  func.func @transform_3(%arg0: i32) -> i32 {
    %c0_i32 = arith.constant 0 : i32
    %c0_i32_0 = arith.constant 0 : i32
    return %c0_i32 : i32
  }
  func.func @transform_4(%arg0: i32) -> (i32, i32) {
    %c0_i32 = arith.constant 0 : i32
    %c0_i32_0 = arith.constant 0 : i32
    %c0_i32_1 = arith.constant 0 : i32
    return %c0_i32, %c0_i32_0 : i32, i32
  }
  func.func @transform_5(%arg0: i32) -> (i32, i32) {
    %c0_i32 = arith.constant 0 : i32
    %c0_i32_0 = arith.constant 0 : i32
    return %arg0, %c0_i32 : i32, i32
  }
  func.func @transform_6(%arg0: i32) -> (i32, i32) {
    %c0_i32 = arith.constant 0 : i32
    %c0_i32_0 = arith.constant 0 : i32
    return %arg0, %c0_i32 : i32, i32
  }
}

module attributes {stable_mosaic.version = 14 : i64} {
  func.func @_combine3_body(%arg0: i32, %arg1: memref<2x1024x1xf32, #tpu.memory_space<vmem>>, %arg2: memref<2x1024x64xf32, #tpu.memory_space<vmem>>, %arg3: memref<1024x64xf32, #tpu.memory_space<vmem>>, %arg4: memref<64xf32, #tpu.memory_space<vmem>>, %arg5: memref<1024x64xf32, #tpu.memory_space<vmem>>) attributes {dimension_semantics = [#tpu.dimension_semantics<arbitrary>], iteration_bounds = array<i64: 10>, scalar_prefetch = 0 : i64, scratch_operands = 0 : i64, tpu.core_type = #tpu.core_type<tc>, window_params = [{transform_indices = @transform_0, window_bounds = array<i64: 2, 1024, 1>}, {transform_indices = @transform_1, window_bounds = array<i64: 2, 1024, 64>}, {transform_indices = @transform_2, window_bounds = array<i64: 1024, 64>}, {pipeline_mode = #tpu.pipeline_mode<synchronous>, transform_indices = @transform_3, window_bounds = array<i64: 64>}, {transform_indices = @transform_4, window_bounds = array<i64: 1024, 64>}]} {
    %get3A = arith.constant 0 : index
    %get3A_0 = arith.constant 0 : index
    %get3A_1 = arith.constant 0 : index
    %get3A_2 = vector.load %arg2[%get3A, %get3A_0, %get3A_1] : memref<2x1024x64xf32, #tpu.memory_space<vmem>>, vector<1x1024x64xf32>
    %get3A_3 = vector.shape_cast %get3A_2 : vector<1x1024x64xf32> to vector<1024x64xf32>
    %get3A_4 = arith.constant 1 : index
    %get3A_5 = arith.constant 0 : index
    %get3A_6 = arith.constant 0 : index
    %get3A_7 = vector.load %arg2[%get3A_4, %get3A_5, %get3A_6] : memref<2x1024x64xf32, #tpu.memory_space<vmem>>, vector<1x1024x64xf32>
    %get3A_8 = vector.shape_cast %get3A_7 : vector<1x1024x64xf32> to vector<1024x64xf32>
    %add3A = arith.addf %get3A_3, %get3A_8 : vector<1024x64xf32>
    %get3A_9 = arith.constant 0 : index
    %get3A_10 = arith.constant 0 : index
    %get3A_11 = vector.load %arg3[%get3A_9, %get3A_10] : memref<1024x64xf32, #tpu.memory_space<vmem>>, vector<1024x64xf32>
    %add3A_12 = arith.addf %add3A, %get3A_11 : vector<1024x64xf32>
    %get3A_13 = arith.constant 0 : index
    %get3A_14 = arith.constant 0 : index
    %get3A_15 = arith.constant 0 : index
    %get3A_16 = vector.load %arg1[%get3A_13, %get3A_14, %get3A_15] : memref<2x1024x1xf32, #tpu.memory_space<vmem>>, vector<1x1024x1xf32>
    %get3A_17 = vector.shape_cast %get3A_16 : vector<1x1024x1xf32> to vector<1024x1xf32>
    %get3A_18 = arith.constant 1 : index
    %get3A_19 = arith.constant 0 : index
    %get3A_20 = arith.constant 0 : index
    %get3A_21 = vector.load %arg1[%get3A_18, %get3A_19, %get3A_20] : memref<2x1024x1xf32, #tpu.memory_space<vmem>>, vector<1x1024x1xf32>
    %get3A_22 = vector.shape_cast %get3A_21 : vector<1x1024x1xf32> to vector<1024x1xf32>
    %add3A_23 = arith.addf %get3A_17, %get3A_22 : vector<1024x1xf32>
    %add3A_24 = arith.constant 1.000000e+00 : f32
    %add3A_25 = vector.broadcast %add3A_24 : f32 to vector<1024x1xf32>
    %add3A_26 = arith.addf %add3A_23, %add3A_25 : vector<1024x1xf32>
    %rsqrt3A = math.rsqrt %add3A_26 : vector<1024x1xf32>
    %mul3A = vector.broadcast %rsqrt3A : vector<1024x1xf32> to vector<1024x64xf32>
    %mul3A_27 = arith.mulf %add3A_12, %mul3A : vector<1024x64xf32>
    %get3A_28 = arith.constant 0 : index
    %get3A_29 = vector.load %arg4[%get3A_28] : memref<64xf32, #tpu.memory_space<vmem>>, vector<64xf32>
    %broadcast_in_dim3A = vector.shape_cast %get3A_29 : vector<64xf32> to vector<1x64xf32>
    %add3A_30 = vector.broadcast %broadcast_in_dim3A : vector<1x64xf32> to vector<1024x64xf32>
    %add3A_31 = arith.addf %mul3A_27, %add3A_30 : vector<1024x64xf32>
    %swap3A = arith.constant 0 : index
    %swap3A_32 = arith.constant 0 : index
    %swap3A_33 = vector.load %arg5[%swap3A, %swap3A_32] : memref<1024x64xf32, #tpu.memory_space<vmem>>, vector<1024x64xf32>
    tpu.vector_store %arg5[%swap3A, %swap3A_32], %add3A_31 {strides = array<i32>} : memref<1024x64xf32, #tpu.memory_space<vmem>>, vector<1024x64xf32>,
    return
  }
  func.func @transform_0(%arg0: i32) -> (i32, i32, i32) {
    %c0_i32 = arith.constant 0 : i32
    %c0_i32_0 = arith.constant 0 : i32
    %c0_i32_1 = arith.constant 0 : i32
    return %c0_i32, %arg0, %c0_i32_0 : i32, i32, i32
  }
  func.func @transform_1(%arg0: i32) -> (i32, i32, i32) {
    %c0_i32 = arith.constant 0 : i32
    %c0_i32_0 = arith.constant 0 : i32
    %c0_i32_1 = arith.constant 0 : i32
    return %c0_i32, %arg0, %c0_i32_0 : i32, i32, i32
  }
  func.func @transform_2(%arg0: i32) -> (i32, i32) {
    %c0_i32 = arith.constant 0 : i32
    %c0_i32_0 = arith.constant 0 : i32
    return %arg0, %c0_i32 : i32, i32
  }
  func.func @transform_3(%arg0: i32) -> i32 {
    %c0_i32 = arith.constant 0 : i32
    %c0_i32_0 = arith.constant 0 : i32
    return %c0_i32 : i32
  }
  func.func @transform_4(%arg0: i32) -> (i32, i32) {
    %c0_i32 = arith.constant 0 : i32
    %c0_i32_0 = arith.constant 0 : i32
    return %arg0, %c0_i32 : i32, i32
  }
}

</mosaic_0001>

<sc_bundles>
// kernel: kernel.10.cloned.1.call-start
scs
__scs_entry_jumppad:
0x0: {  	(pc) =	sbr.rel $0x88, $3  }
0x1: {  	(tag) =	ssettag $0x0;
	lr =	simm.s32 $0x1  }
0x2: {  	[smem:$0x3F99] =	sst lr;
	_ =	strace $0xD0000000  }
0x3: {  	_ = 	snop  }
0x4: {  	_ = 	snop  }
0x5: {  	_ = 	snop  }
0x6: {  	_ = 	snop  }
0x7: {  	_ = 	snop  }
__scs_overlays_trampoline_lowered:
0x8: {  	[smem:$0x3FA8] =	sst s0  }
0x9: {  	[smem:$0x3FA9] =	sst s1  }
0xa: {  	[smem:$0x3FAA] =	sst s2  }
0xb: {  	[smem:$0x3FAB] =	sst s3  }
0xc: {  	[smem:$0x3FAC] =	sst s4  }
0xd: {  	[smem:$0x3FAD] =	sst s5  }
0xe: {  	[smem:$0x3FAE] =	sst s6  }
0xf: {  	[smem:$0x3FAF] =	sst s7  }
0x10: {  	[smem:$0x3FB0] =	sst s8  }
0x11: {  	[smem:$0x3FB1] =	sst s9;
	s0 =	simm.s32 @!p0 $0x0  }
0x12: {  	s1 =	sld [smem:$0x3F97];
	s0 =	simm.s32 @p0 $0x1  }
0x13: {  	[smem:$0x3FB2] =	sst s0;
	s0 =	simm.s32 @!p1 $0x0  }
0x14: {  	s2 =	sld [smem:$0x3F96];
	s0 =	simm.s32 @p1 $0x1  }
0x15: {  	[smem:$0x3FB3] =	sst s0;
	s0 =	simm.s32 @!p2 $0x0  }
0x16: {  	s3 =	sld [smem:$0x3FDB];
	s0 =	simm.s32 @p2 $0x1  }
0x17: {  	s4 =	simm.s32 $0x1BF5;
	[smem:$0x3FB5] =	sst s0  }
0x18: {  	s0 =	sld [smem:$0x3F98];
	_ =	swait.ge [sflag:s4], $0x0  }
0x19: {  	s7 =	sld [smem:$0x3F99]  }
0x1a: {  	s8 =	sadd.s32 $0xFFFFE003, lr  }
0x1b: {  	s9 =	sadd.s32 $0xFFFFFEF7, lr;
	s5 =	simm.s32 $0xFFFFFFFF;
	p2 =	slt.u32 s8, $0xFFFFF086  }
0x1c: {  	p1 =	slt.u32 s9, $0xF7A;
	s5 =	simm.s32 @!p2 $0x0  }
0x1d: {  	s5 =	simm.s32 @p1 $0x1;
	p0 =	seq.s32 s7, s2  }
0x1e: {  	s7 =	smul.u32 @!p0 $0xF7A, s2;
	p2 =	seq.s32 @!p0 s5, $0x0  }
0x1f: {  	s9 =	smul.u32 $0xF7A, s1;
	s8 =	simm.s32 @!p0 $0x1BF5;
	p2 =	por !p2, p0  }
0x20: {  	[sflag:s8] =	ssyncset.s32 @!p0 $0xFFFFF086;
	s6 =	sadd.s32 @!p0 s3, s7;
	s7 =	simm.s32 @!p0 $0x108  }
0x21: {  	s3 =	sadd.s32 s3, s9;
	s6 =	sadd.s32 @!p0 $0x88, s6;
	s7 =	simm.s32 @p2 $0x1082  }
0x22: {  	[simem:s7], [sflag:s8] =	dma.local @!p0 [hbm:s6], $0xF7A  }
0x23: {  	s9 =	sor.u32 $0xD0000000, s2;
	s6 =	simm.s32 $0x108;
	_ =	swait.ge @!p0 [sflag:s8], $0x0  }
0x24: {  	s3 =	sadd.s32 $0x88, s3;
	s6 =	simm.s32 @!p1 $0x1082;
	[sflag:s4] =	ssyncset.s32 $0xFFFFF086  }
0x25: {  	[simem:s6], [sflag:s4] =	dma.local [hbm:s3], $0xF7A  }
0x26: {  	[smem:$0x3F99] =	sst s1;
	(tag) =	ssettag s2;
	_ =	strace s9  }
0x27: {  	s1 =	sld [smem:$0x3FA9]  }
0x28: {  	s2 =	sld [smem:$0x3FAA]  }
0x29: {  	s4 =	sld [smem:$0x3FAC]  }
0x2a: {  	p0 =	seq.s32 s5, $0x0;
	s5 =	sld [smem:$0x3FAD]  }
0x2b: {  	s6 =	sld [smem:$0x3FAE]  }
0x2c: {  	s7 =	sld [smem:$0x3FAF]  }
0x2d: {  	s3 =	simm.s32 $0x108;
	s8 =	sld [smem:$0x3FB0]  }
0x2e: {  	s3 =	simm.s32 @!p0 $0x1082;
	s9 =	sld [smem:$0x3FB1]  }
0x2f: {  	lr =	sadd.s32 s0, s3;
	s0 =	sld [smem:$0x3FA8]  }
0x30: {  	s3 =	sld [smem:$0x3FAB]  }
0x31: {  	[smem:$0x3FB4] =	sst s10  }
0x32: {  	s10 =	sld [smem:$0x3FB2];
	_ =	sdelay $0x3  }
0x33: {  	p0 =	seq.s32 s10, $0x1;
	s10 =	sld [smem:$0x3FB4];
	_ =	sdelay $0x3  }
0x34: {  	[smem:$0x3FB4] =	sst s10  }
0x35: {  	s10 =	sld [smem:$0x3FB3];
	_ =	sdelay $0x3  }
0x36: {  	p1 =	seq.s32 s10, $0x1;
	s10 =	sld [smem:$0x3FB4];
	_ =	sdelay $0x3  }
0x37: {  	[smem:$0x3FB4] =	sst s10  }
0x38: {  	s10 =	sld [smem:$0x3FB5]  }
0x39: {  	_ = 	snop;
	(pc) =	sbr.ind lr, $3  }
0x3a: {  	_ = 	snop  }
0x3b: {  	_ = 	snop  }
0x3c: {  	p2 =	seq.s32 s10, $0x1;
	s10 =	sld [smem:$0x3FB4]  }
0x3d: {  	_ =	shalt  }
0x3e: {  	_ =	shalt  }
0x3f: {  	_ =	shalt  }
0x40: {  	_ =	shalt  }
0x41: {  	_ =	shalt  }
0x42: {  	_ =	shalt  }
0x43: {  	_ =	shalt  }
0x44: {  	_ =	shalt  }
0x45: {  	_ =	shalt  }
0x46: {  	_ =	shalt  }
0x47: {  	_ =	shalt  }
0x48: {  	_ =	shalt  }
0x49: {  	_ =	shalt  }
0x4a: {  	_ =	shalt  }
0x4b: {  	_ =	shalt  }
0x4c: {  	_ =	shalt  }
0x4d: {  	_ =	shalt  }
0x4e: {  	_ =	shalt  }
0x4f: {  	_ =	shalt  }
0x50: {  	_ =	shalt  }
0x51: {  	_ =	shalt  }
0x52: {  	_ =	shalt  }
0x53: {  	_ =	shalt  }
0x54: {  	_ =	shalt  }
0x55: {  	_ =	shalt  }
0x56: {  	_ =	shalt  }
0x57: {  	_ =	shalt  }
0x58: {  	_ =	shalt  }
0x59: {  	_ =	shalt  }
0x5a: {  	_ =	shalt  }
0x5b: {  	_ =	shalt  }
0x5c: {  	_ =	shalt  }
0x5d: {  	_ =	shalt  }
0x5e: {  	_ =	shalt  }
0x5f: {  	_ =	shalt  }
0x60: {  	_ =	shalt  }
0x61: {  	_ =	shalt  }
0x62: {  	_ =	shalt  }
0x63: {  	_ =	shalt  }
0x64: {  	_ =	shalt  }
0x65: {  	_ =	shalt  }
0x66: {  	_ =	shalt  }
0x67: {  	_ =	shalt  }
0x68: {  	_ =	shalt  }
0x69: {  	_ =	shalt  }
0x6a: {  	_ =	shalt  }
0x6b: {  	_ =	shalt  }
0x6c: {  	_ =	shalt  }
0x6d: {  	_ =	shalt  }
0x6e: {  	_ =	shalt  }
0x6f: {  	_ =	shalt  }
0x70: {  	_ =	shalt  }
0x71: {  	_ =	shalt  }
0x72: {  	_ =	shalt  }
0x73: {  	_ =	shalt  }
0x74: {  	_ =	shalt  }
0x75: {  	_ =	shalt  }
0x76: {  	_ =	shalt  }
0x77: {  	_ =	shalt  }
0x78: {  	_ =	shalt  }
0x79: {  	_ =	shalt  }
0x7a: {  	_ =	shalt  }
0x7b: {  	_ =	shalt  }
0x7c: {  	_ =	shalt  }
0x7d: {  	_ =	shalt  }
0x7e: {  	_ =	shalt  }
0x7f: {  	_ =	shalt  }
0x80: {  	_ =	shalt  }
0x81: {  	_ =	shalt  }
0x82: {  	_ =	shalt  }
0x83: {  	_ =	shalt  }
0x84: {  	_ =	shalt  }
0x85: {  	_ =	shalt  }
0x86: {  	_ =	shalt  }
0x87: {  	_ =	shalt  }
.Lfunc_end0:
.L_simem_size_0:
called_computation_lowered:
.L_overlay_start_0:
0x88: {  	s2 =	sld [smem:$0x3FD9]  }
0x89: {  	s3 =	sld [smem:$0x3FFE];
	_ =	sdelay $0x1  }
0x8a: {  	s1 =	srdreg.scid  }
0x8b: {  	s0 =	sand.u32 $0x1, s1  }
0x8c: {  	s15 =	sshll.u32 s0, $0xA;
	s2 =	sadd.s32 s3, s2  }
0x8d: {  	s2 =	sadd.s32 s2, s15  }
0x8e: {  	[smem:$0x3FC0] =	sst s2  }
0x8f: {  	_ = 	snop  }
0x90: {  	s2 =	sld [smem:$0x3FD0];
	_ =	sdelay $0x2  }
0x91: {  	s16 =	simm.s32 $0xA;
	s4 =	simm.s32 $0x10  }
0x92: {  	[smem:s4], [sflag:s16] =	dma.local [hbm:s2], $0x1  }
0x93: {  	_ =	swait.eq [sflag:s16], $0x1  }
0x94: {  	[sflag:s16] =	ssyncset.done $0x0  }
0x95: {  	s17 =	sld [smem:$0x10];
	[sflag:s16] =	ssyncadd.s32 $0xFFFFFFFF  }
0x96: {  	s18 =	sld [smem:$0x11];
	(tm) =	ssettm $0x1  }
0x97: {  	s19 =	sld [smem:$0x3FFB];
	_ =	sdelay $0x3  }
0x98: {  	_ =	strace s19  }
0x99: {  	s4 =	sld [smem:$0x3FFC];
	_ =	sdelay $0x3  }
0x9a: {  	_ =	strace s4  }
0x9b: {  	s4 =	sld [smem:$0x3FFD];
	_ =	sdelay $0x3  }
0x9c: {  	_ =	strace s4  }
0x9d: {  	_ =	strace $0x8FFFFFFF  }
0x9e: {  	s20 =	sld [smem:$0x3FDB];
	_ =	sdelay $0x1  }
0x9f: {  	s5 =	simm.s32 $_scs_section_size  }
0xa0: {  	s6 =	simm.s32 $_size__tile_overlayer_lowered;
	s7 =	simm.s32 $_tile_overlayer_lowered  }
0xa1: {  	s23 =	simm.s32 $0x1BFF;
	s22 =	sshll.u32 s7, $0x1;
	s4 =	sadd.s32 s5, s20  }
0xa2: {  	s8 =	simm.s32 $0x0;
	s21 =	sshll.u32 s6, $0x1;
	s6 =	sadd.s32 s22, s4  }
0xa3: {  	[timem:s8], [sflag:s23] =	dma.local [hbm:s6], s21  }
0xa4: {  	_ =	swait.ge [sflag:s23], s21  }
0xa5: {  	s5 =	ssub.s32 $0x0, s21;
	[sflag:s23] =	ssyncset.done $0x0  }
0xa6: {  	[sflag:s23] =	ssyncadd.s32 s5;
	_ =	sdelay $0x1  }
0xa7: {  	s24 =	simm.s32 $0x1B8B  }
0xa8: {  	_ =	swait.ge [sflag:s24], $0x1  }
0xa9: {  	[sflag:s24] =	ssyncset.done $0x0  }
0xaa: {  	s25 =	simm.s32 $0x1B8E;
	[sflag:s24] =	ssyncadd.s32 $0xFFFFFFFF  }
0xab: {  	s26 =	simm.s32 $execute0_lowered;
	[smem:$0x3FD2] =	sst s25  }
0xac: {  	s5 =	sshll.u32 s26, $0x1;
	_ =	strace $0x80000046;
	[dreg:$0x1] =	wrdreg $0xFFFFFFFF  }
0xad: {  	s28 =	simm.s32 $_size_execute0_lowered;
	s4 =	sadd.s32 s4, s5;
	[dreg:$0x0] =	wrdreg $0x0  }
0xae: {  	s5 =	sshll.u32 s28, $0x1;
	[dreg:$0x2] =	wrdreg s4  }
0xaf: {  	[dreg:$0x3] =	wrdreg s5  }
0xb0: {  	[dreg:$0x4] =	wrdreg $0xC0  }
0xb1: {  	_ =	task [dreg:s8], $0x5FFFF  }
0xb2: {  	[dreg:$0x1] =	wrdreg $0xFFFFFFFF  }
0xb3: {  	[dreg:$0x0] =	wrdreg $0x60  }
0xb4: {  	[dreg:$0x2] =	wrdreg s18  }
0xb5: {  	[dreg:$0x3] =	wrdreg s17  }
0xb6: {  	[dreg:$0x4] =	wrdreg $0x0  }
0xb7: {  	[dreg:$0x5] =	wrdreg $0x9  }
0xb8: {  	_ =	task.clear_ibuf [dreg:s8], $0x6FFFF;
	_ =	strace $0x90000046  }
0xb9: {  	s29 =	simm.s32 $0x9;
	_ =	strace $0x80000048  }
0xba: {  	_ =	swait.ge [sflag:s29], $0x1  }
0xbb: {  	[sflag:s29] =	ssyncadd.s32 $0xFFFFFFFF  }
0xbc: {  	_ =	strace $0x90000048  }
0xbd: {  	_ =	sfence  }
0xbe: {  	s30 =	sld [smem:$0x0];
	_ =	sdelay $0x2  }
0xbf: {  	s31 =	sshll.u32 s1, $0xD;
	s1 =	sshrl.u32 s1, $0x2  }
0xc0: {  	s3 =	sand.u32 $0x4000, s31;
	s1 =	sadd.s32 s1, s30  }
0xc1: {  	s0 =	sor.u32 s3, s0;
	s1 =	sshll.u32 s1, $0x11  }
0xc2: {  	s0 =	sor.u32 s1, s0  }
0xc3: {  	s0 =	sadd.s32 $0x8F2B, s0  }
0xc4: {  	[sflag:s0] =	ssyncadd.remote.s32 $0x1  }
0xc5: {  	_ =	sfence.sel $0xFFFF  }
0xc6: {  	[dreg:$0x0] =	wrdreg $0xFFFFFFFF;
	(pc) =	sbr.abs _section_cstart, $3  }
0xc7: {  	[dreg:$0x1] =	wrdreg $0xFFFFFFFF  }
0xc8: {  	_ =	task.clear_ibuf [dreg:s8], $0x2FFFF;
	_ =	strace $0x9FFFFFFF  }
0xc9: {  	(tm) =	ssettm $0x7FFFFFFF  }
tec
execute0_lowered:
.L_overlay_start_1:
0x0: {  	(tag) =	ssettag $0x1  }
0x1: {  	s11 =	rddreg [dreg:$0x0]  }
0x2: {  	s5 =	rddreg [dreg:$0x1]  }
0x3: {  	s2 =	rddreg [dreg:$0x2]  }
0x4: {  	s0 =	rddreg [dreg:$0x3];
	s1 =	stileid.u32  }
0x5: {  	s3 =	simm.s32 $0x0;
	s4 =	srdreg.scid;
	s14 =	simm.s32 $0x280  }
0x6: {  	s15 =	simm.s32 $0x80;
	s16 =	simm.s32 $0x300;
	s19 =	simm.s32 $0x20  }
0x7: {  	s20 =	simm.s32 $0x10;
	s21 =	simm.s32 $0x0;
	s6 =	smul.u32 $0xA00, s1  }
0x8: {  	[smem:$0x7FF] =	sst s3;
	s7 =	sand.u32 $0x1, s4;
	s30 =	smul.u32 $0x500, s1  }
0x9: {  	s13 =	smul.u32 $0x4F0, s1;
	s17 =	sshll.u32 s1, $0x6;
	_ =	strace $0x80000047  }
0xa: {  	s8 =	ssub.s32 $0x2, s7;
	s9 =	sshll.u32 s7, $0x7;
	s12 =	smul.u32 $0x4F00, s7  }
0xb: {  	s17 =	sor.u32 $0x1C01, s17;
	s10 =	sshrl.u32 s8, $0x1;
	s6 =	sshrl.u32 s6, $0x2  }
0xc: {  	s9 =	sor.u32 s9, s30;
	s8 =	ssub.s32 s8, s10;
	s4 =	sadd.s32 s6, s2  }
0xd: {  	s31 =	sshrl.u32 s9, $0x3;
	s11 =	sadd.s32 s12, s11;
	s12 =	simm.s32 $0x380  }
0xe: {  	s5 =	sadd.s32 s5, s31;
	s6 =	smax.u32 s8, $0x1;
	s7 =	sadd.s32 $0x80, s4  }
0xf: {  	s8 =	sadd.s32 $0x100, s4;
	s9 =	sadd.s32 $0x180, s4;
	s10 =	sadd.s32 $0x200, s4  }
0x10: {  	v0 =	vimm.f32 $0.0e+00;
	v1 =	vimm.f32 $1.000000000e+00;
	s11 =	sadd.s32 s13, s11;
	s13 =	simm.s32 $0x1;
	s18 =	sshrl.u32 s4, $0x3  }
.LBB2_1:
0x11: {  	[tilespmem:$0x380] =	vst v0  }
0x12: {  	[tilespmem:$0x300] =	vst v1  }
0x13: {  	[tilespmem:$0x390] =	vst v0  }
0x14: {  	[tilespmem:$0x310] =	vst v1  }
0x15: {  	[tilespmem:$0x3A0] =	vst v0  }
0x16: {  	[tilespmem:$0x320] =	vst v1  }
0x17: {  	[tilespmem:$0x3B0] =	vst v0  }
0x18: {  	[tilespmem:$0x330] =	vst v1  }
0x19: {  	[tilespmem:$0x3C0] =	vst v0  }
0x1a: {  	[tilespmem:$0x340] =	vst v1  }
0x1b: {  	[tilespmem:$0x3D0] =	vst v0  }
0x1c: {  	[tilespmem:$0x350] =	vst v1  }
0x1d: {  	[tilespmem:$0x3E0] =	vst v0  }
0x1e: {  	[tilespmem:$0x360] =	vst v1  }
0x1f: {  	[tilespmem:$0x3F0] =	vst v0  }
0x20: {  	[tilespmem:$0x370] =	vst v1  }
0x21: {  	[spmem:s4] =	stream.linear.scatter [tilespmem:s12], [sflag:$0x1], $0x80, $0x38;
	[tilespmem:$0x400] =	vst v63  }
0x22: {  	_ =	swait.ge [sflag:s13], $0x80  }
0x23: {  	[sflag:s13] =	ssyncset.done $0x0  }
0x24: {  	[sflag:s13] =	ssyncadd.s32 $0xFFFFFF80  }
0x25: {  	[spmem:s7] =	stream.linear.scatter [tilespmem:s12], [sflag:$0x1], $0x80, $0x38;
	[tilespmem:$0x400] =	vst v63  }
0x26: {  	_ =	swait.ge [sflag:s13], $0x80  }
0x27: {  	[sflag:s13] =	ssyncset.done $0x0  }
0x28: {  	[sflag:s13] =	ssyncadd.s32 $0xFFFFFF80  }
0x29: {  	[spmem:s8] =	stream.linear.scatter [tilespmem:s12], [sflag:$0x1], $0x80, $0x38;
	[tilespmem:$0x400] =	vst v63  }
0x2a: {  	_ =	swait.ge [sflag:s13], $0x80  }
0x2b: {  	[sflag:s13] =	ssyncset.done $0x0  }
0x2c: {  	[sflag:s13] =	ssyncadd.s32 $0xFFFFFF80  }
0x2d: {  	[spmem:s9] =	stream.linear.scatter [tilespmem:s12], [sflag:$0x1], $0x80, $0x38;
	[tilespmem:$0x400] =	vst v63  }
0x2e: {  	_ =	swait.ge [sflag:s13], $0x80  }
0x2f: {  	[sflag:s13] =	ssyncset.done $0x0  }
0x30: {  	[sflag:s13] =	ssyncadd.s32 $0xFFFFFF80  }
0x31: {  	[spmem:s10] =	stream.linear.scatter [tilespmem:s12], [sflag:$0x1], $0x80, $0x38;
	[tilespmem:$0x400] =	vst v63  }
0x32: {  	_ =	swait.ge [sflag:s13], $0x80  }
0x33: {  	[sflag:s13] =	ssyncset.done $0x0  }
0x34: {  	[sflag:s13] =	ssyncadd.s32 $0xFFFFFF80  }
0x35: {  	s22 =	sadd.s32 $0x0, s11;
	[bflag:$0x0] =	sbarrier.arrive $0xFFFF  }
0x36: {  	[tilespmem:s14], [sflag:$0x1] =	stream.linear.gather [hbm4b:s22+s3], $0x80, $0x38;
	[tilespmem:$0x400] =	vst v63  }
0x37: {  	_ =	swait.ge [sflag:s13], $0x80  }
0x38: {  	[sflag:s13] =	ssyncset.done $0x0  }
0x39: {  	[sflag:s13] =	ssyncadd.s32 $0xFFFFFF80  }
0x3a: {  	[spmem:s2] =	stream.indirect.scatter.add.f32 [tilespmem:s16], [sflag:$0x1], $0x1, s14, s15, $0xb8;
	[tilespmem:$0x400] =	vst v63  }
0x3b: {  	_ =	swait.ge [sflag:s13], $0x80  }
0x3c: {  	s23 =	simm.s32 $0x20;
	s22 =	simm.s32 $0x10;
	[sflag:s13] =	ssyncset.done $0x0  }
.LBB2_2:
0x3d: {  	s24 =	sadd.s32 s22, s11  }
0x3e: {  	[sflag:s13] =	ssyncadd.s32 $0xFFFFFF80;
	s22 =	smov.u32 s23;
	s25 =	sadd.s32 $0x10, s23  }
0x3f: {  	[tilespmem:s14], [sflag:$0x1] =	stream.linear.gather [hbm4b:s24+s3], $0x80, $0x38;
	[tilespmem:$0x400] =	vst v63  }
0x40: {  	p0 =	sne.s32 s23, $0x4E0;
	_ =	swait.ge [sflag:s13], $0x80  }
.Ltmp0:
0x41: {  	[sflag:s13] =	ssyncset.done $0x0;
	(pc) =	sbr.rel @p0 .LBB2_2-.Ltmp0, $4  }
0x42: {  	[sflag:s13] =	ssyncadd.s32 $0xFFFFFF80  }
0x43: {  	[spmem:s2] =	stream.indirect.scatter.add.f32 [tilespmem:s16], [sflag:$0x1], $0x1, s14, s15, $0xb8;
	[tilespmem:$0x400] =	vst v63  }
0x44: {  	_ =	swait.ge [sflag:s13], $0x80  }
0x45: {  	s23 =	smov.u32 s25;
	[sflag:s13] =	ssyncset.done $0x0  }
0x46: {  	s22 =	sadd.s32 s22, s11;
	[sflag:s13] =	ssyncadd.s32 $0xFFFFFF80  }
0x47: {  	[tilespmem:s14], [sflag:$0x1] =	stream.linear.gather [hbm4b:s22+s3], $0x80, $0x38;
	[tilespmem:$0x400] =	vst v63  }
0x48: {  	_ =	swait.ge [sflag:s13], $0x80  }
0x49: {  	[sflag:s13] =	ssyncset.done $0x0  }
0x4a: {  	[sflag:s13] =	ssyncadd.s32 $0xFFFFFF80  }
0x4b: {  	[spmem:s2] =	stream.indirect.scatter.add.f32 [tilespmem:s16], [sflag:$0x1], $0x1, s14, s15, $0xb8;
	[tilespmem:$0x400] =	vst v63  }
0x4c: {  	_ =	swait.ge [sflag:s13], $0x80  }
0x4d: {  	s21 =	sadd.s32 $0x1, s21;
	[sflag:s13] =	ssyncset.done $0x0  }
0x4e: {  	p0 =	sne.s32 s21, s6;
	[sflag:s13] =	ssyncadd.s32 $0xFFFFFF80  }
.Ltmp1:
0x4f: {  	[bflag:$0x0] =	sbarrier.arrive $0xFFFF;
	(pc) =	sbr.rel @p0 .LBB2_1-.Ltmp1, $4  }
0x50: {  	[hbm:s5@s19], [sflag:s17] =	dma.strided [spmem:s18@s20], $0x50, s13, $0x10   }
0x51: {  	_ =	swait.ge [sflag:s13], $0x50  }
0x52: {  	[sflag:s13] =	ssyncset.done $0x0  }
0x53: {  	[sflag:s13] =	ssyncadd.s32 $0xFFFFFFB0  }
0x54: {  	_ =	sfence.sel $0x180000  }
0x55: {  	[bflag:$0x0] =	sbarrier.arrive $0xFFFF  }
0x56: {  	p0 =	sne.s32 s1, $0x0;
	_ =	strace $0x90000047  }
0x57: {  	s0 =	sadd.s32 @!p0 $0x100000, s0;
	[bflag:$0x2] =	sbarrier.arrive $0xFFFF  }
0x58: {  	[sflag:s0] =	ssyncadd.tile.s32 @!p0 $0x1;
	_ =	shalt  }
.Lfunc_end2:
_tile_overlayer_lowered:
.L_overlay_start_2:
0x59: {  	(tag) =	ssettag $0x2  }
0x5a: {  	s0 =	rddreg [dreg:$0x0];
	s2 =	stileid.u32  }
0x5b: {  	s1 =	rddreg [dreg:$0x1];
	p0 =	sne.s32 s2, $0x0  }
0x5c: {  	s3 =	rddreg [dreg:$0x2];
	[bflag:$0x3] =	sbarrier.arrive $0xFFFF;
	s2 =	simm.s32 @!p0 $0x1C01  }
0x5d: {  	[timem:s3], [sflag:s2] =	dma.local @!p0 [hbm:s0], s1  }
0x5e: {  	s0 =	simm.s32 @!p0 $0x1  }
0x5f: {  	_ =	swait.ge @!p0 [sflag:s0], s1  }
0x60: {  	s1 =	ssub.s32 @!p0 $0x0, s1;
	[sflag:s0] =	ssyncset.done @!p0 $0x0  }
0x61: {  	[sflag:s0] =	ssyncadd.s32 @!p0 s1  }
0x62: {  	[bflag:$0x3] =	sbarrier.arrive $0xFFFF  }
0x63: {  	_ =	shalt  }

// kernel: kernel.13.cloned.1.call-start
scs
__scs_entry_jumppad:
0x0: {  	(pc) =	sbr.rel $0x88, $3  }
0x1: {  	(tag) =	ssettag $0x0;
	lr =	simm.s32 $0x1  }
0x2: {  	[smem:$0x3F99] =	sst lr;
	_ =	strace $0xD0000000  }
0x3: {  	_ = 	snop  }
0x4: {  	_ = 	snop  }
0x5: {  	_ = 	snop  }
0x6: {  	_ = 	snop  }
0x7: {  	_ = 	snop  }
__scs_overlays_trampoline_lowered:
0x8: {  	[smem:$0x3FA8] =	sst s0  }
0x9: {  	[smem:$0x3FA9] =	sst s1  }
0xa: {  	[smem:$0x3FAA] =	sst s2  }
0xb: {  	[smem:$0x3FAB] =	sst s3  }
0xc: {  	[smem:$0x3FAC] =	sst s4  }
0xd: {  	[smem:$0x3FAD] =	sst s5  }
0xe: {  	[smem:$0x3FAE] =	sst s6  }
0xf: {  	[smem:$0x3FAF] =	sst s7  }
0x10: {  	[smem:$0x3FB0] =	sst s8  }
0x11: {  	[smem:$0x3FB1] =	sst s9;
	s0 =	simm.s32 @!p0 $0x0  }
0x12: {  	s1 =	sld [smem:$0x3F97];
	s0 =	simm.s32 @p0 $0x1  }
0x13: {  	[smem:$0x3FB2] =	sst s0;
	s0 =	simm.s32 @!p1 $0x0  }
0x14: {  	s2 =	sld [smem:$0x3F96];
	s0 =	simm.s32 @p1 $0x1  }
0x15: {  	[smem:$0x3FB3] =	sst s0;
	s0 =	simm.s32 @!p2 $0x0  }
0x16: {  	s3 =	sld [smem:$0x3FDB];
	s0 =	simm.s32 @p2 $0x1  }
0x17: {  	s4 =	simm.s32 $0x1BF5;
	[smem:$0x3FB5] =	sst s0  }
0x18: {  	s0 =	sld [smem:$0x3F98];
	_ =	swait.ge [sflag:s4], $0x0  }
0x19: {  	s7 =	sld [smem:$0x3F99]  }
0x1a: {  	s8 =	sadd.s32 $0xFFFFE003, lr  }
0x1b: {  	s9 =	sadd.s32 $0xFFFFFEF7, lr;
	s5 =	simm.s32 $0xFFFFFFFF;
	p2 =	slt.u32 s8, $0xFFFFF086  }
0x1c: {  	p1 =	slt.u32 s9, $0xF7A;
	s5 =	simm.s32 @!p2 $0x0  }
0x1d: {  	s5 =	simm.s32 @p1 $0x1;
	p0 =	seq.s32 s7, s2  }
0x1e: {  	s7 =	smul.u32 @!p0 $0xF7A, s2;
	p2 =	seq.s32 @!p0 s5, $0x0  }
0x1f: {  	s9 =	smul.u32 $0xF7A, s1;
	s8 =	simm.s32 @!p0 $0x1BF5;
	p2 =	por !p2, p0  }
0x20: {  	[sflag:s8] =	ssyncset.s32 @!p0 $0xFFFFF086;
	s6 =	sadd.s32 @!p0 s3, s7;
	s7 =	simm.s32 @!p0 $0x108  }
0x21: {  	s3 =	sadd.s32 s3, s9;
	s6 =	sadd.s32 @!p0 $0x88, s6;
	s7 =	simm.s32 @p2 $0x1082  }
0x22: {  	[simem:s7], [sflag:s8] =	dma.local @!p0 [hbm:s6], $0xF7A  }
0x23: {  	s9 =	sor.u32 $0xD0000000, s2;
	s6 =	simm.s32 $0x108;
	_ =	swait.ge @!p0 [sflag:s8], $0x0  }
0x24: {  	s3 =	sadd.s32 $0x88, s3;
	s6 =	simm.s32 @!p1 $0x1082;
	[sflag:s4] =	ssyncset.s32 $0xFFFFF086  }
0x25: {  	[simem:s6], [sflag:s4] =	dma.local [hbm:s3], $0xF7A  }
0x26: {  	[smem:$0x3F99] =	sst s1;
	(tag) =	ssettag s2;
	_ =	strace s9  }
0x27: {  	s1 =	sld [smem:$0x3FA9]  }
0x28: {  	s2 =	sld [smem:$0x3FAA]  }
0x29: {  	s4 =	sld [smem:$0x3FAC]  }
0x2a: {  	p0 =	seq.s32 s5, $0x0;
	s5 =	sld [smem:$0x3FAD]  }
0x2b: {  	s6 =	sld [smem:$0x3FAE]  }
0x2c: {  	s7 =	sld [smem:$0x3FAF]  }
0x2d: {  	s3 =	simm.s32 $0x108;
	s8 =	sld [smem:$0x3FB0]  }
0x2e: {  	s3 =	simm.s32 @!p0 $0x1082;
	s9 =	sld [smem:$0x3FB1]  }
0x2f: {  	lr =	sadd.s32 s0, s3;
	s0 =	sld [smem:$0x3FA8]  }
0x30: {  	s3 =	sld [smem:$0x3FAB]  }
0x31: {  	[smem:$0x3FB4] =	sst s10  }
0x32: {  	s10 =	sld [smem:$0x3FB2];
	_ =	sdelay $0x3  }
0x33: {  	p0 =	seq.s32 s10, $0x1;
	s10 =	sld [smem:$0x3FB4];
	_ =	sdelay $0x3  }
0x34: {  	[smem:$0x3FB4] =	sst s10  }
0x35: {  	s10 =	sld [smem:$0x3FB3];
	_ =	sdelay $0x3  }
0x36: {  	p1 =	seq.s32 s10, $0x1;
	s10 =	sld [smem:$0x3FB4];
	_ =	sdelay $0x3  }
0x37: {  	[smem:$0x3FB4] =	sst s10  }
0x38: {  	s10 =	sld [smem:$0x3FB5]  }
0x39: {  	_ = 	snop;
	(pc) =	sbr.ind lr, $3  }
0x3a: {  	_ = 	snop  }
0x3b: {  	_ = 	snop  }
0x3c: {  	p2 =	seq.s32 s10, $0x1;
	s10 =	sld [smem:$0x3FB4]  }
0x3d: {  	_ =	shalt  }
0x3e: {  	_ =	shalt  }
0x3f: {  	_ =	shalt  }
0x40: {  	_ =	shalt  }
0x41: {  	_ =	shalt  }
0x42: {  	_ =	shalt  }
0x43: {  	_ =	shalt  }
0x44: {  	_ =	shalt  }
0x45: {  	_ =	shalt  }
0x46: {  	_ =	shalt  }
0x47: {  	_ =	shalt  }
0x48: {  	_ =	shalt  }
0x49: {  	_ =	shalt  }
0x4a: {  	_ =	shalt  }
0x4b: {  	_ =	shalt  }
0x4c: {  	_ =	shalt  }
0x4d: {  	_ =	shalt  }
0x4e: {  	_ =	shalt  }
0x4f: {  	_ =	shalt  }
0x50: {  	_ =	shalt  }
0x51: {  	_ =	shalt  }
0x52: {  	_ =	shalt  }
0x53: {  	_ =	shalt  }
0x54: {  	_ =	shalt  }
0x55: {  	_ =	shalt  }
0x56: {  	_ =	shalt  }
0x57: {  	_ =	shalt  }
0x58: {  	_ =	shalt  }
0x59: {  	_ =	shalt  }
0x5a: {  	_ =	shalt  }
0x5b: {  	_ =	shalt  }
0x5c: {  	_ =	shalt  }
0x5d: {  	_ =	shalt  }
0x5e: {  	_ =	shalt  }
0x5f: {  	_ =	shalt  }
0x60: {  	_ =	shalt  }
0x61: {  	_ =	shalt  }
0x62: {  	_ =	shalt  }
0x63: {  	_ =	shalt  }
0x64: {  	_ =	shalt  }
0x65: {  	_ =	shalt  }
0x66: {  	_ =	shalt  }
0x67: {  	_ =	shalt  }
0x68: {  	_ =	shalt  }
0x69: {  	_ =	shalt  }
0x6a: {  	_ =	shalt  }
0x6b: {  	_ =	shalt  }
0x6c: {  	_ =	shalt  }
0x6d: {  	_ =	shalt  }
0x6e: {  	_ =	shalt  }
0x6f: {  	_ =	shalt  }
0x70: {  	_ =	shalt  }
0x71: {  	_ =	shalt  }
0x72: {  	_ =	shalt  }
0x73: {  	_ =	shalt  }
0x74: {  	_ =	shalt  }
0x75: {  	_ =	shalt  }
0x76: {  	_ =	shalt  }
0x77: {  	_ =	shalt  }
0x78: {  	_ =	shalt  }
0x79: {  	_ =	shalt  }
0x7a: {  	_ =	shalt  }
0x7b: {  	_ =	shalt  }
0x7c: {  	_ =	shalt  }
0x7d: {  	_ =	shalt  }
0x7e: {  	_ =	shalt  }
0x7f: {  	_ =	shalt  }
0x80: {  	_ =	shalt  }
0x81: {  	_ =	shalt  }
0x82: {  	_ =	shalt  }
0x83: {  	_ =	shalt  }
0x84: {  	_ =	shalt  }
0x85: {  	_ =	shalt  }
0x86: {  	_ =	shalt  }
0x87: {  	_ =	shalt  }
.Lfunc_end0:
.L_simem_size_0:
called_computation.1_lowered:
.L_overlay_start_0:
0x88: {  	s2 =	sld [smem:$0x3FD9]  }
0x89: {  	s3 =	sld [smem:$0x3FFE];
	_ =	sdelay $0x1  }
0x8a: {  	s1 =	srdreg.scid  }
0x8b: {  	s0 =	sand.u32 $0x1, s1  }
0x8c: {  	s14 =	sshll.u32 s0, $0xA;
	s2 =	sadd.s32 s3, s2  }
0x8d: {  	s2 =	sadd.s32 s2, s14  }
0x8e: {  	[smem:$0x3FC0] =	sst s2  }
0x8f: {  	_ = 	snop  }
0x90: {  	s2 =	sld [smem:$0x3FD0];
	_ =	sdelay $0x2  }
0x91: {  	s15 =	simm.s32 $0xA;
	s4 =	simm.s32 $0x10  }
0x92: {  	[smem:s4], [sflag:s15] =	dma.local [hbm:s2], $0x1  }
0x93: {  	_ =	swait.eq [sflag:s15], $0x1  }
0x94: {  	[sflag:s15] =	ssyncset.done $0x0  }
0x95: {  	s16 =	sld [smem:$0x10];
	[sflag:s15] =	ssyncadd.s32 $0xFFFFFFFF  }
0x96: {  	s17 =	sld [smem:$0x11];
	(tm) =	ssettm $0x1  }
0x97: {  	s18 =	sld [smem:$0x3FFB];
	_ =	sdelay $0x3  }
0x98: {  	_ =	strace s18  }
0x99: {  	s4 =	sld [smem:$0x3FFC];
	_ =	sdelay $0x3  }
0x9a: {  	_ =	strace s4  }
0x9b: {  	s4 =	sld [smem:$0x3FFD];
	_ =	sdelay $0x3  }
0x9c: {  	_ =	strace s4  }
0x9d: {  	_ =	strace $0x8FFFFFFF  }
0x9e: {  	s19 =	sld [smem:$0x3FDB];
	_ =	sdelay $0x1  }
0x9f: {  	s5 =	simm.s32 $_scs_section_size  }
0xa0: {  	s6 =	simm.s32 $_size__tile_overlayer_lowered;
	s7 =	simm.s32 $_tile_overlayer_lowered  }
0xa1: {  	s22 =	simm.s32 $0x1BFF;
	s21 =	sshll.u32 s7, $0x1;
	s4 =	sadd.s32 s5, s19  }
0xa2: {  	s8 =	simm.s32 $0x0;
	s20 =	sshll.u32 s6, $0x1;
	s6 =	sadd.s32 s21, s4  }
0xa3: {  	[timem:s8], [sflag:s22] =	dma.local [hbm:s6], s20  }
0xa4: {  	_ =	swait.ge [sflag:s22], s20  }
0xa5: {  	s5 =	ssub.s32 $0x0, s20;
	[sflag:s22] =	ssyncset.done $0x0  }
0xa6: {  	[sflag:s22] =	ssyncadd.s32 s5;
	_ =	sdelay $0x1  }
0xa7: {  	s23 =	simm.s32 $0x1B8B  }
0xa8: {  	_ =	swait.ge [sflag:s23], $0x1  }
0xa9: {  	[sflag:s23] =	ssyncset.done $0x0  }
0xaa: {  	s25 =	simm.s32 $0x1B8E;
	s24 =	sld [smem:$0x3FFE];
	[sflag:s23] =	ssyncadd.s32 $0xFFFFFFFF  }
0xab: {  	s26 =	simm.s32 $execute0_lowered;
	[smem:$0x3FD2] =	sst s25  }
0xac: {  	s6 =	sshll.u32 s26, $0x1;
	_ =	strace $0x80000049;
	[dreg:$0x1] =	wrdreg $0xFFFFFFFF  }
0xad: {  	s28 =	simm.s32 $_size_execute0_lowered;
	s4 =	sadd.s32 s4, s6;
	[dreg:$0x0] =	wrdreg $0x0  }
0xae: {  	s6 =	sshll.u32 s28, $0x1;
	[dreg:$0x2] =	wrdreg s4  }
0xaf: {  	[dreg:$0x3] =	wrdreg s6  }
0xb0: {  	[dreg:$0x4] =	wrdreg $0xC0  }
0xb1: {  	_ =	task [dreg:s8], $0x5FFFF  }
0xb2: {  	[dreg:$0x1] =	wrdreg $0xFFFFFFFF  }
0xb3: {  	[dreg:$0x0] =	wrdreg $0x60  }
0xb4: {  	[dreg:$0x2] =	wrdreg s16  }
0xb5: {  	[dreg:$0x3] =	wrdreg s24  }
0xb6: {  	[dreg:$0x4] =	wrdreg s17  }
0xb7: {  	[dreg:$0x5] =	wrdreg $0x0  }
0xb8: {  	[dreg:$0x6] =	wrdreg $0x9  }
0xb9: {  	_ =	task.clear_ibuf [dreg:s8], $0x7FFFF;
	_ =	strace $0x90000049  }
0xba: {  	s29 =	simm.s32 $0x9;
	_ =	strace $0x8000004B  }
0xbb: {  	_ =	swait.ge [sflag:s29], $0x1  }
0xbc: {  	[sflag:s29] =	ssyncadd.s32 $0xFFFFFFFF  }
0xbd: {  	_ =	strace $0x9000004B  }
0xbe: {  	_ =	sfence  }
0xbf: {  	s30 =	sld [smem:$0x0];
	_ =	sdelay $0x2  }
0xc0: {  	s31 =	sshll.u32 s1, $0xD;
	s1 =	sshrl.u32 s1, $0x2  }
0xc1: {  	s3 =	sand.u32 $0x4000, s31;
	s1 =	sadd.s32 s1, s30  }
0xc2: {  	s0 =	sor.u32 s3, s0;
	s1 =	sshll.u32 s1, $0x11  }
0xc3: {  	s0 =	sor.u32 s1, s0  }
0xc4: {  	s0 =	sadd.s32 $0x8F2B, s0  }
0xc5: {  	[sflag:s0] =	ssyncadd.remote.s32 $0x1  }
0xc6: {  	_ =	sfence.sel $0xFFFF  }
0xc7: {  	[dreg:$0x0] =	wrdreg $0xFFFFFFFF;
	(pc) =	sbr.abs _section_cstart, $3  }
0xc8: {  	[dreg:$0x1] =	wrdreg $0xFFFFFFFF  }
0xc9: {  	_ =	task.clear_ibuf [dreg:s8], $0x2FFFF;
	_ =	strace $0x9FFFFFFF  }
0xca: {  	(tm) =	ssettm $0x7FFFFFFF  }
0xcb: {  	_ =	shalt  }
tec
execute0_lowered:
.L_overlay_start_1:
0x0: {  	(tag) =	ssettag $0x1  }
0x1: {  	s0 =	rddreg [dreg:$0x0]  }
0x2: {  	s5 =	rddreg [dreg:$0x1]  }
0x3: {  	s7 =	rddreg [dreg:$0x2];
	s1 =	srdreg.scid  }
0x4: {  	s3 =	rddreg [dreg:$0x3];
	s2 =	stileid.u32  }
0x5: {  	s4 =	simm.s32 $0x0;
	s13 =	simm.s32 $0x14080;
	s14 =	simm.s32 $0x80  }
0x6: {  	s15 =	simm.s32 $0x14100;
	s16 =	simm.s32 $0x1;
	s9 =	smul.u32 $0x14000, s2  }
0x7: {  	s6 =	sand.u32 $0x1, s1;
	s1 =	rddreg [dreg:$0x4];
	s26 =	smul.u32 $0x50000, s2  }
0x8: {  	s19 =	simm.s32 $0x0;
	[smem:$0x7FF] =	sst s4;
	s30 =	smul.u32 $0x4F0, s2  }
0x9: {  	s17 =	sshll.u32 s2, $0x6;
	s8 =	smul.u32 $0x140000, s6;
	_ =	strace $0x8000004A  }
0xa: {  	s10 =	smul.u32 $0x4F00, s6;
	s6 =	ssub.s32 $0x2, s6;
	s17 =	sor.u32 $0x1C02, s17  }
0xb: {  	s28 =	sshrl.u32 s6, $0x1;
	s29 =	sshrl.u32 s26, $0x2;
	s8 =	sadd.s32 s9, s8  }
0xc: {  	s11 =	sadd.s32 s10, s5;
	s12 =	ssub.s32 s6, s28;
	s31 =	sadd.s32 s10, s7  }
0xd: {  	s10 =	simm.s32 $0x18100;
	s8 =	sshrl.u32 s8, $0x3;
	s7 =	smax.u32 s12, $0x1  }
0xe: {  	s9 =	sadd.s32 s30, s11;
	s11 =	simm.s32 $0x2;
	s12 =	simm.s32 $0x14000  }
0xf: {  	s8 =	sadd.s32 s8, s5;
	s5 =	sadd.s32 s29, s3;
	s9 =	sadd.s32 $0x2600, s9  }
0x10: {  	v0 =	vimm.f32 $0.0e+00;
	s6 =	sadd.s32 $0xC400, s8;
	s8 =	sadd.s32 s30, s31;
	s18 =	sshrl.u32 s5, $0x3  }
.LBB2_1:
0x11: {  	[tilespmem:$0x18100] =	vst v0  }
0x12: {  	[tilespmem:$0x18110] =	vst v0  }
0x13: {  	[tilespmem:$0x18120] =	vst v0  }
0x14: {  	[tilespmem:$0x18130] =	vst v0  }
0x15: {  	[tilespmem:$0x18140] =	vst v0  }
0x16: {  	[tilespmem:$0x18150] =	vst v0  }
0x17: {  	[tilespmem:$0x18160] =	vst v0  }
0x18: {  	[tilespmem:$0x18170] =	vst v0  }
0x19: {  	[tilespmem:$0x18180] =	vst v0  }
0x1a: {  	[tilespmem:$0x18190] =	vst v0  }
0x1b: {  	[tilespmem:$0x181A0] =	vst v0  }
0x1c: {  	[tilespmem:$0x181B0] =	vst v0  }
0x1d: {  	[tilespmem:$0x181C0] =	vst v0  }
0x1e: {  	[tilespmem:$0x181D0] =	vst v0  }
0x1f: {  	[tilespmem:$0x181E0] =	vst v0  }
0x20: {  	[tilespmem:$0x181F0] =	vst v0  }
0x21: {  	[tilespmem:$0x18200] =	vst v0  }
0x22: {  	[tilespmem:$0x18210] =	vst v0  }
0x23: {  	[tilespmem:$0x18220] =	vst v0  }
0x24: {  	[tilespmem:$0x18230] =	vst v0  }
0x25: {  	[tilespmem:$0x18240] =	vst v0  }
0x26: {  	[tilespmem:$0x18250] =	vst v0  }
0x27: {  	[tilespmem:$0x18260] =	vst v0  }
0x28: {  	[tilespmem:$0x18270] =	vst v0  }
0x29: {  	[tilespmem:$0x18280] =	vst v0  }
0x2a: {  	[tilespmem:$0x18290] =	vst v0  }
0x2b: {  	[tilespmem:$0x182A0] =	vst v0  }
0x2c: {  	[tilespmem:$0x182B0] =	vst v0  }
0x2d: {  	[tilespmem:$0x182C0] =	vst v0  }
0x2e: {  	[tilespmem:$0x182D0] =	vst v0  }
0x2f: {  	[tilespmem:$0x182E0] =	vst v0  }
0x30: {  	[tilespmem:$0x182F0] =	vst v0  }
0x31: {  	[tilespmem:$0x18300] =	vst v0  }
0x32: {  	[tilespmem:$0x18310] =	vst v0  }
0x33: {  	[tilespmem:$0x18320] =	vst v0  }
0x34: {  	[tilespmem:$0x18330] =	vst v0  }
0x35: {  	[tilespmem:$0x18340] =	vst v0  }
0x36: {  	[tilespmem:$0x18350] =	vst v0  }
0x37: {  	[tilespmem:$0x18360] =	vst v0  }
0x38: {  	[tilespmem:$0x18370] =	vst v0  }
0x39: {  	[tilespmem:$0x18380] =	vst v0  }
0x3a: {  	[tilespmem:$0x18390] =	vst v0  }
0x3b: {  	[tilespmem:$0x183A0] =	vst v0  }
0x3c: {  	[tilespmem:$0x183B0] =	vst v0  }
0x3d: {  	[tilespmem:$0x183C0] =	vst v0  }
0x3e: {  	[tilespmem:$0x183D0] =	vst v0  }
0x3f: {  	[tilespmem:$0x183E0] =	vst v0  }
0x40: {  	[tilespmem:$0x183F0] =	vst v0  }
0x41: {  	[tilespmem:$0x18400] =	vst v0  }
0x42: {  	[tilespmem:$0x18410] =	vst v0  }
0x43: {  	[tilespmem:$0x18420] =	vst v0  }
0x44: {  	[tilespmem:$0x18430] =	vst v0  }
0x45: {  	[tilespmem:$0x18440] =	vst v0  }
0x46: {  	[tilespmem:$0x18450] =	vst v0  }
0x47: {  	[tilespmem:$0x18460] =	vst v0  }
0x48: {  	[tilespmem:$0x18470] =	vst v0  }
0x49: {  	[tilespmem:$0x18480] =	vst v0  }
0x4a: {  	[tilespmem:$0x18490] =	vst v0  }
0x4b: {  	[tilespmem:$0x184A0] =	vst v0  }
0x4c: {  	[tilespmem:$0x184B0] =	vst v0  }
0x4d: {  	[tilespmem:$0x184C0] =	vst v0  }
0x4e: {  	[tilespmem:$0x184D0] =	vst v0  }
0x4f: {  	[tilespmem:$0x184E0] =	vst v0  }
0x50: {  	[tilespmem:$0x184F0] =	vst v0  }
0x51: {  	[tilespmem:$0x18500] =	vst v0  }
0x52: {  	[tilespmem:$0x18510] =	vst v0  }
0x53: {  	[tilespmem:$0x18520] =	vst v0  }
0x54: {  	[tilespmem:$0x18530] =	vst v0  }
0x55: {  	[tilespmem:$0x18540] =	vst v0  }
0x56: {  	[tilespmem:$0x18550] =	vst v0  }
0x57: {  	[tilespmem:$0x18560] =	vst v0  }
0x58: {  	[tilespmem:$0x18570] =	vst v0  }
0x59: {  	[tilespmem:$0x18580] =	vst v0  }
0x5a: {  	[tilespmem:$0x18590] =	vst v0  }
0x5b: {  	[tilespmem:$0x185A0] =	vst v0  }
0x5c: {  	[tilespmem:$0x185B0] =	vst v0  }
0x5d: {  	[tilespmem:$0x185C0] =	vst v0  }
0x5e: {  	[tilespmem:$0x185D0] =	vst v0  }
0x5f: {  	[tilespmem:$0x185E0] =	vst v0  }
0x60: {  	[tilespmem:$0x185F0] =	vst v0  }
0x61: {  	[tilespmem:$0x18600] =	vst v0  }
0x62: {  	[tilespmem:$0x18610] =	vst v0  }
0x63: {  	[tilespmem:$0x18620] =	vst v0  }
0x64: {  	[tilespmem:$0x18630] =	vst v0  }
0x65: {  	[tilespmem:$0x18640] =	vst v0  }
0x66: {  	[tilespmem:$0x18650] =	vst v0  }
0x67: {  	[tilespmem:$0x18660] =	vst v0  }
0x68: {  	[tilespmem:$0x18670] =	vst v0  }
0x69: {  	[tilespmem:$0x18680] =	vst v0  }
0x6a: {  	[tilespmem:$0x18690] =	vst v0  }
0x6b: {  	[tilespmem:$0x186A0] =	vst v0  }
0x6c: {  	[tilespmem:$0x186B0] =	vst v0  }
0x6d: {  	[tilespmem:$0x186C0] =	vst v0  }
0x6e: {  	[tilespmem:$0x186D0] =	vst v0  }
0x6f: {  	[tilespmem:$0x186E0] =	vst v0  }
0x70: {  	[tilespmem:$0x186F0] =	vst v0  }
0x71: {  	[tilespmem:$0x18700] =	vst v0  }
0x72: {  	[tilespmem:$0x18710] =	vst v0  }
0x73: {  	[tilespmem:$0x18720] =	vst v0  }
0x74: {  	[tilespmem:$0x18730] =	vst v0  }
0x75: {  	[tilespmem:$0x18740] =	vst v0  }
0x76: {  	[tilespmem:$0x18750] =	vst v0  }
0x77: {  	[tilespmem:$0x18760] =	vst v0  }
0x78: {  	[tilespmem:$0x18770] =	vst v0  }
0x79: {  	[tilespmem:$0x18780] =	vst v0  }
0x7a: {  	[tilespmem:$0x18790] =	vst v0  }
0x7b: {  	[tilespmem:$0x187A0] =	vst v0  }
0x7c: {  	[tilespmem:$0x187B0] =	vst v0  }
0x7d: {  	[tilespmem:$0x187C0] =	vst v0  }
0x7e: {  	[tilespmem:$0x187D0] =	vst v0  }
0x7f: {  	[tilespmem:$0x187E0] =	vst v0  }
0x80: {  	[tilespmem:$0x187F0] =	vst v0  }
0x81: {  	[tilespmem:$0x18800] =	vst v0  }
0x82: {  	[tilespmem:$0x18810] =	vst v0  }
0x83: {  	[tilespmem:$0x18820] =	vst v0  }
0x84: {  	[tilespmem:$0x18830] =	vst v0  }
0x85: {  	[tilespmem:$0x18840] =	vst v0  }
0x86: {  	[tilespmem:$0x18850] =	vst v0  }
0x87: {  	[tilespmem:$0x18860] =	vst v0  }
0x88: {  	[tilespmem:$0x18870] =	vst v0  }
0x89: {  	[tilespmem:$0x18880] =	vst v0  }
0x8a: {  	[tilespmem:$0x18890] =	vst v0  }
0x8b: {  	[tilespmem:$0x188A0] =	vst v0  }
0x8c: {  	[tilespmem:$0x188B0] =	vst v0  }
0x8d: {  	[tilespmem:$0x188C0] =	vst v0  }
0x8e: {  	[tilespmem:$0x188D0] =	vst v0  }
0x8f: {  	[tilespmem:$0x188E0] =	vst v0  }
0x90: {  	[tilespmem:$0x188F0] =	vst v0;
	s20 =	sadd.s32 $0x0, s5  }
0x91: {  	[spmem:s20] =	stream.linear.scatter [tilespmem:s10], [sflag:$0x2], $0x800, $0x38;
	[tilespmem:$0x18900] =	vst v63  }
0x92: {  	s20 =	simm.s32 $0x2000;
	_ =	swait.ge [sflag:s11], $0x800  }
.LBB2_2:
0x93: {  	s21 =	sshra.s32 s20, $0x2;
	[sflag:s11] =	ssyncset.done $0x0;
	p0 =	sne.s32 s20, $0x4E000  }
.Ltmp0:
0x94: {  	s21 =	sadd.s32 s21, s5;
	[sflag:s11] =	ssyncadd.s32 $0xFFFFF800;
	(pc) =	sbr.rel @p0 .LBB2_2-.Ltmp0, $3  }
0x95: {  	[spmem:s21] =	stream.linear.scatter [tilespmem:s10], [sflag:$0x2], $0x800, $0x38;
	[tilespmem:$0x18900] =	vst v63  }
0x96: {  	s20 =	sadd.s32 $0x2000, s20;
	_ =	sdelay $0x1  }
0x97: {  	_ =	swait.ge [sflag:s11], $0x800  }
0x98: {  	[sflag:s11] =	ssyncset.done $0x0  }
0x99: {  	[sflag:s11] =	ssyncadd.s32 $0xFFFFF800  }
0x9a: {  	s20 =	sadd.s32 $0x0, s9;
	[bflag:$0x0] =	sbarrier.arrive $0xFFFF  }
0x9b: {  	[tilespmem:s12], [sflag:$0x2] =	stream.linear.gather [hbm4b:s20+s4], $0x80, $0x38;
	[tilespmem:$0x18900] =	vst v63  }
0x9c: {  	_ =	swait.ge [sflag:s11], $0x80  }
0x9d: {  	[sflag:s11] =	ssyncset.done $0x0  }
0x9e: {  	s31 =	sadd.s32 $0x0, s8;
	[sflag:s11] =	ssyncadd.s32 $0xFFFFFF80  }
0x9f: {  	[tilespmem:s13], [sflag:$0x2] =	stream.linear.gather [hbm4b:s31+s4], $0x80, $0x38;
	[tilespmem:$0x18900] =	vst v63  }
0xa0: {  	_ =	swait.ge [sflag:s11], $0x80  }
0xa1: {  	[sflag:s11] =	ssyncset.done $0x0  }
0xa2: {  	[sflag:s11] =	ssyncadd.s32 $0xFFFFFF80  }
0xa3: {  	[tilespmem:s15], [sflag:$0x1] =	stream.indirect.gather [hbm4b:s0+s14], $0x80, s12, s14, $0xb8;
	[tilespmem:$0x18900] =	vst v63  }
0xa4: {  	_ =	swait.ge [sflag:s16], $0x4000  }
0xa5: {  	[sflag:s16] =	ssyncset.done $0x0  }
0xa6: {  	[sflag:s16] =	ssyncadd.s32 $0xFFFFC000  }
0xa7: {  	[spmem:s3] =	stream.indirect.scatter.add.f32 [tilespmem:s15], [sflag:$0x2], $0x80, s13, s14, $0xb8;
	[tilespmem:$0x18900] =	vst v63  }
0xa8: {  	_ =	swait.ge [sflag:s11], $0x4000  }
0xa9: {  	s21 =	simm.s32 $0x20;
	s20 =	simm.s32 $0x10;
	[sflag:s11] =	ssyncset.done $0x0  }
.LBB2_4:
0xaa: {  	s22 =	sadd.s32 s20, s9  }
0xab: {  	[sflag:s11] =	ssyncadd.s32 $0xFFFFC000;
	s23 =	smov.u32 s21;
	s24 =	sadd.s32 $0x10, s21  }
0xac: {  	[tilespmem:s12], [sflag:$0x2] =	stream.linear.gather [hbm4b:s22+s4], $0x80, $0x38;
	[tilespmem:$0x18900] =	vst v63  }
0xad: {  	p0 =	sne.s32 s21, $0x4E0;
	_ =	swait.ge [sflag:s11], $0x80  }
0xae: {  	[sflag:s11] =	ssyncset.done $0x0  }
0xaf: {  	s21 =	sadd.s32 s20, s8;
	s20 =	smov.u32 s23;
	[sflag:s11] =	ssyncadd.s32 $0xFFFFFF80  }
0xb0: {  	[tilespmem:s13], [sflag:$0x2] =	stream.linear.gather [hbm4b:s21+s4], $0x80, $0x38;
	[tilespmem:$0x18900] =	vst v63  }
0xb1: {  	_ =	swait.ge [sflag:s11], $0x80  }
0xb2: {  	[sflag:s11] =	ssyncset.done $0x0  }
0xb3: {  	[sflag:s11] =	ssyncadd.s32 $0xFFFFFF80  }
0xb4: {  	[tilespmem:s15], [sflag:$0x1] =	stream.indirect.gather [hbm4b:s0+s14], $0x80, s12, s14, $0xb8;
	[tilespmem:$0x18900] =	vst v63  }
0xb5: {  	_ =	swait.ge [sflag:s16], $0x4000  }
.Ltmp1:
0xb6: {  	[sflag:s16] =	ssyncset.done $0x0;
	(pc) =	sbr.rel @p0 .LBB2_4-.Ltmp1, $4  }
0xb7: {  	[sflag:s16] =	ssyncadd.s32 $0xFFFFC000  }
0xb8: {  	[spmem:s3] =	stream.indirect.scatter.add.f32 [tilespmem:s15], [sflag:$0x2], $0x80, s13, s14, $0xb8;
	[tilespmem:$0x18900] =	vst v63  }
0xb9: {  	_ =	swait.ge [sflag:s11], $0x4000  }
0xba: {  	s21 =	smov.u32 s24;
	[sflag:s11] =	ssyncset.done $0x0  }
0xbb: {  	s21 =	sadd.s32 s20, s9;
	[sflag:s11] =	ssyncadd.s32 $0xFFFFC000  }
0xbc: {  	[tilespmem:s12], [sflag:$0x2] =	stream.linear.gather [hbm4b:s21+s4], $0x80, $0x38;
	[tilespmem:$0x18900] =	vst v63  }
0xbd: {  	_ =	swait.ge [sflag:s11], $0x80  }
0xbe: {  	[sflag:s11] =	ssyncset.done $0x0  }
0xbf: {  	s31 =	sadd.s32 s20, s8;
	[sflag:s11] =	ssyncadd.s32 $0xFFFFFF80  }
0xc0: {  	[tilespmem:s13], [sflag:$0x2] =	stream.linear.gather [hbm4b:s31+s4], $0x80, $0x38;
	[tilespmem:$0x18900] =	vst v63  }
0xc1: {  	_ =	swait.ge [sflag:s11], $0x80  }
0xc2: {  	[sflag:s11] =	ssyncset.done $0x0  }
0xc3: {  	[sflag:s11] =	ssyncadd.s32 $0xFFFFFF80  }
0xc4: {  	[tilespmem:s15], [sflag:$0x1] =	stream.indirect.gather [hbm4b:s0+s14], $0x80, s12, s14, $0xb8;
	[tilespmem:$0x18900] =	vst v63  }
0xc5: {  	_ =	swait.ge [sflag:s16], $0x4000  }
0xc6: {  	[sflag:s16] =	ssyncset.done $0x0  }
0xc7: {  	[sflag:s16] =	ssyncadd.s32 $0xFFFFC000  }
0xc8: {  	[spmem:s3] =	stream.indirect.scatter.add.f32 [tilespmem:s15], [sflag:$0x2], $0x80, s13, s14, $0xb8;
	[tilespmem:$0x18900] =	vst v63  }
0xc9: {  	_ =	swait.ge [sflag:s11], $0x4000  }
0xca: {  	s19 =	sadd.s32 $0x1, s19;
	[sflag:s11] =	ssyncset.done $0x0  }
0xcb: {  	p0 =	sne.s32 s19, s7;
	[sflag:s11] =	ssyncadd.s32 $0xFFFFC000  }
.Ltmp2:
0xcc: {  	[bflag:$0x0] =	sbarrier.arrive $0xFFFF;
	(pc) =	sbr.rel @p0 .LBB2_1-.Ltmp2, $4  }
0xcd: {  	[hbm:s6], [sflag:s17] =	dma.local [spmem:s18], $0x2800  }
0xce: {  	_ =	swait.ge [sflag:s11], $0x2800  }
0xcf: {  	[sflag:s11] =	ssyncset.done $0x0  }
0xd0: {  	[sflag:s11] =	ssyncadd.s32 $0xFFFFD800  }
0xd1: {  	_ =	sfence.sel $0x180000  }
0xd2: {  	[bflag:$0x0] =	sbarrier.arrive $0xFFFF  }
0xd3: {  	p0 =	sne.s32 s2, $0x0;
	_ =	strace $0x9000004A  }
0xd4: {  	s0 =	sadd.s32 @!p0 $0x100000, s1;
	[bflag:$0x2] =	sbarrier.arrive $0xFFFF  }
0xd5: {  	[sflag:s0] =	ssyncadd.tile.s32 @!p0 $0x1;
	_ =	shalt  }
.Lfunc_end2:
_tile_overlayer_lowered:
.L_overlay_start_2:
0xd6: {  	(tag) =	ssettag $0x2  }
0xd7: {  	s0 =	rddreg [dreg:$0x0];
	s2 =	stileid.u32  }
0xd8: {  	s1 =	rddreg [dreg:$0x1];
	p0 =	sne.s32 s2, $0x0  }
0xd9: {  	s3 =	rddreg [dreg:$0x2];
	[bflag:$0x3] =	sbarrier.arrive $0xFFFF;
	s2 =	simm.s32 @!p0 $0x1C02  }
0xda: {  	[timem:s3], [sflag:s2] =	dma.local @!p0 [hbm:s0], s1  }
0xdb: {  	s0 =	simm.s32 @!p0 $0x2  }
0xdc: {  	_ =	swait.ge @!p0 [sflag:s0], s1  }
0xdd: {  	s1 =	ssub.s32 @!p0 $0x0, s1;
	[sflag:s0] =	ssyncset.done @!p0 $0x0  }
0xde: {  	[sflag:s0] =	ssyncadd.s32 @!p0 s1  }
0xdf: {  	[bflag:$0x3] =	sbarrier.arrive $0xFFFF  }
0xe0: {  	_ =	shalt  }

// kernel: kernel.16.cloned.1.call-start
scs
__scs_entry_jumppad:
0x0: {  	(pc) =	sbr.rel $0x88, $3  }
0x1: {  	(tag) =	ssettag $0x0;
	lr =	simm.s32 $0x1  }
0x2: {  	[smem:$0x3F99] =	sst lr;
	_ =	strace $0xD0000000  }
0x3: {  	_ = 	snop  }
0x4: {  	_ = 	snop  }
0x5: {  	_ = 	snop  }
0x6: {  	_ = 	snop  }
0x7: {  	_ = 	snop  }
__scs_overlays_trampoline_lowered:
0x8: {  	[smem:$0x3FA8] =	sst s0  }
0x9: {  	[smem:$0x3FA9] =	sst s1  }
0xa: {  	[smem:$0x3FAA] =	sst s2  }
0xb: {  	[smem:$0x3FAB] =	sst s3  }
0xc: {  	[smem:$0x3FAC] =	sst s4  }
0xd: {  	[smem:$0x3FAD] =	sst s5  }
0xe: {  	[smem:$0x3FAE] =	sst s6  }
0xf: {  	[smem:$0x3FAF] =	sst s7  }
0x10: {  	[smem:$0x3FB0] =	sst s8  }
0x11: {  	[smem:$0x3FB1] =	sst s9;
	s0 =	simm.s32 @!p0 $0x0  }
0x12: {  	s1 =	sld [smem:$0x3F97];
	s0 =	simm.s32 @p0 $0x1  }
0x13: {  	[smem:$0x3FB2] =	sst s0;
	s0 =	simm.s32 @!p1 $0x0  }
0x14: {  	s2 =	sld [smem:$0x3F96];
	s0 =	simm.s32 @p1 $0x1  }
0x15: {  	[smem:$0x3FB3] =	sst s0;
	s0 =	simm.s32 @!p2 $0x0  }
0x16: {  	s3 =	sld [smem:$0x3FDB];
	s0 =	simm.s32 @p2 $0x1  }
0x17: {  	s4 =	simm.s32 $0x1BF5;
	[smem:$0x3FB5] =	sst s0  }
0x18: {  	s0 =	sld [smem:$0x3F98];
	_ =	swait.ge [sflag:s4], $0x0  }
0x19: {  	s7 =	sld [smem:$0x3F99]  }
0x1a: {  	s8 =	sadd.s32 $0xFFFFE003, lr  }
0x1b: {  	s9 =	sadd.s32 $0xFFFFFEF7, lr;
	s5 =	simm.s32 $0xFFFFFFFF;
	p2 =	slt.u32 s8, $0xFFFFF086  }
0x1c: {  	p1 =	slt.u32 s9, $0xF7A;
	s5 =	simm.s32 @!p2 $0x0  }
0x1d: {  	s5 =	simm.s32 @p1 $0x1;
	p0 =	seq.s32 s7, s2  }
0x1e: {  	s7 =	smul.u32 @!p0 $0xF7A, s2;
	p2 =	seq.s32 @!p0 s5, $0x0  }
0x1f: {  	s9 =	smul.u32 $0xF7A, s1;
	s8 =	simm.s32 @!p0 $0x1BF5;
	p2 =	por !p2, p0  }
0x20: {  	[sflag:s8] =	ssyncset.s32 @!p0 $0xFFFFF086;
	s6 =	sadd.s32 @!p0 s3, s7;
	s7 =	simm.s32 @!p0 $0x108  }
0x21: {  	s3 =	sadd.s32 s3, s9;
	s6 =	sadd.s32 @!p0 $0x88, s6;
	s7 =	simm.s32 @p2 $0x1082  }
0x22: {  	[simem:s7], [sflag:s8] =	dma.local @!p0 [hbm:s6], $0xF7A  }
0x23: {  	s9 =	sor.u32 $0xD0000000, s2;
	s6 =	simm.s32 $0x108;
	_ =	swait.ge @!p0 [sflag:s8], $0x0  }
0x24: {  	s3 =	sadd.s32 $0x88, s3;
	s6 =	simm.s32 @!p1 $0x1082;
	[sflag:s4] =	ssyncset.s32 $0xFFFFF086  }
0x25: {  	[simem:s6], [sflag:s4] =	dma.local [hbm:s3], $0xF7A  }
0x26: {  	[smem:$0x3F99] =	sst s1;
	(tag) =	ssettag s2;
	_ =	strace s9  }
0x27: {  	s1 =	sld [smem:$0x3FA9]  }
0x28: {  	s2 =	sld [smem:$0x3FAA]  }
0x29: {  	s4 =	sld [smem:$0x3FAC]  }
0x2a: {  	p0 =	seq.s32 s5, $0x0;
	s5 =	sld [smem:$0x3FAD]  }
0x2b: {  	s6 =	sld [smem:$0x3FAE]  }
0x2c: {  	s7 =	sld [smem:$0x3FAF]  }
0x2d: {  	s3 =	simm.s32 $0x108;
	s8 =	sld [smem:$0x3FB0]  }
0x2e: {  	s3 =	simm.s32 @!p0 $0x1082;
	s9 =	sld [smem:$0x3FB1]  }
0x2f: {  	lr =	sadd.s32 s0, s3;
	s0 =	sld [smem:$0x3FA8]  }
0x30: {  	s3 =	sld [smem:$0x3FAB]  }
0x31: {  	[smem:$0x3FB4] =	sst s10  }
0x32: {  	s10 =	sld [smem:$0x3FB2];
	_ =	sdelay $0x3  }
0x33: {  	p0 =	seq.s32 s10, $0x1;
	s10 =	sld [smem:$0x3FB4];
	_ =	sdelay $0x3  }
0x34: {  	[smem:$0x3FB4] =	sst s10  }
0x35: {  	s10 =	sld [smem:$0x3FB3];
	_ =	sdelay $0x3  }
0x36: {  	p1 =	seq.s32 s10, $0x1;
	s10 =	sld [smem:$0x3FB4];
	_ =	sdelay $0x3  }
0x37: {  	[smem:$0x3FB4] =	sst s10  }
0x38: {  	s10 =	sld [smem:$0x3FB5]  }
0x39: {  	_ = 	snop;
	(pc) =	sbr.ind lr, $3  }
0x3a: {  	_ = 	snop  }
0x3b: {  	_ = 	snop  }
0x3c: {  	p2 =	seq.s32 s10, $0x1;
	s10 =	sld [smem:$0x3FB4]  }
0x3d: {  	_ =	shalt  }
0x3e: {  	_ =	shalt  }
0x3f: {  	_ =	shalt  }
0x40: {  	_ =	shalt  }
0x41: {  	_ =	shalt  }
0x42: {  	_ =	shalt  }
0x43: {  	_ =	shalt  }
0x44: {  	_ =	shalt  }
0x45: {  	_ =	shalt  }
0x46: {  	_ =	shalt  }
0x47: {  	_ =	shalt  }
0x48: {  	_ =	shalt  }
0x49: {  	_ =	shalt  }
0x4a: {  	_ =	shalt  }
0x4b: {  	_ =	shalt  }
0x4c: {  	_ =	shalt  }
0x4d: {  	_ =	shalt  }
0x4e: {  	_ =	shalt  }
0x4f: {  	_ =	shalt  }
0x50: {  	_ =	shalt  }
0x51: {  	_ =	shalt  }
0x52: {  	_ =	shalt  }
0x53: {  	_ =	shalt  }
0x54: {  	_ =	shalt  }
0x55: {  	_ =	shalt  }
0x56: {  	_ =	shalt  }
0x57: {  	_ =	shalt  }
0x58: {  	_ =	shalt  }
0x59: {  	_ =	shalt  }
0x5a: {  	_ =	shalt  }
0x5b: {  	_ =	shalt  }
0x5c: {  	_ =	shalt  }
0x5d: {  	_ =	shalt  }
0x5e: {  	_ =	shalt  }
0x5f: {  	_ =	shalt  }
0x60: {  	_ =	shalt  }
0x61: {  	_ =	shalt  }
0x62: {  	_ =	shalt  }
0x63: {  	_ =	shalt  }
0x64: {  	_ =	shalt  }
0x65: {  	_ =	shalt  }
0x66: {  	_ =	shalt  }
0x67: {  	_ =	shalt  }
0x68: {  	_ =	shalt  }
0x69: {  	_ =	shalt  }
0x6a: {  	_ =	shalt  }
0x6b: {  	_ =	shalt  }
0x6c: {  	_ =	shalt  }
0x6d: {  	_ =	shalt  }
0x6e: {  	_ =	shalt  }
0x6f: {  	_ =	shalt  }
0x70: {  	_ =	shalt  }
0x71: {  	_ =	shalt  }
0x72: {  	_ =	shalt  }
0x73: {  	_ =	shalt  }
0x74: {  	_ =	shalt  }
0x75: {  	_ =	shalt  }
0x76: {  	_ =	shalt  }
0x77: {  	_ =	shalt  }
0x78: {  	_ =	shalt  }
0x79: {  	_ =	shalt  }
0x7a: {  	_ =	shalt  }
0x7b: {  	_ =	shalt  }
0x7c: {  	_ =	shalt  }
0x7d: {  	_ =	shalt  }
0x7e: {  	_ =	shalt  }
0x7f: {  	_ =	shalt  }
0x80: {  	_ =	shalt  }
0x81: {  	_ =	shalt  }
0x82: {  	_ =	shalt  }
0x83: {  	_ =	shalt  }
0x84: {  	_ =	shalt  }
0x85: {  	_ =	shalt  }
0x86: {  	_ =	shalt  }
0x87: {  	_ =	shalt  }
.Lfunc_end0:
.L_simem_size_0:
called_computation.2_lowered:
.L_overlay_start_0:
0x88: {  	s2 =	sld [smem:$0x3FD9]  }
0x89: {  	s3 =	sld [smem:$0x3FFE];
	_ =	sdelay $0x1  }
0x8a: {  	s1 =	srdreg.scid  }
0x8b: {  	s0 =	sand.u32 $0x1, s1  }
0x8c: {  	s14 =	sshll.u32 s0, $0xA;
	s2 =	sadd.s32 s3, s2  }
0x8d: {  	s2 =	sadd.s32 s2, s14  }
0x8e: {  	[smem:$0x3FC0] =	sst s2  }
0x8f: {  	_ = 	snop  }
0x90: {  	s2 =	sld [smem:$0x3FD0];
	_ =	sdelay $0x2  }
0x91: {  	s15 =	simm.s32 $0xA;
	s4 =	simm.s32 $0x10  }
0x92: {  	[smem:s4], [sflag:s15] =	dma.local [hbm:s2], $0x1  }
0x93: {  	_ =	swait.eq [sflag:s15], $0x1  }
0x94: {  	[sflag:s15] =	ssyncset.done $0x0  }
0x95: {  	s16 =	sld [smem:$0x10];
	[sflag:s15] =	ssyncadd.s32 $0xFFFFFFFF  }
0x96: {  	s17 =	sld [smem:$0x11];
	(tm) =	ssettm $0x1  }
0x97: {  	s18 =	sld [smem:$0x3FFB];
	_ =	sdelay $0x3  }
0x98: {  	_ =	strace s18  }
0x99: {  	s4 =	sld [smem:$0x3FFC];
	_ =	sdelay $0x3  }
0x9a: {  	_ =	strace s4  }
0x9b: {  	s4 =	sld [smem:$0x3FFD];
	_ =	sdelay $0x3  }
0x9c: {  	_ =	strace s4  }
0x9d: {  	_ =	strace $0x8FFFFFFF  }
0x9e: {  	s19 =	sld [smem:$0x3FDB];
	_ =	sdelay $0x1  }
0x9f: {  	s5 =	simm.s32 $_scs_section_size  }
0xa0: {  	s6 =	simm.s32 $_size__tile_overlayer_lowered;
	s7 =	simm.s32 $_tile_overlayer_lowered  }
0xa1: {  	s22 =	simm.s32 $0x1BFF;
	s21 =	sshll.u32 s7, $0x1;
	s4 =	sadd.s32 s5, s19  }
0xa2: {  	s8 =	simm.s32 $0x0;
	s20 =	sshll.u32 s6, $0x1;
	s6 =	sadd.s32 s21, s4  }
0xa3: {  	[timem:s8], [sflag:s22] =	dma.local [hbm:s6], s20  }
0xa4: {  	_ =	swait.ge [sflag:s22], s20  }
0xa5: {  	s5 =	ssub.s32 $0x0, s20;
	[sflag:s22] =	ssyncset.done $0x0  }
0xa6: {  	[sflag:s22] =	ssyncadd.s32 s5;
	_ =	sdelay $0x1  }
0xa7: {  	s23 =	simm.s32 $0x1B8B  }
0xa8: {  	_ =	swait.ge [sflag:s23], $0x1  }
0xa9: {  	[sflag:s23] =	ssyncset.done $0x0  }
0xaa: {  	s25 =	simm.s32 $0x1B8E;
	s24 =	sld [smem:$0x3FFE];
	[sflag:s23] =	ssyncadd.s32 $0xFFFFFFFF  }
0xab: {  	s26 =	simm.s32 $execute0_lowered;
	[smem:$0x3FD2] =	sst s25  }
0xac: {  	s6 =	sshll.u32 s26, $0x1;
	_ =	strace $0x8000004C;
	[dreg:$0x1] =	wrdreg $0xFFFFFFFF  }
0xad: {  	s28 =	simm.s32 $_size_execute0_lowered;
	s4 =	sadd.s32 s4, s6;
	[dreg:$0x0] =	wrdreg $0x0  }
0xae: {  	s6 =	sshll.u32 s28, $0x1;
	[dreg:$0x2] =	wrdreg s4  }
0xaf: {  	[dreg:$0x3] =	wrdreg s6  }
0xb0: {  	[dreg:$0x4] =	wrdreg $0xC0  }
0xb1: {  	_ =	task [dreg:s8], $0x5FFFF  }
0xb2: {  	[dreg:$0x1] =	wrdreg $0xFFFFFFFF  }
0xb3: {  	[dreg:$0x0] =	wrdreg $0x60  }
0xb4: {  	[dreg:$0x2] =	wrdreg s16  }
0xb5: {  	[dreg:$0x3] =	wrdreg s24  }
0xb6: {  	[dreg:$0x4] =	wrdreg s17  }
0xb7: {  	[dreg:$0x5] =	wrdreg $0x0  }
0xb8: {  	[dreg:$0x6] =	wrdreg $0x9  }
0xb9: {  	_ =	task.clear_ibuf [dreg:s8], $0x7FFFF;
	_ =	strace $0x9000004C  }
0xba: {  	s29 =	simm.s32 $0x9;
	_ =	strace $0x8000004E  }
0xbb: {  	_ =	swait.ge [sflag:s29], $0x1  }
0xbc: {  	[sflag:s29] =	ssyncadd.s32 $0xFFFFFFFF  }
0xbd: {  	_ =	strace $0x9000004E  }
0xbe: {  	_ =	sfence  }
0xbf: {  	s30 =	sld [smem:$0x0];
	_ =	sdelay $0x2  }
0xc0: {  	s31 =	sshll.u32 s1, $0xD;
	s1 =	sshrl.u32 s1, $0x2  }
0xc1: {  	s3 =	sand.u32 $0x4000, s31;
	s1 =	sadd.s32 s1, s30  }
0xc2: {  	s0 =	sor.u32 s3, s0;
	s1 =	sshll.u32 s1, $0x11  }
0xc3: {  	s0 =	sor.u32 s1, s0  }
0xc4: {  	s0 =	sadd.s32 $0x8F2B, s0  }
0xc5: {  	[sflag:s0] =	ssyncadd.remote.s32 $0x1  }
0xc6: {  	_ =	sfence.sel $0xFFFF  }
0xc7: {  	[dreg:$0x0] =	wrdreg $0xFFFFFFFF;
	(pc) =	sbr.abs _section_cstart, $3  }
0xc8: {  	[dreg:$0x1] =	wrdreg $0xFFFFFFFF  }
0xc9: {  	_ =	task.clear_ibuf [dreg:s8], $0x2FFFF;
	_ =	strace $0x9FFFFFFF  }
0xca: {  	(tm) =	ssettm $0x7FFFFFFF  }
0xcb: {  	_ =	shalt  }
tec
execute0_lowered:
.L_overlay_start_1:
0x0: {  	(tag) =	ssettag $0x1  }
0x1: {  	s0 =	rddreg [dreg:$0x0]  }
0x2: {  	s5 =	rddreg [dreg:$0x1]  }
0x3: {  	s7 =	rddreg [dreg:$0x2];
	s1 =	srdreg.scid  }
0x4: {  	s3 =	rddreg [dreg:$0x3];
	s2 =	stileid.u32  }
0x5: {  	s4 =	simm.s32 $0x0;
	s13 =	simm.s32 $0x14080;
	s14 =	simm.s32 $0x80  }
0x6: {  	s15 =	simm.s32 $0x14100;
	s16 =	simm.s32 $0x1;
	s9 =	smul.u32 $0x14000, s2  }
0x7: {  	s6 =	sand.u32 $0x1, s1;
	s1 =	rddreg [dreg:$0x4];
	s26 =	smul.u32 $0x50000, s2  }
0x8: {  	s19 =	simm.s32 $0x0;
	[smem:$0x7FF] =	sst s4;
	s30 =	smul.u32 $0x4F0, s2  }
0x9: {  	s17 =	sshll.u32 s2, $0x6;
	s8 =	smul.u32 $0x140000, s6;
	_ =	strace $0x8000004D  }
0xa: {  	s10 =	smul.u32 $0x4F00, s6;
	s6 =	ssub.s32 $0x2, s6;
	s17 =	sor.u32 $0x1C02, s17  }
0xb: {  	s28 =	sshrl.u32 s6, $0x1;
	s29 =	sshrl.u32 s26, $0x2;
	s8 =	sadd.s32 s9, s8  }
0xc: {  	s11 =	sadd.s32 s10, s5;
	s12 =	ssub.s32 s6, s28;
	s31 =	sadd.s32 s10, s7  }
0xd: {  	s10 =	simm.s32 $0x18100;
	s8 =	sshrl.u32 s8, $0x3;
	s7 =	smax.u32 s12, $0x1  }
0xe: {  	s9 =	sadd.s32 s30, s11;
	s11 =	simm.s32 $0x2;
	s12 =	simm.s32 $0x14000  }
0xf: {  	s8 =	sadd.s32 s8, s5;
	s5 =	sadd.s32 s29, s3;
	s9 =	sadd.s32 $0x2600, s9  }
0x10: {  	v0 =	vimm.f32 $0.0e+00;
	s6 =	sadd.s32 $0xC400, s8;
	s8 =	sadd.s32 s30, s31;
	s18 =	sshrl.u32 s5, $0x3  }
.LBB2_1:
0x11: {  	[tilespmem:$0x18100] =	vst v0  }
0x12: {  	[tilespmem:$0x18110] =	vst v0  }
0x13: {  	[tilespmem:$0x18120] =	vst v0  }
0x14: {  	[tilespmem:$0x18130] =	vst v0  }
0x15: {  	[tilespmem:$0x18140] =	vst v0  }
0x16: {  	[tilespmem:$0x18150] =	vst v0  }
0x17: {  	[tilespmem:$0x18160] =	vst v0  }
0x18: {  	[tilespmem:$0x18170] =	vst v0  }
0x19: {  	[tilespmem:$0x18180] =	vst v0  }
0x1a: {  	[tilespmem:$0x18190] =	vst v0  }
0x1b: {  	[tilespmem:$0x181A0] =	vst v0  }
0x1c: {  	[tilespmem:$0x181B0] =	vst v0  }
0x1d: {  	[tilespmem:$0x181C0] =	vst v0  }
0x1e: {  	[tilespmem:$0x181D0] =	vst v0  }
0x1f: {  	[tilespmem:$0x181E0] =	vst v0  }
0x20: {  	[tilespmem:$0x181F0] =	vst v0  }
0x21: {  	[tilespmem:$0x18200] =	vst v0  }
0x22: {  	[tilespmem:$0x18210] =	vst v0  }
0x23: {  	[tilespmem:$0x18220] =	vst v0  }
0x24: {  	[tilespmem:$0x18230] =	vst v0  }
0x25: {  	[tilespmem:$0x18240] =	vst v0  }
0x26: {  	[tilespmem:$0x18250] =	vst v0  }
0x27: {  	[tilespmem:$0x18260] =	vst v0  }
0x28: {  	[tilespmem:$0x18270] =	vst v0  }
0x29: {  	[tilespmem:$0x18280] =	vst v0  }
0x2a: {  	[tilespmem:$0x18290] =	vst v0  }
0x2b: {  	[tilespmem:$0x182A0] =	vst v0  }
0x2c: {  	[tilespmem:$0x182B0] =	vst v0  }
0x2d: {  	[tilespmem:$0x182C0] =	vst v0  }
0x2e: {  	[tilespmem:$0x182D0] =	vst v0  }
0x2f: {  	[tilespmem:$0x182E0] =	vst v0  }
0x30: {  	[tilespmem:$0x182F0] =	vst v0  }
0x31: {  	[tilespmem:$0x18300] =	vst v0  }
0x32: {  	[tilespmem:$0x18310] =	vst v0  }
0x33: {  	[tilespmem:$0x18320] =	vst v0  }
0x34: {  	[tilespmem:$0x18330] =	vst v0  }
0x35: {  	[tilespmem:$0x18340] =	vst v0  }
0x36: {  	[tilespmem:$0x18350] =	vst v0  }
0x37: {  	[tilespmem:$0x18360] =	vst v0  }
0x38: {  	[tilespmem:$0x18370] =	vst v0  }
0x39: {  	[tilespmem:$0x18380] =	vst v0  }
0x3a: {  	[tilespmem:$0x18390] =	vst v0  }
0x3b: {  	[tilespmem:$0x183A0] =	vst v0  }
0x3c: {  	[tilespmem:$0x183B0] =	vst v0  }
0x3d: {  	[tilespmem:$0x183C0] =	vst v0  }
0x3e: {  	[tilespmem:$0x183D0] =	vst v0  }
0x3f: {  	[tilespmem:$0x183E0] =	vst v0  }
0x40: {  	[tilespmem:$0x183F0] =	vst v0  }
0x41: {  	[tilespmem:$0x18400] =	vst v0  }
0x42: {  	[tilespmem:$0x18410] =	vst v0  }
0x43: {  	[tilespmem:$0x18420] =	vst v0  }
0x44: {  	[tilespmem:$0x18430] =	vst v0  }
0x45: {  	[tilespmem:$0x18440] =	vst v0  }
0x46: {  	[tilespmem:$0x18450] =	vst v0  }
0x47: {  	[tilespmem:$0x18460] =	vst v0  }
0x48: {  	[tilespmem:$0x18470] =	vst v0  }
0x49: {  	[tilespmem:$0x18480] =	vst v0  }
0x4a: {  	[tilespmem:$0x18490] =	vst v0  }
0x4b: {  	[tilespmem:$0x184A0] =	vst v0  }
0x4c: {  	[tilespmem:$0x184B0] =	vst v0  }
0x4d: {  	[tilespmem:$0x184C0] =	vst v0  }
0x4e: {  	[tilespmem:$0x184D0] =	vst v0  }
0x4f: {  	[tilespmem:$0x184E0] =	vst v0  }
0x50: {  	[tilespmem:$0x184F0] =	vst v0  }
0x51: {  	[tilespmem:$0x18500] =	vst v0  }
0x52: {  	[tilespmem:$0x18510] =	vst v0  }
0x53: {  	[tilespmem:$0x18520] =	vst v0  }
0x54: {  	[tilespmem:$0x18530] =	vst v0  }
0x55: {  	[tilespmem:$0x18540] =	vst v0  }
0x56: {  	[tilespmem:$0x18550] =	vst v0  }
0x57: {  	[tilespmem:$0x18560] =	vst v0  }
0x58: {  	[tilespmem:$0x18570] =	vst v0  }
0x59: {  	[tilespmem:$0x18580] =	vst v0  }
0x5a: {  	[tilespmem:$0x18590] =	vst v0  }
0x5b: {  	[tilespmem:$0x185A0] =	vst v0  }
0x5c: {  	[tilespmem:$0x185B0] =	vst v0  }
0x5d: {  	[tilespmem:$0x185C0] =	vst v0  }
0x5e: {  	[tilespmem:$0x185D0] =	vst v0  }
0x5f: {  	[tilespmem:$0x185E0] =	vst v0  }
0x60: {  	[tilespmem:$0x185F0] =	vst v0  }
0x61: {  	[tilespmem:$0x18600] =	vst v0  }
0x62: {  	[tilespmem:$0x18610] =	vst v0  }
0x63: {  	[tilespmem:$0x18620] =	vst v0  }
0x64: {  	[tilespmem:$0x18630] =	vst v0  }
0x65: {  	[tilespmem:$0x18640] =	vst v0  }
0x66: {  	[tilespmem:$0x18650] =	vst v0  }
0x67: {  	[tilespmem:$0x18660] =	vst v0  }
0x68: {  	[tilespmem:$0x18670] =	vst v0  }
0x69: {  	[tilespmem:$0x18680] =	vst v0  }
0x6a: {  	[tilespmem:$0x18690] =	vst v0  }
0x6b: {  	[tilespmem:$0x186A0] =	vst v0  }
0x6c: {  	[tilespmem:$0x186B0] =	vst v0  }
0x6d: {  	[tilespmem:$0x186C0] =	vst v0  }
0x6e: {  	[tilespmem:$0x186D0] =	vst v0  }
0x6f: {  	[tilespmem:$0x186E0] =	vst v0  }
0x70: {  	[tilespmem:$0x186F0] =	vst v0  }
0x71: {  	[tilespmem:$0x18700] =	vst v0  }
0x72: {  	[tilespmem:$0x18710] =	vst v0  }
0x73: {  	[tilespmem:$0x18720] =	vst v0  }
0x74: {  	[tilespmem:$0x18730] =	vst v0  }
0x75: {  	[tilespmem:$0x18740] =	vst v0  }
0x76: {  	[tilespmem:$0x18750] =	vst v0  }
0x77: {  	[tilespmem:$0x18760] =	vst v0  }
0x78: {  	[tilespmem:$0x18770] =	vst v0  }
0x79: {  	[tilespmem:$0x18780] =	vst v0  }
0x7a: {  	[tilespmem:$0x18790] =	vst v0  }
0x7b: {  	[tilespmem:$0x187A0] =	vst v0  }
0x7c: {  	[tilespmem:$0x187B0] =	vst v0  }
0x7d: {  	[tilespmem:$0x187C0] =	vst v0  }
0x7e: {  	[tilespmem:$0x187D0] =	vst v0  }
0x7f: {  	[tilespmem:$0x187E0] =	vst v0  }
0x80: {  	[tilespmem:$0x187F0] =	vst v0  }
0x81: {  	[tilespmem:$0x18800] =	vst v0  }
0x82: {  	[tilespmem:$0x18810] =	vst v0  }
0x83: {  	[tilespmem:$0x18820] =	vst v0  }
0x84: {  	[tilespmem:$0x18830] =	vst v0  }
0x85: {  	[tilespmem:$0x18840] =	vst v0  }
0x86: {  	[tilespmem:$0x18850] =	vst v0  }
0x87: {  	[tilespmem:$0x18860] =	vst v0  }
0x88: {  	[tilespmem:$0x18870] =	vst v0  }
0x89: {  	[tilespmem:$0x18880] =	vst v0  }
0x8a: {  	[tilespmem:$0x18890] =	vst v0  }
0x8b: {  	[tilespmem:$0x188A0] =	vst v0  }
0x8c: {  	[tilespmem:$0x188B0] =	vst v0  }
0x8d: {  	[tilespmem:$0x188C0] =	vst v0  }
0x8e: {  	[tilespmem:$0x188D0] =	vst v0  }
0x8f: {  	[tilespmem:$0x188E0] =	vst v0  }
0x90: {  	[tilespmem:$0x188F0] =	vst v0;
	s20 =	sadd.s32 $0x0, s5  }
0x91: {  	[spmem:s20] =	stream.linear.scatter [tilespmem:s10], [sflag:$0x2], $0x800, $0x38;
	[tilespmem:$0x18900] =	vst v63  }
0x92: {  	s20 =	simm.s32 $0x2000;
	_ =	swait.ge [sflag:s11], $0x800  }
.LBB2_2:
0x93: {  	s21 =	sshra.s32 s20, $0x2;
	[sflag:s11] =	ssyncset.done $0x0;
	p0 =	sne.s32 s20, $0x4E000  }
.Ltmp0:
0x94: {  	s21 =	sadd.s32 s21, s5;
	[sflag:s11] =	ssyncadd.s32 $0xFFFFF800;
	(pc) =	sbr.rel @p0 .LBB2_2-.Ltmp0, $3  }
0x95: {  	[spmem:s21] =	stream.linear.scatter [tilespmem:s10], [sflag:$0x2], $0x800, $0x38;
	[tilespmem:$0x18900] =	vst v63  }
0x96: {  	s20 =	sadd.s32 $0x2000, s20;
	_ =	sdelay $0x1  }
0x97: {  	_ =	swait.ge [sflag:s11], $0x800  }
0x98: {  	[sflag:s11] =	ssyncset.done $0x0  }
0x99: {  	[sflag:s11] =	ssyncadd.s32 $0xFFFFF800  }
0x9a: {  	s20 =	sadd.s32 $0x0, s9;
	[bflag:$0x0] =	sbarrier.arrive $0xFFFF  }
0x9b: {  	[tilespmem:s12], [sflag:$0x2] =	stream.linear.gather [hbm4b:s20+s4], $0x80, $0x38;
	[tilespmem:$0x18900] =	vst v63  }
0x9c: {  	_ =	swait.ge [sflag:s11], $0x80  }
0x9d: {  	[sflag:s11] =	ssyncset.done $0x0  }
0x9e: {  	s31 =	sadd.s32 $0x0, s8;
	[sflag:s11] =	ssyncadd.s32 $0xFFFFFF80  }
0x9f: {  	[tilespmem:s13], [sflag:$0x2] =	stream.linear.gather [hbm4b:s31+s4], $0x80, $0x38;
	[tilespmem:$0x18900] =	vst v63  }
0xa0: {  	_ =	swait.ge [sflag:s11], $0x80  }
0xa1: {  	[sflag:s11] =	ssyncset.done $0x0  }
0xa2: {  	[sflag:s11] =	ssyncadd.s32 $0xFFFFFF80  }
0xa3: {  	[tilespmem:s15], [sflag:$0x1] =	stream.indirect.gather [hbm4b:s0+s14], $0x80, s12, s14, $0xb8;
	[tilespmem:$0x18900] =	vst v63  }
0xa4: {  	_ =	swait.ge [sflag:s16], $0x4000  }
0xa5: {  	[sflag:s16] =	ssyncset.done $0x0  }
0xa6: {  	[sflag:s16] =	ssyncadd.s32 $0xFFFFC000  }
0xa7: {  	[spmem:s3] =	stream.indirect.scatter.add.f32 [tilespmem:s15], [sflag:$0x2], $0x80, s13, s14, $0xb8;
	[tilespmem:$0x18900] =	vst v63  }
0xa8: {  	_ =	swait.ge [sflag:s11], $0x4000  }
0xa9: {  	s21 =	simm.s32 $0x20;
	s20 =	simm.s32 $0x10;
	[sflag:s11] =	ssyncset.done $0x0  }
.LBB2_4:
0xaa: {  	s22 =	sadd.s32 s20, s9  }
0xab: {  	[sflag:s11] =	ssyncadd.s32 $0xFFFFC000;
	s23 =	smov.u32 s21;
	s24 =	sadd.s32 $0x10, s21  }
0xac: {  	[tilespmem:s12], [sflag:$0x2] =	stream.linear.gather [hbm4b:s22+s4], $0x80, $0x38;
	[tilespmem:$0x18900] =	vst v63  }
0xad: {  	p0 =	sne.s32 s21, $0x4E0;
	_ =	swait.ge [sflag:s11], $0x80  }
0xae: {  	[sflag:s11] =	ssyncset.done $0x0  }
0xaf: {  	s21 =	sadd.s32 s20, s8;
	s20 =	smov.u32 s23;
	[sflag:s11] =	ssyncadd.s32 $0xFFFFFF80  }
0xb0: {  	[tilespmem:s13], [sflag:$0x2] =	stream.linear.gather [hbm4b:s21+s4], $0x80, $0x38;
	[tilespmem:$0x18900] =	vst v63  }
0xb1: {  	_ =	swait.ge [sflag:s11], $0x80  }
0xb2: {  	[sflag:s11] =	ssyncset.done $0x0  }
0xb3: {  	[sflag:s11] =	ssyncadd.s32 $0xFFFFFF80  }
0xb4: {  	[tilespmem:s15], [sflag:$0x1] =	stream.indirect.gather [hbm4b:s0+s14], $0x80, s12, s14, $0xb8;
	[tilespmem:$0x18900] =	vst v63  }
0xb5: {  	_ =	swait.ge [sflag:s16], $0x4000  }
.Ltmp1:
0xb6: {  	[sflag:s16] =	ssyncset.done $0x0;
	(pc) =	sbr.rel @p0 .LBB2_4-.Ltmp1, $4  }
0xb7: {  	[sflag:s16] =	ssyncadd.s32 $0xFFFFC000  }
0xb8: {  	[spmem:s3] =	stream.indirect.scatter.add.f32 [tilespmem:s15], [sflag:$0x2], $0x80, s13, s14, $0xb8;
	[tilespmem:$0x18900] =	vst v63  }
0xb9: {  	_ =	swait.ge [sflag:s11], $0x4000  }
0xba: {  	s21 =	smov.u32 s24;
	[sflag:s11] =	ssyncset.done $0x0  }
0xbb: {  	s21 =	sadd.s32 s20, s9;
	[sflag:s11] =	ssyncadd.s32 $0xFFFFC000  }
0xbc: {  	[tilespmem:s12], [sflag:$0x2] =	stream.linear.gather [hbm4b:s21+s4], $0x80, $0x38;
	[tilespmem:$0x18900] =	vst v63  }
0xbd: {  	_ =	swait.ge [sflag:s11], $0x80  }
0xbe: {  	[sflag:s11] =	ssyncset.done $0x0  }
0xbf: {  	s31 =	sadd.s32 s20, s8;
	[sflag:s11] =	ssyncadd.s32 $0xFFFFFF80  }
0xc0: {  	[tilespmem:s13], [sflag:$0x2] =	stream.linear.gather [hbm4b:s31+s4], $0x80, $0x38;
	[tilespmem:$0x18900] =	vst v63  }
0xc1: {  	_ =	swait.ge [sflag:s11], $0x80  }
0xc2: {  	[sflag:s11] =	ssyncset.done $0x0  }
0xc3: {  	[sflag:s11] =	ssyncadd.s32 $0xFFFFFF80  }
0xc4: {  	[tilespmem:s15], [sflag:$0x1] =	stream.indirect.gather [hbm4b:s0+s14], $0x80, s12, s14, $0xb8;
	[tilespmem:$0x18900] =	vst v63  }
0xc5: {  	_ =	swait.ge [sflag:s16], $0x4000  }
0xc6: {  	[sflag:s16] =	ssyncset.done $0x0  }
0xc7: {  	[sflag:s16] =	ssyncadd.s32 $0xFFFFC000  }
0xc8: {  	[spmem:s3] =	stream.indirect.scatter.add.f32 [tilespmem:s15], [sflag:$0x2], $0x80, s13, s14, $0xb8;
	[tilespmem:$0x18900] =	vst v63  }
0xc9: {  	_ =	swait.ge [sflag:s11], $0x4000  }
0xca: {  	s19 =	sadd.s32 $0x1, s19;
	[sflag:s11] =	ssyncset.done $0x0  }
0xcb: {  	p0 =	sne.s32 s19, s7;
	[sflag:s11] =	ssyncadd.s32 $0xFFFFC000  }
.Ltmp2:
0xcc: {  	[bflag:$0x0] =	sbarrier.arrive $0xFFFF;
	(pc) =	sbr.rel @p0 .LBB2_1-.Ltmp2, $4  }
0xcd: {  	[hbm:s6], [sflag:s17] =	dma.local [spmem:s18], $0x2800  }
0xce: {  	_ =	swait.ge [sflag:s11], $0x2800  }
0xcf: {  	[sflag:s11] =	ssyncset.done $0x0  }
0xd0: {  	[sflag:s11] =	ssyncadd.s32 $0xFFFFD800  }
0xd1: {  	_ =	sfence.sel $0x180000  }
0xd2: {  	[bflag:$0x0] =	sbarrier.arrive $0xFFFF  }
0xd3: {  	p0 =	sne.s32 s2, $0x0;
	_ =	strace $0x9000004D  }
0xd4: {  	s0 =	sadd.s32 @!p0 $0x100000, s1;
	[bflag:$0x2] =	sbarrier.arrive $0xFFFF  }
0xd5: {  	[sflag:s0] =	ssyncadd.tile.s32 @!p0 $0x1;
	_ =	shalt  }
.Lfunc_end2:
_tile_overlayer_lowered:
.L_overlay_start_2:
0xd6: {  	(tag) =	ssettag $0x2  }
0xd7: {  	s0 =	rddreg [dreg:$0x0];
	s2 =	stileid.u32  }
0xd8: {  	s1 =	rddreg [dreg:$0x1];
	p0 =	sne.s32 s2, $0x0  }
0xd9: {  	s3 =	rddreg [dreg:$0x2];
	[bflag:$0x3] =	sbarrier.arrive $0xFFFF;
	s2 =	simm.s32 @!p0 $0x1C02  }
0xda: {  	[timem:s3], [sflag:s2] =	dma.local @!p0 [hbm:s0], s1  }
0xdb: {  	s0 =	simm.s32 @!p0 $0x2  }
0xdc: {  	_ =	swait.ge @!p0 [sflag:s0], s1  }
0xdd: {  	s1 =	ssub.s32 @!p0 $0x0, s1;
	[sflag:s0] =	ssyncset.done @!p0 $0x0  }
0xde: {  	[sflag:s0] =	ssyncadd.s32 @!p0 s1  }
0xdf: {  	[bflag:$0x3] =	sbarrier.arrive $0xFFFF  }
0xe0: {  	_ =	shalt  }

// kernel: kernel.19.cloned.1.call-start
scs
__scs_entry_jumppad:
0x0: {  	(pc) =	sbr.rel $0x88, $3  }
0x1: {  	(tag) =	ssettag $0x0;
	lr =	simm.s32 $0x1  }
0x2: {  	[smem:$0x3F99] =	sst lr;
	_ =	strace $0xD0000000  }
0x3: {  	_ = 	snop  }
0x4: {  	_ = 	snop  }
0x5: {  	_ = 	snop  }
0x6: {  	_ = 	snop  }
0x7: {  	_ = 	snop  }
__scs_overlays_trampoline_lowered:
0x8: {  	[smem:$0x3FA8] =	sst s0  }
0x9: {  	[smem:$0x3FA9] =	sst s1  }
0xa: {  	[smem:$0x3FAA] =	sst s2  }
0xb: {  	[smem:$0x3FAB] =	sst s3  }
0xc: {  	[smem:$0x3FAC] =	sst s4  }
0xd: {  	[smem:$0x3FAD] =	sst s5  }
0xe: {  	[smem:$0x3FAE] =	sst s6  }
0xf: {  	[smem:$0x3FAF] =	sst s7  }
0x10: {  	[smem:$0x3FB0] =	sst s8  }
0x11: {  	[smem:$0x3FB1] =	sst s9;
	s0 =	simm.s32 @!p0 $0x0  }
0x12: {  	s1 =	sld [smem:$0x3F97];
	s0 =	simm.s32 @p0 $0x1  }
0x13: {  	[smem:$0x3FB2] =	sst s0;
	s0 =	simm.s32 @!p1 $0x0  }
0x14: {  	s2 =	sld [smem:$0x3F96];
	s0 =	simm.s32 @p1 $0x1  }
0x15: {  	[smem:$0x3FB3] =	sst s0;
	s0 =	simm.s32 @!p2 $0x0  }
0x16: {  	s3 =	sld [smem:$0x3FDB];
	s0 =	simm.s32 @p2 $0x1  }
0x17: {  	s4 =	simm.s32 $0x1BF5;
	[smem:$0x3FB5] =	sst s0  }
0x18: {  	s0 =	sld [smem:$0x3F98];
	_ =	swait.ge [sflag:s4], $0x0  }
0x19: {  	s7 =	sld [smem:$0x3F99]  }
0x1a: {  	s8 =	sadd.s32 $0xFFFFE003, lr  }
0x1b: {  	s9 =	sadd.s32 $0xFFFFFEF7, lr;
	s5 =	simm.s32 $0xFFFFFFFF;
	p2 =	slt.u32 s8, $0xFFFFF086  }
0x1c: {  	p1 =	slt.u32 s9, $0xF7A;
	s5 =	simm.s32 @!p2 $0x0  }
0x1d: {  	s5 =	simm.s32 @p1 $0x1;
	p0 =	seq.s32 s7, s2  }
0x1e: {  	s7 =	smul.u32 @!p0 $0xF7A, s2;
	p2 =	seq.s32 @!p0 s5, $0x0  }
0x1f: {  	s9 =	smul.u32 $0xF7A, s1;
	s8 =	simm.s32 @!p0 $0x1BF5;
	p2 =	por !p2, p0  }
0x20: {  	[sflag:s8] =	ssyncset.s32 @!p0 $0xFFFFF086;
	s6 =	sadd.s32 @!p0 s3, s7;
	s7 =	simm.s32 @!p0 $0x108  }
0x21: {  	s3 =	sadd.s32 s3, s9;
	s6 =	sadd.s32 @!p0 $0x88, s6;
	s7 =	simm.s32 @p2 $0x1082  }
0x22: {  	[simem:s7], [sflag:s8] =	dma.local @!p0 [hbm:s6], $0xF7A  }
0x23: {  	s9 =	sor.u32 $0xD0000000, s2;
	s6 =	simm.s32 $0x108;
	_ =	swait.ge @!p0 [sflag:s8], $0x0  }
0x24: {  	s3 =	sadd.s32 $0x88, s3;
	s6 =	simm.s32 @!p1 $0x1082;
	[sflag:s4] =	ssyncset.s32 $0xFFFFF086  }
0x25: {  	[simem:s6], [sflag:s4] =	dma.local [hbm:s3], $0xF7A  }
0x26: {  	[smem:$0x3F99] =	sst s1;
	(tag) =	ssettag s2;
	_ =	strace s9  }
0x27: {  	s1 =	sld [smem:$0x3FA9]  }
0x28: {  	s2 =	sld [smem:$0x3FAA]  }
0x29: {  	s4 =	sld [smem:$0x3FAC]  }
0x2a: {  	p0 =	seq.s32 s5, $0x0;
	s5 =	sld [smem:$0x3FAD]  }
0x2b: {  	s6 =	sld [smem:$0x3FAE]  }
0x2c: {  	s7 =	sld [smem:$0x3FAF]  }
0x2d: {  	s3 =	simm.s32 $0x108;
	s8 =	sld [smem:$0x3FB0]  }
0x2e: {  	s3 =	simm.s32 @!p0 $0x1082;
	s9 =	sld [smem:$0x3FB1]  }
0x2f: {  	lr =	sadd.s32 s0, s3;
	s0 =	sld [smem:$0x3FA8]  }
0x30: {  	s3 =	sld [smem:$0x3FAB]  }
0x31: {  	[smem:$0x3FB4] =	sst s10  }
0x32: {  	s10 =	sld [smem:$0x3FB2];
	_ =	sdelay $0x3  }
0x33: {  	p0 =	seq.s32 s10, $0x1;
	s10 =	sld [smem:$0x3FB4];
	_ =	sdelay $0x3  }
0x34: {  	[smem:$0x3FB4] =	sst s10  }
0x35: {  	s10 =	sld [smem:$0x3FB3];
	_ =	sdelay $0x3  }
0x36: {  	p1 =	seq.s32 s10, $0x1;
	s10 =	sld [smem:$0x3FB4];
	_ =	sdelay $0x3  }
0x37: {  	[smem:$0x3FB4] =	sst s10  }
0x38: {  	s10 =	sld [smem:$0x3FB5]  }
0x39: {  	_ = 	snop;
	(pc) =	sbr.ind lr, $3  }
0x3a: {  	_ = 	snop  }
0x3b: {  	_ = 	snop  }
0x3c: {  	p2 =	seq.s32 s10, $0x1;
	s10 =	sld [smem:$0x3FB4]  }
0x3d: {  	_ =	shalt  }
0x3e: {  	_ =	shalt  }
0x3f: {  	_ =	shalt  }
0x40: {  	_ =	shalt  }
0x41: {  	_ =	shalt  }
0x42: {  	_ =	shalt  }
0x43: {  	_ =	shalt  }
0x44: {  	_ =	shalt  }
0x45: {  	_ =	shalt  }
0x46: {  	_ =	shalt  }
0x47: {  	_ =	shalt  }
0x48: {  	_ =	shalt  }
0x49: {  	_ =	shalt  }
0x4a: {  	_ =	shalt  }
0x4b: {  	_ =	shalt  }
0x4c: {  	_ =	shalt  }
0x4d: {  	_ =	shalt  }
0x4e: {  	_ =	shalt  }
0x4f: {  	_ =	shalt  }
0x50: {  	_ =	shalt  }
0x51: {  	_ =	shalt  }
0x52: {  	_ =	shalt  }
0x53: {  	_ =	shalt  }
0x54: {  	_ =	shalt  }
0x55: {  	_ =	shalt  }
0x56: {  	_ =	shalt  }
0x57: {  	_ =	shalt  }
0x58: {  	_ =	shalt  }
0x59: {  	_ =	shalt  }
0x5a: {  	_ =	shalt  }
0x5b: {  	_ =	shalt  }
0x5c: {  	_ =	shalt  }
0x5d: {  	_ =	shalt  }
0x5e: {  	_ =	shalt  }
0x5f: {  	_ =	shalt  }
0x60: {  	_ =	shalt  }
0x61: {  	_ =	shalt  }
0x62: {  	_ =	shalt  }
0x63: {  	_ =	shalt  }
0x64: {  	_ =	shalt  }
0x65: {  	_ =	shalt  }
0x66: {  	_ =	shalt  }
0x67: {  	_ =	shalt  }
0x68: {  	_ =	shalt  }
0x69: {  	_ =	shalt  }
0x6a: {  	_ =	shalt  }
0x6b: {  	_ =	shalt  }
0x6c: {  	_ =	shalt  }
0x6d: {  	_ =	shalt  }
0x6e: {  	_ =	shalt  }
0x6f: {  	_ =	shalt  }
0x70: {  	_ =	shalt  }
0x71: {  	_ =	shalt  }
0x72: {  	_ =	shalt  }
0x73: {  	_ =	shalt  }
0x74: {  	_ =	shalt  }
0x75: {  	_ =	shalt  }
0x76: {  	_ =	shalt  }
0x77: {  	_ =	shalt  }
0x78: {  	_ =	shalt  }
0x79: {  	_ =	shalt  }
0x7a: {  	_ =	shalt  }
0x7b: {  	_ =	shalt  }
0x7c: {  	_ =	shalt  }
0x7d: {  	_ =	shalt  }
0x7e: {  	_ =	shalt  }
0x7f: {  	_ =	shalt  }
0x80: {  	_ =	shalt  }
0x81: {  	_ =	shalt  }
0x82: {  	_ =	shalt  }
0x83: {  	_ =	shalt  }
0x84: {  	_ =	shalt  }
0x85: {  	_ =	shalt  }
0x86: {  	_ =	shalt  }
0x87: {  	_ =	shalt  }
.Lfunc_end0:
.L_simem_size_0:
called_computation.3_lowered:
.L_overlay_start_0:
0x88: {  	s2 =	sld [smem:$0x3FD9]  }
0x89: {  	s3 =	sld [smem:$0x3FFE];
	_ =	sdelay $0x1  }
0x8a: {  	s1 =	srdreg.scid  }
0x8b: {  	s0 =	sand.u32 $0x1, s1  }
0x8c: {  	s14 =	sshll.u32 s0, $0xA;
	s2 =	sadd.s32 s3, s2  }
0x8d: {  	s2 =	sadd.s32 s2, s14  }
0x8e: {  	[smem:$0x3FC0] =	sst s2  }
0x8f: {  	_ = 	snop  }
0x90: {  	s2 =	sld [smem:$0x3FD0];
	_ =	sdelay $0x2  }
0x91: {  	s15 =	simm.s32 $0xA;
	s4 =	simm.s32 $0x10  }
0x92: {  	[smem:s4], [sflag:s15] =	dma.local [hbm:s2], $0x1  }
0x93: {  	_ =	swait.eq [sflag:s15], $0x1  }
0x94: {  	[sflag:s15] =	ssyncset.done $0x0  }
0x95: {  	[sflag:s15] =	ssyncadd.s32 $0xFFFFFFFF  }
0x96: {  	s16 =	sld [smem:$0x11];
	(tm) =	ssettm $0x1  }
0x97: {  	s17 =	sld [smem:$0x3FFB];
	_ =	sdelay $0x3  }
0x98: {  	_ =	strace s17  }
0x99: {  	s3 =	sld [smem:$0x3FFC];
	_ =	sdelay $0x3  }
0x9a: {  	_ =	strace s3  }
0x9b: {  	s3 =	sld [smem:$0x3FFD];
	_ =	sdelay $0x3  }
0x9c: {  	_ =	strace s3  }
0x9d: {  	_ =	strace $0x8FFFFFFF  }
0x9e: {  	s18 =	sld [smem:$0x3FDB];
	_ =	sdelay $0x1  }
0x9f: {  	s19 =	simm.s32 $_scs_section_size  }
0xa0: {  	s5 =	simm.s32 $_size__tile_overlayer_lowered;
	s6 =	simm.s32 $_tile_overlayer_lowered  }
0xa1: {  	s22 =	simm.s32 $0x1BFF;
	s21 =	sshll.u32 s6, $0x1;
	s3 =	sadd.s32 s19, s18  }
0xa2: {  	s7 =	simm.s32 $0x0;
	s20 =	sshll.u32 s5, $0x1;
	s5 =	sadd.s32 s21, s3  }
0xa3: {  	[timem:s7], [sflag:s22] =	dma.local [hbm:s5], s20  }
0xa4: {  	_ =	swait.ge [sflag:s22], s20  }
0xa5: {  	s4 =	ssub.s32 $0x0, s20;
	[sflag:s22] =	ssyncset.done $0x0  }
0xa6: {  	[sflag:s22] =	ssyncadd.s32 s4;
	_ =	sdelay $0x1  }
0xa7: {  	s23 =	simm.s32 $0x1B8B  }
0xa8: {  	_ =	swait.ge [sflag:s23], $0x1  }
0xa9: {  	[sflag:s23] =	ssyncset.done $0x0  }
0xaa: {  	s25 =	simm.s32 $0x1B8E;
	s24 =	sld [smem:$0x3FFE];
	[sflag:s23] =	ssyncadd.s32 $0xFFFFFFFF  }
0xab: {  	s26 =	simm.s32 $execute0_lowered;
	[smem:$0x3FD2] =	sst s25  }
0xac: {  	s5 =	sshll.u32 s26, $0x1;
	_ =	strace $0x8000004F;
	[dreg:$0x1] =	wrdreg $0xFFFFFFFF  }
0xad: {  	s28 =	simm.s32 $_size_execute0_lowered;
	s3 =	sadd.s32 s3, s5;
	[dreg:$0x0] =	wrdreg $0x0  }
0xae: {  	s5 =	sshll.u32 s28, $0x1;
	[dreg:$0x2] =	wrdreg s3  }
0xaf: {  	[dreg:$0x3] =	wrdreg s5  }
0xb0: {  	[dreg:$0x4] =	wrdreg $0xC0  }
0xb1: {  	_ =	task [dreg:s7], $0x5FFFF  }
0xb2: {  	[dreg:$0x1] =	wrdreg $0xFFFFFFFF  }
0xb3: {  	[dreg:$0x0] =	wrdreg $0x60  }
0xb4: {  	[dreg:$0x2] =	wrdreg s24  }
0xb5: {  	[dreg:$0x3] =	wrdreg s16  }
0xb6: {  	[dreg:$0x4] =	wrdreg $0x0  }
0xb7: {  	[dreg:$0x5] =	wrdreg $0x9  }
0xb8: {  	_ =	task.clear_ibuf [dreg:s7], $0x6FFFF;
	_ =	strace $0x9000004F  }
0xb9: {  	s29 =	simm.s32 $0x9;
	_ =	strace $0x80000051  }
0xba: {  	_ =	swait.ge [sflag:s29], $0x1  }
0xbb: {  	[sflag:s29] =	ssyncadd.s32 $0xFFFFFFFF  }
0xbc: {  	_ =	strace $0x90000051  }
0xbd: {  	_ =	sfence  }
0xbe: {  	s30 =	sld [smem:$0x0];
	_ =	sdelay $0x2  }
0xbf: {  	s31 =	sshll.u32 s1, $0xD;
	s1 =	sshrl.u32 s1, $0x2  }
0xc0: {  	s3 =	sand.u32 $0x4000, s31;
	s1 =	sadd.s32 s1, s30  }
0xc1: {  	s0 =	sor.u32 s3, s0;
	s1 =	sshll.u32 s1, $0x11  }
0xc2: {  	s0 =	sor.u32 s1, s0  }
0xc3: {  	s0 =	sadd.s32 $0x8F2B, s0  }
0xc4: {  	[sflag:s0] =	ssyncadd.remote.s32 $0x1  }
0xc5: {  	_ =	sfence.sel $0xFFFF  }
0xc6: {  	[dreg:$0x0] =	wrdreg $0xFFFFFFFF;
	(pc) =	sbr.abs _section_cstart, $3  }
0xc7: {  	[dreg:$0x1] =	wrdreg $0xFFFFFFFF  }
0xc8: {  	_ =	task.clear_ibuf [dreg:s7], $0x2FFFF;
	_ =	strace $0x9FFFFFFF  }
0xc9: {  	(tm) =	ssettm $0x7FFFFFFF  }
tec
execute0_lowered:
.L_overlay_start_1:
0x0: {  	(tag) =	ssettag $0x1  }
0x1: {  	s5 =	rddreg [dreg:$0x0]  }
0x2: {  	s8 =	rddreg [dreg:$0x1]  }
0x3: {  	s0 =	srdreg.scid;
	s2 =	rddreg [dreg:$0x2]  }
0x4: {  	s1 =	rddreg [dreg:$0x3];
	s3 =	simm.s32 $0x0;
	s6 =	sand.u32 $0x1, s0  }
0x5: {  	s14 =	simm.s32 $0x80;
	s0 =	stileid.u32;
	s7 =	smul.u32 $0x27800, s6  }
0x6: {  	s15 =	simm.s32 $0xA100;
	s16 =	simm.s32 $0x1;
	s9 =	smul.u32 $0x2780, s0  }
0x7: {  	s19 =	simm.s32 $0x0;
	[smem:$0x7FF] =	sst s3;
	s10 =	smul.u32 $0xA0000, s6  }
0x8: {  	s4 =	sadd.s32 $0xC400, s5;
	s11 =	smul.u32 $0xA000, s0;
	_ =	strace $0x80000050  }
0x9: {  	s30 =	smul.u32 $0x28000, s0;
	s6 =	ssub.s32 $0x2, s6;
	s17 =	sshll.u32 s0, $0x6  }
0xa: {  	s31 =	sshrl.u32 s6, $0x1;
	s17 =	sor.u32 $0x1C02, s17;
	s7 =	sadd.s32 s9, s7  }
0xb: {  	s29 =	sadd.s32 s11, s10;
	s10 =	sshrl.u32 s30, $0x2;
	s13 =	ssub.s32 s6, s31  }
0xc: {  	s18 =	sadd.s32 s11, s2;
	s11 =	simm.s32 $0x2;
	s9 =	sshrl.u32 s7, $0x3  }
0xd: {  	s7 =	sshrl.u32 s29, $0x3;
	s18 =	sshrl.u32 s18, $0x3;
	s12 =	sadd.s32 s9, s5  }
0xe: {  	s7 =	sadd.s32 s7, s5;
	s5 =	sadd.s32 s10, s2;
	s8 =	sadd.s32 s9, s8  }
0xf: {  	s10 =	simm.s32 $0xC100;
	s6 =	sadd.s32 $0x1FE00, s7;
	s7 =	smax.u32 s13, $0x1  }
0x10: {  	v0 =	vimm.f32 $0.0e+00;
	s9 =	sadd.s32 $0x2600, s12;
	s12 =	simm.s32 $0xA000;
	s13 =	simm.s32 $0xA080  }
.LBB2_1:
0x11: {  	[tilespmem:$0xC100] =	vst v0  }
0x12: {  	[tilespmem:$0xC110] =	vst v0  }
0x13: {  	[tilespmem:$0xC120] =	vst v0  }
0x14: {  	[tilespmem:$0xC130] =	vst v0  }
0x15: {  	[tilespmem:$0xC140] =	vst v0  }
0x16: {  	[tilespmem:$0xC150] =	vst v0  }
0x17: {  	[tilespmem:$0xC160] =	vst v0  }
0x18: {  	[tilespmem:$0xC170] =	vst v0  }
0x19: {  	[tilespmem:$0xC180] =	vst v0  }
0x1a: {  	[tilespmem:$0xC190] =	vst v0  }
0x1b: {  	[tilespmem:$0xC1A0] =	vst v0  }
0x1c: {  	[tilespmem:$0xC1B0] =	vst v0  }
0x1d: {  	[tilespmem:$0xC1C0] =	vst v0  }
0x1e: {  	[tilespmem:$0xC1D0] =	vst v0  }
0x1f: {  	[tilespmem:$0xC1E0] =	vst v0  }
0x20: {  	[tilespmem:$0xC1F0] =	vst v0  }
0x21: {  	[tilespmem:$0xC200] =	vst v0  }
0x22: {  	[tilespmem:$0xC210] =	vst v0  }
0x23: {  	[tilespmem:$0xC220] =	vst v0  }
0x24: {  	[tilespmem:$0xC230] =	vst v0  }
0x25: {  	[tilespmem:$0xC240] =	vst v0  }
0x26: {  	[tilespmem:$0xC250] =	vst v0  }
0x27: {  	[tilespmem:$0xC260] =	vst v0  }
0x28: {  	[tilespmem:$0xC270] =	vst v0  }
0x29: {  	[tilespmem:$0xC280] =	vst v0  }
0x2a: {  	[tilespmem:$0xC290] =	vst v0  }
0x2b: {  	[tilespmem:$0xC2A0] =	vst v0  }
0x2c: {  	[tilespmem:$0xC2B0] =	vst v0  }
0x2d: {  	[tilespmem:$0xC2C0] =	vst v0  }
0x2e: {  	[tilespmem:$0xC2D0] =	vst v0  }
0x2f: {  	[tilespmem:$0xC2E0] =	vst v0  }
0x30: {  	[tilespmem:$0xC2F0] =	vst v0  }
0x31: {  	[tilespmem:$0xC300] =	vst v0  }
0x32: {  	[tilespmem:$0xC310] =	vst v0  }
0x33: {  	[tilespmem:$0xC320] =	vst v0  }
0x34: {  	[tilespmem:$0xC330] =	vst v0  }
0x35: {  	[tilespmem:$0xC340] =	vst v0  }
0x36: {  	[tilespmem:$0xC350] =	vst v0  }
0x37: {  	[tilespmem:$0xC360] =	vst v0  }
0x38: {  	[tilespmem:$0xC370] =	vst v0  }
0x39: {  	[tilespmem:$0xC380] =	vst v0  }
0x3a: {  	[tilespmem:$0xC390] =	vst v0  }
0x3b: {  	[tilespmem:$0xC3A0] =	vst v0  }
0x3c: {  	[tilespmem:$0xC3B0] =	vst v0  }
0x3d: {  	[tilespmem:$0xC3C0] =	vst v0  }
0x3e: {  	[tilespmem:$0xC3D0] =	vst v0  }
0x3f: {  	[tilespmem:$0xC3E0] =	vst v0  }
0x40: {  	[tilespmem:$0xC3F0] =	vst v0  }
0x41: {  	[tilespmem:$0xC400] =	vst v0  }
0x42: {  	[tilespmem:$0xC410] =	vst v0  }
0x43: {  	[tilespmem:$0xC420] =	vst v0  }
0x44: {  	[tilespmem:$0xC430] =	vst v0  }
0x45: {  	[tilespmem:$0xC440] =	vst v0  }
0x46: {  	[tilespmem:$0xC450] =	vst v0  }
0x47: {  	[tilespmem:$0xC460] =	vst v0  }
0x48: {  	[tilespmem:$0xC470] =	vst v0  }
0x49: {  	[tilespmem:$0xC480] =	vst v0  }
0x4a: {  	[tilespmem:$0xC490] =	vst v0  }
0x4b: {  	[tilespmem:$0xC4A0] =	vst v0  }
0x4c: {  	[tilespmem:$0xC4B0] =	vst v0  }
0x4d: {  	[tilespmem:$0xC4C0] =	vst v0  }
0x4e: {  	[tilespmem:$0xC4D0] =	vst v0  }
0x4f: {  	[tilespmem:$0xC4E0] =	vst v0  }
0x50: {  	[tilespmem:$0xC4F0] =	vst v0;
	s20 =	sadd.s32 $0x0, s5  }
0x51: {  	[spmem:s20] =	stream.linear.scatter [tilespmem:s10], [sflag:$0x2], $0x400, $0x38;
	[tilespmem:$0xC500] =	vst v63  }
0x52: {  	s20 =	simm.s32 $0x1000;
	_ =	swait.ge [sflag:s11], $0x400  }
.LBB2_2:
0x53: {  	s21 =	sshra.s32 s20, $0x2;
	[sflag:s11] =	ssyncset.done $0x0;
	p0 =	sne.s32 s20, $0x27000  }
.Ltmp0:
0x54: {  	s21 =	sadd.s32 s21, s5;
	[sflag:s11] =	ssyncadd.s32 $0xFFFFFC00;
	(pc) =	sbr.rel @p0 .LBB2_2-.Ltmp0, $3  }
0x55: {  	[spmem:s21] =	stream.linear.scatter [tilespmem:s10], [sflag:$0x2], $0x400, $0x38;
	[tilespmem:$0xC500] =	vst v63  }
0x56: {  	s20 =	sadd.s32 $0x1000, s20;
	_ =	sdelay $0x1  }
0x57: {  	_ =	swait.ge [sflag:s11], $0x400  }
0x58: {  	[sflag:s11] =	ssyncset.done $0x0  }
0x59: {  	[sflag:s11] =	ssyncadd.s32 $0xFFFFFC00  }
0x5a: {  	s20 =	sadd.s32 $0x0, s9;
	[bflag:$0x0] =	sbarrier.arrive $0xFFFF  }
0x5b: {  	[tilespmem:s12], [sflag:$0x2] =	stream.linear.gather [hbm4b:s20+s3], $0x80, $0x38;
	[tilespmem:$0xC500] =	vst v63  }
0x5c: {  	_ =	swait.ge [sflag:s11], $0x80  }
0x5d: {  	[sflag:s11] =	ssyncset.done $0x0  }
0x5e: {  	s31 =	sadd.s32 $0x0, s8;
	[sflag:s11] =	ssyncadd.s32 $0xFFFFFF80  }
0x5f: {  	[tilespmem:s13], [sflag:$0x2] =	stream.linear.gather [hbm4b:s31+s3], $0x80, $0x38;
	[tilespmem:$0xC500] =	vst v63  }
0x60: {  	_ =	swait.ge [sflag:s11], $0x80  }
0x61: {  	[sflag:s11] =	ssyncset.done $0x0  }
0x62: {  	[sflag:s11] =	ssyncadd.s32 $0xFFFFFF80  }
0x63: {  	[tilespmem:s15], [sflag:$0x1] =	stream.indirect.gather [hbm4b:s4+s14], $0x40, s12, s14, $0xb8;
	[tilespmem:$0xC500] =	vst v63  }
0x64: {  	_ =	swait.ge [sflag:s16], $0x2000  }
0x65: {  	[sflag:s16] =	ssyncset.done $0x0  }
0x66: {  	[sflag:s16] =	ssyncadd.s32 $0xFFFFE000  }
0x67: {  	[spmem:s2] =	stream.indirect.scatter.add.f32 [tilespmem:s15], [sflag:$0x2], $0x40, s13, s14, $0xb8;
	[tilespmem:$0xC500] =	vst v63  }
0x68: {  	_ =	swait.ge [sflag:s11], $0x2000  }
0x69: {  	s21 =	simm.s32 $0x20;
	s20 =	simm.s32 $0x10;
	[sflag:s11] =	ssyncset.done $0x0  }
.LBB2_4:
0x6a: {  	s22 =	sadd.s32 s20, s9  }
0x6b: {  	[sflag:s11] =	ssyncadd.s32 $0xFFFFE000;
	s23 =	smov.u32 s21;
	s24 =	sadd.s32 $0x10, s21  }
0x6c: {  	[tilespmem:s12], [sflag:$0x2] =	stream.linear.gather [hbm4b:s22+s3], $0x80, $0x38;
	[tilespmem:$0xC500] =	vst v63  }
0x6d: {  	p0 =	sne.s32 s21, $0x4E0;
	_ =	swait.ge [sflag:s11], $0x80  }
0x6e: {  	[sflag:s11] =	ssyncset.done $0x0  }
0x6f: {  	s21 =	sadd.s32 s20, s8;
	s20 =	smov.u32 s23;
	[sflag:s11] =	ssyncadd.s32 $0xFFFFFF80  }
0x70: {  	[tilespmem:s13], [sflag:$0x2] =	stream.linear.gather [hbm4b:s21+s3], $0x80, $0x38;
	[tilespmem:$0xC500] =	vst v63  }
0x71: {  	_ =	swait.ge [sflag:s11], $0x80  }
0x72: {  	[sflag:s11] =	ssyncset.done $0x0  }
0x73: {  	[sflag:s11] =	ssyncadd.s32 $0xFFFFFF80  }
0x74: {  	[tilespmem:s15], [sflag:$0x1] =	stream.indirect.gather [hbm4b:s4+s14], $0x40, s12, s14, $0xb8;
	[tilespmem:$0xC500] =	vst v63  }
0x75: {  	_ =	swait.ge [sflag:s16], $0x2000  }
.Ltmp1:
0x76: {  	[sflag:s16] =	ssyncset.done $0x0;
	(pc) =	sbr.rel @p0 .LBB2_4-.Ltmp1, $4  }
0x77: {  	[sflag:s16] =	ssyncadd.s32 $0xFFFFE000  }
0x78: {  	[spmem:s2] =	stream.indirect.scatter.add.f32 [tilespmem:s15], [sflag:$0x2], $0x40, s13, s14, $0xb8;
	[tilespmem:$0xC500] =	vst v63  }
0x79: {  	_ =	swait.ge [sflag:s11], $0x2000  }
0x7a: {  	s21 =	smov.u32 s24;
	[sflag:s11] =	ssyncset.done $0x0  }
0x7b: {  	s21 =	sadd.s32 s20, s9;
	[sflag:s11] =	ssyncadd.s32 $0xFFFFE000  }
0x7c: {  	[tilespmem:s12], [sflag:$0x2] =	stream.linear.gather [hbm4b:s21+s3], $0x80, $0x38;
	[tilespmem:$0xC500] =	vst v63  }
0x7d: {  	_ =	swait.ge [sflag:s11], $0x80  }
0x7e: {  	[sflag:s11] =	ssyncset.done $0x0  }
0x7f: {  	s31 =	sadd.s32 s20, s8;
	[sflag:s11] =	ssyncadd.s32 $0xFFFFFF80  }
0x80: {  	[tilespmem:s13], [sflag:$0x2] =	stream.linear.gather [hbm4b:s31+s3], $0x80, $0x38;
	[tilespmem:$0xC500] =	vst v63  }
0x81: {  	_ =	swait.ge [sflag:s11], $0x80  }
0x82: {  	[sflag:s11] =	ssyncset.done $0x0  }
0x83: {  	[sflag:s11] =	ssyncadd.s32 $0xFFFFFF80  }
0x84: {  	[tilespmem:s15], [sflag:$0x1] =	stream.indirect.gather [hbm4b:s4+s14], $0x40, s12, s14, $0xb8;
	[tilespmem:$0xC500] =	vst v63  }
0x85: {  	_ =	swait.ge [sflag:s16], $0x2000  }
0x86: {  	[sflag:s16] =	ssyncset.done $0x0  }
0x87: {  	[sflag:s16] =	ssyncadd.s32 $0xFFFFE000  }
0x88: {  	[spmem:s2] =	stream.indirect.scatter.add.f32 [tilespmem:s15], [sflag:$0x2], $0x40, s13, s14, $0xb8;
	[tilespmem:$0xC500] =	vst v63  }
0x89: {  	_ =	swait.ge [sflag:s11], $0x2000  }
0x8a: {  	s19 =	sadd.s32 $0x1, s19;
	[sflag:s11] =	ssyncset.done $0x0  }
0x8b: {  	p0 =	sne.s32 s19, s7;
	[sflag:s11] =	ssyncadd.s32 $0xFFFFE000  }
.Ltmp2:
0x8c: {  	[bflag:$0x0] =	sbarrier.arrive $0xFFFF;
	(pc) =	sbr.rel @p0 .LBB2_1-.Ltmp2, $4  }
0x8d: {  	[hbm:s6], [sflag:s17] =	dma.local [spmem:s18], $0x1400  }
0x8e: {  	_ =	swait.ge [sflag:s11], $0x1400  }
0x8f: {  	[sflag:s11] =	ssyncset.done $0x0  }
0x90: {  	[sflag:s11] =	ssyncadd.s32 $0xFFFFEC00  }
0x91: {  	_ =	sfence.sel $0x180000  }
0x92: {  	[bflag:$0x0] =	sbarrier.arrive $0xFFFF  }
0x93: {  	p0 =	sne.s32 s0, $0x0;
	_ =	strace $0x90000050  }
0x94: {  	s0 =	sadd.s32 @!p0 $0x100000, s1;
	[bflag:$0x2] =	sbarrier.arrive $0xFFFF  }
0x95: {  	[sflag:s0] =	ssyncadd.tile.s32 @!p0 $0x1;
	_ =	shalt  }
.Lfunc_end2:
_tile_overlayer_lowered:
.L_overlay_start_2:
0x96: {  	(tag) =	ssettag $0x2  }
0x97: {  	s0 =	rddreg [dreg:$0x0];
	s2 =	stileid.u32  }
0x98: {  	s1 =	rddreg [dreg:$0x1];
	p0 =	sne.s32 s2, $0x0  }
0x99: {  	s3 =	rddreg [dreg:$0x2];
	[bflag:$0x3] =	sbarrier.arrive $0xFFFF;
	s2 =	simm.s32 @!p0 $0x1C02  }
0x9a: {  	[timem:s3], [sflag:s2] =	dma.local @!p0 [hbm:s0], s1  }
0x9b: {  	s0 =	simm.s32 @!p0 $0x2  }
0x9c: {  	_ =	swait.ge @!p0 [sflag:s0], s1  }
0x9d: {  	s1 =	ssub.s32 @!p0 $0x0, s1;
	[sflag:s0] =	ssyncset.done @!p0 $0x0  }
0x9e: {  	[sflag:s0] =	ssyncadd.s32 @!p0 s1  }
0x9f: {  	[bflag:$0x3] =	sbarrier.arrive $0xFFFF  }
0xa0: {  	_ =	shalt  }

</sc_bundles>
